<compile_context>
chip_gen: v7x
topology: tpu7x:2x2x1
jax: 0.10.2.dev20260603
libtpu: 0.0.44.dev20260713+nightly
codegen_flags: <defaults>
</compile_context>

<pallas_src>
import functools

import jax
import jax.numpy as jnp
from jax import lax
from jax.experimental import pallas as pl
from jax.experimental.pallas import tpu as pltpu
from jax.experimental.pallas import tpu_sc as plsc

C, R, T = 64, 512, 512
N = 2_000_000
L = 16
NV = N // L
NW = 32
NT = 2 * NW
VPT = -(-NV // NW)
CV = 440
CVL = CV * L
CPT = -(-VPT // CV)
U = 8
CT = C * T
CTP = CT + 128
DUMP = CT


def _segment_max(rho, theta, f):
    mesh = plsc.VectorSubcoreMesh(core_axis_name="c", subcore_axis_name="s")

    @functools.partial(
        pl.kernel,
        out_type=jax.ShapeDtypeStruct((NT, CT), jnp.int32),
        mesh=mesh,
        compiler_params=pltpu.CompilerParams(needs_layout_passes=False),
        scratch_types=[
            pltpu.VMEM((CVL,), jnp.int32),
            pltpu.VMEM((CVL,), jnp.int32),
            pltpu.VMEM((CVL,), jnp.int32),
            pltpu.VMEM((CVL,), jnp.int32),
            pltpu.VMEM((CVL,), jnp.int32),
            pltpu.VMEM((CVL,), jnp.int32),
            pltpu.VMEM((CVL,), jnp.int32),
            pltpu.VMEM((CVL,), jnp.int32),
            pltpu.VMEM((CTP,), jnp.int32),
            pltpu.VMEM((CTP,), jnp.int32),
            pltpu.SemaphoreType.DMA,
            pltpu.SemaphoreType.DMA,
        ],
    )
    def k(rho_h, th_h, f_h, out_h, rho_v0, rho_v1, th_v0, th_v1, f_v0, f_v1,
          bs_v, vs_v, acc_a, acc_b, s0, s1):
        wid = lax.axis_index("s") * 2 + lax.axis_index("c")
        tstart = jnp.minimum(wid * VPT, NV - VPT)
        sems = (s0, s1)
        rho_vs = (rho_v0, rho_v1)
        th_vs = (th_v0, th_v1)
        f_vs = (f_v0, f_v1)

        def start(ci, slot):
            cstart = jnp.minimum(tstart + ci * CV, tstart + (VPT - CV))
            p0 = cstart * L
            sem = sems[slot]
            return [
                pltpu.async_copy(rho_h.at[pl.ds(p0, CVL)], rho_vs[slot], sem),
                pltpu.async_copy(th_h.at[pl.ds(p0, CVL)], th_vs[slot], sem),
                pltpu.async_copy(f_h.at[pl.ds(p0, CVL)], f_vs[slot], sem),
            ]

        pending = {0: start(0, 0)}

        neg1 = jnp.full((L,), -1, jnp.int32)

        def initb(i, _):
            for u in range(8):
                off = (i * 8 + u) * L
                acc_a[pl.ds(off, L)] = neg1
                acc_b[pl.ds(off, L)] = neg1
            return 0

        lax.fori_loop(0, CTP // (8 * L), initb, 0)

        lane = lax.iota(jnp.int32, L)
        lanep1 = jnp.minimum(lane + 1, L - 1)
        top1 = (lane == L - 1).astype(jnp.int32)

        for ci in range(CPT):
            slot = ci % 2
            if ci + 1 < CPT:
                pending[ci + 1] = start(ci + 1, 1 - slot)
            for h in pending.pop(ci):
                h.wait()

            @plsc.parallel_loop(0, CV, unroll=8)
            def prep(j, slot=slot):
                base = j * L
                rho16 = rho_vs[slot][pl.ds(base, L)]
                th16 = th_vs[slot][pl.ds(base, L)]
                f16 = f_vs[slot][pl.ds(base, L)]
                key = ((f16 * T + th16) * 512 + rho16).astype(jnp.uint32)
                skey, srho = plsc.sort_key_val(key, rho16)
                b = lax.shift_right_logical(
                    skey, jnp.uint32(9)).astype(jnp.int32)
                nxt = jnp.take_along_axis(
                    b, lanep1, axis=0, mode="promise_in_bounds"
                ) + top1
                bs_v[pl.ds(base, L)] = jnp.where(b != nxt, b, DUMP)
                vs_v[pl.ds(base, L)] = srho

            def body(j, _):
                bs = []
                vs = []
                for u in range(U):
                    base = (j * U + u) * L
                    bs.append(bs_v[pl.ds(base, L)])
                    vs.append(vs_v[pl.ds(base, L)])
                for u in range(0, U, 2):
                    ca = plsc.load_gather(acc_a, [bs[u]])
                    cb = plsc.load_gather(acc_b, [bs[u + 1]])
                    plsc.store_scatter(acc_a, [bs[u]], jnp.maximum(ca, vs[u]))
                    plsc.store_scatter(
                        acc_b, [bs[u + 1]], jnp.maximum(cb, vs[u + 1]))
                return 0

            lax.fori_loop(0, CV // U, body, 0)

        pltpu.sync_copy(acc_a.at[pl.ds(0, CT)], out_h.at[2 * wid])
        pltpu.sync_copy(acc_b.at[pl.ds(0, CT)], out_h.at[2 * wid + 1])

    return k(rho, theta, f)


CB = 8


def _expand(partial):
    def body(p_ref, o_ref):
        p = p_ref[...]
        for cc in range(CB):
            sub = p[:, cc * T:(cc + 1) * T]
            m = jnp.max(sub, axis=0)
            m = jnp.where(m < 0, R, m)
            ii = lax.broadcasted_iota(jnp.int32, (R, T), 0)
            o_ref[cc] = (m[None, :] - ii).astype(jnp.float32)

    return pl.pallas_call(
        body,
        grid=(C // CB,),
        in_specs=[pl.BlockSpec((NT, CB * T), lambda cb: (0, cb))],
        out_specs=pl.BlockSpec((CB, R, T), lambda cb: (cb, 0, 0)),
        out_shape=jax.ShapeDtypeStruct((C, R, T), jnp.float32),
    )(partial)


def kernel(rho, theta, f, rp, r):
    part = _segment_max(rho, theta, f)
    return _expand(part)

# --- scband reference (transcript-rebuilt; emitter-appended) ---
"""Pipeline reference for scband-visibility-11433202942091 (READ-ONLY COPY).

The authoritative reference and input builder live on the scoring server;
editing this copy changes nothing except your own understanding.
"""

import jax, jax.numpy as jnp
import numpy as np

C, R, T = 64, 512, 512
N = 2000000


def setup_inputs(seed: int = 0) -> dict:
    key = jax.random.key(seed)
    k1, k2, k3 = jax.random.split(key, 3)
    rho = jax.random.randint(k1, (N,), 0, R)
    theta = jax.random.randint(k2, (N,), 0, T)
    f = jax.random.randint(k3, (N,), 0, C)
    # buffers from __init__ (size=(C,R,T)) materialized as inputs
    rp = jnp.arange(R + 1, dtype=jnp.float32)
    r = jnp.arange(R, dtype=jnp.float32)
    return {"rho": rho, "theta": theta, "f": f, "rp": rp, "r": r}


def reference(rho, theta, f, rp, r):
    # occ = torch.full(size, -1); occ[f, rho, theta] = rho  (scatter-overwrite)
    occ = jnp.full((C, R, T), -1, dtype=rho.dtype)
    occ = occ.at[f, rho, theta].set(rho)
    # ids = argmax over distance dim R, keepdim
    ids = jnp.argmax(occ, axis=1, keepdims=True)
    # cells where entire ray is empty -> ids = -1 (wraps to rp[R] on index)
    all_empty = jnp.all(occ == -1, axis=1, keepdims=True)
    ids = jnp.where(all_empty, -1, ids)
    out = rp[ids] - r.reshape(1, -1, 1)
    return out

if __name__ == "__main__":
    import jax
    _d = setup_inputs()
    print(jax.jit(kernel)(*tuple(_d.values())))

</pallas_src>

<mosaic_0001>
#map = affine_map<(d0, d1) -> (0)>
#map1 = affine_map<(d0, d1) -> (0, 0)>
module attributes {stable_mosaic.version = 14 : i64} {
  func.func @k(%arg0: i32, %arg1: i32, %arg2: memref<2000000xi32, #tpu.memory_space<hbm>>, %arg3: memref<2000000xi32, #tpu.memory_space<hbm>>, %arg4: memref<2000000xi32, #tpu.memory_space<hbm>>, %arg5: memref<64x32768xi32, #tpu.memory_space<hbm>>, %arg6: memref<7040xi32, #tpu.memory_space<vmem>>, %arg7: memref<7040xi32, #tpu.memory_space<vmem>>, %arg8: memref<7040xi32, #tpu.memory_space<vmem>>, %arg9: memref<7040xi32, #tpu.memory_space<vmem>>, %arg10: memref<7040xi32, #tpu.memory_space<vmem>>, %arg11: memref<7040xi32, #tpu.memory_space<vmem>>, %arg12: memref<7040xi32, #tpu.memory_space<vmem>>, %arg13: memref<7040xi32, #tpu.memory_space<vmem>>, %arg14: memref<32896xi32, #tpu.memory_space<vmem>>, %arg15: memref<32896xi32, #tpu.memory_space<vmem>>, %arg16: memref<!tpu.dma_semaphore, #tpu.memory_space<semaphore_mem>>, %arg17: memref<!tpu.dma_semaphore, #tpu.memory_space<semaphore_mem>>) attributes {dimension_semantics = [#tpu.dimension_semantics<core_parallel>, #tpu.dimension_semantics<subcore_parallel>], iteration_bounds = array<i64: 2, 16>, scalar_prefetch = 0 : i64, scratch_operands = 12 : i64, tpu.core_type = #tpu.core_type<sc_vector_subcore>, window_params = [{transform_indices = #map}, {transform_indices = #map}, {transform_indices = #map}, {transform_indices = #map1}]} {
    %mul3A = arith.constant 2 : i32
    %mul3A_0 = arith.muli %arg1, %mul3A : i32
    %add3A = arith.addi %mul3A_0, %arg0 : i32
    %mul3A_1 = arith.constant 3907 : i32
    %mul3A_2 = arith.muli %add3A, %mul3A_1 : i32
    %min3A = arith.constant 121093 : i32
    %min3A_3 = arith.minsi %mul3A_2, %min3A : i32
    %add3A_4 = arith.constant 0 : i32
    %add3A_5 = arith.addi %min3A_3, %add3A_4 : i32
    %add3A_6 = arith.constant 3467 : i32
    %add3A_7 = arith.addi %min3A_3, %add3A_6 : i32
    %min3A_8 = arith.minsi %add3A_5, %add3A_7 : i32
    %mul3A_9 = arith.constant 16 : i32
    %mul3A_10 = arith.muli %min3A_8, %mul3A_9 : i32
    %dma_start3A = tpu.memref_slice %arg2[%mul3A_10] : memref<2000000xi32, #tpu.memory_space<hbm>> -> memref<7040xi32, #tpu.memory_space<hbm>>
    %dma_start3A_11 = tpu.memref_slice %arg2[%mul3A_10] : memref<2000000xi32, #tpu.memory_space<hbm>> -> memref<7040xi32, #tpu.memory_space<hbm>>
    tpu.enqueue_dma source(%dma_start3A_11 : memref<7040xi32, #tpu.memory_space<hbm>>) target(%arg6 : memref<7040xi32, #tpu.memory_space<vmem>>) target_semaphore(%arg16 : memref<!tpu.dma_semaphore, #tpu.memory_space<semaphore_mem>>)
    %dma_start3A_12 = tpu.memref_slice %arg3[%mul3A_10] : memref<2000000xi32, #tpu.memory_space<hbm>> -> memref<7040xi32, #tpu.memory_space<hbm>>
    %dma_start3A_13 = tpu.memref_slice %arg3[%mul3A_10] : memref<2000000xi32, #tpu.memory_space<hbm>> -> memref<7040xi32, #tpu.memory_space<hbm>>
    tpu.enqueue_dma source(%dma_start3A_13 : memref<7040xi32, #tpu.memory_space<hbm>>) target(%arg8 : memref<7040xi32, #tpu.memory_space<vmem>>) target_semaphore(%arg16 : memref<!tpu.dma_semaphore, #tpu.memory_space<semaphore_mem>>)
    %dma_start3A_14 = tpu.memref_slice %arg4[%mul3A_10] : memref<2000000xi32, #tpu.memory_space<hbm>> -> memref<7040xi32, #tpu.memory_space<hbm>>
    %dma_start3A_15 = tpu.memref_slice %arg4[%mul3A_10] : memref<2000000xi32, #tpu.memory_space<hbm>> -> memref<7040xi32, #tpu.memory_space<hbm>>
    tpu.enqueue_dma source(%dma_start3A_15 : memref<7040xi32, #tpu.memory_space<hbm>>) target(%arg10 : memref<7040xi32, #tpu.memory_space<vmem>>) target_semaphore(%arg16 : memref<!tpu.dma_semaphore, #tpu.memory_space<semaphore_mem>>)
    %broadcast_in_dim3A = arith.constant -1 : i32
    %broadcast_in_dim3A_16 = vector.broadcast %broadcast_in_dim3A : i32 to vector<16xi32>
    %scan3A = arith.constant 0 : i32
    %scan3A_17 = arith.constant 0 : i32
    %scan3A_18 = arith.constant 257 : i32
    %scan3A_19 = arith.addi %scan3A_17, %scan3A_18 : i32
    %scan3A_20 = arith.constant 1 : i32
    %scan3A_21 = scf.for %scan3A_283 = %scan3A_17 to %scan3A_19 step %scan3A_20 iter_args(%scan3A_284 = %scan3A) -> (i32)  : i32 {
      %mul3A_285 = arith.constant 8 : i32
      %mul3A_286 = arith.muli %scan3A_283, %mul3A_285 : i32
      %add3A_287 = arith.constant 0 : i32
      %add3A_288 = arith.addi %mul3A_286, %add3A_287 : i32
      %mul3A_289 = arith.constant 16 : i32
      %mul3A_290 = arith.muli %add3A_288, %mul3A_289 : i32
      %swap3A = arith.index_cast %mul3A_290 : i32 to index
      %swap3A_291 = tpu.vector_load %arg14[%swap3A] {strides = array<i32>} : memref<32896xi32, #tpu.memory_space<vmem>>, vector<16xi32>,
      tpu.vector_store %arg14[%swap3A], %broadcast_in_dim3A_16 {strides = array<i32>} : memref<32896xi32, #tpu.memory_space<vmem>>, vector<16xi32>,
      %swap3A_292 = arith.index_cast %mul3A_290 : i32 to index
      %swap3A_293 = tpu.vector_load %arg15[%swap3A_292] {strides = array<i32>} : memref<32896xi32, #tpu.memory_space<vmem>>, vector<16xi32>,
      tpu.vector_store %arg15[%swap3A_292], %broadcast_in_dim3A_16 {strides = array<i32>} : memref<32896xi32, #tpu.memory_space<vmem>>, vector<16xi32>,
      %mul3A_294 = arith.constant 8 : i32
      %mul3A_295 = arith.muli %scan3A_283, %mul3A_294 : i32
      %add3A_296 = arith.constant 1 : i32
      %add3A_297 = arith.addi %mul3A_295, %add3A_296 : i32
      %mul3A_298 = arith.constant 16 : i32
      %mul3A_299 = arith.muli %add3A_297, %mul3A_298 : i32
      %swap3A_300 = arith.index_cast %mul3A_299 : i32 to index
      %swap3A_301 = tpu.vector_load %arg14[%swap3A_300] {strides = array<i32>} : memref<32896xi32, #tpu.memory_space<vmem>>, vector<16xi32>,
      tpu.vector_store %arg14[%swap3A_300], %broadcast_in_dim3A_16 {strides = array<i32>} : memref<32896xi32, #tpu.memory_space<vmem>>, vector<16xi32>,
      %swap3A_302 = arith.index_cast %mul3A_299 : i32 to index
      %swap3A_303 = tpu.vector_load %arg15[%swap3A_302] {strides = array<i32>} : memref<32896xi32, #tpu.memory_space<vmem>>, vector<16xi32>,
      tpu.vector_store %arg15[%swap3A_302], %broadcast_in_dim3A_16 {strides = array<i32>} : memref<32896xi32, #tpu.memory_space<vmem>>, vector<16xi32>,
      %mul3A_304 = arith.constant 8 : i32
      %mul3A_305 = arith.muli %scan3A_283, %mul3A_304 : i32
      %add3A_306 = arith.constant 2 : i32
      %add3A_307 = arith.addi %mul3A_305, %add3A_306 : i32
      %mul3A_308 = arith.constant 16 : i32
      %mul3A_309 = arith.muli %add3A_307, %mul3A_308 : i32
      %swap3A_310 = arith.index_cast %mul3A_309 : i32 to index
      %swap3A_311 = tpu.vector_load %arg14[%swap3A_310] {strides = array<i32>} : memref<32896xi32, #tpu.memory_space<vmem>>, vector<16xi32>,
      tpu.vector_store %arg14[%swap3A_310], %broadcast_in_dim3A_16 {strides = array<i32>} : memref<32896xi32, #tpu.memory_space<vmem>>, vector<16xi32>,
      %swap3A_312 = arith.index_cast %mul3A_309 : i32 to index
      %swap3A_313 = tpu.vector_load %arg15[%swap3A_312] {strides = array<i32>} : memref<32896xi32, #tpu.memory_space<vmem>>, vector<16xi32>,
      tpu.vector_store %arg15[%swap3A_312], %broadcast_in_dim3A_16 {strides = array<i32>} : memref<32896xi32, #tpu.memory_space<vmem>>, vector<16xi32>,
      %mul3A_314 = arith.constant 8 : i32
      %mul3A_315 = arith.muli %scan3A_283, %mul3A_314 : i32
      %add3A_316 = arith.constant 3 : i32
      %add3A_317 = arith.addi %mul3A_315, %add3A_316 : i32
      %mul3A_318 = arith.constant 16 : i32
      %mul3A_319 = arith.muli %add3A_317, %mul3A_318 : i32
      %swap3A_320 = arith.index_cast %mul3A_319 : i32 to index
      %swap3A_321 = tpu.vector_load %arg14[%swap3A_320] {strides = array<i32>} : memref<32896xi32, #tpu.memory_space<vmem>>, vector<16xi32>,
      tpu.vector_store %arg14[%swap3A_320], %broadcast_in_dim3A_16 {strides = array<i32>} : memref<32896xi32, #tpu.memory_space<vmem>>, vector<16xi32>,
      %swap3A_322 = arith.index_cast %mul3A_319 : i32 to index
      %swap3A_323 = tpu.vector_load %arg15[%swap3A_322] {strides = array<i32>} : memref<32896xi32, #tpu.memory_space<vmem>>, vector<16xi32>,
      tpu.vector_store %arg15[%swap3A_322], %broadcast_in_dim3A_16 {strides = array<i32>} : memref<32896xi32, #tpu.memory_space<vmem>>, vector<16xi32>,
      %mul3A_324 = arith.constant 8 : i32
      %mul3A_325 = arith.muli %scan3A_283, %mul3A_324 : i32
      %add3A_326 = arith.constant 4 : i32
      %add3A_327 = arith.addi %mul3A_325, %add3A_326 : i32
      %mul3A_328 = arith.constant 16 : i32
      %mul3A_329 = arith.muli %add3A_327, %mul3A_328 : i32
      %swap3A_330 = arith.index_cast %mul3A_329 : i32 to index
      %swap3A_331 = tpu.vector_load %arg14[%swap3A_330] {strides = array<i32>} : memref<32896xi32, #tpu.memory_space<vmem>>, vector<16xi32>,
      tpu.vector_store %arg14[%swap3A_330], %broadcast_in_dim3A_16 {strides = array<i32>} : memref<32896xi32, #tpu.memory_space<vmem>>, vector<16xi32>,
      %swap3A_332 = arith.index_cast %mul3A_329 : i32 to index
      %swap3A_333 = tpu.vector_load %arg15[%swap3A_332] {strides = array<i32>} : memref<32896xi32, #tpu.memory_space<vmem>>, vector<16xi32>,
      tpu.vector_store %arg15[%swap3A_332], %broadcast_in_dim3A_16 {strides = array<i32>} : memref<32896xi32, #tpu.memory_space<vmem>>, vector<16xi32>,
      %mul3A_334 = arith.constant 8 : i32
      %mul3A_335 = arith.muli %scan3A_283, %mul3A_334 : i32
      %add3A_336 = arith.constant 5 : i32
      %add3A_337 = arith.addi %mul3A_335, %add3A_336 : i32
      %mul3A_338 = arith.constant 16 : i32
      %mul3A_339 = arith.muli %add3A_337, %mul3A_338 : i32
      %swap3A_340 = arith.index_cast %mul3A_339 : i32 to index
      %swap3A_341 = tpu.vector_load %arg14[%swap3A_340] {strides = array<i32>} : memref<32896xi32, #tpu.memory_space<vmem>>, vector<16xi32>,
      tpu.vector_store %arg14[%swap3A_340], %broadcast_in_dim3A_16 {strides = array<i32>} : memref<32896xi32, #tpu.memory_space<vmem>>, vector<16xi32>,
      %swap3A_342 = arith.index_cast %mul3A_339 : i32 to index
      %swap3A_343 = tpu.vector_load %arg15[%swap3A_342] {strides = array<i32>} : memref<32896xi32, #tpu.memory_space<vmem>>, vector<16xi32>,
      tpu.vector_store %arg15[%swap3A_342], %broadcast_in_dim3A_16 {strides = array<i32>} : memref<32896xi32, #tpu.memory_space<vmem>>, vector<16xi32>,
      %mul3A_344 = arith.constant 8 : i32
      %mul3A_345 = arith.muli %scan3A_283, %mul3A_344 : i32
      %add3A_346 = arith.constant 6 : i32
      %add3A_347 = arith.addi %mul3A_345, %add3A_346 : i32
      %mul3A_348 = arith.constant 16 : i32
      %mul3A_349 = arith.muli %add3A_347, %mul3A_348 : i32
      %swap3A_350 = arith.index_cast %mul3A_349 : i32 to index
      %swap3A_351 = tpu.vector_load %arg14[%swap3A_350] {strides = array<i32>} : memref<32896xi32, #tpu.memory_space<vmem>>, vector<16xi32>,
      tpu.vector_store %arg14[%swap3A_350], %broadcast_in_dim3A_16 {strides = array<i32>} : memref<32896xi32, #tpu.memory_space<vmem>>, vector<16xi32>,
      %swap3A_352 = arith.index_cast %mul3A_349 : i32 to index
      %swap3A_353 = tpu.vector_load %arg15[%swap3A_352] {strides = array<i32>} : memref<32896xi32, #tpu.memory_space<vmem>>, vector<16xi32>,
      tpu.vector_store %arg15[%swap3A_352], %broadcast_in_dim3A_16 {strides = array<i32>} : memref<32896xi32, #tpu.memory_space<vmem>>, vector<16xi32>,
      %mul3A_354 = arith.constant 8 : i32
      %mul3A_355 = arith.muli %scan3A_283, %mul3A_354 : i32
      %add3A_356 = arith.constant 7 : i32
      %add3A_357 = arith.addi %mul3A_355, %add3A_356 : i32
      %mul3A_358 = arith.constant 16 : i32
      %mul3A_359 = arith.muli %add3A_357, %mul3A_358 : i32
      %swap3A_360 = arith.index_cast %mul3A_359 : i32 to index
      %swap3A_361 = tpu.vector_load %arg14[%swap3A_360] {strides = array<i32>} : memref<32896xi32, #tpu.memory_space<vmem>>, vector<16xi32>,
      tpu.vector_store %arg14[%swap3A_360], %broadcast_in_dim3A_16 {strides = array<i32>} : memref<32896xi32, #tpu.memory_space<vmem>>, vector<16xi32>,
      %swap3A_362 = arith.index_cast %mul3A_359 : i32 to index
      %swap3A_363 = tpu.vector_load %arg15[%swap3A_362] {strides = array<i32>} : memref<32896xi32, #tpu.memory_space<vmem>>, vector<16xi32>,
      tpu.vector_store %arg15[%swap3A_362], %broadcast_in_dim3A_16 {strides = array<i32>} : memref<32896xi32, #tpu.memory_space<vmem>>, vector<16xi32>,
      %scan3A_364 = arith.constant 0 : i32
      scf.yield %scan3A_364 : i32
    }
    %scan3A_22 = arith.constant 257 : i32
    %iota3A = tpu.iota {dimensions = array<i32: 0>} : vector<16xi32>
    %add3A_23 = arith.constant 1 : i32
    %add3A_24 = vector.broadcast %add3A_23 : i32 to vector<16xi32>
    %add3A_25 = arith.addi %iota3A, %add3A_24 : vector<16xi32>
    %min3A_26 = arith.constant 15 : i32
    %min3A_27 = vector.broadcast %min3A_26 : i32 to vector<16xi32>
    %min3A_28 = arith.minsi %add3A_25, %min3A_27 : vector<16xi32>
    %eq3A = arith.constant 15 : i32
    %eq3A_29 = vector.broadcast %eq3A : i32 to vector<16xi32>
    %eq3A_30 = arith.cmpi eq, %iota3A, %eq3A_29 : vector<16xi32>
    %convert_element_type3A = arith.extui %eq3A_30 : vector<16xi1> to vector<16xi32>
    %add3A_31 = arith.constant 440 : i32
    %add3A_32 = arith.addi %min3A_3, %add3A_31 : i32
    %add3A_33 = arith.constant 3467 : i32
    %add3A_34 = arith.addi %min3A_3, %add3A_33 : i32
    %min3A_35 = arith.minsi %add3A_32, %add3A_34 : i32
    %mul3A_36 = arith.constant 16 : i32
    %mul3A_37 = arith.muli %min3A_35, %mul3A_36 : i32
    %dma_start3A_38 = tpu.memref_slice %arg2[%mul3A_37] : memref<2000000xi32, #tpu.memory_space<hbm>> -> memref<7040xi32, #tpu.memory_space<hbm>>
    %dma_start3A_39 = tpu.memref_slice %arg2[%mul3A_37] : memref<2000000xi32, #tpu.memory_space<hbm>> -> memref<7040xi32, #tpu.memory_space<hbm>>
    tpu.enqueue_dma source(%dma_start3A_39 : memref<7040xi32, #tpu.memory_space<hbm>>) target(%arg7 : memref<7040xi32, #tpu.memory_space<vmem>>) target_semaphore(%arg17 : memref<!tpu.dma_semaphore, #tpu.memory_space<semaphore_mem>>)
    %dma_start3A_40 = tpu.memref_slice %arg3[%mul3A_37] : memref<2000000xi32, #tpu.memory_space<hbm>> -> memref<7040xi32, #tpu.memory_space<hbm>>
    %dma_start3A_41 = tpu.memref_slice %arg3[%mul3A_37] : memref<2000000xi32, #tpu.memory_space<hbm>> -> memref<7040xi32, #tpu.memory_space<hbm>>
    tpu.enqueue_dma source(%dma_start3A_41 : memref<7040xi32, #tpu.memory_space<hbm>>) target(%arg9 : memref<7040xi32, #tpu.memory_space<vmem>>) target_semaphore(%arg17 : memref<!tpu.dma_semaphore, #tpu.memory_space<semaphore_mem>>)
    %dma_start3A_42 = tpu.memref_slice %arg4[%mul3A_37] : memref<2000000xi32, #tpu.memory_space<hbm>> -> memref<7040xi32, #tpu.memory_space<hbm>>
    %dma_start3A_43 = tpu.memref_slice %arg4[%mul3A_37] : memref<2000000xi32, #tpu.memory_space<hbm>> -> memref<7040xi32, #tpu.memory_space<hbm>>
    tpu.enqueue_dma source(%dma_start3A_43 : memref<7040xi32, #tpu.memory_space<hbm>>) target(%arg11 : memref<7040xi32, #tpu.memory_space<vmem>>) target_semaphore(%arg17 : memref<!tpu.dma_semaphore, #tpu.memory_space<semaphore_mem>>)
    %dma_wait3A = tpu.memref_slice %arg2[%mul3A_10] : memref<2000000xi32, #tpu.memory_space<hbm>> -> memref<7040xi32, #tpu.memory_space<hbm>>
    %dma_wait3A_44 = tpu.memref_slice %arg2[%mul3A_10] : memref<2000000xi32, #tpu.memory_space<hbm>> -> memref<7040xi32, #tpu.memory_space<hbm>>
    tpu.wait_dma2 semaphore(%arg16 : memref<!tpu.dma_semaphore, #tpu.memory_space<semaphore_mem>>) src(%dma_wait3A_44 : memref<7040xi32, #tpu.memory_space<hbm>>) dst(%arg6 : memref<7040xi32, #tpu.memory_space<vmem>>)
    %dma_wait3A_45 = tpu.memref_slice %arg3[%mul3A_10] : memref<2000000xi32, #tpu.memory_space<hbm>> -> memref<7040xi32, #tpu.memory_space<hbm>>
    %dma_wait3A_46 = tpu.memref_slice %arg3[%mul3A_10] : memref<2000000xi32, #tpu.memory_space<hbm>> -> memref<7040xi32, #tpu.memory_space<hbm>>
    tpu.wait_dma2 semaphore(%arg16 : memref<!tpu.dma_semaphore, #tpu.memory_space<semaphore_mem>>) src(%dma_wait3A_46 : memref<7040xi32, #tpu.memory_space<hbm>>) dst(%arg8 : memref<7040xi32, #tpu.memory_space<vmem>>)
    %dma_wait3A_47 = tpu.memref_slice %arg4[%mul3A_10] : memref<2000000xi32, #tpu.memory_space<hbm>> -> memref<7040xi32, #tpu.memory_space<hbm>>
    %dma_wait3A_48 = tpu.memref_slice %arg4[%mul3A_10] : memref<2000000xi32, #tpu.memory_space<hbm>> -> memref<7040xi32, #tpu.memory_space<hbm>>
    tpu.wait_dma2 semaphore(%arg16 : memref<!tpu.dma_semaphore, #tpu.memory_space<semaphore_mem>>) src(%dma_wait3A_48 : memref<7040xi32, #tpu.memory_space<hbm>>) dst(%arg10 : memref<7040xi32, #tpu.memory_space<vmem>>)
    %parallel_loop3A = arith.constant 0 : i32
    %parallel_loop3A_49 = arith.constant 440 : i32
    %parallel_loop3A_50 = arith.constant 1 : i32
    scf.for %parallel_loop3A_283 = %parallel_loop3A to %parallel_loop3A_49 step %parallel_loop3A_50  : i32 {
      %parallel_loop3A_284 = arith.constant 16 : i32
      %parallel_loop3A_285 = arith.muli %parallel_loop3A_283, %parallel_loop3A_284 : i32
      %parallel_loop3A_286 = arith.index_cast %parallel_loop3A_285 : i32 to index
      %parallel_loop3A_287 = tpu.vector_load %arg6[%parallel_loop3A_286] {strides = array<i32>} : memref<7040xi32, #tpu.memory_space<vmem>>, vector<16xi32>,
      %parallel_loop3A_288 = arith.index_cast %parallel_loop3A_285 : i32 to index
      %parallel_loop3A_289 = tpu.vector_load %arg8[%parallel_loop3A_288] {strides = array<i32>} : memref<7040xi32, #tpu.memory_space<vmem>>, vector<16xi32>,
      %parallel_loop3A_290 = arith.index_cast %parallel_loop3A_285 : i32 to index
      %parallel_loop3A_291 = tpu.vector_load %arg10[%parallel_loop3A_290] {strides = array<i32>} : memref<7040xi32, #tpu.memory_space<vmem>>, vector<16xi32>,
      %parallel_loop3A_292 = arith.constant 512 : i32
      %parallel_loop3A_293 = vector.broadcast %parallel_loop3A_292 : i32 to vector<16xi32>
      %parallel_loop3A_294 = arith.muli %parallel_loop3A_291, %parallel_loop3A_293 : vector<16xi32>
      %parallel_loop3A_295 = arith.addi %parallel_loop3A_294, %parallel_loop3A_289 : vector<16xi32>
      %parallel_loop3A_296 = arith.constant 512 : i32
      %parallel_loop3A_297 = vector.broadcast %parallel_loop3A_296 : i32 to vector<16xi32>
      %parallel_loop3A_298 = arith.muli %parallel_loop3A_295, %parallel_loop3A_297 : vector<16xi32>
      %parallel_loop3A_299 = arith.addi %parallel_loop3A_298, %parallel_loop3A_287 : vector<16xi32>
      %parallel_loop3A_300 = arith.constant dense<true> : vector<16xi1>
      %parallel_loop3A_301, %parallel_loop3A_302, %parallel_loop3A_303 = tpu.sort %parallel_loop3A_299, %parallel_loop3A_287 masked %parallel_loop3A_300 : (vector<16xi32>, vector<16xi32>, vector<16xi1>) -> (vector<16xi1>, vector<16xi32>, vector<16xi32>)
      %parallel_loop3A_304 = arith.constant 9 : i32
      %parallel_loop3A_305 = vector.broadcast %parallel_loop3A_304 : i32 to vector<16xi32>
      %parallel_loop3A_306 = arith.shrui %parallel_loop3A_302, %parallel_loop3A_305 : vector<16xi32>
      %parallel_loop3A_307 = vector.shape_cast %min3A_28 : vector<16xi32> to vector<16x1xi32>
      %parallel_loop3A_308 = vector.shape_cast %parallel_loop3A_307 : vector<16x1xi32> to vector<16xi32>
      %parallel_loop3A_309 = tpu.dynamic_gather %parallel_loop3A_306[%parallel_loop3A_308] in [0] : vector<16xi32>, vector<16xi32> -> vector<16xi32>
      %parallel_loop3A_310 = arith.addi %parallel_loop3A_309, %convert_element_type3A : vector<16xi32>
      %parallel_loop3A_311 = arith.cmpi ne, %parallel_loop3A_306, %parallel_loop3A_310 : vector<16xi32>
      %parallel_loop3A_312 = arith.constant 32768 : i32
      %parallel_loop3A_313 = vector.broadcast %parallel_loop3A_312 : i32 to vector<16xi32>
      %parallel_loop3A_314 = arith.select %parallel_loop3A_311, %parallel_loop3A_306, %parallel_loop3A_313 : vector<16xi1>, vector<16xi32>
      %parallel_loop3A_315 = arith.index_cast %parallel_loop3A_285 : i32 to index
      %parallel_loop3A_316 = tpu.vector_load %arg12[%parallel_loop3A_315] {strides = array<i32>} : memref<7040xi32, #tpu.memory_space<vmem>>, vector<16xi32>,
      tpu.vector_store %arg12[%parallel_loop3A_315], %parallel_loop3A_314 {strides = array<i32>} : memref<7040xi32, #tpu.memory_space<vmem>>, vector<16xi32>,
      %parallel_loop3A_317 = arith.index_cast %parallel_loop3A_285 : i32 to index
      %parallel_loop3A_318 = tpu.vector_load %arg13[%parallel_loop3A_317] {strides = array<i32>} : memref<7040xi32, #tpu.memory_space<vmem>>, vector<16xi32>,
      tpu.vector_store %arg13[%parallel_loop3A_317], %parallel_loop3A_303 {strides = array<i32>} : memref<7040xi32, #tpu.memory_space<vmem>>, vector<16xi32>,
    } {sc.loop_unroll_factor = 8 : i64, sc.parallel_access}
    %scan3A_51 = arith.constant 0 : i32
    %scan3A_52 = arith.constant 0 : i32
    %scan3A_53 = arith.constant 55 : i32
    %scan3A_54 = arith.addi %scan3A_52, %scan3A_53 : i32
    %scan3A_55 = arith.constant 1 : i32
    %scan3A_56 = scf.for %scan3A_283 = %scan3A_52 to %scan3A_54 step %scan3A_55 iter_args(%scan3A_284 = %scan3A_51) -> (i32)  : i32 {
      %mul3A_285 = arith.constant 8 : i32
      %mul3A_286 = arith.muli %scan3A_283, %mul3A_285 : i32
      %add3A_287 = arith.constant 0 : i32
      %add3A_288 = arith.addi %mul3A_286, %add3A_287 : i32
      %mul3A_289 = arith.constant 16 : i32
      %mul3A_290 = arith.muli %add3A_288, %mul3A_289 : i32
      %get3A = arith.index_cast %mul3A_290 : i32 to index
      %get3A_291 = tpu.vector_load %arg12[%get3A] {strides = array<i32>} : memref<7040xi32, #tpu.memory_space<vmem>>, vector<16xi32>,
      %get3A_292 = arith.index_cast %mul3A_290 : i32 to index
      %get3A_293 = tpu.vector_load %arg13[%get3A_292] {strides = array<i32>} : memref<7040xi32, #tpu.memory_space<vmem>>, vector<16xi32>,
      %mul3A_294 = arith.constant 8 : i32
      %mul3A_295 = arith.muli %scan3A_283, %mul3A_294 : i32
      %add3A_296 = arith.constant 1 : i32
      %add3A_297 = arith.addi %mul3A_295, %add3A_296 : i32
      %mul3A_298 = arith.constant 16 : i32
      %mul3A_299 = arith.muli %add3A_297, %mul3A_298 : i32
      %get3A_300 = arith.index_cast %mul3A_299 : i32 to index
      %get3A_301 = tpu.vector_load %arg12[%get3A_300] {strides = array<i32>} : memref<7040xi32, #tpu.memory_space<vmem>>, vector<16xi32>,
      %get3A_302 = arith.index_cast %mul3A_299 : i32 to index
      %get3A_303 = tpu.vector_load %arg13[%get3A_302] {strides = array<i32>} : memref<7040xi32, #tpu.memory_space<vmem>>, vector<16xi32>,
      %mul3A_304 = arith.constant 8 : i32
      %mul3A_305 = arith.muli %scan3A_283, %mul3A_304 : i32
      %add3A_306 = arith.constant 2 : i32
      %add3A_307 = arith.addi %mul3A_305, %add3A_306 : i32
      %mul3A_308 = arith.constant 16 : i32
      %mul3A_309 = arith.muli %add3A_307, %mul3A_308 : i32
      %get3A_310 = arith.index_cast %mul3A_309 : i32 to index
      %get3A_311 = tpu.vector_load %arg12[%get3A_310] {strides = array<i32>} : memref<7040xi32, #tpu.memory_space<vmem>>, vector<16xi32>,
      %get3A_312 = arith.index_cast %mul3A_309 : i32 to index
      %get3A_313 = tpu.vector_load %arg13[%get3A_312] {strides = array<i32>} : memref<7040xi32, #tpu.memory_space<vmem>>, vector<16xi32>,
      %mul3A_314 = arith.constant 8 : i32
      %mul3A_315 = arith.muli %scan3A_283, %mul3A_314 : i32
      %add3A_316 = arith.constant 3 : i32
      %add3A_317 = arith.addi %mul3A_315, %add3A_316 : i32
      %mul3A_318 = arith.constant 16 : i32
      %mul3A_319 = arith.muli %add3A_317, %mul3A_318 : i32
      %get3A_320 = arith.index_cast %mul3A_319 : i32 to index
      %get3A_321 = tpu.vector_load %arg12[%get3A_320] {strides = array<i32>} : memref<7040xi32, #tpu.memory_space<vmem>>, vector<16xi32>,
      %get3A_322 = arith.index_cast %mul3A_319 : i32 to index
      %get3A_323 = tpu.vector_load %arg13[%get3A_322] {strides = array<i32>} : memref<7040xi32, #tpu.memory_space<vmem>>, vector<16xi32>,
      %mul3A_324 = arith.constant 8 : i32
      %mul3A_325 = arith.muli %scan3A_283, %mul3A_324 : i32
      %add3A_326 = arith.constant 4 : i32
      %add3A_327 = arith.addi %mul3A_325, %add3A_326 : i32
      %mul3A_328 = arith.constant 16 : i32
      %mul3A_329 = arith.muli %add3A_327, %mul3A_328 : i32
      %get3A_330 = arith.index_cast %mul3A_329 : i32 to index
      %get3A_331 = tpu.vector_load %arg12[%get3A_330] {strides = array<i32>} : memref<7040xi32, #tpu.memory_space<vmem>>, vector<16xi32>,
      %get3A_332 = arith.index_cast %mul3A_329 : i32 to index
      %get3A_333 = tpu.vector_load %arg13[%get3A_332] {strides = array<i32>} : memref<7040xi32, #tpu.memory_space<vmem>>, vector<16xi32>,
      %mul3A_334 = arith.constant 8 : i32
      %mul3A_335 = arith.muli %scan3A_283, %mul3A_334 : i32
      %add3A_336 = arith.constant 5 : i32
      %add3A_337 = arith.addi %mul3A_335, %add3A_336 : i32
      %mul3A_338 = arith.constant 16 : i32
      %mul3A_339 = arith.muli %add3A_337, %mul3A_338 : i32
      %get3A_340 = arith.index_cast %mul3A_339 : i32 to index
      %get3A_341 = tpu.vector_load %arg12[%get3A_340] {strides = array<i32>} : memref<7040xi32, #tpu.memory_space<vmem>>, vector<16xi32>,
      %get3A_342 = arith.index_cast %mul3A_339 : i32 to index
      %get3A_343 = tpu.vector_load %arg13[%get3A_342] {strides = array<i32>} : memref<7040xi32, #tpu.memory_space<vmem>>, vector<16xi32>,
      %mul3A_344 = arith.constant 8 : i32
      %mul3A_345 = arith.muli %scan3A_283, %mul3A_344 : i32
      %add3A_346 = arith.constant 6 : i32
      %add3A_347 = arith.addi %mul3A_345, %add3A_346 : i32
      %mul3A_348 = arith.constant 16 : i32
      %mul3A_349 = arith.muli %add3A_347, %mul3A_348 : i32
      %get3A_350 = arith.index_cast %mul3A_349 : i32 to index
      %get3A_351 = tpu.vector_load %arg12[%get3A_350] {strides = array<i32>} : memref<7040xi32, #tpu.memory_space<vmem>>, vector<16xi32>,
      %get3A_352 = arith.index_cast %mul3A_349 : i32 to index
      %get3A_353 = tpu.vector_load %arg13[%get3A_352] {strides = array<i32>} : memref<7040xi32, #tpu.memory_space<vmem>>, vector<16xi32>,
      %mul3A_354 = arith.constant 8 : i32
      %mul3A_355 = arith.muli %scan3A_283, %mul3A_354 : i32
      %add3A_356 = arith.constant 7 : i32
      %add3A_357 = arith.addi %mul3A_355, %add3A_356 : i32
      %mul3A_358 = arith.constant 16 : i32
      %mul3A_359 = arith.muli %add3A_357, %mul3A_358 : i32
      %get3A_360 = arith.index_cast %mul3A_359 : i32 to index
      %get3A_361 = tpu.vector_load %arg12[%get3A_360] {strides = array<i32>} : memref<7040xi32, #tpu.memory_space<vmem>>, vector<16xi32>,
      %get3A_362 = arith.index_cast %mul3A_359 : i32 to index
      %get3A_363 = tpu.vector_load %arg13[%get3A_362] {strides = array<i32>} : memref<7040xi32, #tpu.memory_space<vmem>>, vector<16xi32>,
      %gather3A = tpu.vector_load_idx %arg14[%get3A_291] : memref<32896xi32, #tpu.memory_space<vmem>>[vector<16xi32>], vector<16xi32>,
      %gather3A_364 = tpu.vector_load_idx %arg15[%get3A_301] : memref<32896xi32, #tpu.memory_space<vmem>>[vector<16xi32>], vector<16xi32>,
      %max3A = arith.maxsi %gather3A, %get3A_293 : vector<16xi32>
      tpu.vector_store_idx %arg14[%get3A_291], %max3A : memref<32896xi32, #tpu.memory_space<vmem>>[vector<16xi32>], vector<16xi32>,
      %max3A_365 = arith.maxsi %gather3A_364, %get3A_303 : vector<16xi32>
      tpu.vector_store_idx %arg15[%get3A_301], %max3A_365 : memref<32896xi32, #tpu.memory_space<vmem>>[vector<16xi32>], vector<16xi32>,
      %gather3A_366 = tpu.vector_load_idx %arg14[%get3A_311] : memref<32896xi32, #tpu.memory_space<vmem>>[vector<16xi32>], vector<16xi32>,
      %gather3A_367 = tpu.vector_load_idx %arg15[%get3A_321] : memref<32896xi32, #tpu.memory_space<vmem>>[vector<16xi32>], vector<16xi32>,
      %max3A_368 = arith.maxsi %gather3A_366, %get3A_313 : vector<16xi32>
      tpu.vector_store_idx %arg14[%get3A_311], %max3A_368 : memref<32896xi32, #tpu.memory_space<vmem>>[vector<16xi32>], vector<16xi32>,
      %max3A_369 = arith.maxsi %gather3A_367, %get3A_323 : vector<16xi32>
      tpu.vector_store_idx %arg15[%get3A_321], %max3A_369 : memref<32896xi32, #tpu.memory_space<vmem>>[vector<16xi32>], vector<16xi32>,
      %gather3A_370 = tpu.vector_load_idx %arg14[%get3A_331] : memref<32896xi32, #tpu.memory_space<vmem>>[vector<16xi32>], vector<16xi32>,
      %gather3A_371 = tpu.vector_load_idx %arg15[%get3A_341] : memref<32896xi32, #tpu.memory_space<vmem>>[vector<16xi32>], vector<16xi32>,
      %max3A_372 = arith.maxsi %gather3A_370, %get3A_333 : vector<16xi32>
      tpu.vector_store_idx %arg14[%get3A_331], %max3A_372 : memref<32896xi32, #tpu.memory_space<vmem>>[vector<16xi32>], vector<16xi32>,
      %max3A_373 = arith.maxsi %gather3A_371, %get3A_343 : vector<16xi32>
      tpu.vector_store_idx %arg15[%get3A_341], %max3A_373 : memref<32896xi32, #tpu.memory_space<vmem>>[vector<16xi32>], vector<16xi32>,
      %gather3A_374 = tpu.vector_load_idx %arg14[%get3A_351] : memref<32896xi32, #tpu.memory_space<vmem>>[vector<16xi32>], vector<16xi32>,
      %gather3A_375 = tpu.vector_load_idx %arg15[%get3A_361] : memref<32896xi32, #tpu.memory_space<vmem>>[vector<16xi32>], vector<16xi32>,
      %max3A_376 = arith.maxsi %gather3A_374, %get3A_353 : vector<16xi32>
      tpu.vector_store_idx %arg14[%get3A_351], %max3A_376 : memref<32896xi32, #tpu.memory_space<vmem>>[vector<16xi32>], vector<16xi32>,
      %max3A_377 = arith.maxsi %gather3A_375, %get3A_363 : vector<16xi32>
      tpu.vector_store_idx %arg15[%get3A_361], %max3A_377 : memref<32896xi32, #tpu.memory_space<vmem>>[vector<16xi32>], vector<16xi32>,
      %scan3A_378 = arith.constant 0 : i32
      scf.yield %scan3A_378 : i32
    }
    %scan3A_57 = arith.constant 55 : i32
    %add3A_58 = arith.constant 880 : i32
    %add3A_59 = arith.addi %min3A_3, %add3A_58 : i32
    %add3A_60 = arith.constant 3467 : i32
    %add3A_61 = arith.addi %min3A_3, %add3A_60 : i32
    %min3A_62 = arith.minsi %add3A_59, %add3A_61 : i32
    %mul3A_63 = arith.constant 16 : i32
    %mul3A_64 = arith.muli %min3A_62, %mul3A_63 : i32
    %dma_start3A_65 = tpu.memref_slice %arg2[%mul3A_64] : memref<2000000xi32, #tpu.memory_space<hbm>> -> memref<7040xi32, #tpu.memory_space<hbm>>
    %dma_start3A_66 = tpu.memref_slice %arg2[%mul3A_64] : memref<2000000xi32, #tpu.memory_space<hbm>> -> memref<7040xi32, #tpu.memory_space<hbm>>
    tpu.enqueue_dma source(%dma_start3A_66 : memref<7040xi32, #tpu.memory_space<hbm>>) target(%arg6 : memref<7040xi32, #tpu.memory_space<vmem>>) target_semaphore(%arg16 : memref<!tpu.dma_semaphore, #tpu.memory_space<semaphore_mem>>)
    %dma_start3A_67 = tpu.memref_slice %arg3[%mul3A_64] : memref<2000000xi32, #tpu.memory_space<hbm>> -> memref<7040xi32, #tpu.memory_space<hbm>>
    %dma_start3A_68 = tpu.memref_slice %arg3[%mul3A_64] : memref<2000000xi32, #tpu.memory_space<hbm>> -> memref<7040xi32, #tpu.memory_space<hbm>>
    tpu.enqueue_dma source(%dma_start3A_68 : memref<7040xi32, #tpu.memory_space<hbm>>) target(%arg8 : memref<7040xi32, #tpu.memory_space<vmem>>) target_semaphore(%arg16 : memref<!tpu.dma_semaphore, #tpu.memory_space<semaphore_mem>>)
    %dma_start3A_69 = tpu.memref_slice %arg4[%mul3A_64] : memref<2000000xi32, #tpu.memory_space<hbm>> -> memref<7040xi32, #tpu.memory_space<hbm>>
    %dma_start3A_70 = tpu.memref_slice %arg4[%mul3A_64] : memref<2000000xi32, #tpu.memory_space<hbm>> -> memref<7040xi32, #tpu.memory_space<hbm>>
    tpu.enqueue_dma source(%dma_start3A_70 : memref<7040xi32, #tpu.memory_space<hbm>>) target(%arg10 : memref<7040xi32, #tpu.memory_space<vmem>>) target_semaphore(%arg16 : memref<!tpu.dma_semaphore, #tpu.memory_space<semaphore_mem>>)
    %dma_wait3A_71 = tpu.memref_slice %arg2[%mul3A_37] : memref<2000000xi32, #tpu.memory_space<hbm>> -> memref<7040xi32, #tpu.memory_space<hbm>>
    %dma_wait3A_72 = tpu.memref_slice %arg2[%mul3A_37] : memref<2000000xi32, #tpu.memory_space<hbm>> -> memref<7040xi32, #tpu.memory_space<hbm>>
    tpu.wait_dma2 semaphore(%arg17 : memref<!tpu.dma_semaphore, #tpu.memory_space<semaphore_mem>>) src(%dma_wait3A_72 : memref<7040xi32, #tpu.memory_space<hbm>>) dst(%arg7 : memref<7040xi32, #tpu.memory_space<vmem>>)
    %dma_wait3A_73 = tpu.memref_slice %arg3[%mul3A_37] : memref<2000000xi32, #tpu.memory_space<hbm>> -> memref<7040xi32, #tpu.memory_space<hbm>>
    %dma_wait3A_74 = tpu.memref_slice %arg3[%mul3A_37] : memref<2000000xi32, #tpu.memory_space<hbm>> -> memref<7040xi32, #tpu.memory_space<hbm>>
    tpu.wait_dma2 semaphore(%arg17 : memref<!tpu.dma_semaphore, #tpu.memory_space<semaphore_mem>>) src(%dma_wait3A_74 : memref<7040xi32, #tpu.memory_space<hbm>>) dst(%arg9 : memref<7040xi32, #tpu.memory_space<vmem>>)
    %dma_wait3A_75 = tpu.memref_slice %arg4[%mul3A_37] : memref<2000000xi32, #tpu.memory_space<hbm>> -> memref<7040xi32, #tpu.memory_space<hbm>>
    %dma_wait3A_76 = tpu.memref_slice %arg4[%mul3A_37] : memref<2000000xi32, #tpu.memory_space<hbm>> -> memref<7040xi32, #tpu.memory_space<hbm>>
    tpu.wait_dma2 semaphore(%arg17 : memref<!tpu.dma_semaphore, #tpu.memory_space<semaphore_mem>>) src(%dma_wait3A_76 : memref<7040xi32, #tpu.memory_space<hbm>>) dst(%arg11 : memref<7040xi32, #tpu.memory_space<vmem>>)
    %parallel_loop3A_77 = arith.constant 0 : i32
    %parallel_loop3A_78 = arith.constant 440 : i32
    %parallel_loop3A_79 = arith.constant 1 : i32
    scf.for %parallel_loop3A_283 = %parallel_loop3A_77 to %parallel_loop3A_78 step %parallel_loop3A_79  : i32 {
      %parallel_loop3A_284 = arith.constant 16 : i32
      %parallel_loop3A_285 = arith.muli %parallel_loop3A_283, %parallel_loop3A_284 : i32
      %parallel_loop3A_286 = arith.index_cast %parallel_loop3A_285 : i32 to index
      %parallel_loop3A_287 = tpu.vector_load %arg7[%parallel_loop3A_286] {strides = array<i32>} : memref<7040xi32, #tpu.memory_space<vmem>>, vector<16xi32>,
      %parallel_loop3A_288 = arith.index_cast %parallel_loop3A_285 : i32 to index
      %parallel_loop3A_289 = tpu.vector_load %arg9[%parallel_loop3A_288] {strides = array<i32>} : memref<7040xi32, #tpu.memory_space<vmem>>, vector<16xi32>,
      %parallel_loop3A_290 = arith.index_cast %parallel_loop3A_285 : i32 to index
      %parallel_loop3A_291 = tpu.vector_load %arg11[%parallel_loop3A_290] {strides = array<i32>} : memref<7040xi32, #tpu.memory_space<vmem>>, vector<16xi32>,
      %parallel_loop3A_292 = arith.constant 512 : i32
      %parallel_loop3A_293 = vector.broadcast %parallel_loop3A_292 : i32 to vector<16xi32>
      %parallel_loop3A_294 = arith.muli %parallel_loop3A_291, %parallel_loop3A_293 : vector<16xi32>
      %parallel_loop3A_295 = arith.addi %parallel_loop3A_294, %parallel_loop3A_289 : vector<16xi32>
      %parallel_loop3A_296 = arith.constant 512 : i32
      %parallel_loop3A_297 = vector.broadcast %parallel_loop3A_296 : i32 to vector<16xi32>
      %parallel_loop3A_298 = arith.muli %parallel_loop3A_295, %parallel_loop3A_297 : vector<16xi32>
      %parallel_loop3A_299 = arith.addi %parallel_loop3A_298, %parallel_loop3A_287 : vector<16xi32>
      %parallel_loop3A_300 = arith.constant dense<true> : vector<16xi1>
      %parallel_loop3A_301, %parallel_loop3A_302, %parallel_loop3A_303 = tpu.sort %parallel_loop3A_299, %parallel_loop3A_287 masked %parallel_loop3A_300 : (vector<16xi32>, vector<16xi32>, vector<16xi1>) -> (vector<16xi1>, vector<16xi32>, vector<16xi32>)
      %parallel_loop3A_304 = arith.constant 9 : i32
      %parallel_loop3A_305 = vector.broadcast %parallel_loop3A_304 : i32 to vector<16xi32>
      %parallel_loop3A_306 = arith.shrui %parallel_loop3A_302, %parallel_loop3A_305 : vector<16xi32>
      %parallel_loop3A_307 = vector.shape_cast %min3A_28 : vector<16xi32> to vector<16x1xi32>
      %parallel_loop3A_308 = vector.shape_cast %parallel_loop3A_307 : vector<16x1xi32> to vector<16xi32>
      %parallel_loop3A_309 = tpu.dynamic_gather %parallel_loop3A_306[%parallel_loop3A_308] in [0] : vector<16xi32>, vector<16xi32> -> vector<16xi32>
      %parallel_loop3A_310 = arith.addi %parallel_loop3A_309, %convert_element_type3A : vector<16xi32>
      %parallel_loop3A_311 = arith.cmpi ne, %parallel_loop3A_306, %parallel_loop3A_310 : vector<16xi32>
      %parallel_loop3A_312 = arith.constant 32768 : i32
      %parallel_loop3A_313 = vector.broadcast %parallel_loop3A_312 : i32 to vector<16xi32>
      %parallel_loop3A_314 = arith.select %parallel_loop3A_311, %parallel_loop3A_306, %parallel_loop3A_313 : vector<16xi1>, vector<16xi32>
      %parallel_loop3A_315 = arith.index_cast %parallel_loop3A_285 : i32 to index
      %parallel_loop3A_316 = tpu.vector_load %arg12[%parallel_loop3A_315] {strides = array<i32>} : memref<7040xi32, #tpu.memory_space<vmem>>, vector<16xi32>,
      tpu.vector_store %arg12[%parallel_loop3A_315], %parallel_loop3A_314 {strides = array<i32>} : memref<7040xi32, #tpu.memory_space<vmem>>, vector<16xi32>,
      %parallel_loop3A_317 = arith.index_cast %parallel_loop3A_285 : i32 to index
      %parallel_loop3A_318 = tpu.vector_load %arg13[%parallel_loop3A_317] {strides = array<i32>} : memref<7040xi32, #tpu.memory_space<vmem>>, vector<16xi32>,
      tpu.vector_store %arg13[%parallel_loop3A_317], %parallel_loop3A_303 {strides = array<i32>} : memref<7040xi32, #tpu.memory_space<vmem>>, vector<16xi32>,
    } {sc.loop_unroll_factor = 8 : i64, sc.parallel_access}
    %scan3A_80 = arith.constant 0 : i32
    %scan3A_81 = arith.constant 0 : i32
    %scan3A_82 = arith.constant 55 : i32
    %scan3A_83 = arith.addi %scan3A_81, %scan3A_82 : i32
    %scan3A_84 = arith.constant 1 : i32
    %scan3A_85 = scf.for %scan3A_283 = %scan3A_81 to %scan3A_83 step %scan3A_84 iter_args(%scan3A_284 = %scan3A_80) -> (i32)  : i32 {
      %mul3A_285 = arith.constant 8 : i32
      %mul3A_286 = arith.muli %scan3A_283, %mul3A_285 : i32
      %add3A_287 = arith.constant 0 : i32
      %add3A_288 = arith.addi %mul3A_286, %add3A_287 : i32
      %mul3A_289 = arith.constant 16 : i32
      %mul3A_290 = arith.muli %add3A_288, %mul3A_289 : i32
      %get3A = arith.index_cast %mul3A_290 : i32 to index
      %get3A_291 = tpu.vector_load %arg12[%get3A] {strides = array<i32>} : memref<7040xi32, #tpu.memory_space<vmem>>, vector<16xi32>,
      %get3A_292 = arith.index_cast %mul3A_290 : i32 to index
      %get3A_293 = tpu.vector_load %arg13[%get3A_292] {strides = array<i32>} : memref<7040xi32, #tpu.memory_space<vmem>>, vector<16xi32>,
      %mul3A_294 = arith.constant 8 : i32
      %mul3A_295 = arith.muli %scan3A_283, %mul3A_294 : i32
      %add3A_296 = arith.constant 1 : i32
      %add3A_297 = arith.addi %mul3A_295, %add3A_296 : i32
      %mul3A_298 = arith.constant 16 : i32
      %mul3A_299 = arith.muli %add3A_297, %mul3A_298 : i32
      %get3A_300 = arith.index_cast %mul3A_299 : i32 to index
      %get3A_301 = tpu.vector_load %arg12[%get3A_300] {strides = array<i32>} : memref<7040xi32, #tpu.memory_space<vmem>>, vector<16xi32>,
      %get3A_302 = arith.index_cast %mul3A_299 : i32 to index
      %get3A_303 = tpu.vector_load %arg13[%get3A_302] {strides = array<i32>} : memref<7040xi32, #tpu.memory_space<vmem>>, vector<16xi32>,
      %mul3A_304 = arith.constant 8 : i32
      %mul3A_305 = arith.muli %scan3A_283, %mul3A_304 : i32
      %add3A_306 = arith.constant 2 : i32
      %add3A_307 = arith.addi %mul3A_305, %add3A_306 : i32
      %mul3A_308 = arith.constant 16 : i32
      %mul3A_309 = arith.muli %add3A_307, %mul3A_308 : i32
      %get3A_310 = arith.index_cast %mul3A_309 : i32 to index
      %get3A_311 = tpu.vector_load %arg12[%get3A_310] {strides = array<i32>} : memref<7040xi32, #tpu.memory_space<vmem>>, vector<16xi32>,
      %get3A_312 = arith.index_cast %mul3A_309 : i32 to index
      %get3A_313 = tpu.vector_load %arg13[%get3A_312] {strides = array<i32>} : memref<7040xi32, #tpu.memory_space<vmem>>, vector<16xi32>,
      %mul3A_314 = arith.constant 8 : i32
      %mul3A_315 = arith.muli %scan3A_283, %mul3A_314 : i32
      %add3A_316 = arith.constant 3 : i32
      %add3A_317 = arith.addi %mul3A_315, %add3A_316 : i32
      %mul3A_318 = arith.constant 16 : i32
      %mul3A_319 = arith.muli %add3A_317, %mul3A_318 : i32
      %get3A_320 = arith.index_cast %mul3A_319 : i32 to index
      %get3A_321 = tpu.vector_load %arg12[%get3A_320] {strides = array<i32>} : memref<7040xi32, #tpu.memory_space<vmem>>, vector<16xi32>,
      %get3A_322 = arith.index_cast %mul3A_319 : i32 to index
      %get3A_323 = tpu.vector_load %arg13[%get3A_322] {strides = array<i32>} : memref<7040xi32, #tpu.memory_space<vmem>>, vector<16xi32>,
      %mul3A_324 = arith.constant 8 : i32
      %mul3A_325 = arith.muli %scan3A_283, %mul3A_324 : i32
      %add3A_326 = arith.constant 4 : i32
      %add3A_327 = arith.addi %mul3A_325, %add3A_326 : i32
      %mul3A_328 = arith.constant 16 : i32
      %mul3A_329 = arith.muli %add3A_327, %mul3A_328 : i32
      %get3A_330 = arith.index_cast %mul3A_329 : i32 to index
      %get3A_331 = tpu.vector_load %arg12[%get3A_330] {strides = array<i32>} : memref<7040xi32, #tpu.memory_space<vmem>>, vector<16xi32>,
      %get3A_332 = arith.index_cast %mul3A_329 : i32 to index
      %get3A_333 = tpu.vector_load %arg13[%get3A_332] {strides = array<i32>} : memref<7040xi32, #tpu.memory_space<vmem>>, vector<16xi32>,
      %mul3A_334 = arith.constant 8 : i32
      %mul3A_335 = arith.muli %scan3A_283, %mul3A_334 : i32
      %add3A_336 = arith.constant 5 : i32
      %add3A_337 = arith.addi %mul3A_335, %add3A_336 : i32
      %mul3A_338 = arith.constant 16 : i32
      %mul3A_339 = arith.muli %add3A_337, %mul3A_338 : i32
      %get3A_340 = arith.index_cast %mul3A_339 : i32 to index
      %get3A_341 = tpu.vector_load %arg12[%get3A_340] {strides = array<i32>} : memref<7040xi32, #tpu.memory_space<vmem>>, vector<16xi32>,
      %get3A_342 = arith.index_cast %mul3A_339 : i32 to index
      %get3A_343 = tpu.vector_load %arg13[%get3A_342] {strides = array<i32>} : memref<7040xi32, #tpu.memory_space<vmem>>, vector<16xi32>,
      %mul3A_344 = arith.constant 8 : i32
      %mul3A_345 = arith.muli %scan3A_283, %mul3A_344 : i32
      %add3A_346 = arith.constant 6 : i32
      %add3A_347 = arith.addi %mul3A_345, %add3A_346 : i32
      %mul3A_348 = arith.constant 16 : i32
      %mul3A_349 = arith.muli %add3A_347, %mul3A_348 : i32
      %get3A_350 = arith.index_cast %mul3A_349 : i32 to index
      %get3A_351 = tpu.vector_load %arg12[%get3A_350] {strides = array<i32>} : memref<7040xi32, #tpu.memory_space<vmem>>, vector<16xi32>,
      %get3A_352 = arith.index_cast %mul3A_349 : i32 to index
      %get3A_353 = tpu.vector_load %arg13[%get3A_352] {strides = array<i32>} : memref<7040xi32, #tpu.memory_space<vmem>>, vector<16xi32>,
      %mul3A_354 = arith.constant 8 : i32
      %mul3A_355 = arith.muli %scan3A_283, %mul3A_354 : i32
      %add3A_356 = arith.constant 7 : i32
      %add3A_357 = arith.addi %mul3A_355, %add3A_356 : i32
      %mul3A_358 = arith.constant 16 : i32
      %mul3A_359 = arith.muli %add3A_357, %mul3A_358 : i32
      %get3A_360 = arith.index_cast %mul3A_359 : i32 to index
      %get3A_361 = tpu.vector_load %arg12[%get3A_360] {strides = array<i32>} : memref<7040xi32, #tpu.memory_space<vmem>>, vector<16xi32>,
      %get3A_362 = arith.index_cast %mul3A_359 : i32 to index
      %get3A_363 = tpu.vector_load %arg13[%get3A_362] {strides = array<i32>} : memref<7040xi32, #tpu.memory_space<vmem>>, vector<16xi32>,
      %gather3A = tpu.vector_load_idx %arg14[%get3A_291] : memref<32896xi32, #tpu.memory_space<vmem>>[vector<16xi32>], vector<16xi32>,
      %gather3A_364 = tpu.vector_load_idx %arg15[%get3A_301] : memref<32896xi32, #tpu.memory_space<vmem>>[vector<16xi32>], vector<16xi32>,
      %max3A = arith.maxsi %gather3A, %get3A_293 : vector<16xi32>
      tpu.vector_store_idx %arg14[%get3A_291], %max3A : memref<32896xi32, #tpu.memory_space<vmem>>[vector<16xi32>], vector<16xi32>,
      %max3A_365 = arith.maxsi %gather3A_364, %get3A_303 : vector<16xi32>
      tpu.vector_store_idx %arg15[%get3A_301], %max3A_365 : memref<32896xi32, #tpu.memory_space<vmem>>[vector<16xi32>], vector<16xi32>,
      %gather3A_366 = tpu.vector_load_idx %arg14[%get3A_311] : memref<32896xi32, #tpu.memory_space<vmem>>[vector<16xi32>], vector<16xi32>,
      %gather3A_367 = tpu.vector_load_idx %arg15[%get3A_321] : memref<32896xi32, #tpu.memory_space<vmem>>[vector<16xi32>], vector<16xi32>,
      %max3A_368 = arith.maxsi %gather3A_366, %get3A_313 : vector<16xi32>
      tpu.vector_store_idx %arg14[%get3A_311], %max3A_368 : memref<32896xi32, #tpu.memory_space<vmem>>[vector<16xi32>], vector<16xi32>,
      %max3A_369 = arith.maxsi %gather3A_367, %get3A_323 : vector<16xi32>
      tpu.vector_store_idx %arg15[%get3A_321], %max3A_369 : memref<32896xi32, #tpu.memory_space<vmem>>[vector<16xi32>], vector<16xi32>,
      %gather3A_370 = tpu.vector_load_idx %arg14[%get3A_331] : memref<32896xi32, #tpu.memory_space<vmem>>[vector<16xi32>], vector<16xi32>,
      %gather3A_371 = tpu.vector_load_idx %arg15[%get3A_341] : memref<32896xi32, #tpu.memory_space<vmem>>[vector<16xi32>], vector<16xi32>,
      %max3A_372 = arith.maxsi %gather3A_370, %get3A_333 : vector<16xi32>
      tpu.vector_store_idx %arg14[%get3A_331], %max3A_372 : memref<32896xi32, #tpu.memory_space<vmem>>[vector<16xi32>], vector<16xi32>,
      %max3A_373 = arith.maxsi %gather3A_371, %get3A_343 : vector<16xi32>
      tpu.vector_store_idx %arg15[%get3A_341], %max3A_373 : memref<32896xi32, #tpu.memory_space<vmem>>[vector<16xi32>], vector<16xi32>,
      %gather3A_374 = tpu.vector_load_idx %arg14[%get3A_351] : memref<32896xi32, #tpu.memory_space<vmem>>[vector<16xi32>], vector<16xi32>,
      %gather3A_375 = tpu.vector_load_idx %arg15[%get3A_361] : memref<32896xi32, #tpu.memory_space<vmem>>[vector<16xi32>], vector<16xi32>,
      %max3A_376 = arith.maxsi %gather3A_374, %get3A_353 : vector<16xi32>
      tpu.vector_store_idx %arg14[%get3A_351], %max3A_376 : memref<32896xi32, #tpu.memory_space<vmem>>[vector<16xi32>], vector<16xi32>,
      %max3A_377 = arith.maxsi %gather3A_375, %get3A_363 : vector<16xi32>
      tpu.vector_store_idx %arg15[%get3A_361], %max3A_377 : memref<32896xi32, #tpu.memory_space<vmem>>[vector<16xi32>], vector<16xi32>,
      %scan3A_378 = arith.constant 0 : i32
      scf.yield %scan3A_378 : i32
    }
    %scan3A_86 = arith.constant 55 : i32
    %add3A_87 = arith.constant 1320 : i32
    %add3A_88 = arith.addi %min3A_3, %add3A_87 : i32
    %add3A_89 = arith.constant 3467 : i32
    %add3A_90 = arith.addi %min3A_3, %add3A_89 : i32
    %min3A_91 = arith.minsi %add3A_88, %add3A_90 : i32
    %mul3A_92 = arith.constant 16 : i32
    %mul3A_93 = arith.muli %min3A_91, %mul3A_92 : i32
    %dma_start3A_94 = tpu.memref_slice %arg2[%mul3A_93] : memref<2000000xi32, #tpu.memory_space<hbm>> -> memref<7040xi32, #tpu.memory_space<hbm>>
    %dma_start3A_95 = tpu.memref_slice %arg2[%mul3A_93] : memref<2000000xi32, #tpu.memory_space<hbm>> -> memref<7040xi32, #tpu.memory_space<hbm>>
    tpu.enqueue_dma source(%dma_start3A_95 : memref<7040xi32, #tpu.memory_space<hbm>>) target(%arg7 : memref<7040xi32, #tpu.memory_space<vmem>>) target_semaphore(%arg17 : memref<!tpu.dma_semaphore, #tpu.memory_space<semaphore_mem>>)
    %dma_start3A_96 = tpu.memref_slice %arg3[%mul3A_93] : memref<2000000xi32, #tpu.memory_space<hbm>> -> memref<7040xi32, #tpu.memory_space<hbm>>
    %dma_start3A_97 = tpu.memref_slice %arg3[%mul3A_93] : memref<2000000xi32, #tpu.memory_space<hbm>> -> memref<7040xi32, #tpu.memory_space<hbm>>
    tpu.enqueue_dma source(%dma_start3A_97 : memref<7040xi32, #tpu.memory_space<hbm>>) target(%arg9 : memref<7040xi32, #tpu.memory_space<vmem>>) target_semaphore(%arg17 : memref<!tpu.dma_semaphore, #tpu.memory_space<semaphore_mem>>)
    %dma_start3A_98 = tpu.memref_slice %arg4[%mul3A_93] : memref<2000000xi32, #tpu.memory_space<hbm>> -> memref<7040xi32, #tpu.memory_space<hbm>>
    %dma_start3A_99 = tpu.memref_slice %arg4[%mul3A_93] : memref<2000000xi32, #tpu.memory_space<hbm>> -> memref<7040xi32, #tpu.memory_space<hbm>>
    tpu.enqueue_dma source(%dma_start3A_99 : memref<7040xi32, #tpu.memory_space<hbm>>) target(%arg11 : memref<7040xi32, #tpu.memory_space<vmem>>) target_semaphore(%arg17 : memref<!tpu.dma_semaphore, #tpu.memory_space<semaphore_mem>>)
    %dma_wait3A_100 = tpu.memref_slice %arg2[%mul3A_64] : memref<2000000xi32, #tpu.memory_space<hbm>> -> memref<7040xi32, #tpu.memory_space<hbm>>
    %dma_wait3A_101 = tpu.memref_slice %arg2[%mul3A_64] : memref<2000000xi32, #tpu.memory_space<hbm>> -> memref<7040xi32, #tpu.memory_space<hbm>>
    tpu.wait_dma2 semaphore(%arg16 : memref<!tpu.dma_semaphore, #tpu.memory_space<semaphore_mem>>) src(%dma_wait3A_101 : memref<7040xi32, #tpu.memory_space<hbm>>) dst(%arg6 : memref<7040xi32, #tpu.memory_space<vmem>>)
    %dma_wait3A_102 = tpu.memref_slice %arg3[%mul3A_64] : memref<2000000xi32, #tpu.memory_space<hbm>> -> memref<7040xi32, #tpu.memory_space<hbm>>
    %dma_wait3A_103 = tpu.memref_slice %arg3[%mul3A_64] : memref<2000000xi32, #tpu.memory_space<hbm>> -> memref<7040xi32, #tpu.memory_space<hbm>>
    tpu.wait_dma2 semaphore(%arg16 : memref<!tpu.dma_semaphore, #tpu.memory_space<semaphore_mem>>) src(%dma_wait3A_103 : memref<7040xi32, #tpu.memory_space<hbm>>) dst(%arg8 : memref<7040xi32, #tpu.memory_space<vmem>>)
    %dma_wait3A_104 = tpu.memref_slice %arg4[%mul3A_64] : memref<2000000xi32, #tpu.memory_space<hbm>> -> memref<7040xi32, #tpu.memory_space<hbm>>
    %dma_wait3A_105 = tpu.memref_slice %arg4[%mul3A_64] : memref<2000000xi32, #tpu.memory_space<hbm>> -> memref<7040xi32, #tpu.memory_space<hbm>>
    tpu.wait_dma2 semaphore(%arg16 : memref<!tpu.dma_semaphore, #tpu.memory_space<semaphore_mem>>) src(%dma_wait3A_105 : memref<7040xi32, #tpu.memory_space<hbm>>) dst(%arg10 : memref<7040xi32, #tpu.memory_space<vmem>>)
    %parallel_loop3A_106 = arith.constant 0 : i32
    %parallel_loop3A_107 = arith.constant 440 : i32
    %parallel_loop3A_108 = arith.constant 1 : i32
    scf.for %parallel_loop3A_283 = %parallel_loop3A_106 to %parallel_loop3A_107 step %parallel_loop3A_108  : i32 {
      %parallel_loop3A_284 = arith.constant 16 : i32
      %parallel_loop3A_285 = arith.muli %parallel_loop3A_283, %parallel_loop3A_284 : i32
      %parallel_loop3A_286 = arith.index_cast %parallel_loop3A_285 : i32 to index
      %parallel_loop3A_287 = tpu.vector_load %arg6[%parallel_loop3A_286] {strides = array<i32>} : memref<7040xi32, #tpu.memory_space<vmem>>, vector<16xi32>,
      %parallel_loop3A_288 = arith.index_cast %parallel_loop3A_285 : i32 to index
      %parallel_loop3A_289 = tpu.vector_load %arg8[%parallel_loop3A_288] {strides = array<i32>} : memref<7040xi32, #tpu.memory_space<vmem>>, vector<16xi32>,
      %parallel_loop3A_290 = arith.index_cast %parallel_loop3A_285 : i32 to index
      %parallel_loop3A_291 = tpu.vector_load %arg10[%parallel_loop3A_290] {strides = array<i32>} : memref<7040xi32, #tpu.memory_space<vmem>>, vector<16xi32>,
      %parallel_loop3A_292 = arith.constant 512 : i32
      %parallel_loop3A_293 = vector.broadcast %parallel_loop3A_292 : i32 to vector<16xi32>
      %parallel_loop3A_294 = arith.muli %parallel_loop3A_291, %parallel_loop3A_293 : vector<16xi32>
      %parallel_loop3A_295 = arith.addi %parallel_loop3A_294, %parallel_loop3A_289 : vector<16xi32>
      %parallel_loop3A_296 = arith.constant 512 : i32
      %parallel_loop3A_297 = vector.broadcast %parallel_loop3A_296 : i32 to vector<16xi32>
      %parallel_loop3A_298 = arith.muli %parallel_loop3A_295, %parallel_loop3A_297 : vector<16xi32>
      %parallel_loop3A_299 = arith.addi %parallel_loop3A_298, %parallel_loop3A_287 : vector<16xi32>
      %parallel_loop3A_300 = arith.constant dense<true> : vector<16xi1>
      %parallel_loop3A_301, %parallel_loop3A_302, %parallel_loop3A_303 = tpu.sort %parallel_loop3A_299, %parallel_loop3A_287 masked %parallel_loop3A_300 : (vector<16xi32>, vector<16xi32>, vector<16xi1>) -> (vector<16xi1>, vector<16xi32>, vector<16xi32>)
      %parallel_loop3A_304 = arith.constant 9 : i32
      %parallel_loop3A_305 = vector.broadcast %parallel_loop3A_304 : i32 to vector<16xi32>
      %parallel_loop3A_306 = arith.shrui %parallel_loop3A_302, %parallel_loop3A_305 : vector<16xi32>
      %parallel_loop3A_307 = vector.shape_cast %min3A_28 : vector<16xi32> to vector<16x1xi32>
      %parallel_loop3A_308 = vector.shape_cast %parallel_loop3A_307 : vector<16x1xi32> to vector<16xi32>
      %parallel_loop3A_309 = tpu.dynamic_gather %parallel_loop3A_306[%parallel_loop3A_308] in [0] : vector<16xi32>, vector<16xi32> -> vector<16xi32>
      %parallel_loop3A_310 = arith.addi %parallel_loop3A_309, %convert_element_type3A : vector<16xi32>
      %parallel_loop3A_311 = arith.cmpi ne, %parallel_loop3A_306, %parallel_loop3A_310 : vector<16xi32>
      %parallel_loop3A_312 = arith.constant 32768 : i32
      %parallel_loop3A_313 = vector.broadcast %parallel_loop3A_312 : i32 to vector<16xi32>
      %parallel_loop3A_314 = arith.select %parallel_loop3A_311, %parallel_loop3A_306, %parallel_loop3A_313 : vector<16xi1>, vector<16xi32>
      %parallel_loop3A_315 = arith.index_cast %parallel_loop3A_285 : i32 to index
      %parallel_loop3A_316 = tpu.vector_load %arg12[%parallel_loop3A_315] {strides = array<i32>} : memref<7040xi32, #tpu.memory_space<vmem>>, vector<16xi32>,
      tpu.vector_store %arg12[%parallel_loop3A_315], %parallel_loop3A_314 {strides = array<i32>} : memref<7040xi32, #tpu.memory_space<vmem>>, vector<16xi32>,
      %parallel_loop3A_317 = arith.index_cast %parallel_loop3A_285 : i32 to index
      %parallel_loop3A_318 = tpu.vector_load %arg13[%parallel_loop3A_317] {strides = array<i32>} : memref<7040xi32, #tpu.memory_space<vmem>>, vector<16xi32>,
      tpu.vector_store %arg13[%parallel_loop3A_317], %parallel_loop3A_303 {strides = array<i32>} : memref<7040xi32, #tpu.memory_space<vmem>>, vector<16xi32>,
    } {sc.loop_unroll_factor = 8 : i64, sc.parallel_access}
    %scan3A_109 = arith.constant 0 : i32
    %scan3A_110 = arith.constant 0 : i32
    %scan3A_111 = arith.constant 55 : i32
    %scan3A_112 = arith.addi %scan3A_110, %scan3A_111 : i32
    %scan3A_113 = arith.constant 1 : i32
    %scan3A_114 = scf.for %scan3A_283 = %scan3A_110 to %scan3A_112 step %scan3A_113 iter_args(%scan3A_284 = %scan3A_109) -> (i32)  : i32 {
      %mul3A_285 = arith.constant 8 : i32
      %mul3A_286 = arith.muli %scan3A_283, %mul3A_285 : i32
      %add3A_287 = arith.constant 0 : i32
      %add3A_288 = arith.addi %mul3A_286, %add3A_287 : i32
      %mul3A_289 = arith.constant 16 : i32
      %mul3A_290 = arith.muli %add3A_288, %mul3A_289 : i32
      %get3A = arith.index_cast %mul3A_290 : i32 to index
      %get3A_291 = tpu.vector_load %arg12[%get3A] {strides = array<i32>} : memref<7040xi32, #tpu.memory_space<vmem>>, vector<16xi32>,
      %get3A_292 = arith.index_cast %mul3A_290 : i32 to index
      %get3A_293 = tpu.vector_load %arg13[%get3A_292] {strides = array<i32>} : memref<7040xi32, #tpu.memory_space<vmem>>, vector<16xi32>,
      %mul3A_294 = arith.constant 8 : i32
      %mul3A_295 = arith.muli %scan3A_283, %mul3A_294 : i32
      %add3A_296 = arith.constant 1 : i32
      %add3A_297 = arith.addi %mul3A_295, %add3A_296 : i32
      %mul3A_298 = arith.constant 16 : i32
      %mul3A_299 = arith.muli %add3A_297, %mul3A_298 : i32
      %get3A_300 = arith.index_cast %mul3A_299 : i32 to index
      %get3A_301 = tpu.vector_load %arg12[%get3A_300] {strides = array<i32>} : memref<7040xi32, #tpu.memory_space<vmem>>, vector<16xi32>,
      %get3A_302 = arith.index_cast %mul3A_299 : i32 to index
      %get3A_303 = tpu.vector_load %arg13[%get3A_302] {strides = array<i32>} : memref<7040xi32, #tpu.memory_space<vmem>>, vector<16xi32>,
      %mul3A_304 = arith.constant 8 : i32
      %mul3A_305 = arith.muli %scan3A_283, %mul3A_304 : i32
      %add3A_306 = arith.constant 2 : i32
      %add3A_307 = arith.addi %mul3A_305, %add3A_306 : i32
      %mul3A_308 = arith.constant 16 : i32
      %mul3A_309 = arith.muli %add3A_307, %mul3A_308 : i32
      %get3A_310 = arith.index_cast %mul3A_309 : i32 to index
      %get3A_311 = tpu.vector_load %arg12[%get3A_310] {strides = array<i32>} : memref<7040xi32, #tpu.memory_space<vmem>>, vector<16xi32>,
      %get3A_312 = arith.index_cast %mul3A_309 : i32 to index
      %get3A_313 = tpu.vector_load %arg13[%get3A_312] {strides = array<i32>} : memref<7040xi32, #tpu.memory_space<vmem>>, vector<16xi32>,
      %mul3A_314 = arith.constant 8 : i32
      %mul3A_315 = arith.muli %scan3A_283, %mul3A_314 : i32
      %add3A_316 = arith.constant 3 : i32
      %add3A_317 = arith.addi %mul3A_315, %add3A_316 : i32
      %mul3A_318 = arith.constant 16 : i32
      %mul3A_319 = arith.muli %add3A_317, %mul3A_318 : i32
      %get3A_320 = arith.index_cast %mul3A_319 : i32 to index
      %get3A_321 = tpu.vector_load %arg12[%get3A_320] {strides = array<i32>} : memref<7040xi32, #tpu.memory_space<vmem>>, vector<16xi32>,
      %get3A_322 = arith.index_cast %mul3A_319 : i32 to index
      %get3A_323 = tpu.vector_load %arg13[%get3A_322] {strides = array<i32>} : memref<7040xi32, #tpu.memory_space<vmem>>, vector<16xi32>,
      %mul3A_324 = arith.constant 8 : i32
      %mul3A_325 = arith.muli %scan3A_283, %mul3A_324 : i32
      %add3A_326 = arith.constant 4 : i32
      %add3A_327 = arith.addi %mul3A_325, %add3A_326 : i32
      %mul3A_328 = arith.constant 16 : i32
      %mul3A_329 = arith.muli %add3A_327, %mul3A_328 : i32
      %get3A_330 = arith.index_cast %mul3A_329 : i32 to index
      %get3A_331 = tpu.vector_load %arg12[%get3A_330] {strides = array<i32>} : memref<7040xi32, #tpu.memory_space<vmem>>, vector<16xi32>,
      %get3A_332 = arith.index_cast %mul3A_329 : i32 to index
      %get3A_333 = tpu.vector_load %arg13[%get3A_332] {strides = array<i32>} : memref<7040xi32, #tpu.memory_space<vmem>>, vector<16xi32>,
      %mul3A_334 = arith.constant 8 : i32
      %mul3A_335 = arith.muli %scan3A_283, %mul3A_334 : i32
      %add3A_336 = arith.constant 5 : i32
      %add3A_337 = arith.addi %mul3A_335, %add3A_336 : i32
      %mul3A_338 = arith.constant 16 : i32
      %mul3A_339 = arith.muli %add3A_337, %mul3A_338 : i32
      %get3A_340 = arith.index_cast %mul3A_339 : i32 to index
      %get3A_341 = tpu.vector_load %arg12[%get3A_340] {strides = array<i32>} : memref<7040xi32, #tpu.memory_space<vmem>>, vector<16xi32>,
      %get3A_342 = arith.index_cast %mul3A_339 : i32 to index
      %get3A_343 = tpu.vector_load %arg13[%get3A_342] {strides = array<i32>} : memref<7040xi32, #tpu.memory_space<vmem>>, vector<16xi32>,
      %mul3A_344 = arith.constant 8 : i32
      %mul3A_345 = arith.muli %scan3A_283, %mul3A_344 : i32
      %add3A_346 = arith.constant 6 : i32
      %add3A_347 = arith.addi %mul3A_345, %add3A_346 : i32
      %mul3A_348 = arith.constant 16 : i32
      %mul3A_349 = arith.muli %add3A_347, %mul3A_348 : i32
      %get3A_350 = arith.index_cast %mul3A_349 : i32 to index
      %get3A_351 = tpu.vector_load %arg12[%get3A_350] {strides = array<i32>} : memref<7040xi32, #tpu.memory_space<vmem>>, vector<16xi32>,
      %get3A_352 = arith.index_cast %mul3A_349 : i32 to index
      %get3A_353 = tpu.vector_load %arg13[%get3A_352] {strides = array<i32>} : memref<7040xi32, #tpu.memory_space<vmem>>, vector<16xi32>,
      %mul3A_354 = arith.constant 8 : i32
      %mul3A_355 = arith.muli %scan3A_283, %mul3A_354 : i32
      %add3A_356 = arith.constant 7 : i32
      %add3A_357 = arith.addi %mul3A_355, %add3A_356 : i32
      %mul3A_358 = arith.constant 16 : i32
      %mul3A_359 = arith.muli %add3A_357, %mul3A_358 : i32
      %get3A_360 = arith.index_cast %mul3A_359 : i32 to index
      %get3A_361 = tpu.vector_load %arg12[%get3A_360] {strides = array<i32>} : memref<7040xi32, #tpu.memory_space<vmem>>, vector<16xi32>,
      %get3A_362 = arith.index_cast %mul3A_359 : i32 to index
      %get3A_363 = tpu.vector_load %arg13[%get3A_362] {strides = array<i32>} : memref<7040xi32, #tpu.memory_space<vmem>>, vector<16xi32>,
      %gather3A = tpu.vector_load_idx %arg14[%get3A_291] : memref<32896xi32, #tpu.memory_space<vmem>>[vector<16xi32>], vector<16xi32>,
      %gather3A_364 = tpu.vector_load_idx %arg15[%get3A_301] : memref<32896xi32, #tpu.memory_space<vmem>>[vector<16xi32>], vector<16xi32>,
      %max3A = arith.maxsi %gather3A, %get3A_293 : vector<16xi32>
      tpu.vector_store_idx %arg14[%get3A_291], %max3A : memref<32896xi32, #tpu.memory_space<vmem>>[vector<16xi32>], vector<16xi32>,
      %max3A_365 = arith.maxsi %gather3A_364, %get3A_303 : vector<16xi32>
      tpu.vector_store_idx %arg15[%get3A_301], %max3A_365 : memref<32896xi32, #tpu.memory_space<vmem>>[vector<16xi32>], vector<16xi32>,
      %gather3A_366 = tpu.vector_load_idx %arg14[%get3A_311] : memref<32896xi32, #tpu.memory_space<vmem>>[vector<16xi32>], vector<16xi32>,
      %gather3A_367 = tpu.vector_load_idx %arg15[%get3A_321] : memref<32896xi32, #tpu.memory_space<vmem>>[vector<16xi32>], vector<16xi32>,
      %max3A_368 = arith.maxsi %gather3A_366, %get3A_313 : vector<16xi32>
      tpu.vector_store_idx %arg14[%get3A_311], %max3A_368 : memref<32896xi32, #tpu.memory_space<vmem>>[vector<16xi32>], vector<16xi32>,
      %max3A_369 = arith.maxsi %gather3A_367, %get3A_323 : vector<16xi32>
      tpu.vector_store_idx %arg15[%get3A_321], %max3A_369 : memref<32896xi32, #tpu.memory_space<vmem>>[vector<16xi32>], vector<16xi32>,
      %gather3A_370 = tpu.vector_load_idx %arg14[%get3A_331] : memref<32896xi32, #tpu.memory_space<vmem>>[vector<16xi32>], vector<16xi32>,
      %gather3A_371 = tpu.vector_load_idx %arg15[%get3A_341] : memref<32896xi32, #tpu.memory_space<vmem>>[vector<16xi32>], vector<16xi32>,
      %max3A_372 = arith.maxsi %gather3A_370, %get3A_333 : vector<16xi32>
      tpu.vector_store_idx %arg14[%get3A_331], %max3A_372 : memref<32896xi32, #tpu.memory_space<vmem>>[vector<16xi32>], vector<16xi32>,
      %max3A_373 = arith.maxsi %gather3A_371, %get3A_343 : vector<16xi32>
      tpu.vector_store_idx %arg15[%get3A_341], %max3A_373 : memref<32896xi32, #tpu.memory_space<vmem>>[vector<16xi32>], vector<16xi32>,
      %gather3A_374 = tpu.vector_load_idx %arg14[%get3A_351] : memref<32896xi32, #tpu.memory_space<vmem>>[vector<16xi32>], vector<16xi32>,
      %gather3A_375 = tpu.vector_load_idx %arg15[%get3A_361] : memref<32896xi32, #tpu.memory_space<vmem>>[vector<16xi32>], vector<16xi32>,
      %max3A_376 = arith.maxsi %gather3A_374, %get3A_353 : vector<16xi32>
      tpu.vector_store_idx %arg14[%get3A_351], %max3A_376 : memref<32896xi32, #tpu.memory_space<vmem>>[vector<16xi32>], vector<16xi32>,
      %max3A_377 = arith.maxsi %gather3A_375, %get3A_363 : vector<16xi32>
      tpu.vector_store_idx %arg15[%get3A_361], %max3A_377 : memref<32896xi32, #tpu.memory_space<vmem>>[vector<16xi32>], vector<16xi32>,
      %scan3A_378 = arith.constant 0 : i32
      scf.yield %scan3A_378 : i32
    }
    %scan3A_115 = arith.constant 55 : i32
    %add3A_116 = arith.constant 1760 : i32
    %add3A_117 = arith.addi %min3A_3, %add3A_116 : i32
    %add3A_118 = arith.constant 3467 : i32
    %add3A_119 = arith.addi %min3A_3, %add3A_118 : i32
    %min3A_120 = arith.minsi %add3A_117, %add3A_119 : i32
    %mul3A_121 = arith.constant 16 : i32
    %mul3A_122 = arith.muli %min3A_120, %mul3A_121 : i32
    %dma_start3A_123 = tpu.memref_slice %arg2[%mul3A_122] : memref<2000000xi32, #tpu.memory_space<hbm>> -> memref<7040xi32, #tpu.memory_space<hbm>>
    %dma_start3A_124 = tpu.memref_slice %arg2[%mul3A_122] : memref<2000000xi32, #tpu.memory_space<hbm>> -> memref<7040xi32, #tpu.memory_space<hbm>>
    tpu.enqueue_dma source(%dma_start3A_124 : memref<7040xi32, #tpu.memory_space<hbm>>) target(%arg6 : memref<7040xi32, #tpu.memory_space<vmem>>) target_semaphore(%arg16 : memref<!tpu.dma_semaphore, #tpu.memory_space<semaphore_mem>>)
    %dma_start3A_125 = tpu.memref_slice %arg3[%mul3A_122] : memref<2000000xi32, #tpu.memory_space<hbm>> -> memref<7040xi32, #tpu.memory_space<hbm>>
    %dma_start3A_126 = tpu.memref_slice %arg3[%mul3A_122] : memref<2000000xi32, #tpu.memory_space<hbm>> -> memref<7040xi32, #tpu.memory_space<hbm>>
    tpu.enqueue_dma source(%dma_start3A_126 : memref<7040xi32, #tpu.memory_space<hbm>>) target(%arg8 : memref<7040xi32, #tpu.memory_space<vmem>>) target_semaphore(%arg16 : memref<!tpu.dma_semaphore, #tpu.memory_space<semaphore_mem>>)
    %dma_start3A_127 = tpu.memref_slice %arg4[%mul3A_122] : memref<2000000xi32, #tpu.memory_space<hbm>> -> memref<7040xi32, #tpu.memory_space<hbm>>
    %dma_start3A_128 = tpu.memref_slice %arg4[%mul3A_122] : memref<2000000xi32, #tpu.memory_space<hbm>> -> memref<7040xi32, #tpu.memory_space<hbm>>
    tpu.enqueue_dma source(%dma_start3A_128 : memref<7040xi32, #tpu.memory_space<hbm>>) target(%arg10 : memref<7040xi32, #tpu.memory_space<vmem>>) target_semaphore(%arg16 : memref<!tpu.dma_semaphore, #tpu.memory_space<semaphore_mem>>)
    %dma_wait3A_129 = tpu.memref_slice %arg2[%mul3A_93] : memref<2000000xi32, #tpu.memory_space<hbm>> -> memref<7040xi32, #tpu.memory_space<hbm>>
    %dma_wait3A_130 = tpu.memref_slice %arg2[%mul3A_93] : memref<2000000xi32, #tpu.memory_space<hbm>> -> memref<7040xi32, #tpu.memory_space<hbm>>
    tpu.wait_dma2 semaphore(%arg17 : memref<!tpu.dma_semaphore, #tpu.memory_space<semaphore_mem>>) src(%dma_wait3A_130 : memref<7040xi32, #tpu.memory_space<hbm>>) dst(%arg7 : memref<7040xi32, #tpu.memory_space<vmem>>)
    %dma_wait3A_131 = tpu.memref_slice %arg3[%mul3A_93] : memref<2000000xi32, #tpu.memory_space<hbm>> -> memref<7040xi32, #tpu.memory_space<hbm>>
    %dma_wait3A_132 = tpu.memref_slice %arg3[%mul3A_93] : memref<2000000xi32, #tpu.memory_space<hbm>> -> memref<7040xi32, #tpu.memory_space<hbm>>
    tpu.wait_dma2 semaphore(%arg17 : memref<!tpu.dma_semaphore, #tpu.memory_space<semaphore_mem>>) src(%dma_wait3A_132 : memref<7040xi32, #tpu.memory_space<hbm>>) dst(%arg9 : memref<7040xi32, #tpu.memory_space<vmem>>)
    %dma_wait3A_133 = tpu.memref_slice %arg4[%mul3A_93] : memref<2000000xi32, #tpu.memory_space<hbm>> -> memref<7040xi32, #tpu.memory_space<hbm>>
    %dma_wait3A_134 = tpu.memref_slice %arg4[%mul3A_93] : memref<2000000xi32, #tpu.memory_space<hbm>> -> memref<7040xi32, #tpu.memory_space<hbm>>
    tpu.wait_dma2 semaphore(%arg17 : memref<!tpu.dma_semaphore, #tpu.memory_space<semaphore_mem>>) src(%dma_wait3A_134 : memref<7040xi32, #tpu.memory_space<hbm>>) dst(%arg11 : memref<7040xi32, #tpu.memory_space<vmem>>)
    %parallel_loop3A_135 = arith.constant 0 : i32
    %parallel_loop3A_136 = arith.constant 440 : i32
    %parallel_loop3A_137 = arith.constant 1 : i32
    scf.for %parallel_loop3A_283 = %parallel_loop3A_135 to %parallel_loop3A_136 step %parallel_loop3A_137  : i32 {
      %parallel_loop3A_284 = arith.constant 16 : i32
      %parallel_loop3A_285 = arith.muli %parallel_loop3A_283, %parallel_loop3A_284 : i32
      %parallel_loop3A_286 = arith.index_cast %parallel_loop3A_285 : i32 to index
      %parallel_loop3A_287 = tpu.vector_load %arg7[%parallel_loop3A_286] {strides = array<i32>} : memref<7040xi32, #tpu.memory_space<vmem>>, vector<16xi32>,
      %parallel_loop3A_288 = arith.index_cast %parallel_loop3A_285 : i32 to index
      %parallel_loop3A_289 = tpu.vector_load %arg9[%parallel_loop3A_288] {strides = array<i32>} : memref<7040xi32, #tpu.memory_space<vmem>>, vector<16xi32>,
      %parallel_loop3A_290 = arith.index_cast %parallel_loop3A_285 : i32 to index
      %parallel_loop3A_291 = tpu.vector_load %arg11[%parallel_loop3A_290] {strides = array<i32>} : memref<7040xi32, #tpu.memory_space<vmem>>, vector<16xi32>,
      %parallel_loop3A_292 = arith.constant 512 : i32
      %parallel_loop3A_293 = vector.broadcast %parallel_loop3A_292 : i32 to vector<16xi32>
      %parallel_loop3A_294 = arith.muli %parallel_loop3A_291, %parallel_loop3A_293 : vector<16xi32>
      %parallel_loop3A_295 = arith.addi %parallel_loop3A_294, %parallel_loop3A_289 : vector<16xi32>
      %parallel_loop3A_296 = arith.constant 512 : i32
      %parallel_loop3A_297 = vector.broadcast %parallel_loop3A_296 : i32 to vector<16xi32>
      %parallel_loop3A_298 = arith.muli %parallel_loop3A_295, %parallel_loop3A_297 : vector<16xi32>
      %parallel_loop3A_299 = arith.addi %parallel_loop3A_298, %parallel_loop3A_287 : vector<16xi32>
      %parallel_loop3A_300 = arith.constant dense<true> : vector<16xi1>
      %parallel_loop3A_301, %parallel_loop3A_302, %parallel_loop3A_303 = tpu.sort %parallel_loop3A_299, %parallel_loop3A_287 masked %parallel_loop3A_300 : (vector<16xi32>, vector<16xi32>, vector<16xi1>) -> (vector<16xi1>, vector<16xi32>, vector<16xi32>)
      %parallel_loop3A_304 = arith.constant 9 : i32
      %parallel_loop3A_305 = vector.broadcast %parallel_loop3A_304 : i32 to vector<16xi32>
      %parallel_loop3A_306 = arith.shrui %parallel_loop3A_302, %parallel_loop3A_305 : vector<16xi32>
      %parallel_loop3A_307 = vector.shape_cast %min3A_28 : vector<16xi32> to vector<16x1xi32>
      %parallel_loop3A_308 = vector.shape_cast %parallel_loop3A_307 : vector<16x1xi32> to vector<16xi32>
      %parallel_loop3A_309 = tpu.dynamic_gather %parallel_loop3A_306[%parallel_loop3A_308] in [0] : vector<16xi32>, vector<16xi32> -> vector<16xi32>
      %parallel_loop3A_310 = arith.addi %parallel_loop3A_309, %convert_element_type3A : vector<16xi32>
      %parallel_loop3A_311 = arith.cmpi ne, %parallel_loop3A_306, %parallel_loop3A_310 : vector<16xi32>
      %parallel_loop3A_312 = arith.constant 32768 : i32
      %parallel_loop3A_313 = vector.broadcast %parallel_loop3A_312 : i32 to vector<16xi32>
      %parallel_loop3A_314 = arith.select %parallel_loop3A_311, %parallel_loop3A_306, %parallel_loop3A_313 : vector<16xi1>, vector<16xi32>
      %parallel_loop3A_315 = arith.index_cast %parallel_loop3A_285 : i32 to index
      %parallel_loop3A_316 = tpu.vector_load %arg12[%parallel_loop3A_315] {strides = array<i32>} : memref<7040xi32, #tpu.memory_space<vmem>>, vector<16xi32>,
      tpu.vector_store %arg12[%parallel_loop3A_315], %parallel_loop3A_314 {strides = array<i32>} : memref<7040xi32, #tpu.memory_space<vmem>>, vector<16xi32>,
      %parallel_loop3A_317 = arith.index_cast %parallel_loop3A_285 : i32 to index
      %parallel_loop3A_318 = tpu.vector_load %arg13[%parallel_loop3A_317] {strides = array<i32>} : memref<7040xi32, #tpu.memory_space<vmem>>, vector<16xi32>,
      tpu.vector_store %arg13[%parallel_loop3A_317], %parallel_loop3A_303 {strides = array<i32>} : memref<7040xi32, #tpu.memory_space<vmem>>, vector<16xi32>,
    } {sc.loop_unroll_factor = 8 : i64, sc.parallel_access}
    %scan3A_138 = arith.constant 0 : i32
    %scan3A_139 = arith.constant 0 : i32
    %scan3A_140 = arith.constant 55 : i32
    %scan3A_141 = arith.addi %scan3A_139, %scan3A_140 : i32
    %scan3A_142 = arith.constant 1 : i32
    %scan3A_143 = scf.for %scan3A_283 = %scan3A_139 to %scan3A_141 step %scan3A_142 iter_args(%scan3A_284 = %scan3A_138) -> (i32)  : i32 {
      %mul3A_285 = arith.constant 8 : i32
      %mul3A_286 = arith.muli %scan3A_283, %mul3A_285 : i32
      %add3A_287 = arith.constant 0 : i32
      %add3A_288 = arith.addi %mul3A_286, %add3A_287 : i32
      %mul3A_289 = arith.constant 16 : i32
      %mul3A_290 = arith.muli %add3A_288, %mul3A_289 : i32
      %get3A = arith.index_cast %mul3A_290 : i32 to index
      %get3A_291 = tpu.vector_load %arg12[%get3A] {strides = array<i32>} : memref<7040xi32, #tpu.memory_space<vmem>>, vector<16xi32>,
      %get3A_292 = arith.index_cast %mul3A_290 : i32 to index
      %get3A_293 = tpu.vector_load %arg13[%get3A_292] {strides = array<i32>} : memref<7040xi32, #tpu.memory_space<vmem>>, vector<16xi32>,
      %mul3A_294 = arith.constant 8 : i32
      %mul3A_295 = arith.muli %scan3A_283, %mul3A_294 : i32
      %add3A_296 = arith.constant 1 : i32
      %add3A_297 = arith.addi %mul3A_295, %add3A_296 : i32
      %mul3A_298 = arith.constant 16 : i32
      %mul3A_299 = arith.muli %add3A_297, %mul3A_298 : i32
      %get3A_300 = arith.index_cast %mul3A_299 : i32 to index
      %get3A_301 = tpu.vector_load %arg12[%get3A_300] {strides = array<i32>} : memref<7040xi32, #tpu.memory_space<vmem>>, vector<16xi32>,
      %get3A_302 = arith.index_cast %mul3A_299 : i32 to index
      %get3A_303 = tpu.vector_load %arg13[%get3A_302] {strides = array<i32>} : memref<7040xi32, #tpu.memory_space<vmem>>, vector<16xi32>,
      %mul3A_304 = arith.constant 8 : i32
      %mul3A_305 = arith.muli %scan3A_283, %mul3A_304 : i32
      %add3A_306 = arith.constant 2 : i32
      %add3A_307 = arith.addi %mul3A_305, %add3A_306 : i32
      %mul3A_308 = arith.constant 16 : i32
      %mul3A_309 = arith.muli %add3A_307, %mul3A_308 : i32
      %get3A_310 = arith.index_cast %mul3A_309 : i32 to index
      %get3A_311 = tpu.vector_load %arg12[%get3A_310] {strides = array<i32>} : memref<7040xi32, #tpu.memory_space<vmem>>, vector<16xi32>,
      %get3A_312 = arith.index_cast %mul3A_309 : i32 to index
      %get3A_313 = tpu.vector_load %arg13[%get3A_312] {strides = array<i32>} : memref<7040xi32, #tpu.memory_space<vmem>>, vector<16xi32>,
      %mul3A_314 = arith.constant 8 : i32
      %mul3A_315 = arith.muli %scan3A_283, %mul3A_314 : i32
      %add3A_316 = arith.constant 3 : i32
      %add3A_317 = arith.addi %mul3A_315, %add3A_316 : i32
      %mul3A_318 = arith.constant 16 : i32
      %mul3A_319 = arith.muli %add3A_317, %mul3A_318 : i32
      %get3A_320 = arith.index_cast %mul3A_319 : i32 to index
      %get3A_321 = tpu.vector_load %arg12[%get3A_320] {strides = array<i32>} : memref<7040xi32, #tpu.memory_space<vmem>>, vector<16xi32>,
      %get3A_322 = arith.index_cast %mul3A_319 : i32 to index
      %get3A_323 = tpu.vector_load %arg13[%get3A_322] {strides = array<i32>} : memref<7040xi32, #tpu.memory_space<vmem>>, vector<16xi32>,
      %mul3A_324 = arith.constant 8 : i32
      %mul3A_325 = arith.muli %scan3A_283, %mul3A_324 : i32
      %add3A_326 = arith.constant 4 : i32
      %add3A_327 = arith.addi %mul3A_325, %add3A_326 : i32
      %mul3A_328 = arith.constant 16 : i32
      %mul3A_329 = arith.muli %add3A_327, %mul3A_328 : i32
      %get3A_330 = arith.index_cast %mul3A_329 : i32 to index
      %get3A_331 = tpu.vector_load %arg12[%get3A_330] {strides = array<i32>} : memref<7040xi32, #tpu.memory_space<vmem>>, vector<16xi32>,
      %get3A_332 = arith.index_cast %mul3A_329 : i32 to index
      %get3A_333 = tpu.vector_load %arg13[%get3A_332] {strides = array<i32>} : memref<7040xi32, #tpu.memory_space<vmem>>, vector<16xi32>,
      %mul3A_334 = arith.constant 8 : i32
      %mul3A_335 = arith.muli %scan3A_283, %mul3A_334 : i32
      %add3A_336 = arith.constant 5 : i32
      %add3A_337 = arith.addi %mul3A_335, %add3A_336 : i32
      %mul3A_338 = arith.constant 16 : i32
      %mul3A_339 = arith.muli %add3A_337, %mul3A_338 : i32
      %get3A_340 = arith.index_cast %mul3A_339 : i32 to index
      %get3A_341 = tpu.vector_load %arg12[%get3A_340] {strides = array<i32>} : memref<7040xi32, #tpu.memory_space<vmem>>, vector<16xi32>,
      %get3A_342 = arith.index_cast %mul3A_339 : i32 to index
      %get3A_343 = tpu.vector_load %arg13[%get3A_342] {strides = array<i32>} : memref<7040xi32, #tpu.memory_space<vmem>>, vector<16xi32>,
      %mul3A_344 = arith.constant 8 : i32
      %mul3A_345 = arith.muli %scan3A_283, %mul3A_344 : i32
      %add3A_346 = arith.constant 6 : i32
      %add3A_347 = arith.addi %mul3A_345, %add3A_346 : i32
      %mul3A_348 = arith.constant 16 : i32
      %mul3A_349 = arith.muli %add3A_347, %mul3A_348 : i32
      %get3A_350 = arith.index_cast %mul3A_349 : i32 to index
      %get3A_351 = tpu.vector_load %arg12[%get3A_350] {strides = array<i32>} : memref<7040xi32, #tpu.memory_space<vmem>>, vector<16xi32>,
      %get3A_352 = arith.index_cast %mul3A_349 : i32 to index
      %get3A_353 = tpu.vector_load %arg13[%get3A_352] {strides = array<i32>} : memref<7040xi32, #tpu.memory_space<vmem>>, vector<16xi32>,
      %mul3A_354 = arith.constant 8 : i32
      %mul3A_355 = arith.muli %scan3A_283, %mul3A_354 : i32
      %add3A_356 = arith.constant 7 : i32
      %add3A_357 = arith.addi %mul3A_355, %add3A_356 : i32
      %mul3A_358 = arith.constant 16 : i32
      %mul3A_359 = arith.muli %add3A_357, %mul3A_358 : i32
      %get3A_360 = arith.index_cast %mul3A_359 : i32 to index
      %get3A_361 = tpu.vector_load %arg12[%get3A_360] {strides = array<i32>} : memref<7040xi32, #tpu.memory_space<vmem>>, vector<16xi32>,
      %get3A_362 = arith.index_cast %mul3A_359 : i32 to index
      %get3A_363 = tpu.vector_load %arg13[%get3A_362] {strides = array<i32>} : memref<7040xi32, #tpu.memory_space<vmem>>, vector<16xi32>,
      %gather3A = tpu.vector_load_idx %arg14[%get3A_291] : memref<32896xi32, #tpu.memory_space<vmem>>[vector<16xi32>], vector<16xi32>,
      %gather3A_364 = tpu.vector_load_idx %arg15[%get3A_301] : memref<32896xi32, #tpu.memory_space<vmem>>[vector<16xi32>], vector<16xi32>,
      %max3A = arith.maxsi %gather3A, %get3A_293 : vector<16xi32>
      tpu.vector_store_idx %arg14[%get3A_291], %max3A : memref<32896xi32, #tpu.memory_space<vmem>>[vector<16xi32>], vector<16xi32>,
      %max3A_365 = arith.maxsi %gather3A_364, %get3A_303 : vector<16xi32>
      tpu.vector_store_idx %arg15[%get3A_301], %max3A_365 : memref<32896xi32, #tpu.memory_space<vmem>>[vector<16xi32>], vector<16xi32>,
      %gather3A_366 = tpu.vector_load_idx %arg14[%get3A_311] : memref<32896xi32, #tpu.memory_space<vmem>>[vector<16xi32>], vector<16xi32>,
      %gather3A_367 = tpu.vector_load_idx %arg15[%get3A_321] : memref<32896xi32, #tpu.memory_space<vmem>>[vector<16xi32>], vector<16xi32>,
      %max3A_368 = arith.maxsi %gather3A_366, %get3A_313 : vector<16xi32>
      tpu.vector_store_idx %arg14[%get3A_311], %max3A_368 : memref<32896xi32, #tpu.memory_space<vmem>>[vector<16xi32>], vector<16xi32>,
      %max3A_369 = arith.maxsi %gather3A_367, %get3A_323 : vector<16xi32>
      tpu.vector_store_idx %arg15[%get3A_321], %max3A_369 : memref<32896xi32, #tpu.memory_space<vmem>>[vector<16xi32>], vector<16xi32>,
      %gather3A_370 = tpu.vector_load_idx %arg14[%get3A_331] : memref<32896xi32, #tpu.memory_space<vmem>>[vector<16xi32>], vector<16xi32>,
      %gather3A_371 = tpu.vector_load_idx %arg15[%get3A_341] : memref<32896xi32, #tpu.memory_space<vmem>>[vector<16xi32>], vector<16xi32>,
      %max3A_372 = arith.maxsi %gather3A_370, %get3A_333 : vector<16xi32>
      tpu.vector_store_idx %arg14[%get3A_331], %max3A_372 : memref<32896xi32, #tpu.memory_space<vmem>>[vector<16xi32>], vector<16xi32>,
      %max3A_373 = arith.maxsi %gather3A_371, %get3A_343 : vector<16xi32>
      tpu.vector_store_idx %arg15[%get3A_341], %max3A_373 : memref<32896xi32, #tpu.memory_space<vmem>>[vector<16xi32>], vector<16xi32>,
      %gather3A_374 = tpu.vector_load_idx %arg14[%get3A_351] : memref<32896xi32, #tpu.memory_space<vmem>>[vector<16xi32>], vector<16xi32>,
      %gather3A_375 = tpu.vector_load_idx %arg15[%get3A_361] : memref<32896xi32, #tpu.memory_space<vmem>>[vector<16xi32>], vector<16xi32>,
      %max3A_376 = arith.maxsi %gather3A_374, %get3A_353 : vector<16xi32>
      tpu.vector_store_idx %arg14[%get3A_351], %max3A_376 : memref<32896xi32, #tpu.memory_space<vmem>>[vector<16xi32>], vector<16xi32>,
      %max3A_377 = arith.maxsi %gather3A_375, %get3A_363 : vector<16xi32>
      tpu.vector_store_idx %arg15[%get3A_361], %max3A_377 : memref<32896xi32, #tpu.memory_space<vmem>>[vector<16xi32>], vector<16xi32>,
      %scan3A_378 = arith.constant 0 : i32
      scf.yield %scan3A_378 : i32
    }
    %scan3A_144 = arith.constant 55 : i32
    %add3A_145 = arith.constant 2200 : i32
    %add3A_146 = arith.addi %min3A_3, %add3A_145 : i32
    %add3A_147 = arith.constant 3467 : i32
    %add3A_148 = arith.addi %min3A_3, %add3A_147 : i32
    %min3A_149 = arith.minsi %add3A_146, %add3A_148 : i32
    %mul3A_150 = arith.constant 16 : i32
    %mul3A_151 = arith.muli %min3A_149, %mul3A_150 : i32
    %dma_start3A_152 = tpu.memref_slice %arg2[%mul3A_151] : memref<2000000xi32, #tpu.memory_space<hbm>> -> memref<7040xi32, #tpu.memory_space<hbm>>
    %dma_start3A_153 = tpu.memref_slice %arg2[%mul3A_151] : memref<2000000xi32, #tpu.memory_space<hbm>> -> memref<7040xi32, #tpu.memory_space<hbm>>
    tpu.enqueue_dma source(%dma_start3A_153 : memref<7040xi32, #tpu.memory_space<hbm>>) target(%arg7 : memref<7040xi32, #tpu.memory_space<vmem>>) target_semaphore(%arg17 : memref<!tpu.dma_semaphore, #tpu.memory_space<semaphore_mem>>)
    %dma_start3A_154 = tpu.memref_slice %arg3[%mul3A_151] : memref<2000000xi32, #tpu.memory_space<hbm>> -> memref<7040xi32, #tpu.memory_space<hbm>>
    %dma_start3A_155 = tpu.memref_slice %arg3[%mul3A_151] : memref<2000000xi32, #tpu.memory_space<hbm>> -> memref<7040xi32, #tpu.memory_space<hbm>>
    tpu.enqueue_dma source(%dma_start3A_155 : memref<7040xi32, #tpu.memory_space<hbm>>) target(%arg9 : memref<7040xi32, #tpu.memory_space<vmem>>) target_semaphore(%arg17 : memref<!tpu.dma_semaphore, #tpu.memory_space<semaphore_mem>>)
    %dma_start3A_156 = tpu.memref_slice %arg4[%mul3A_151] : memref<2000000xi32, #tpu.memory_space<hbm>> -> memref<7040xi32, #tpu.memory_space<hbm>>
    %dma_start3A_157 = tpu.memref_slice %arg4[%mul3A_151] : memref<2000000xi32, #tpu.memory_space<hbm>> -> memref<7040xi32, #tpu.memory_space<hbm>>
    tpu.enqueue_dma source(%dma_start3A_157 : memref<7040xi32, #tpu.memory_space<hbm>>) target(%arg11 : memref<7040xi32, #tpu.memory_space<vmem>>) target_semaphore(%arg17 : memref<!tpu.dma_semaphore, #tpu.memory_space<semaphore_mem>>)
    %dma_wait3A_158 = tpu.memref_slice %arg2[%mul3A_122] : memref<2000000xi32, #tpu.memory_space<hbm>> -> memref<7040xi32, #tpu.memory_space<hbm>>
    %dma_wait3A_159 = tpu.memref_slice %arg2[%mul3A_122] : memref<2000000xi32, #tpu.memory_space<hbm>> -> memref<7040xi32, #tpu.memory_space<hbm>>
    tpu.wait_dma2 semaphore(%arg16 : memref<!tpu.dma_semaphore, #tpu.memory_space<semaphore_mem>>) src(%dma_wait3A_159 : memref<7040xi32, #tpu.memory_space<hbm>>) dst(%arg6 : memref<7040xi32, #tpu.memory_space<vmem>>)
    %dma_wait3A_160 = tpu.memref_slice %arg3[%mul3A_122] : memref<2000000xi32, #tpu.memory_space<hbm>> -> memref<7040xi32, #tpu.memory_space<hbm>>
    %dma_wait3A_161 = tpu.memref_slice %arg3[%mul3A_122] : memref<2000000xi32, #tpu.memory_space<hbm>> -> memref<7040xi32, #tpu.memory_space<hbm>>
    tpu.wait_dma2 semaphore(%arg16 : memref<!tpu.dma_semaphore, #tpu.memory_space<semaphore_mem>>) src(%dma_wait3A_161 : memref<7040xi32, #tpu.memory_space<hbm>>) dst(%arg8 : memref<7040xi32, #tpu.memory_space<vmem>>)
    %dma_wait3A_162 = tpu.memref_slice %arg4[%mul3A_122] : memref<2000000xi32, #tpu.memory_space<hbm>> -> memref<7040xi32, #tpu.memory_space<hbm>>
    %dma_wait3A_163 = tpu.memref_slice %arg4[%mul3A_122] : memref<2000000xi32, #tpu.memory_space<hbm>> -> memref<7040xi32, #tpu.memory_space<hbm>>
    tpu.wait_dma2 semaphore(%arg16 : memref<!tpu.dma_semaphore, #tpu.memory_space<semaphore_mem>>) src(%dma_wait3A_163 : memref<7040xi32, #tpu.memory_space<hbm>>) dst(%arg10 : memref<7040xi32, #tpu.memory_space<vmem>>)
    %parallel_loop3A_164 = arith.constant 0 : i32
    %parallel_loop3A_165 = arith.constant 440 : i32
    %parallel_loop3A_166 = arith.constant 1 : i32
    scf.for %parallel_loop3A_283 = %parallel_loop3A_164 to %parallel_loop3A_165 step %parallel_loop3A_166  : i32 {
      %parallel_loop3A_284 = arith.constant 16 : i32
      %parallel_loop3A_285 = arith.muli %parallel_loop3A_283, %parallel_loop3A_284 : i32
      %parallel_loop3A_286 = arith.index_cast %parallel_loop3A_285 : i32 to index
      %parallel_loop3A_287 = tpu.vector_load %arg6[%parallel_loop3A_286] {strides = array<i32>} : memref<7040xi32, #tpu.memory_space<vmem>>, vector<16xi32>,
      %parallel_loop3A_288 = arith.index_cast %parallel_loop3A_285 : i32 to index
      %parallel_loop3A_289 = tpu.vector_load %arg8[%parallel_loop3A_288] {strides = array<i32>} : memref<7040xi32, #tpu.memory_space<vmem>>, vector<16xi32>,
      %parallel_loop3A_290 = arith.index_cast %parallel_loop3A_285 : i32 to index
      %parallel_loop3A_291 = tpu.vector_load %arg10[%parallel_loop3A_290] {strides = array<i32>} : memref<7040xi32, #tpu.memory_space<vmem>>, vector<16xi32>,
      %parallel_loop3A_292 = arith.constant 512 : i32
      %parallel_loop3A_293 = vector.broadcast %parallel_loop3A_292 : i32 to vector<16xi32>
      %parallel_loop3A_294 = arith.muli %parallel_loop3A_291, %parallel_loop3A_293 : vector<16xi32>
      %parallel_loop3A_295 = arith.addi %parallel_loop3A_294, %parallel_loop3A_289 : vector<16xi32>
      %parallel_loop3A_296 = arith.constant 512 : i32
      %parallel_loop3A_297 = vector.broadcast %parallel_loop3A_296 : i32 to vector<16xi32>
      %parallel_loop3A_298 = arith.muli %parallel_loop3A_295, %parallel_loop3A_297 : vector<16xi32>
      %parallel_loop3A_299 = arith.addi %parallel_loop3A_298, %parallel_loop3A_287 : vector<16xi32>
      %parallel_loop3A_300 = arith.constant dense<true> : vector<16xi1>
      %parallel_loop3A_301, %parallel_loop3A_302, %parallel_loop3A_303 = tpu.sort %parallel_loop3A_299, %parallel_loop3A_287 masked %parallel_loop3A_300 : (vector<16xi32>, vector<16xi32>, vector<16xi1>) -> (vector<16xi1>, vector<16xi32>, vector<16xi32>)
      %parallel_loop3A_304 = arith.constant 9 : i32
      %parallel_loop3A_305 = vector.broadcast %parallel_loop3A_304 : i32 to vector<16xi32>
      %parallel_loop3A_306 = arith.shrui %parallel_loop3A_302, %parallel_loop3A_305 : vector<16xi32>
      %parallel_loop3A_307 = vector.shape_cast %min3A_28 : vector<16xi32> to vector<16x1xi32>
      %parallel_loop3A_308 = vector.shape_cast %parallel_loop3A_307 : vector<16x1xi32> to vector<16xi32>
      %parallel_loop3A_309 = tpu.dynamic_gather %parallel_loop3A_306[%parallel_loop3A_308] in [0] : vector<16xi32>, vector<16xi32> -> vector<16xi32>
      %parallel_loop3A_310 = arith.addi %parallel_loop3A_309, %convert_element_type3A : vector<16xi32>
      %parallel_loop3A_311 = arith.cmpi ne, %parallel_loop3A_306, %parallel_loop3A_310 : vector<16xi32>
      %parallel_loop3A_312 = arith.constant 32768 : i32
      %parallel_loop3A_313 = vector.broadcast %parallel_loop3A_312 : i32 to vector<16xi32>
      %parallel_loop3A_314 = arith.select %parallel_loop3A_311, %parallel_loop3A_306, %parallel_loop3A_313 : vector<16xi1>, vector<16xi32>
      %parallel_loop3A_315 = arith.index_cast %parallel_loop3A_285 : i32 to index
      %parallel_loop3A_316 = tpu.vector_load %arg12[%parallel_loop3A_315] {strides = array<i32>} : memref<7040xi32, #tpu.memory_space<vmem>>, vector<16xi32>,
      tpu.vector_store %arg12[%parallel_loop3A_315], %parallel_loop3A_314 {strides = array<i32>} : memref<7040xi32, #tpu.memory_space<vmem>>, vector<16xi32>,
      %parallel_loop3A_317 = arith.index_cast %parallel_loop3A_285 : i32 to index
      %parallel_loop3A_318 = tpu.vector_load %arg13[%parallel_loop3A_317] {strides = array<i32>} : memref<7040xi32, #tpu.memory_space<vmem>>, vector<16xi32>,
      tpu.vector_store %arg13[%parallel_loop3A_317], %parallel_loop3A_303 {strides = array<i32>} : memref<7040xi32, #tpu.memory_space<vmem>>, vector<16xi32>,
    } {sc.loop_unroll_factor = 8 : i64, sc.parallel_access}
    %scan3A_167 = arith.constant 0 : i32
    %scan3A_168 = arith.constant 0 : i32
    %scan3A_169 = arith.constant 55 : i32
    %scan3A_170 = arith.addi %scan3A_168, %scan3A_169 : i32
    %scan3A_171 = arith.constant 1 : i32
    %scan3A_172 = scf.for %scan3A_283 = %scan3A_168 to %scan3A_170 step %scan3A_171 iter_args(%scan3A_284 = %scan3A_167) -> (i32)  : i32 {
      %mul3A_285 = arith.constant 8 : i32
      %mul3A_286 = arith.muli %scan3A_283, %mul3A_285 : i32
      %add3A_287 = arith.constant 0 : i32
      %add3A_288 = arith.addi %mul3A_286, %add3A_287 : i32
      %mul3A_289 = arith.constant 16 : i32
      %mul3A_290 = arith.muli %add3A_288, %mul3A_289 : i32
      %get3A = arith.index_cast %mul3A_290 : i32 to index
      %get3A_291 = tpu.vector_load %arg12[%get3A] {strides = array<i32>} : memref<7040xi32, #tpu.memory_space<vmem>>, vector<16xi32>,
      %get3A_292 = arith.index_cast %mul3A_290 : i32 to index
      %get3A_293 = tpu.vector_load %arg13[%get3A_292] {strides = array<i32>} : memref<7040xi32, #tpu.memory_space<vmem>>, vector<16xi32>,
      %mul3A_294 = arith.constant 8 : i32
      %mul3A_295 = arith.muli %scan3A_283, %mul3A_294 : i32
      %add3A_296 = arith.constant 1 : i32
      %add3A_297 = arith.addi %mul3A_295, %add3A_296 : i32
      %mul3A_298 = arith.constant 16 : i32
      %mul3A_299 = arith.muli %add3A_297, %mul3A_298 : i32
      %get3A_300 = arith.index_cast %mul3A_299 : i32 to index
      %get3A_301 = tpu.vector_load %arg12[%get3A_300] {strides = array<i32>} : memref<7040xi32, #tpu.memory_space<vmem>>, vector<16xi32>,
      %get3A_302 = arith.index_cast %mul3A_299 : i32 to index
      %get3A_303 = tpu.vector_load %arg13[%get3A_302] {strides = array<i32>} : memref<7040xi32, #tpu.memory_space<vmem>>, vector<16xi32>,
      %mul3A_304 = arith.constant 8 : i32
      %mul3A_305 = arith.muli %scan3A_283, %mul3A_304 : i32
      %add3A_306 = arith.constant 2 : i32
      %add3A_307 = arith.addi %mul3A_305, %add3A_306 : i32
      %mul3A_308 = arith.constant 16 : i32
      %mul3A_309 = arith.muli %add3A_307, %mul3A_308 : i32
      %get3A_310 = arith.index_cast %mul3A_309 : i32 to index
      %get3A_311 = tpu.vector_load %arg12[%get3A_310] {strides = array<i32>} : memref<7040xi32, #tpu.memory_space<vmem>>, vector<16xi32>,
      %get3A_312 = arith.index_cast %mul3A_309 : i32 to index
      %get3A_313 = tpu.vector_load %arg13[%get3A_312] {strides = array<i32>} : memref<7040xi32, #tpu.memory_space<vmem>>, vector<16xi32>,
      %mul3A_314 = arith.constant 8 : i32
      %mul3A_315 = arith.muli %scan3A_283, %mul3A_314 : i32
      %add3A_316 = arith.constant 3 : i32
      %add3A_317 = arith.addi %mul3A_315, %add3A_316 : i32
      %mul3A_318 = arith.constant 16 : i32
      %mul3A_319 = arith.muli %add3A_317, %mul3A_318 : i32
      %get3A_320 = arith.index_cast %mul3A_319 : i32 to index
      %get3A_321 = tpu.vector_load %arg12[%get3A_320] {strides = array<i32>} : memref<7040xi32, #tpu.memory_space<vmem>>, vector<16xi32>,
      %get3A_322 = arith.index_cast %mul3A_319 : i32 to index
      %get3A_323 = tpu.vector_load %arg13[%get3A_322] {strides = array<i32>} : memref<7040xi32, #tpu.memory_space<vmem>>, vector<16xi32>,
      %mul3A_324 = arith.constant 8 : i32
      %mul3A_325 = arith.muli %scan3A_283, %mul3A_324 : i32
      %add3A_326 = arith.constant 4 : i32
      %add3A_327 = arith.addi %mul3A_325, %add3A_326 : i32
      %mul3A_328 = arith.constant 16 : i32
      %mul3A_329 = arith.muli %add3A_327, %mul3A_328 : i32
      %get3A_330 = arith.index_cast %mul3A_329 : i32 to index
      %get3A_331 = tpu.vector_load %arg12[%get3A_330] {strides = array<i32>} : memref<7040xi32, #tpu.memory_space<vmem>>, vector<16xi32>,
      %get3A_332 = arith.index_cast %mul3A_329 : i32 to index
      %get3A_333 = tpu.vector_load %arg13[%get3A_332] {strides = array<i32>} : memref<7040xi32, #tpu.memory_space<vmem>>, vector<16xi32>,
      %mul3A_334 = arith.constant 8 : i32
      %mul3A_335 = arith.muli %scan3A_283, %mul3A_334 : i32
      %add3A_336 = arith.constant 5 : i32
      %add3A_337 = arith.addi %mul3A_335, %add3A_336 : i32
      %mul3A_338 = arith.constant 16 : i32
      %mul3A_339 = arith.muli %add3A_337, %mul3A_338 : i32
      %get3A_340 = arith.index_cast %mul3A_339 : i32 to index
      %get3A_341 = tpu.vector_load %arg12[%get3A_340] {strides = array<i32>} : memref<7040xi32, #tpu.memory_space<vmem>>, vector<16xi32>,
      %get3A_342 = arith.index_cast %mul3A_339 : i32 to index
      %get3A_343 = tpu.vector_load %arg13[%get3A_342] {strides = array<i32>} : memref<7040xi32, #tpu.memory_space<vmem>>, vector<16xi32>,
      %mul3A_344 = arith.constant 8 : i32
      %mul3A_345 = arith.muli %scan3A_283, %mul3A_344 : i32
      %add3A_346 = arith.constant 6 : i32
      %add3A_347 = arith.addi %mul3A_345, %add3A_346 : i32
      %mul3A_348 = arith.constant 16 : i32
      %mul3A_349 = arith.muli %add3A_347, %mul3A_348 : i32
      %get3A_350 = arith.index_cast %mul3A_349 : i32 to index
      %get3A_351 = tpu.vector_load %arg12[%get3A_350] {strides = array<i32>} : memref<7040xi32, #tpu.memory_space<vmem>>, vector<16xi32>,
      %get3A_352 = arith.index_cast %mul3A_349 : i32 to index
      %get3A_353 = tpu.vector_load %arg13[%get3A_352] {strides = array<i32>} : memref<7040xi32, #tpu.memory_space<vmem>>, vector<16xi32>,
      %mul3A_354 = arith.constant 8 : i32
      %mul3A_355 = arith.muli %scan3A_283, %mul3A_354 : i32
      %add3A_356 = arith.constant 7 : i32
      %add3A_357 = arith.addi %mul3A_355, %add3A_356 : i32
      %mul3A_358 = arith.constant 16 : i32
      %mul3A_359 = arith.muli %add3A_357, %mul3A_358 : i32
      %get3A_360 = arith.index_cast %mul3A_359 : i32 to index
      %get3A_361 = tpu.vector_load %arg12[%get3A_360] {strides = array<i32>} : memref<7040xi32, #tpu.memory_space<vmem>>, vector<16xi32>,
      %get3A_362 = arith.index_cast %mul3A_359 : i32 to index
      %get3A_363 = tpu.vector_load %arg13[%get3A_362] {strides = array<i32>} : memref<7040xi32, #tpu.memory_space<vmem>>, vector<16xi32>,
      %gather3A = tpu.vector_load_idx %arg14[%get3A_291] : memref<32896xi32, #tpu.memory_space<vmem>>[vector<16xi32>], vector<16xi32>,
      %gather3A_364 = tpu.vector_load_idx %arg15[%get3A_301] : memref<32896xi32, #tpu.memory_space<vmem>>[vector<16xi32>], vector<16xi32>,
      %max3A = arith.maxsi %gather3A, %get3A_293 : vector<16xi32>
      tpu.vector_store_idx %arg14[%get3A_291], %max3A : memref<32896xi32, #tpu.memory_space<vmem>>[vector<16xi32>], vector<16xi32>,
      %max3A_365 = arith.maxsi %gather3A_364, %get3A_303 : vector<16xi32>
      tpu.vector_store_idx %arg15[%get3A_301], %max3A_365 : memref<32896xi32, #tpu.memory_space<vmem>>[vector<16xi32>], vector<16xi32>,
      %gather3A_366 = tpu.vector_load_idx %arg14[%get3A_311] : memref<32896xi32, #tpu.memory_space<vmem>>[vector<16xi32>], vector<16xi32>,
      %gather3A_367 = tpu.vector_load_idx %arg15[%get3A_321] : memref<32896xi32, #tpu.memory_space<vmem>>[vector<16xi32>], vector<16xi32>,
      %max3A_368 = arith.maxsi %gather3A_366, %get3A_313 : vector<16xi32>
      tpu.vector_store_idx %arg14[%get3A_311], %max3A_368 : memref<32896xi32, #tpu.memory_space<vmem>>[vector<16xi32>], vector<16xi32>,
      %max3A_369 = arith.maxsi %gather3A_367, %get3A_323 : vector<16xi32>
      tpu.vector_store_idx %arg15[%get3A_321], %max3A_369 : memref<32896xi32, #tpu.memory_space<vmem>>[vector<16xi32>], vector<16xi32>,
      %gather3A_370 = tpu.vector_load_idx %arg14[%get3A_331] : memref<32896xi32, #tpu.memory_space<vmem>>[vector<16xi32>], vector<16xi32>,
      %gather3A_371 = tpu.vector_load_idx %arg15[%get3A_341] : memref<32896xi32, #tpu.memory_space<vmem>>[vector<16xi32>], vector<16xi32>,
      %max3A_372 = arith.maxsi %gather3A_370, %get3A_333 : vector<16xi32>
      tpu.vector_store_idx %arg14[%get3A_331], %max3A_372 : memref<32896xi32, #tpu.memory_space<vmem>>[vector<16xi32>], vector<16xi32>,
      %max3A_373 = arith.maxsi %gather3A_371, %get3A_343 : vector<16xi32>
      tpu.vector_store_idx %arg15[%get3A_341], %max3A_373 : memref<32896xi32, #tpu.memory_space<vmem>>[vector<16xi32>], vector<16xi32>,
      %gather3A_374 = tpu.vector_load_idx %arg14[%get3A_351] : memref<32896xi32, #tpu.memory_space<vmem>>[vector<16xi32>], vector<16xi32>,
      %gather3A_375 = tpu.vector_load_idx %arg15[%get3A_361] : memref<32896xi32, #tpu.memory_space<vmem>>[vector<16xi32>], vector<16xi32>,
      %max3A_376 = arith.maxsi %gather3A_374, %get3A_353 : vector<16xi32>
      tpu.vector_store_idx %arg14[%get3A_351], %max3A_376 : memref<32896xi32, #tpu.memory_space<vmem>>[vector<16xi32>], vector<16xi32>,
      %max3A_377 = arith.maxsi %gather3A_375, %get3A_363 : vector<16xi32>
      tpu.vector_store_idx %arg15[%get3A_361], %max3A_377 : memref<32896xi32, #tpu.memory_space<vmem>>[vector<16xi32>], vector<16xi32>,
      %scan3A_378 = arith.constant 0 : i32
      scf.yield %scan3A_378 : i32
    }
    %scan3A_173 = arith.constant 55 : i32
    %add3A_174 = arith.constant 2640 : i32
    %add3A_175 = arith.addi %min3A_3, %add3A_174 : i32
    %add3A_176 = arith.constant 3467 : i32
    %add3A_177 = arith.addi %min3A_3, %add3A_176 : i32
    %min3A_178 = arith.minsi %add3A_175, %add3A_177 : i32
    %mul3A_179 = arith.constant 16 : i32
    %mul3A_180 = arith.muli %min3A_178, %mul3A_179 : i32
    %dma_start3A_181 = tpu.memref_slice %arg2[%mul3A_180] : memref<2000000xi32, #tpu.memory_space<hbm>> -> memref<7040xi32, #tpu.memory_space<hbm>>
    %dma_start3A_182 = tpu.memref_slice %arg2[%mul3A_180] : memref<2000000xi32, #tpu.memory_space<hbm>> -> memref<7040xi32, #tpu.memory_space<hbm>>
    tpu.enqueue_dma source(%dma_start3A_182 : memref<7040xi32, #tpu.memory_space<hbm>>) target(%arg6 : memref<7040xi32, #tpu.memory_space<vmem>>) target_semaphore(%arg16 : memref<!tpu.dma_semaphore, #tpu.memory_space<semaphore_mem>>)
    %dma_start3A_183 = tpu.memref_slice %arg3[%mul3A_180] : memref<2000000xi32, #tpu.memory_space<hbm>> -> memref<7040xi32, #tpu.memory_space<hbm>>
    %dma_start3A_184 = tpu.memref_slice %arg3[%mul3A_180] : memref<2000000xi32, #tpu.memory_space<hbm>> -> memref<7040xi32, #tpu.memory_space<hbm>>
    tpu.enqueue_dma source(%dma_start3A_184 : memref<7040xi32, #tpu.memory_space<hbm>>) target(%arg8 : memref<7040xi32, #tpu.memory_space<vmem>>) target_semaphore(%arg16 : memref<!tpu.dma_semaphore, #tpu.memory_space<semaphore_mem>>)
    %dma_start3A_185 = tpu.memref_slice %arg4[%mul3A_180] : memref<2000000xi32, #tpu.memory_space<hbm>> -> memref<7040xi32, #tpu.memory_space<hbm>>
    %dma_start3A_186 = tpu.memref_slice %arg4[%mul3A_180] : memref<2000000xi32, #tpu.memory_space<hbm>> -> memref<7040xi32, #tpu.memory_space<hbm>>
    tpu.enqueue_dma source(%dma_start3A_186 : memref<7040xi32, #tpu.memory_space<hbm>>) target(%arg10 : memref<7040xi32, #tpu.memory_space<vmem>>) target_semaphore(%arg16 : memref<!tpu.dma_semaphore, #tpu.memory_space<semaphore_mem>>)
    %dma_wait3A_187 = tpu.memref_slice %arg2[%mul3A_151] : memref<2000000xi32, #tpu.memory_space<hbm>> -> memref<7040xi32, #tpu.memory_space<hbm>>
    %dma_wait3A_188 = tpu.memref_slice %arg2[%mul3A_151] : memref<2000000xi32, #tpu.memory_space<hbm>> -> memref<7040xi32, #tpu.memory_space<hbm>>
    tpu.wait_dma2 semaphore(%arg17 : memref<!tpu.dma_semaphore, #tpu.memory_space<semaphore_mem>>) src(%dma_wait3A_188 : memref<7040xi32, #tpu.memory_space<hbm>>) dst(%arg7 : memref<7040xi32, #tpu.memory_space<vmem>>)
    %dma_wait3A_189 = tpu.memref_slice %arg3[%mul3A_151] : memref<2000000xi32, #tpu.memory_space<hbm>> -> memref<7040xi32, #tpu.memory_space<hbm>>
    %dma_wait3A_190 = tpu.memref_slice %arg3[%mul3A_151] : memref<2000000xi32, #tpu.memory_space<hbm>> -> memref<7040xi32, #tpu.memory_space<hbm>>
    tpu.wait_dma2 semaphore(%arg17 : memref<!tpu.dma_semaphore, #tpu.memory_space<semaphore_mem>>) src(%dma_wait3A_190 : memref<7040xi32, #tpu.memory_space<hbm>>) dst(%arg9 : memref<7040xi32, #tpu.memory_space<vmem>>)
    %dma_wait3A_191 = tpu.memref_slice %arg4[%mul3A_151] : memref<2000000xi32, #tpu.memory_space<hbm>> -> memref<7040xi32, #tpu.memory_space<hbm>>
    %dma_wait3A_192 = tpu.memref_slice %arg4[%mul3A_151] : memref<2000000xi32, #tpu.memory_space<hbm>> -> memref<7040xi32, #tpu.memory_space<hbm>>
    tpu.wait_dma2 semaphore(%arg17 : memref<!tpu.dma_semaphore, #tpu.memory_space<semaphore_mem>>) src(%dma_wait3A_192 : memref<7040xi32, #tpu.memory_space<hbm>>) dst(%arg11 : memref<7040xi32, #tpu.memory_space<vmem>>)
    %parallel_loop3A_193 = arith.constant 0 : i32
    %parallel_loop3A_194 = arith.constant 440 : i32
    %parallel_loop3A_195 = arith.constant 1 : i32
    scf.for %parallel_loop3A_283 = %parallel_loop3A_193 to %parallel_loop3A_194 step %parallel_loop3A_195  : i32 {
      %parallel_loop3A_284 = arith.constant 16 : i32
      %parallel_loop3A_285 = arith.muli %parallel_loop3A_283, %parallel_loop3A_284 : i32
      %parallel_loop3A_286 = arith.index_cast %parallel_loop3A_285 : i32 to index
      %parallel_loop3A_287 = tpu.vector_load %arg7[%parallel_loop3A_286] {strides = array<i32>} : memref<7040xi32, #tpu.memory_space<vmem>>, vector<16xi32>,
      %parallel_loop3A_288 = arith.index_cast %parallel_loop3A_285 : i32 to index
      %parallel_loop3A_289 = tpu.vector_load %arg9[%parallel_loop3A_288] {strides = array<i32>} : memref<7040xi32, #tpu.memory_space<vmem>>, vector<16xi32>,
      %parallel_loop3A_290 = arith.index_cast %parallel_loop3A_285 : i32 to index
      %parallel_loop3A_291 = tpu.vector_load %arg11[%parallel_loop3A_290] {strides = array<i32>} : memref<7040xi32, #tpu.memory_space<vmem>>, vector<16xi32>,
      %parallel_loop3A_292 = arith.constant 512 : i32
      %parallel_loop3A_293 = vector.broadcast %parallel_loop3A_292 : i32 to vector<16xi32>
      %parallel_loop3A_294 = arith.muli %parallel_loop3A_291, %parallel_loop3A_293 : vector<16xi32>
      %parallel_loop3A_295 = arith.addi %parallel_loop3A_294, %parallel_loop3A_289 : vector<16xi32>
      %parallel_loop3A_296 = arith.constant 512 : i32
      %parallel_loop3A_297 = vector.broadcast %parallel_loop3A_296 : i32 to vector<16xi32>
      %parallel_loop3A_298 = arith.muli %parallel_loop3A_295, %parallel_loop3A_297 : vector<16xi32>
      %parallel_loop3A_299 = arith.addi %parallel_loop3A_298, %parallel_loop3A_287 : vector<16xi32>
      %parallel_loop3A_300 = arith.constant dense<true> : vector<16xi1>
      %parallel_loop3A_301, %parallel_loop3A_302, %parallel_loop3A_303 = tpu.sort %parallel_loop3A_299, %parallel_loop3A_287 masked %parallel_loop3A_300 : (vector<16xi32>, vector<16xi32>, vector<16xi1>) -> (vector<16xi1>, vector<16xi32>, vector<16xi32>)
      %parallel_loop3A_304 = arith.constant 9 : i32
      %parallel_loop3A_305 = vector.broadcast %parallel_loop3A_304 : i32 to vector<16xi32>
      %parallel_loop3A_306 = arith.shrui %parallel_loop3A_302, %parallel_loop3A_305 : vector<16xi32>
      %parallel_loop3A_307 = vector.shape_cast %min3A_28 : vector<16xi32> to vector<16x1xi32>
      %parallel_loop3A_308 = vector.shape_cast %parallel_loop3A_307 : vector<16x1xi32> to vector<16xi32>
      %parallel_loop3A_309 = tpu.dynamic_gather %parallel_loop3A_306[%parallel_loop3A_308] in [0] : vector<16xi32>, vector<16xi32> -> vector<16xi32>
      %parallel_loop3A_310 = arith.addi %parallel_loop3A_309, %convert_element_type3A : vector<16xi32>
      %parallel_loop3A_311 = arith.cmpi ne, %parallel_loop3A_306, %parallel_loop3A_310 : vector<16xi32>
      %parallel_loop3A_312 = arith.constant 32768 : i32
      %parallel_loop3A_313 = vector.broadcast %parallel_loop3A_312 : i32 to vector<16xi32>
      %parallel_loop3A_314 = arith.select %parallel_loop3A_311, %parallel_loop3A_306, %parallel_loop3A_313 : vector<16xi1>, vector<16xi32>
      %parallel_loop3A_315 = arith.index_cast %parallel_loop3A_285 : i32 to index
      %parallel_loop3A_316 = tpu.vector_load %arg12[%parallel_loop3A_315] {strides = array<i32>} : memref<7040xi32, #tpu.memory_space<vmem>>, vector<16xi32>,
      tpu.vector_store %arg12[%parallel_loop3A_315], %parallel_loop3A_314 {strides = array<i32>} : memref<7040xi32, #tpu.memory_space<vmem>>, vector<16xi32>,
      %parallel_loop3A_317 = arith.index_cast %parallel_loop3A_285 : i32 to index
      %parallel_loop3A_318 = tpu.vector_load %arg13[%parallel_loop3A_317] {strides = array<i32>} : memref<7040xi32, #tpu.memory_space<vmem>>, vector<16xi32>,
      tpu.vector_store %arg13[%parallel_loop3A_317], %parallel_loop3A_303 {strides = array<i32>} : memref<7040xi32, #tpu.memory_space<vmem>>, vector<16xi32>,
    } {sc.loop_unroll_factor = 8 : i64, sc.parallel_access}
    %scan3A_196 = arith.constant 0 : i32
    %scan3A_197 = arith.constant 0 : i32
    %scan3A_198 = arith.constant 55 : i32
    %scan3A_199 = arith.addi %scan3A_197, %scan3A_198 : i32
    %scan3A_200 = arith.constant 1 : i32
    %scan3A_201 = scf.for %scan3A_283 = %scan3A_197 to %scan3A_199 step %scan3A_200 iter_args(%scan3A_284 = %scan3A_196) -> (i32)  : i32 {
      %mul3A_285 = arith.constant 8 : i32
      %mul3A_286 = arith.muli %scan3A_283, %mul3A_285 : i32
      %add3A_287 = arith.constant 0 : i32
      %add3A_288 = arith.addi %mul3A_286, %add3A_287 : i32
      %mul3A_289 = arith.constant 16 : i32
      %mul3A_290 = arith.muli %add3A_288, %mul3A_289 : i32
      %get3A = arith.index_cast %mul3A_290 : i32 to index
      %get3A_291 = tpu.vector_load %arg12[%get3A] {strides = array<i32>} : memref<7040xi32, #tpu.memory_space<vmem>>, vector<16xi32>,
      %get3A_292 = arith.index_cast %mul3A_290 : i32 to index
      %get3A_293 = tpu.vector_load %arg13[%get3A_292] {strides = array<i32>} : memref<7040xi32, #tpu.memory_space<vmem>>, vector<16xi32>,
      %mul3A_294 = arith.constant 8 : i32
      %mul3A_295 = arith.muli %scan3A_283, %mul3A_294 : i32
      %add3A_296 = arith.constant 1 : i32
      %add3A_297 = arith.addi %mul3A_295, %add3A_296 : i32
      %mul3A_298 = arith.constant 16 : i32
      %mul3A_299 = arith.muli %add3A_297, %mul3A_298 : i32
      %get3A_300 = arith.index_cast %mul3A_299 : i32 to index
      %get3A_301 = tpu.vector_load %arg12[%get3A_300] {strides = array<i32>} : memref<7040xi32, #tpu.memory_space<vmem>>, vector<16xi32>,
      %get3A_302 = arith.index_cast %mul3A_299 : i32 to index
      %get3A_303 = tpu.vector_load %arg13[%get3A_302] {strides = array<i32>} : memref<7040xi32, #tpu.memory_space<vmem>>, vector<16xi32>,
      %mul3A_304 = arith.constant 8 : i32
      %mul3A_305 = arith.muli %scan3A_283, %mul3A_304 : i32
      %add3A_306 = arith.constant 2 : i32
      %add3A_307 = arith.addi %mul3A_305, %add3A_306 : i32
      %mul3A_308 = arith.constant 16 : i32
      %mul3A_309 = arith.muli %add3A_307, %mul3A_308 : i32
      %get3A_310 = arith.index_cast %mul3A_309 : i32 to index
      %get3A_311 = tpu.vector_load %arg12[%get3A_310] {strides = array<i32>} : memref<7040xi32, #tpu.memory_space<vmem>>, vector<16xi32>,
      %get3A_312 = arith.index_cast %mul3A_309 : i32 to index
      %get3A_313 = tpu.vector_load %arg13[%get3A_312] {strides = array<i32>} : memref<7040xi32, #tpu.memory_space<vmem>>, vector<16xi32>,
      %mul3A_314 = arith.constant 8 : i32
      %mul3A_315 = arith.muli %scan3A_283, %mul3A_314 : i32
      %add3A_316 = arith.constant 3 : i32
      %add3A_317 = arith.addi %mul3A_315, %add3A_316 : i32
      %mul3A_318 = arith.constant 16 : i32
      %mul3A_319 = arith.muli %add3A_317, %mul3A_318 : i32
      %get3A_320 = arith.index_cast %mul3A_319 : i32 to index
      %get3A_321 = tpu.vector_load %arg12[%get3A_320] {strides = array<i32>} : memref<7040xi32, #tpu.memory_space<vmem>>, vector<16xi32>,
      %get3A_322 = arith.index_cast %mul3A_319 : i32 to index
      %get3A_323 = tpu.vector_load %arg13[%get3A_322] {strides = array<i32>} : memref<7040xi32, #tpu.memory_space<vmem>>, vector<16xi32>,
      %mul3A_324 = arith.constant 8 : i32
      %mul3A_325 = arith.muli %scan3A_283, %mul3A_324 : i32
      %add3A_326 = arith.constant 4 : i32
      %add3A_327 = arith.addi %mul3A_325, %add3A_326 : i32
      %mul3A_328 = arith.constant 16 : i32
      %mul3A_329 = arith.muli %add3A_327, %mul3A_328 : i32
      %get3A_330 = arith.index_cast %mul3A_329 : i32 to index
      %get3A_331 = tpu.vector_load %arg12[%get3A_330] {strides = array<i32>} : memref<7040xi32, #tpu.memory_space<vmem>>, vector<16xi32>,
      %get3A_332 = arith.index_cast %mul3A_329 : i32 to index
      %get3A_333 = tpu.vector_load %arg13[%get3A_332] {strides = array<i32>} : memref<7040xi32, #tpu.memory_space<vmem>>, vector<16xi32>,
      %mul3A_334 = arith.constant 8 : i32
      %mul3A_335 = arith.muli %scan3A_283, %mul3A_334 : i32
      %add3A_336 = arith.constant 5 : i32
      %add3A_337 = arith.addi %mul3A_335, %add3A_336 : i32
      %mul3A_338 = arith.constant 16 : i32
      %mul3A_339 = arith.muli %add3A_337, %mul3A_338 : i32
      %get3A_340 = arith.index_cast %mul3A_339 : i32 to index
      %get3A_341 = tpu.vector_load %arg12[%get3A_340] {strides = array<i32>} : memref<7040xi32, #tpu.memory_space<vmem>>, vector<16xi32>,
      %get3A_342 = arith.index_cast %mul3A_339 : i32 to index
      %get3A_343 = tpu.vector_load %arg13[%get3A_342] {strides = array<i32>} : memref<7040xi32, #tpu.memory_space<vmem>>, vector<16xi32>,
      %mul3A_344 = arith.constant 8 : i32
      %mul3A_345 = arith.muli %scan3A_283, %mul3A_344 : i32
      %add3A_346 = arith.constant 6 : i32
      %add3A_347 = arith.addi %mul3A_345, %add3A_346 : i32
      %mul3A_348 = arith.constant 16 : i32
      %mul3A_349 = arith.muli %add3A_347, %mul3A_348 : i32
      %get3A_350 = arith.index_cast %mul3A_349 : i32 to index
      %get3A_351 = tpu.vector_load %arg12[%get3A_350] {strides = array<i32>} : memref<7040xi32, #tpu.memory_space<vmem>>, vector<16xi32>,
      %get3A_352 = arith.index_cast %mul3A_349 : i32 to index
      %get3A_353 = tpu.vector_load %arg13[%get3A_352] {strides = array<i32>} : memref<7040xi32, #tpu.memory_space<vmem>>, vector<16xi32>,
      %mul3A_354 = arith.constant 8 : i32
      %mul3A_355 = arith.muli %scan3A_283, %mul3A_354 : i32
      %add3A_356 = arith.constant 7 : i32
      %add3A_357 = arith.addi %mul3A_355, %add3A_356 : i32
      %mul3A_358 = arith.constant 16 : i32
      %mul3A_359 = arith.muli %add3A_357, %mul3A_358 : i32
      %get3A_360 = arith.index_cast %mul3A_359 : i32 to index
      %get3A_361 = tpu.vector_load %arg12[%get3A_360] {strides = array<i32>} : memref<7040xi32, #tpu.memory_space<vmem>>, vector<16xi32>,
      %get3A_362 = arith.index_cast %mul3A_359 : i32 to index
      %get3A_363 = tpu.vector_load %arg13[%get3A_362] {strides = array<i32>} : memref<7040xi32, #tpu.memory_space<vmem>>, vector<16xi32>,
      %gather3A = tpu.vector_load_idx %arg14[%get3A_291] : memref<32896xi32, #tpu.memory_space<vmem>>[vector<16xi32>], vector<16xi32>,
      %gather3A_364 = tpu.vector_load_idx %arg15[%get3A_301] : memref<32896xi32, #tpu.memory_space<vmem>>[vector<16xi32>], vector<16xi32>,
      %max3A = arith.maxsi %gather3A, %get3A_293 : vector<16xi32>
      tpu.vector_store_idx %arg14[%get3A_291], %max3A : memref<32896xi32, #tpu.memory_space<vmem>>[vector<16xi32>], vector<16xi32>,
      %max3A_365 = arith.maxsi %gather3A_364, %get3A_303 : vector<16xi32>
      tpu.vector_store_idx %arg15[%get3A_301], %max3A_365 : memref<32896xi32, #tpu.memory_space<vmem>>[vector<16xi32>], vector<16xi32>,
      %gather3A_366 = tpu.vector_load_idx %arg14[%get3A_311] : memref<32896xi32, #tpu.memory_space<vmem>>[vector<16xi32>], vector<16xi32>,
      %gather3A_367 = tpu.vector_load_idx %arg15[%get3A_321] : memref<32896xi32, #tpu.memory_space<vmem>>[vector<16xi32>], vector<16xi32>,
      %max3A_368 = arith.maxsi %gather3A_366, %get3A_313 : vector<16xi32>
      tpu.vector_store_idx %arg14[%get3A_311], %max3A_368 : memref<32896xi32, #tpu.memory_space<vmem>>[vector<16xi32>], vector<16xi32>,
      %max3A_369 = arith.maxsi %gather3A_367, %get3A_323 : vector<16xi32>
      tpu.vector_store_idx %arg15[%get3A_321], %max3A_369 : memref<32896xi32, #tpu.memory_space<vmem>>[vector<16xi32>], vector<16xi32>,
      %gather3A_370 = tpu.vector_load_idx %arg14[%get3A_331] : memref<32896xi32, #tpu.memory_space<vmem>>[vector<16xi32>], vector<16xi32>,
      %gather3A_371 = tpu.vector_load_idx %arg15[%get3A_341] : memref<32896xi32, #tpu.memory_space<vmem>>[vector<16xi32>], vector<16xi32>,
      %max3A_372 = arith.maxsi %gather3A_370, %get3A_333 : vector<16xi32>
      tpu.vector_store_idx %arg14[%get3A_331], %max3A_372 : memref<32896xi32, #tpu.memory_space<vmem>>[vector<16xi32>], vector<16xi32>,
      %max3A_373 = arith.maxsi %gather3A_371, %get3A_343 : vector<16xi32>
      tpu.vector_store_idx %arg15[%get3A_341], %max3A_373 : memref<32896xi32, #tpu.memory_space<vmem>>[vector<16xi32>], vector<16xi32>,
      %gather3A_374 = tpu.vector_load_idx %arg14[%get3A_351] : memref<32896xi32, #tpu.memory_space<vmem>>[vector<16xi32>], vector<16xi32>,
      %gather3A_375 = tpu.vector_load_idx %arg15[%get3A_361] : memref<32896xi32, #tpu.memory_space<vmem>>[vector<16xi32>], vector<16xi32>,
      %max3A_376 = arith.maxsi %gather3A_374, %get3A_353 : vector<16xi32>
      tpu.vector_store_idx %arg14[%get3A_351], %max3A_376 : memref<32896xi32, #tpu.memory_space<vmem>>[vector<16xi32>], vector<16xi32>,
      %max3A_377 = arith.maxsi %gather3A_375, %get3A_363 : vector<16xi32>
      tpu.vector_store_idx %arg15[%get3A_361], %max3A_377 : memref<32896xi32, #tpu.memory_space<vmem>>[vector<16xi32>], vector<16xi32>,
      %scan3A_378 = arith.constant 0 : i32
      scf.yield %scan3A_378 : i32
    }
    %scan3A_202 = arith.constant 55 : i32
    %add3A_203 = arith.constant 3080 : i32
    %add3A_204 = arith.addi %min3A_3, %add3A_203 : i32
    %add3A_205 = arith.constant 3467 : i32
    %add3A_206 = arith.addi %min3A_3, %add3A_205 : i32
    %min3A_207 = arith.minsi %add3A_204, %add3A_206 : i32
    %mul3A_208 = arith.constant 16 : i32
    %mul3A_209 = arith.muli %min3A_207, %mul3A_208 : i32
    %dma_start3A_210 = tpu.memref_slice %arg2[%mul3A_209] : memref<2000000xi32, #tpu.memory_space<hbm>> -> memref<7040xi32, #tpu.memory_space<hbm>>
    %dma_start3A_211 = tpu.memref_slice %arg2[%mul3A_209] : memref<2000000xi32, #tpu.memory_space<hbm>> -> memref<7040xi32, #tpu.memory_space<hbm>>
    tpu.enqueue_dma source(%dma_start3A_211 : memref<7040xi32, #tpu.memory_space<hbm>>) target(%arg7 : memref<7040xi32, #tpu.memory_space<vmem>>) target_semaphore(%arg17 : memref<!tpu.dma_semaphore, #tpu.memory_space<semaphore_mem>>)
    %dma_start3A_212 = tpu.memref_slice %arg3[%mul3A_209] : memref<2000000xi32, #tpu.memory_space<hbm>> -> memref<7040xi32, #tpu.memory_space<hbm>>
    %dma_start3A_213 = tpu.memref_slice %arg3[%mul3A_209] : memref<2000000xi32, #tpu.memory_space<hbm>> -> memref<7040xi32, #tpu.memory_space<hbm>>
    tpu.enqueue_dma source(%dma_start3A_213 : memref<7040xi32, #tpu.memory_space<hbm>>) target(%arg9 : memref<7040xi32, #tpu.memory_space<vmem>>) target_semaphore(%arg17 : memref<!tpu.dma_semaphore, #tpu.memory_space<semaphore_mem>>)
    %dma_start3A_214 = tpu.memref_slice %arg4[%mul3A_209] : memref<2000000xi32, #tpu.memory_space<hbm>> -> memref<7040xi32, #tpu.memory_space<hbm>>
    %dma_start3A_215 = tpu.memref_slice %arg4[%mul3A_209] : memref<2000000xi32, #tpu.memory_space<hbm>> -> memref<7040xi32, #tpu.memory_space<hbm>>
    tpu.enqueue_dma source(%dma_start3A_215 : memref<7040xi32, #tpu.memory_space<hbm>>) target(%arg11 : memref<7040xi32, #tpu.memory_space<vmem>>) target_semaphore(%arg17 : memref<!tpu.dma_semaphore, #tpu.memory_space<semaphore_mem>>)
    %dma_wait3A_216 = tpu.memref_slice %arg2[%mul3A_180] : memref<2000000xi32, #tpu.memory_space<hbm>> -> memref<7040xi32, #tpu.memory_space<hbm>>
    %dma_wait3A_217 = tpu.memref_slice %arg2[%mul3A_180] : memref<2000000xi32, #tpu.memory_space<hbm>> -> memref<7040xi32, #tpu.memory_space<hbm>>
    tpu.wait_dma2 semaphore(%arg16 : memref<!tpu.dma_semaphore, #tpu.memory_space<semaphore_mem>>) src(%dma_wait3A_217 : memref<7040xi32, #tpu.memory_space<hbm>>) dst(%arg6 : memref<7040xi32, #tpu.memory_space<vmem>>)
    %dma_wait3A_218 = tpu.memref_slice %arg3[%mul3A_180] : memref<2000000xi32, #tpu.memory_space<hbm>> -> memref<7040xi32, #tpu.memory_space<hbm>>
    %dma_wait3A_219 = tpu.memref_slice %arg3[%mul3A_180] : memref<2000000xi32, #tpu.memory_space<hbm>> -> memref<7040xi32, #tpu.memory_space<hbm>>
    tpu.wait_dma2 semaphore(%arg16 : memref<!tpu.dma_semaphore, #tpu.memory_space<semaphore_mem>>) src(%dma_wait3A_219 : memref<7040xi32, #tpu.memory_space<hbm>>) dst(%arg8 : memref<7040xi32, #tpu.memory_space<vmem>>)
    %dma_wait3A_220 = tpu.memref_slice %arg4[%mul3A_180] : memref<2000000xi32, #tpu.memory_space<hbm>> -> memref<7040xi32, #tpu.memory_space<hbm>>
    %dma_wait3A_221 = tpu.memref_slice %arg4[%mul3A_180] : memref<2000000xi32, #tpu.memory_space<hbm>> -> memref<7040xi32, #tpu.memory_space<hbm>>
    tpu.wait_dma2 semaphore(%arg16 : memref<!tpu.dma_semaphore, #tpu.memory_space<semaphore_mem>>) src(%dma_wait3A_221 : memref<7040xi32, #tpu.memory_space<hbm>>) dst(%arg10 : memref<7040xi32, #tpu.memory_space<vmem>>)
    %parallel_loop3A_222 = arith.constant 0 : i32
    %parallel_loop3A_223 = arith.constant 440 : i32
    %parallel_loop3A_224 = arith.constant 1 : i32
    scf.for %parallel_loop3A_283 = %parallel_loop3A_222 to %parallel_loop3A_223 step %parallel_loop3A_224  : i32 {
      %parallel_loop3A_284 = arith.constant 16 : i32
      %parallel_loop3A_285 = arith.muli %parallel_loop3A_283, %parallel_loop3A_284 : i32
      %parallel_loop3A_286 = arith.index_cast %parallel_loop3A_285 : i32 to index
      %parallel_loop3A_287 = tpu.vector_load %arg6[%parallel_loop3A_286] {strides = array<i32>} : memref<7040xi32, #tpu.memory_space<vmem>>, vector<16xi32>,
      %parallel_loop3A_288 = arith.index_cast %parallel_loop3A_285 : i32 to index
      %parallel_loop3A_289 = tpu.vector_load %arg8[%parallel_loop3A_288] {strides = array<i32>} : memref<7040xi32, #tpu.memory_space<vmem>>, vector<16xi32>,
      %parallel_loop3A_290 = arith.index_cast %parallel_loop3A_285 : i32 to index
      %parallel_loop3A_291 = tpu.vector_load %arg10[%parallel_loop3A_290] {strides = array<i32>} : memref<7040xi32, #tpu.memory_space<vmem>>, vector<16xi32>,
      %parallel_loop3A_292 = arith.constant 512 : i32
      %parallel_loop3A_293 = vector.broadcast %parallel_loop3A_292 : i32 to vector<16xi32>
      %parallel_loop3A_294 = arith.muli %parallel_loop3A_291, %parallel_loop3A_293 : vector<16xi32>
      %parallel_loop3A_295 = arith.addi %parallel_loop3A_294, %parallel_loop3A_289 : vector<16xi32>
      %parallel_loop3A_296 = arith.constant 512 : i32
      %parallel_loop3A_297 = vector.broadcast %parallel_loop3A_296 : i32 to vector<16xi32>
      %parallel_loop3A_298 = arith.muli %parallel_loop3A_295, %parallel_loop3A_297 : vector<16xi32>
      %parallel_loop3A_299 = arith.addi %parallel_loop3A_298, %parallel_loop3A_287 : vector<16xi32>
      %parallel_loop3A_300 = arith.constant dense<true> : vector<16xi1>
      %parallel_loop3A_301, %parallel_loop3A_302, %parallel_loop3A_303 = tpu.sort %parallel_loop3A_299, %parallel_loop3A_287 masked %parallel_loop3A_300 : (vector<16xi32>, vector<16xi32>, vector<16xi1>) -> (vector<16xi1>, vector<16xi32>, vector<16xi32>)
      %parallel_loop3A_304 = arith.constant 9 : i32
      %parallel_loop3A_305 = vector.broadcast %parallel_loop3A_304 : i32 to vector<16xi32>
      %parallel_loop3A_306 = arith.shrui %parallel_loop3A_302, %parallel_loop3A_305 : vector<16xi32>
      %parallel_loop3A_307 = vector.shape_cast %min3A_28 : vector<16xi32> to vector<16x1xi32>
      %parallel_loop3A_308 = vector.shape_cast %parallel_loop3A_307 : vector<16x1xi32> to vector<16xi32>
      %parallel_loop3A_309 = tpu.dynamic_gather %parallel_loop3A_306[%parallel_loop3A_308] in [0] : vector<16xi32>, vector<16xi32> -> vector<16xi32>
      %parallel_loop3A_310 = arith.addi %parallel_loop3A_309, %convert_element_type3A : vector<16xi32>
      %parallel_loop3A_311 = arith.cmpi ne, %parallel_loop3A_306, %parallel_loop3A_310 : vector<16xi32>
      %parallel_loop3A_312 = arith.constant 32768 : i32
      %parallel_loop3A_313 = vector.broadcast %parallel_loop3A_312 : i32 to vector<16xi32>
      %parallel_loop3A_314 = arith.select %parallel_loop3A_311, %parallel_loop3A_306, %parallel_loop3A_313 : vector<16xi1>, vector<16xi32>
      %parallel_loop3A_315 = arith.index_cast %parallel_loop3A_285 : i32 to index
      %parallel_loop3A_316 = tpu.vector_load %arg12[%parallel_loop3A_315] {strides = array<i32>} : memref<7040xi32, #tpu.memory_space<vmem>>, vector<16xi32>,
      tpu.vector_store %arg12[%parallel_loop3A_315], %parallel_loop3A_314 {strides = array<i32>} : memref<7040xi32, #tpu.memory_space<vmem>>, vector<16xi32>,
      %parallel_loop3A_317 = arith.index_cast %parallel_loop3A_285 : i32 to index
      %parallel_loop3A_318 = tpu.vector_load %arg13[%parallel_loop3A_317] {strides = array<i32>} : memref<7040xi32, #tpu.memory_space<vmem>>, vector<16xi32>,
      tpu.vector_store %arg13[%parallel_loop3A_317], %parallel_loop3A_303 {strides = array<i32>} : memref<7040xi32, #tpu.memory_space<vmem>>, vector<16xi32>,
    } {sc.loop_unroll_factor = 8 : i64, sc.parallel_access}
    %scan3A_225 = arith.constant 0 : i32
    %scan3A_226 = arith.constant 0 : i32
    %scan3A_227 = arith.constant 55 : i32
    %scan3A_228 = arith.addi %scan3A_226, %scan3A_227 : i32
    %scan3A_229 = arith.constant 1 : i32
    %scan3A_230 = scf.for %scan3A_283 = %scan3A_226 to %scan3A_228 step %scan3A_229 iter_args(%scan3A_284 = %scan3A_225) -> (i32)  : i32 {
      %mul3A_285 = arith.constant 8 : i32
      %mul3A_286 = arith.muli %scan3A_283, %mul3A_285 : i32
      %add3A_287 = arith.constant 0 : i32
      %add3A_288 = arith.addi %mul3A_286, %add3A_287 : i32
      %mul3A_289 = arith.constant 16 : i32
      %mul3A_290 = arith.muli %add3A_288, %mul3A_289 : i32
      %get3A = arith.index_cast %mul3A_290 : i32 to index
      %get3A_291 = tpu.vector_load %arg12[%get3A] {strides = array<i32>} : memref<7040xi32, #tpu.memory_space<vmem>>, vector<16xi32>,
      %get3A_292 = arith.index_cast %mul3A_290 : i32 to index
      %get3A_293 = tpu.vector_load %arg13[%get3A_292] {strides = array<i32>} : memref<7040xi32, #tpu.memory_space<vmem>>, vector<16xi32>,
      %mul3A_294 = arith.constant 8 : i32
      %mul3A_295 = arith.muli %scan3A_283, %mul3A_294 : i32
      %add3A_296 = arith.constant 1 : i32
      %add3A_297 = arith.addi %mul3A_295, %add3A_296 : i32
      %mul3A_298 = arith.constant 16 : i32
      %mul3A_299 = arith.muli %add3A_297, %mul3A_298 : i32
      %get3A_300 = arith.index_cast %mul3A_299 : i32 to index
      %get3A_301 = tpu.vector_load %arg12[%get3A_300] {strides = array<i32>} : memref<7040xi32, #tpu.memory_space<vmem>>, vector<16xi32>,
      %get3A_302 = arith.index_cast %mul3A_299 : i32 to index
      %get3A_303 = tpu.vector_load %arg13[%get3A_302] {strides = array<i32>} : memref<7040xi32, #tpu.memory_space<vmem>>, vector<16xi32>,
      %mul3A_304 = arith.constant 8 : i32
      %mul3A_305 = arith.muli %scan3A_283, %mul3A_304 : i32
      %add3A_306 = arith.constant 2 : i32
      %add3A_307 = arith.addi %mul3A_305, %add3A_306 : i32
      %mul3A_308 = arith.constant 16 : i32
      %mul3A_309 = arith.muli %add3A_307, %mul3A_308 : i32
      %get3A_310 = arith.index_cast %mul3A_309 : i32 to index
      %get3A_311 = tpu.vector_load %arg12[%get3A_310] {strides = array<i32>} : memref<7040xi32, #tpu.memory_space<vmem>>, vector<16xi32>,
      %get3A_312 = arith.index_cast %mul3A_309 : i32 to index
      %get3A_313 = tpu.vector_load %arg13[%get3A_312] {strides = array<i32>} : memref<7040xi32, #tpu.memory_space<vmem>>, vector<16xi32>,
      %mul3A_314 = arith.constant 8 : i32
      %mul3A_315 = arith.muli %scan3A_283, %mul3A_314 : i32
      %add3A_316 = arith.constant 3 : i32
      %add3A_317 = arith.addi %mul3A_315, %add3A_316 : i32
      %mul3A_318 = arith.constant 16 : i32
      %mul3A_319 = arith.muli %add3A_317, %mul3A_318 : i32
      %get3A_320 = arith.index_cast %mul3A_319 : i32 to index
      %get3A_321 = tpu.vector_load %arg12[%get3A_320] {strides = array<i32>} : memref<7040xi32, #tpu.memory_space<vmem>>, vector<16xi32>,
      %get3A_322 = arith.index_cast %mul3A_319 : i32 to index
      %get3A_323 = tpu.vector_load %arg13[%get3A_322] {strides = array<i32>} : memref<7040xi32, #tpu.memory_space<vmem>>, vector<16xi32>,
      %mul3A_324 = arith.constant 8 : i32
      %mul3A_325 = arith.muli %scan3A_283, %mul3A_324 : i32
      %add3A_326 = arith.constant 4 : i32
      %add3A_327 = arith.addi %mul3A_325, %add3A_326 : i32
      %mul3A_328 = arith.constant 16 : i32
      %mul3A_329 = arith.muli %add3A_327, %mul3A_328 : i32
      %get3A_330 = arith.index_cast %mul3A_329 : i32 to index
      %get3A_331 = tpu.vector_load %arg12[%get3A_330] {strides = array<i32>} : memref<7040xi32, #tpu.memory_space<vmem>>, vector<16xi32>,
      %get3A_332 = arith.index_cast %mul3A_329 : i32 to index
      %get3A_333 = tpu.vector_load %arg13[%get3A_332] {strides = array<i32>} : memref<7040xi32, #tpu.memory_space<vmem>>, vector<16xi32>,
      %mul3A_334 = arith.constant 8 : i32
      %mul3A_335 = arith.muli %scan3A_283, %mul3A_334 : i32
      %add3A_336 = arith.constant 5 : i32
      %add3A_337 = arith.addi %mul3A_335, %add3A_336 : i32
      %mul3A_338 = arith.constant 16 : i32
      %mul3A_339 = arith.muli %add3A_337, %mul3A_338 : i32
      %get3A_340 = arith.index_cast %mul3A_339 : i32 to index
      %get3A_341 = tpu.vector_load %arg12[%get3A_340] {strides = array<i32>} : memref<7040xi32, #tpu.memory_space<vmem>>, vector<16xi32>,
      %get3A_342 = arith.index_cast %mul3A_339 : i32 to index
      %get3A_343 = tpu.vector_load %arg13[%get3A_342] {strides = array<i32>} : memref<7040xi32, #tpu.memory_space<vmem>>, vector<16xi32>,
      %mul3A_344 = arith.constant 8 : i32
      %mul3A_345 = arith.muli %scan3A_283, %mul3A_344 : i32
      %add3A_346 = arith.constant 6 : i32
      %add3A_347 = arith.addi %mul3A_345, %add3A_346 : i32
      %mul3A_348 = arith.constant 16 : i32
      %mul3A_349 = arith.muli %add3A_347, %mul3A_348 : i32
      %get3A_350 = arith.index_cast %mul3A_349 : i32 to index
      %get3A_351 = tpu.vector_load %arg12[%get3A_350] {strides = array<i32>} : memref<7040xi32, #tpu.memory_space<vmem>>, vector<16xi32>,
      %get3A_352 = arith.index_cast %mul3A_349 : i32 to index
      %get3A_353 = tpu.vector_load %arg13[%get3A_352] {strides = array<i32>} : memref<7040xi32, #tpu.memory_space<vmem>>, vector<16xi32>,
      %mul3A_354 = arith.constant 8 : i32
      %mul3A_355 = arith.muli %scan3A_283, %mul3A_354 : i32
      %add3A_356 = arith.constant 7 : i32
      %add3A_357 = arith.addi %mul3A_355, %add3A_356 : i32
      %mul3A_358 = arith.constant 16 : i32
      %mul3A_359 = arith.muli %add3A_357, %mul3A_358 : i32
      %get3A_360 = arith.index_cast %mul3A_359 : i32 to index
      %get3A_361 = tpu.vector_load %arg12[%get3A_360] {strides = array<i32>} : memref<7040xi32, #tpu.memory_space<vmem>>, vector<16xi32>,
      %get3A_362 = arith.index_cast %mul3A_359 : i32 to index
      %get3A_363 = tpu.vector_load %arg13[%get3A_362] {strides = array<i32>} : memref<7040xi32, #tpu.memory_space<vmem>>, vector<16xi32>,
      %gather3A = tpu.vector_load_idx %arg14[%get3A_291] : memref<32896xi32, #tpu.memory_space<vmem>>[vector<16xi32>], vector<16xi32>,
      %gather3A_364 = tpu.vector_load_idx %arg15[%get3A_301] : memref<32896xi32, #tpu.memory_space<vmem>>[vector<16xi32>], vector<16xi32>,
      %max3A = arith.maxsi %gather3A, %get3A_293 : vector<16xi32>
      tpu.vector_store_idx %arg14[%get3A_291], %max3A : memref<32896xi32, #tpu.memory_space<vmem>>[vector<16xi32>], vector<16xi32>,
      %max3A_365 = arith.maxsi %gather3A_364, %get3A_303 : vector<16xi32>
      tpu.vector_store_idx %arg15[%get3A_301], %max3A_365 : memref<32896xi32, #tpu.memory_space<vmem>>[vector<16xi32>], vector<16xi32>,
      %gather3A_366 = tpu.vector_load_idx %arg14[%get3A_311] : memref<32896xi32, #tpu.memory_space<vmem>>[vector<16xi32>], vector<16xi32>,
      %gather3A_367 = tpu.vector_load_idx %arg15[%get3A_321] : memref<32896xi32, #tpu.memory_space<vmem>>[vector<16xi32>], vector<16xi32>,
      %max3A_368 = arith.maxsi %gather3A_366, %get3A_313 : vector<16xi32>
      tpu.vector_store_idx %arg14[%get3A_311], %max3A_368 : memref<32896xi32, #tpu.memory_space<vmem>>[vector<16xi32>], vector<16xi32>,
      %max3A_369 = arith.maxsi %gather3A_367, %get3A_323 : vector<16xi32>
      tpu.vector_store_idx %arg15[%get3A_321], %max3A_369 : memref<32896xi32, #tpu.memory_space<vmem>>[vector<16xi32>], vector<16xi32>,
      %gather3A_370 = tpu.vector_load_idx %arg14[%get3A_331] : memref<32896xi32, #tpu.memory_space<vmem>>[vector<16xi32>], vector<16xi32>,
      %gather3A_371 = tpu.vector_load_idx %arg15[%get3A_341] : memref<32896xi32, #tpu.memory_space<vmem>>[vector<16xi32>], vector<16xi32>,
      %max3A_372 = arith.maxsi %gather3A_370, %get3A_333 : vector<16xi32>
      tpu.vector_store_idx %arg14[%get3A_331], %max3A_372 : memref<32896xi32, #tpu.memory_space<vmem>>[vector<16xi32>], vector<16xi32>,
      %max3A_373 = arith.maxsi %gather3A_371, %get3A_343 : vector<16xi32>
      tpu.vector_store_idx %arg15[%get3A_341], %max3A_373 : memref<32896xi32, #tpu.memory_space<vmem>>[vector<16xi32>], vector<16xi32>,
      %gather3A_374 = tpu.vector_load_idx %arg14[%get3A_351] : memref<32896xi32, #tpu.memory_space<vmem>>[vector<16xi32>], vector<16xi32>,
      %gather3A_375 = tpu.vector_load_idx %arg15[%get3A_361] : memref<32896xi32, #tpu.memory_space<vmem>>[vector<16xi32>], vector<16xi32>,
      %max3A_376 = arith.maxsi %gather3A_374, %get3A_353 : vector<16xi32>
      tpu.vector_store_idx %arg14[%get3A_351], %max3A_376 : memref<32896xi32, #tpu.memory_space<vmem>>[vector<16xi32>], vector<16xi32>,
      %max3A_377 = arith.maxsi %gather3A_375, %get3A_363 : vector<16xi32>
      tpu.vector_store_idx %arg15[%get3A_361], %max3A_377 : memref<32896xi32, #tpu.memory_space<vmem>>[vector<16xi32>], vector<16xi32>,
      %scan3A_378 = arith.constant 0 : i32
      scf.yield %scan3A_378 : i32
    }
    %scan3A_231 = arith.constant 55 : i32
    %add3A_232 = arith.constant 3520 : i32
    %add3A_233 = arith.addi %min3A_3, %add3A_232 : i32
    %add3A_234 = arith.constant 3467 : i32
    %add3A_235 = arith.addi %min3A_3, %add3A_234 : i32
    %min3A_236 = arith.minsi %add3A_233, %add3A_235 : i32
    %mul3A_237 = arith.constant 16 : i32
    %mul3A_238 = arith.muli %min3A_236, %mul3A_237 : i32
    %dma_start3A_239 = tpu.memref_slice %arg2[%mul3A_238] : memref<2000000xi32, #tpu.memory_space<hbm>> -> memref<7040xi32, #tpu.memory_space<hbm>>
    %dma_start3A_240 = tpu.memref_slice %arg2[%mul3A_238] : memref<2000000xi32, #tpu.memory_space<hbm>> -> memref<7040xi32, #tpu.memory_space<hbm>>
    tpu.enqueue_dma source(%dma_start3A_240 : memref<7040xi32, #tpu.memory_space<hbm>>) target(%arg6 : memref<7040xi32, #tpu.memory_space<vmem>>) target_semaphore(%arg16 : memref<!tpu.dma_semaphore, #tpu.memory_space<semaphore_mem>>)
    %dma_start3A_241 = tpu.memref_slice %arg3[%mul3A_238] : memref<2000000xi32, #tpu.memory_space<hbm>> -> memref<7040xi32, #tpu.memory_space<hbm>>
    %dma_start3A_242 = tpu.memref_slice %arg3[%mul3A_238] : memref<2000000xi32, #tpu.memory_space<hbm>> -> memref<7040xi32, #tpu.memory_space<hbm>>
    tpu.enqueue_dma source(%dma_start3A_242 : memref<7040xi32, #tpu.memory_space<hbm>>) target(%arg8 : memref<7040xi32, #tpu.memory_space<vmem>>) target_semaphore(%arg16 : memref<!tpu.dma_semaphore, #tpu.memory_space<semaphore_mem>>)
    %dma_start3A_243 = tpu.memref_slice %arg4[%mul3A_238] : memref<2000000xi32, #tpu.memory_space<hbm>> -> memref<7040xi32, #tpu.memory_space<hbm>>
    %dma_start3A_244 = tpu.memref_slice %arg4[%mul3A_238] : memref<2000000xi32, #tpu.memory_space<hbm>> -> memref<7040xi32, #tpu.memory_space<hbm>>
    tpu.enqueue_dma source(%dma_start3A_244 : memref<7040xi32, #tpu.memory_space<hbm>>) target(%arg10 : memref<7040xi32, #tpu.memory_space<vmem>>) target_semaphore(%arg16 : memref<!tpu.dma_semaphore, #tpu.memory_space<semaphore_mem>>)
    %dma_wait3A_245 = tpu.memref_slice %arg2[%mul3A_209] : memref<2000000xi32, #tpu.memory_space<hbm>> -> memref<7040xi32, #tpu.memory_space<hbm>>
    %dma_wait3A_246 = tpu.memref_slice %arg2[%mul3A_209] : memref<2000000xi32, #tpu.memory_space<hbm>> -> memref<7040xi32, #tpu.memory_space<hbm>>
    tpu.wait_dma2 semaphore(%arg17 : memref<!tpu.dma_semaphore, #tpu.memory_space<semaphore_mem>>) src(%dma_wait3A_246 : memref<7040xi32, #tpu.memory_space<hbm>>) dst(%arg7 : memref<7040xi32, #tpu.memory_space<vmem>>)
    %dma_wait3A_247 = tpu.memref_slice %arg3[%mul3A_209] : memref<2000000xi32, #tpu.memory_space<hbm>> -> memref<7040xi32, #tpu.memory_space<hbm>>
    %dma_wait3A_248 = tpu.memref_slice %arg3[%mul3A_209] : memref<2000000xi32, #tpu.memory_space<hbm>> -> memref<7040xi32, #tpu.memory_space<hbm>>
    tpu.wait_dma2 semaphore(%arg17 : memref<!tpu.dma_semaphore, #tpu.memory_space<semaphore_mem>>) src(%dma_wait3A_248 : memref<7040xi32, #tpu.memory_space<hbm>>) dst(%arg9 : memref<7040xi32, #tpu.memory_space<vmem>>)
    %dma_wait3A_249 = tpu.memref_slice %arg4[%mul3A_209] : memref<2000000xi32, #tpu.memory_space<hbm>> -> memref<7040xi32, #tpu.memory_space<hbm>>
    %dma_wait3A_250 = tpu.memref_slice %arg4[%mul3A_209] : memref<2000000xi32, #tpu.memory_space<hbm>> -> memref<7040xi32, #tpu.memory_space<hbm>>
    tpu.wait_dma2 semaphore(%arg17 : memref<!tpu.dma_semaphore, #tpu.memory_space<semaphore_mem>>) src(%dma_wait3A_250 : memref<7040xi32, #tpu.memory_space<hbm>>) dst(%arg11 : memref<7040xi32, #tpu.memory_space<vmem>>)
    %parallel_loop3A_251 = arith.constant 0 : i32
    %parallel_loop3A_252 = arith.constant 440 : i32
    %parallel_loop3A_253 = arith.constant 1 : i32
    scf.for %parallel_loop3A_283 = %parallel_loop3A_251 to %parallel_loop3A_252 step %parallel_loop3A_253  : i32 {
      %parallel_loop3A_284 = arith.constant 16 : i32
      %parallel_loop3A_285 = arith.muli %parallel_loop3A_283, %parallel_loop3A_284 : i32
      %parallel_loop3A_286 = arith.index_cast %parallel_loop3A_285 : i32 to index
      %parallel_loop3A_287 = tpu.vector_load %arg7[%parallel_loop3A_286] {strides = array<i32>} : memref<7040xi32, #tpu.memory_space<vmem>>, vector<16xi32>,
      %parallel_loop3A_288 = arith.index_cast %parallel_loop3A_285 : i32 to index
      %parallel_loop3A_289 = tpu.vector_load %arg9[%parallel_loop3A_288] {strides = array<i32>} : memref<7040xi32, #tpu.memory_space<vmem>>, vector<16xi32>,
      %parallel_loop3A_290 = arith.index_cast %parallel_loop3A_285 : i32 to index
      %parallel_loop3A_291 = tpu.vector_load %arg11[%parallel_loop3A_290] {strides = array<i32>} : memref<7040xi32, #tpu.memory_space<vmem>>, vector<16xi32>,
      %parallel_loop3A_292 = arith.constant 512 : i32
      %parallel_loop3A_293 = vector.broadcast %parallel_loop3A_292 : i32 to vector<16xi32>
      %parallel_loop3A_294 = arith.muli %parallel_loop3A_291, %parallel_loop3A_293 : vector<16xi32>
      %parallel_loop3A_295 = arith.addi %parallel_loop3A_294, %parallel_loop3A_289 : vector<16xi32>
      %parallel_loop3A_296 = arith.constant 512 : i32
      %parallel_loop3A_297 = vector.broadcast %parallel_loop3A_296 : i32 to vector<16xi32>
      %parallel_loop3A_298 = arith.muli %parallel_loop3A_295, %parallel_loop3A_297 : vector<16xi32>
      %parallel_loop3A_299 = arith.addi %parallel_loop3A_298, %parallel_loop3A_287 : vector<16xi32>
      %parallel_loop3A_300 = arith.constant dense<true> : vector<16xi1>
      %parallel_loop3A_301, %parallel_loop3A_302, %parallel_loop3A_303 = tpu.sort %parallel_loop3A_299, %parallel_loop3A_287 masked %parallel_loop3A_300 : (vector<16xi32>, vector<16xi32>, vector<16xi1>) -> (vector<16xi1>, vector<16xi32>, vector<16xi32>)
      %parallel_loop3A_304 = arith.constant 9 : i32
      %parallel_loop3A_305 = vector.broadcast %parallel_loop3A_304 : i32 to vector<16xi32>
      %parallel_loop3A_306 = arith.shrui %parallel_loop3A_302, %parallel_loop3A_305 : vector<16xi32>
      %parallel_loop3A_307 = vector.shape_cast %min3A_28 : vector<16xi32> to vector<16x1xi32>
      %parallel_loop3A_308 = vector.shape_cast %parallel_loop3A_307 : vector<16x1xi32> to vector<16xi32>
      %parallel_loop3A_309 = tpu.dynamic_gather %parallel_loop3A_306[%parallel_loop3A_308] in [0] : vector<16xi32>, vector<16xi32> -> vector<16xi32>
      %parallel_loop3A_310 = arith.addi %parallel_loop3A_309, %convert_element_type3A : vector<16xi32>
      %parallel_loop3A_311 = arith.cmpi ne, %parallel_loop3A_306, %parallel_loop3A_310 : vector<16xi32>
      %parallel_loop3A_312 = arith.constant 32768 : i32
      %parallel_loop3A_313 = vector.broadcast %parallel_loop3A_312 : i32 to vector<16xi32>
      %parallel_loop3A_314 = arith.select %parallel_loop3A_311, %parallel_loop3A_306, %parallel_loop3A_313 : vector<16xi1>, vector<16xi32>
      %parallel_loop3A_315 = arith.index_cast %parallel_loop3A_285 : i32 to index
      %parallel_loop3A_316 = tpu.vector_load %arg12[%parallel_loop3A_315] {strides = array<i32>} : memref<7040xi32, #tpu.memory_space<vmem>>, vector<16xi32>,
      tpu.vector_store %arg12[%parallel_loop3A_315], %parallel_loop3A_314 {strides = array<i32>} : memref<7040xi32, #tpu.memory_space<vmem>>, vector<16xi32>,
      %parallel_loop3A_317 = arith.index_cast %parallel_loop3A_285 : i32 to index
      %parallel_loop3A_318 = tpu.vector_load %arg13[%parallel_loop3A_317] {strides = array<i32>} : memref<7040xi32, #tpu.memory_space<vmem>>, vector<16xi32>,
      tpu.vector_store %arg13[%parallel_loop3A_317], %parallel_loop3A_303 {strides = array<i32>} : memref<7040xi32, #tpu.memory_space<vmem>>, vector<16xi32>,
    } {sc.loop_unroll_factor = 8 : i64, sc.parallel_access}
    %scan3A_254 = arith.constant 0 : i32
    %scan3A_255 = arith.constant 0 : i32
    %scan3A_256 = arith.constant 55 : i32
    %scan3A_257 = arith.addi %scan3A_255, %scan3A_256 : i32
    %scan3A_258 = arith.constant 1 : i32
    %scan3A_259 = scf.for %scan3A_283 = %scan3A_255 to %scan3A_257 step %scan3A_258 iter_args(%scan3A_284 = %scan3A_254) -> (i32)  : i32 {
      %mul3A_285 = arith.constant 8 : i32
      %mul3A_286 = arith.muli %scan3A_283, %mul3A_285 : i32
      %add3A_287 = arith.constant 0 : i32
      %add3A_288 = arith.addi %mul3A_286, %add3A_287 : i32
      %mul3A_289 = arith.constant 16 : i32
      %mul3A_290 = arith.muli %add3A_288, %mul3A_289 : i32
      %get3A = arith.index_cast %mul3A_290 : i32 to index
      %get3A_291 = tpu.vector_load %arg12[%get3A] {strides = array<i32>} : memref<7040xi32, #tpu.memory_space<vmem>>, vector<16xi32>,
      %get3A_292 = arith.index_cast %mul3A_290 : i32 to index
      %get3A_293 = tpu.vector_load %arg13[%get3A_292] {strides = array<i32>} : memref<7040xi32, #tpu.memory_space<vmem>>, vector<16xi32>,
      %mul3A_294 = arith.constant 8 : i32
      %mul3A_295 = arith.muli %scan3A_283, %mul3A_294 : i32
      %add3A_296 = arith.constant 1 : i32
      %add3A_297 = arith.addi %mul3A_295, %add3A_296 : i32
      %mul3A_298 = arith.constant 16 : i32
      %mul3A_299 = arith.muli %add3A_297, %mul3A_298 : i32
      %get3A_300 = arith.index_cast %mul3A_299 : i32 to index
      %get3A_301 = tpu.vector_load %arg12[%get3A_300] {strides = array<i32>} : memref<7040xi32, #tpu.memory_space<vmem>>, vector<16xi32>,
      %get3A_302 = arith.index_cast %mul3A_299 : i32 to index
      %get3A_303 = tpu.vector_load %arg13[%get3A_302] {strides = array<i32>} : memref<7040xi32, #tpu.memory_space<vmem>>, vector<16xi32>,
      %mul3A_304 = arith.constant 8 : i32
      %mul3A_305 = arith.muli %scan3A_283, %mul3A_304 : i32
      %add3A_306 = arith.constant 2 : i32
      %add3A_307 = arith.addi %mul3A_305, %add3A_306 : i32
      %mul3A_308 = arith.constant 16 : i32
      %mul3A_309 = arith.muli %add3A_307, %mul3A_308 : i32
      %get3A_310 = arith.index_cast %mul3A_309 : i32 to index
      %get3A_311 = tpu.vector_load %arg12[%get3A_310] {strides = array<i32>} : memref<7040xi32, #tpu.memory_space<vmem>>, vector<16xi32>,
      %get3A_312 = arith.index_cast %mul3A_309 : i32 to index
      %get3A_313 = tpu.vector_load %arg13[%get3A_312] {strides = array<i32>} : memref<7040xi32, #tpu.memory_space<vmem>>, vector<16xi32>,
      %mul3A_314 = arith.constant 8 : i32
      %mul3A_315 = arith.muli %scan3A_283, %mul3A_314 : i32
      %add3A_316 = arith.constant 3 : i32
      %add3A_317 = arith.addi %mul3A_315, %add3A_316 : i32
      %mul3A_318 = arith.constant 16 : i32
      %mul3A_319 = arith.muli %add3A_317, %mul3A_318 : i32
      %get3A_320 = arith.index_cast %mul3A_319 : i32 to index
      %get3A_321 = tpu.vector_load %arg12[%get3A_320] {strides = array<i32>} : memref<7040xi32, #tpu.memory_space<vmem>>, vector<16xi32>,
      %get3A_322 = arith.index_cast %mul3A_319 : i32 to index
      %get3A_323 = tpu.vector_load %arg13[%get3A_322] {strides = array<i32>} : memref<7040xi32, #tpu.memory_space<vmem>>, vector<16xi32>,
      %mul3A_324 = arith.constant 8 : i32
      %mul3A_325 = arith.muli %scan3A_283, %mul3A_324 : i32
      %add3A_326 = arith.constant 4 : i32
      %add3A_327 = arith.addi %mul3A_325, %add3A_326 : i32
      %mul3A_328 = arith.constant 16 : i32
      %mul3A_329 = arith.muli %add3A_327, %mul3A_328 : i32
      %get3A_330 = arith.index_cast %mul3A_329 : i32 to index
      %get3A_331 = tpu.vector_load %arg12[%get3A_330] {strides = array<i32>} : memref<7040xi32, #tpu.memory_space<vmem>>, vector<16xi32>,
      %get3A_332 = arith.index_cast %mul3A_329 : i32 to index
      %get3A_333 = tpu.vector_load %arg13[%get3A_332] {strides = array<i32>} : memref<7040xi32, #tpu.memory_space<vmem>>, vector<16xi32>,
      %mul3A_334 = arith.constant 8 : i32
      %mul3A_335 = arith.muli %scan3A_283, %mul3A_334 : i32
      %add3A_336 = arith.constant 5 : i32
      %add3A_337 = arith.addi %mul3A_335, %add3A_336 : i32
      %mul3A_338 = arith.constant 16 : i32
      %mul3A_339 = arith.muli %add3A_337, %mul3A_338 : i32
      %get3A_340 = arith.index_cast %mul3A_339 : i32 to index
      %get3A_341 = tpu.vector_load %arg12[%get3A_340] {strides = array<i32>} : memref<7040xi32, #tpu.memory_space<vmem>>, vector<16xi32>,
      %get3A_342 = arith.index_cast %mul3A_339 : i32 to index
      %get3A_343 = tpu.vector_load %arg13[%get3A_342] {strides = array<i32>} : memref<7040xi32, #tpu.memory_space<vmem>>, vector<16xi32>,
      %mul3A_344 = arith.constant 8 : i32
      %mul3A_345 = arith.muli %scan3A_283, %mul3A_344 : i32
      %add3A_346 = arith.constant 6 : i32
      %add3A_347 = arith.addi %mul3A_345, %add3A_346 : i32
      %mul3A_348 = arith.constant 16 : i32
      %mul3A_349 = arith.muli %add3A_347, %mul3A_348 : i32
      %get3A_350 = arith.index_cast %mul3A_349 : i32 to index
      %get3A_351 = tpu.vector_load %arg12[%get3A_350] {strides = array<i32>} : memref<7040xi32, #tpu.memory_space<vmem>>, vector<16xi32>,
      %get3A_352 = arith.index_cast %mul3A_349 : i32 to index
      %get3A_353 = tpu.vector_load %arg13[%get3A_352] {strides = array<i32>} : memref<7040xi32, #tpu.memory_space<vmem>>, vector<16xi32>,
      %mul3A_354 = arith.constant 8 : i32
      %mul3A_355 = arith.muli %scan3A_283, %mul3A_354 : i32
      %add3A_356 = arith.constant 7 : i32
      %add3A_357 = arith.addi %mul3A_355, %add3A_356 : i32
      %mul3A_358 = arith.constant 16 : i32
      %mul3A_359 = arith.muli %add3A_357, %mul3A_358 : i32
      %get3A_360 = arith.index_cast %mul3A_359 : i32 to index
      %get3A_361 = tpu.vector_load %arg12[%get3A_360] {strides = array<i32>} : memref<7040xi32, #tpu.memory_space<vmem>>, vector<16xi32>,
      %get3A_362 = arith.index_cast %mul3A_359 : i32 to index
      %get3A_363 = tpu.vector_load %arg13[%get3A_362] {strides = array<i32>} : memref<7040xi32, #tpu.memory_space<vmem>>, vector<16xi32>,
      %gather3A = tpu.vector_load_idx %arg14[%get3A_291] : memref<32896xi32, #tpu.memory_space<vmem>>[vector<16xi32>], vector<16xi32>,
      %gather3A_364 = tpu.vector_load_idx %arg15[%get3A_301] : memref<32896xi32, #tpu.memory_space<vmem>>[vector<16xi32>], vector<16xi32>,
      %max3A = arith.maxsi %gather3A, %get3A_293 : vector<16xi32>
      tpu.vector_store_idx %arg14[%get3A_291], %max3A : memref<32896xi32, #tpu.memory_space<vmem>>[vector<16xi32>], vector<16xi32>,
      %max3A_365 = arith.maxsi %gather3A_364, %get3A_303 : vector<16xi32>
      tpu.vector_store_idx %arg15[%get3A_301], %max3A_365 : memref<32896xi32, #tpu.memory_space<vmem>>[vector<16xi32>], vector<16xi32>,
      %gather3A_366 = tpu.vector_load_idx %arg14[%get3A_311] : memref<32896xi32, #tpu.memory_space<vmem>>[vector<16xi32>], vector<16xi32>,
      %gather3A_367 = tpu.vector_load_idx %arg15[%get3A_321] : memref<32896xi32, #tpu.memory_space<vmem>>[vector<16xi32>], vector<16xi32>,
      %max3A_368 = arith.maxsi %gather3A_366, %get3A_313 : vector<16xi32>
      tpu.vector_store_idx %arg14[%get3A_311], %max3A_368 : memref<32896xi32, #tpu.memory_space<vmem>>[vector<16xi32>], vector<16xi32>,
      %max3A_369 = arith.maxsi %gather3A_367, %get3A_323 : vector<16xi32>
      tpu.vector_store_idx %arg15[%get3A_321], %max3A_369 : memref<32896xi32, #tpu.memory_space<vmem>>[vector<16xi32>], vector<16xi32>,
      %gather3A_370 = tpu.vector_load_idx %arg14[%get3A_331] : memref<32896xi32, #tpu.memory_space<vmem>>[vector<16xi32>], vector<16xi32>,
      %gather3A_371 = tpu.vector_load_idx %arg15[%get3A_341] : memref<32896xi32, #tpu.memory_space<vmem>>[vector<16xi32>], vector<16xi32>,
      %max3A_372 = arith.maxsi %gather3A_370, %get3A_333 : vector<16xi32>
      tpu.vector_store_idx %arg14[%get3A_331], %max3A_372 : memref<32896xi32, #tpu.memory_space<vmem>>[vector<16xi32>], vector<16xi32>,
      %max3A_373 = arith.maxsi %gather3A_371, %get3A_343 : vector<16xi32>
      tpu.vector_store_idx %arg15[%get3A_341], %max3A_373 : memref<32896xi32, #tpu.memory_space<vmem>>[vector<16xi32>], vector<16xi32>,
      %gather3A_374 = tpu.vector_load_idx %arg14[%get3A_351] : memref<32896xi32, #tpu.memory_space<vmem>>[vector<16xi32>], vector<16xi32>,
      %gather3A_375 = tpu.vector_load_idx %arg15[%get3A_361] : memref<32896xi32, #tpu.memory_space<vmem>>[vector<16xi32>], vector<16xi32>,
      %max3A_376 = arith.maxsi %gather3A_374, %get3A_353 : vector<16xi32>
      tpu.vector_store_idx %arg14[%get3A_351], %max3A_376 : memref<32896xi32, #tpu.memory_space<vmem>>[vector<16xi32>], vector<16xi32>,
      %max3A_377 = arith.maxsi %gather3A_375, %get3A_363 : vector<16xi32>
      tpu.vector_store_idx %arg15[%get3A_361], %max3A_377 : memref<32896xi32, #tpu.memory_space<vmem>>[vector<16xi32>], vector<16xi32>,
      %scan3A_378 = arith.constant 0 : i32
      scf.yield %scan3A_378 : i32
    }
    %scan3A_260 = arith.constant 55 : i32
    %dma_wait3A_261 = tpu.memref_slice %arg2[%mul3A_238] : memref<2000000xi32, #tpu.memory_space<hbm>> -> memref<7040xi32, #tpu.memory_space<hbm>>
    %dma_wait3A_262 = tpu.memref_slice %arg2[%mul3A_238] : memref<2000000xi32, #tpu.memory_space<hbm>> -> memref<7040xi32, #tpu.memory_space<hbm>>
    tpu.wait_dma2 semaphore(%arg16 : memref<!tpu.dma_semaphore, #tpu.memory_space<semaphore_mem>>) src(%dma_wait3A_262 : memref<7040xi32, #tpu.memory_space<hbm>>) dst(%arg6 : memref<7040xi32, #tpu.memory_space<vmem>>)
    %dma_wait3A_263 = tpu.memref_slice %arg3[%mul3A_238] : memref<2000000xi32, #tpu.memory_space<hbm>> -> memref<7040xi32, #tpu.memory_space<hbm>>
    %dma_wait3A_264 = tpu.memref_slice %arg3[%mul3A_238] : memref<2000000xi32, #tpu.memory_space<hbm>> -> memref<7040xi32, #tpu.memory_space<hbm>>
    tpu.wait_dma2 semaphore(%arg16 : memref<!tpu.dma_semaphore, #tpu.memory_space<semaphore_mem>>) src(%dma_wait3A_264 : memref<7040xi32, #tpu.memory_space<hbm>>) dst(%arg8 : memref<7040xi32, #tpu.memory_space<vmem>>)
    %dma_wait3A_265 = tpu.memref_slice %arg4[%mul3A_238] : memref<2000000xi32, #tpu.memory_space<hbm>> -> memref<7040xi32, #tpu.memory_space<hbm>>
    %dma_wait3A_266 = tpu.memref_slice %arg4[%mul3A_238] : memref<2000000xi32, #tpu.memory_space<hbm>> -> memref<7040xi32, #tpu.memory_space<hbm>>
    tpu.wait_dma2 semaphore(%arg16 : memref<!tpu.dma_semaphore, #tpu.memory_space<semaphore_mem>>) src(%dma_wait3A_266 : memref<7040xi32, #tpu.memory_space<hbm>>) dst(%arg10 : memref<7040xi32, #tpu.memory_space<vmem>>)
    %parallel_loop3A_267 = arith.constant 0 : i32
    %parallel_loop3A_268 = arith.constant 440 : i32
    %parallel_loop3A_269 = arith.constant 1 : i32
    scf.for %parallel_loop3A_283 = %parallel_loop3A_267 to %parallel_loop3A_268 step %parallel_loop3A_269  : i32 {
      %parallel_loop3A_284 = arith.constant 16 : i32
      %parallel_loop3A_285 = arith.muli %parallel_loop3A_283, %parallel_loop3A_284 : i32
      %parallel_loop3A_286 = arith.index_cast %parallel_loop3A_285 : i32 to index
      %parallel_loop3A_287 = tpu.vector_load %arg6[%parallel_loop3A_286] {strides = array<i32>} : memref<7040xi32, #tpu.memory_space<vmem>>, vector<16xi32>,
      %parallel_loop3A_288 = arith.index_cast %parallel_loop3A_285 : i32 to index
      %parallel_loop3A_289 = tpu.vector_load %arg8[%parallel_loop3A_288] {strides = array<i32>} : memref<7040xi32, #tpu.memory_space<vmem>>, vector<16xi32>,
      %parallel_loop3A_290 = arith.index_cast %parallel_loop3A_285 : i32 to index
      %parallel_loop3A_291 = tpu.vector_load %arg10[%parallel_loop3A_290] {strides = array<i32>} : memref<7040xi32, #tpu.memory_space<vmem>>, vector<16xi32>,
      %parallel_loop3A_292 = arith.constant 512 : i32
      %parallel_loop3A_293 = vector.broadcast %parallel_loop3A_292 : i32 to vector<16xi32>
      %parallel_loop3A_294 = arith.muli %parallel_loop3A_291, %parallel_loop3A_293 : vector<16xi32>
      %parallel_loop3A_295 = arith.addi %parallel_loop3A_294, %parallel_loop3A_289 : vector<16xi32>
      %parallel_loop3A_296 = arith.constant 512 : i32
      %parallel_loop3A_297 = vector.broadcast %parallel_loop3A_296 : i32 to vector<16xi32>
      %parallel_loop3A_298 = arith.muli %parallel_loop3A_295, %parallel_loop3A_297 : vector<16xi32>
      %parallel_loop3A_299 = arith.addi %parallel_loop3A_298, %parallel_loop3A_287 : vector<16xi32>
      %parallel_loop3A_300 = arith.constant dense<true> : vector<16xi1>
      %parallel_loop3A_301, %parallel_loop3A_302, %parallel_loop3A_303 = tpu.sort %parallel_loop3A_299, %parallel_loop3A_287 masked %parallel_loop3A_300 : (vector<16xi32>, vector<16xi32>, vector<16xi1>) -> (vector<16xi1>, vector<16xi32>, vector<16xi32>)
      %parallel_loop3A_304 = arith.constant 9 : i32
      %parallel_loop3A_305 = vector.broadcast %parallel_loop3A_304 : i32 to vector<16xi32>
      %parallel_loop3A_306 = arith.shrui %parallel_loop3A_302, %parallel_loop3A_305 : vector<16xi32>
      %parallel_loop3A_307 = vector.shape_cast %min3A_28 : vector<16xi32> to vector<16x1xi32>
      %parallel_loop3A_308 = vector.shape_cast %parallel_loop3A_307 : vector<16x1xi32> to vector<16xi32>
      %parallel_loop3A_309 = tpu.dynamic_gather %parallel_loop3A_306[%parallel_loop3A_308] in [0] : vector<16xi32>, vector<16xi32> -> vector<16xi32>
      %parallel_loop3A_310 = arith.addi %parallel_loop3A_309, %convert_element_type3A : vector<16xi32>
      %parallel_loop3A_311 = arith.cmpi ne, %parallel_loop3A_306, %parallel_loop3A_310 : vector<16xi32>
      %parallel_loop3A_312 = arith.constant 32768 : i32
      %parallel_loop3A_313 = vector.broadcast %parallel_loop3A_312 : i32 to vector<16xi32>
      %parallel_loop3A_314 = arith.select %parallel_loop3A_311, %parallel_loop3A_306, %parallel_loop3A_313 : vector<16xi1>, vector<16xi32>
      %parallel_loop3A_315 = arith.index_cast %parallel_loop3A_285 : i32 to index
      %parallel_loop3A_316 = tpu.vector_load %arg12[%parallel_loop3A_315] {strides = array<i32>} : memref<7040xi32, #tpu.memory_space<vmem>>, vector<16xi32>,
      tpu.vector_store %arg12[%parallel_loop3A_315], %parallel_loop3A_314 {strides = array<i32>} : memref<7040xi32, #tpu.memory_space<vmem>>, vector<16xi32>,
      %parallel_loop3A_317 = arith.index_cast %parallel_loop3A_285 : i32 to index
      %parallel_loop3A_318 = tpu.vector_load %arg13[%parallel_loop3A_317] {strides = array<i32>} : memref<7040xi32, #tpu.memory_space<vmem>>, vector<16xi32>,
      tpu.vector_store %arg13[%parallel_loop3A_317], %parallel_loop3A_303 {strides = array<i32>} : memref<7040xi32, #tpu.memory_space<vmem>>, vector<16xi32>,
    } {sc.loop_unroll_factor = 8 : i64, sc.parallel_access}
    %scan3A_270 = arith.constant 0 : i32
    %scan3A_271 = arith.constant 0 : i32
    %scan3A_272 = arith.constant 55 : i32
    %scan3A_273 = arith.addi %scan3A_271, %scan3A_272 : i32
    %scan3A_274 = arith.constant 1 : i32
    %scan3A_275 = scf.for %scan3A_283 = %scan3A_271 to %scan3A_273 step %scan3A_274 iter_args(%scan3A_284 = %scan3A_270) -> (i32)  : i32 {
      %mul3A_285 = arith.constant 8 : i32
      %mul3A_286 = arith.muli %scan3A_283, %mul3A_285 : i32
      %add3A_287 = arith.constant 0 : i32
      %add3A_288 = arith.addi %mul3A_286, %add3A_287 : i32
      %mul3A_289 = arith.constant 16 : i32
      %mul3A_290 = arith.muli %add3A_288, %mul3A_289 : i32
      %get3A = arith.index_cast %mul3A_290 : i32 to index
      %get3A_291 = tpu.vector_load %arg12[%get3A] {strides = array<i32>} : memref<7040xi32, #tpu.memory_space<vmem>>, vector<16xi32>,
      %get3A_292 = arith.index_cast %mul3A_290 : i32 to index
      %get3A_293 = tpu.vector_load %arg13[%get3A_292] {strides = array<i32>} : memref<7040xi32, #tpu.memory_space<vmem>>, vector<16xi32>,
      %mul3A_294 = arith.constant 8 : i32
      %mul3A_295 = arith.muli %scan3A_283, %mul3A_294 : i32
      %add3A_296 = arith.constant 1 : i32
      %add3A_297 = arith.addi %mul3A_295, %add3A_296 : i32
      %mul3A_298 = arith.constant 16 : i32
      %mul3A_299 = arith.muli %add3A_297, %mul3A_298 : i32
      %get3A_300 = arith.index_cast %mul3A_299 : i32 to index
      %get3A_301 = tpu.vector_load %arg12[%get3A_300] {strides = array<i32>} : memref<7040xi32, #tpu.memory_space<vmem>>, vector<16xi32>,
      %get3A_302 = arith.index_cast %mul3A_299 : i32 to index
      %get3A_303 = tpu.vector_load %arg13[%get3A_302] {strides = array<i32>} : memref<7040xi32, #tpu.memory_space<vmem>>, vector<16xi32>,
      %mul3A_304 = arith.constant 8 : i32
      %mul3A_305 = arith.muli %scan3A_283, %mul3A_304 : i32
      %add3A_306 = arith.constant 2 : i32
      %add3A_307 = arith.addi %mul3A_305, %add3A_306 : i32
      %mul3A_308 = arith.constant 16 : i32
      %mul3A_309 = arith.muli %add3A_307, %mul3A_308 : i32
      %get3A_310 = arith.index_cast %mul3A_309 : i32 to index
      %get3A_311 = tpu.vector_load %arg12[%get3A_310] {strides = array<i32>} : memref<7040xi32, #tpu.memory_space<vmem>>, vector<16xi32>,
      %get3A_312 = arith.index_cast %mul3A_309 : i32 to index
      %get3A_313 = tpu.vector_load %arg13[%get3A_312] {strides = array<i32>} : memref<7040xi32, #tpu.memory_space<vmem>>, vector<16xi32>,
      %mul3A_314 = arith.constant 8 : i32
      %mul3A_315 = arith.muli %scan3A_283, %mul3A_314 : i32
      %add3A_316 = arith.constant 3 : i32
      %add3A_317 = arith.addi %mul3A_315, %add3A_316 : i32
      %mul3A_318 = arith.constant 16 : i32
      %mul3A_319 = arith.muli %add3A_317, %mul3A_318 : i32
      %get3A_320 = arith.index_cast %mul3A_319 : i32 to index
      %get3A_321 = tpu.vector_load %arg12[%get3A_320] {strides = array<i32>} : memref<7040xi32, #tpu.memory_space<vmem>>, vector<16xi32>,
      %get3A_322 = arith.index_cast %mul3A_319 : i32 to index
      %get3A_323 = tpu.vector_load %arg13[%get3A_322] {strides = array<i32>} : memref<7040xi32, #tpu.memory_space<vmem>>, vector<16xi32>,
      %mul3A_324 = arith.constant 8 : i32
      %mul3A_325 = arith.muli %scan3A_283, %mul3A_324 : i32
      %add3A_326 = arith.constant 4 : i32
      %add3A_327 = arith.addi %mul3A_325, %add3A_326 : i32
      %mul3A_328 = arith.constant 16 : i32
      %mul3A_329 = arith.muli %add3A_327, %mul3A_328 : i32
      %get3A_330 = arith.index_cast %mul3A_329 : i32 to index
      %get3A_331 = tpu.vector_load %arg12[%get3A_330] {strides = array<i32>} : memref<7040xi32, #tpu.memory_space<vmem>>, vector<16xi32>,
      %get3A_332 = arith.index_cast %mul3A_329 : i32 to index
      %get3A_333 = tpu.vector_load %arg13[%get3A_332] {strides = array<i32>} : memref<7040xi32, #tpu.memory_space<vmem>>, vector<16xi32>,
      %mul3A_334 = arith.constant 8 : i32
      %mul3A_335 = arith.muli %scan3A_283, %mul3A_334 : i32
      %add3A_336 = arith.constant 5 : i32
      %add3A_337 = arith.addi %mul3A_335, %add3A_336 : i32
      %mul3A_338 = arith.constant 16 : i32
      %mul3A_339 = arith.muli %add3A_337, %mul3A_338 : i32
      %get3A_340 = arith.index_cast %mul3A_339 : i32 to index
      %get3A_341 = tpu.vector_load %arg12[%get3A_340] {strides = array<i32>} : memref<7040xi32, #tpu.memory_space<vmem>>, vector<16xi32>,
      %get3A_342 = arith.index_cast %mul3A_339 : i32 to index
      %get3A_343 = tpu.vector_load %arg13[%get3A_342] {strides = array<i32>} : memref<7040xi32, #tpu.memory_space<vmem>>, vector<16xi32>,
      %mul3A_344 = arith.constant 8 : i32
      %mul3A_345 = arith.muli %scan3A_283, %mul3A_344 : i32
      %add3A_346 = arith.constant 6 : i32
      %add3A_347 = arith.addi %mul3A_345, %add3A_346 : i32
      %mul3A_348 = arith.constant 16 : i32
      %mul3A_349 = arith.muli %add3A_347, %mul3A_348 : i32
      %get3A_350 = arith.index_cast %mul3A_349 : i32 to index
      %get3A_351 = tpu.vector_load %arg12[%get3A_350] {strides = array<i32>} : memref<7040xi32, #tpu.memory_space<vmem>>, vector<16xi32>,
      %get3A_352 = arith.index_cast %mul3A_349 : i32 to index
      %get3A_353 = tpu.vector_load %arg13[%get3A_352] {strides = array<i32>} : memref<7040xi32, #tpu.memory_space<vmem>>, vector<16xi32>,
      %mul3A_354 = arith.constant 8 : i32
      %mul3A_355 = arith.muli %scan3A_283, %mul3A_354 : i32
      %add3A_356 = arith.constant 7 : i32
      %add3A_357 = arith.addi %mul3A_355, %add3A_356 : i32
      %mul3A_358 = arith.constant 16 : i32
      %mul3A_359 = arith.muli %add3A_357, %mul3A_358 : i32
      %get3A_360 = arith.index_cast %mul3A_359 : i32 to index
      %get3A_361 = tpu.vector_load %arg12[%get3A_360] {strides = array<i32>} : memref<7040xi32, #tpu.memory_space<vmem>>, vector<16xi32>,
      %get3A_362 = arith.index_cast %mul3A_359 : i32 to index
      %get3A_363 = tpu.vector_load %arg13[%get3A_362] {strides = array<i32>} : memref<7040xi32, #tpu.memory_space<vmem>>, vector<16xi32>,
      %gather3A = tpu.vector_load_idx %arg14[%get3A_291] : memref<32896xi32, #tpu.memory_space<vmem>>[vector<16xi32>], vector<16xi32>,
      %gather3A_364 = tpu.vector_load_idx %arg15[%get3A_301] : memref<32896xi32, #tpu.memory_space<vmem>>[vector<16xi32>], vector<16xi32>,
      %max3A = arith.maxsi %gather3A, %get3A_293 : vector<16xi32>
      tpu.vector_store_idx %arg14[%get3A_291], %max3A : memref<32896xi32, #tpu.memory_space<vmem>>[vector<16xi32>], vector<16xi32>,
      %max3A_365 = arith.maxsi %gather3A_364, %get3A_303 : vector<16xi32>
      tpu.vector_store_idx %arg15[%get3A_301], %max3A_365 : memref<32896xi32, #tpu.memory_space<vmem>>[vector<16xi32>], vector<16xi32>,
      %gather3A_366 = tpu.vector_load_idx %arg14[%get3A_311] : memref<32896xi32, #tpu.memory_space<vmem>>[vector<16xi32>], vector<16xi32>,
      %gather3A_367 = tpu.vector_load_idx %arg15[%get3A_321] : memref<32896xi32, #tpu.memory_space<vmem>>[vector<16xi32>], vector<16xi32>,
      %max3A_368 = arith.maxsi %gather3A_366, %get3A_313 : vector<16xi32>
      tpu.vector_store_idx %arg14[%get3A_311], %max3A_368 : memref<32896xi32, #tpu.memory_space<vmem>>[vector<16xi32>], vector<16xi32>,
      %max3A_369 = arith.maxsi %gather3A_367, %get3A_323 : vector<16xi32>
      tpu.vector_store_idx %arg15[%get3A_321], %max3A_369 : memref<32896xi32, #tpu.memory_space<vmem>>[vector<16xi32>], vector<16xi32>,
      %gather3A_370 = tpu.vector_load_idx %arg14[%get3A_331] : memref<32896xi32, #tpu.memory_space<vmem>>[vector<16xi32>], vector<16xi32>,
      %gather3A_371 = tpu.vector_load_idx %arg15[%get3A_341] : memref<32896xi32, #tpu.memory_space<vmem>>[vector<16xi32>], vector<16xi32>,
      %max3A_372 = arith.maxsi %gather3A_370, %get3A_333 : vector<16xi32>
      tpu.vector_store_idx %arg14[%get3A_331], %max3A_372 : memref<32896xi32, #tpu.memory_space<vmem>>[vector<16xi32>], vector<16xi32>,
      %max3A_373 = arith.maxsi %gather3A_371, %get3A_343 : vector<16xi32>
      tpu.vector_store_idx %arg15[%get3A_341], %max3A_373 : memref<32896xi32, #tpu.memory_space<vmem>>[vector<16xi32>], vector<16xi32>,
      %gather3A_374 = tpu.vector_load_idx %arg14[%get3A_351] : memref<32896xi32, #tpu.memory_space<vmem>>[vector<16xi32>], vector<16xi32>,
      %gather3A_375 = tpu.vector_load_idx %arg15[%get3A_361] : memref<32896xi32, #tpu.memory_space<vmem>>[vector<16xi32>], vector<16xi32>,
      %max3A_376 = arith.maxsi %gather3A_374, %get3A_353 : vector<16xi32>
      tpu.vector_store_idx %arg14[%get3A_351], %max3A_376 : memref<32896xi32, #tpu.memory_space<vmem>>[vector<16xi32>], vector<16xi32>,
      %max3A_377 = arith.maxsi %gather3A_375, %get3A_363 : vector<16xi32>
      tpu.vector_store_idx %arg15[%get3A_361], %max3A_377 : memref<32896xi32, #tpu.memory_space<vmem>>[vector<16xi32>], vector<16xi32>,
      %scan3A_378 = arith.constant 0 : i32
      scf.yield %scan3A_378 : i32
    }
    %scan3A_276 = arith.constant 55 : i32
    %mul3A_277 = arith.constant 2 : i32
    %mul3A_278 = arith.muli %mul3A_277, %add3A : i32
    "tpu.region"() ({
      %run_scoped3A = tpu.sem_alloc : memref<!tpu.dma_semaphore, #tpu.memory_space<semaphore_mem>>
      %dma_start3A_283 = arith.constant 0 : i32
      %dma_start3A_284 = tpu.memref_slice %arg14[%dma_start3A_283] : memref<32896xi32, #tpu.memory_space<vmem>> -> memref<32768xi32, #tpu.memory_space<vmem>>
      %dma_start3A_285 = arith.constant 0 : i32
      %dma_start3A_286 = tpu.memref_slice %arg5[%mul3A_278, %dma_start3A_285] : memref<64x32768xi32, #tpu.memory_space<hbm>> -> memref<1x32768xi32, #tpu.memory_space<hbm>>
      %dma_start3A_287 = tpu.memref_squeeze %dma_start3A_286 : memref<1x32768xi32, #tpu.memory_space<hbm>> -> memref<32768xi32, #tpu.memory_space<hbm>>
      %dma_start3A_288 = arith.constant 0 : i32
      %dma_start3A_289 = tpu.memref_slice %arg5[%mul3A_278, %dma_start3A_288] : memref<64x32768xi32, #tpu.memory_space<hbm>> -> memref<1x32768xi32, #tpu.memory_space<hbm>>
      %dma_start3A_290 = tpu.memref_squeeze %dma_start3A_289 : memref<1x32768xi32, #tpu.memory_space<hbm>> -> memref<32768xi32, #tpu.memory_space<hbm>>
      %dma_start3A_291 = arith.constant 0 : i32
      %dma_start3A_292 = tpu.memref_slice %arg14[%dma_start3A_291] : memref<32896xi32, #tpu.memory_space<vmem>> -> memref<32768xi32, #tpu.memory_space<vmem>>
      tpu.enqueue_dma source(%dma_start3A_292 : memref<32768xi32, #tpu.memory_space<vmem>>) target(%dma_start3A_290 : memref<32768xi32, #tpu.memory_space<hbm>>) target_semaphore(%run_scoped3A : memref<!tpu.dma_semaphore, #tpu.memory_space<semaphore_mem>>)
      %dma_wait3A_293 = arith.constant 0 : i32
      %dma_wait3A_294 = tpu.memref_slice %arg14[%dma_wait3A_293] : memref<32896xi32, #tpu.memory_space<vmem>> -> memref<32768xi32, #tpu.memory_space<vmem>>
      %dma_wait3A_295 = arith.constant 0 : i32
      %dma_wait3A_296 = tpu.memref_slice %arg5[%mul3A_278, %dma_wait3A_295] : memref<64x32768xi32, #tpu.memory_space<hbm>> -> memref<1x32768xi32, #tpu.memory_space<hbm>>
      %dma_wait3A_297 = tpu.memref_squeeze %dma_wait3A_296 : memref<1x32768xi32, #tpu.memory_space<hbm>> -> memref<32768xi32, #tpu.memory_space<hbm>>
      %dma_wait3A_298 = arith.constant 0 : i32
      %dma_wait3A_299 = tpu.memref_slice %arg5[%mul3A_278, %dma_wait3A_298] : memref<64x32768xi32, #tpu.memory_space<hbm>> -> memref<1x32768xi32, #tpu.memory_space<hbm>>
      %dma_wait3A_300 = tpu.memref_squeeze %dma_wait3A_299 : memref<1x32768xi32, #tpu.memory_space<hbm>> -> memref<32768xi32, #tpu.memory_space<hbm>>
      %dma_wait3A_301 = arith.constant 0 : i32
      %dma_wait3A_302 = tpu.memref_slice %arg14[%dma_wait3A_301] : memref<32896xi32, #tpu.memory_space<vmem>> -> memref<32768xi32, #tpu.memory_space<vmem>>
      tpu.wait_dma2 semaphore(%run_scoped3A : memref<!tpu.dma_semaphore, #tpu.memory_space<semaphore_mem>>) src(%dma_wait3A_302 : memref<32768xi32, #tpu.memory_space<vmem>>) dst(%dma_wait3A_300 : memref<32768xi32, #tpu.memory_space<hbm>>)
      tpu.yield
    }) : () -> ()
    %mul3A_279 = arith.constant 2 : i32
    %mul3A_280 = arith.muli %mul3A_279, %add3A : i32
    %add3A_281 = arith.constant 1 : i32
    %add3A_282 = arith.addi %mul3A_280, %add3A_281 : i32
    "tpu.region"() ({
      %run_scoped3A = tpu.sem_alloc : memref<!tpu.dma_semaphore, #tpu.memory_space<semaphore_mem>>
      %dma_start3A_283 = arith.constant 0 : i32
      %dma_start3A_284 = tpu.memref_slice %arg15[%dma_start3A_283] : memref<32896xi32, #tpu.memory_space<vmem>> -> memref<32768xi32, #tpu.memory_space<vmem>>
      %dma_start3A_285 = arith.constant 0 : i32
      %dma_start3A_286 = tpu.memref_slice %arg5[%add3A_282, %dma_start3A_285] : memref<64x32768xi32, #tpu.memory_space<hbm>> -> memref<1x32768xi32, #tpu.memory_space<hbm>>
      %dma_start3A_287 = tpu.memref_squeeze %dma_start3A_286 : memref<1x32768xi32, #tpu.memory_space<hbm>> -> memref<32768xi32, #tpu.memory_space<hbm>>
      %dma_start3A_288 = arith.constant 0 : i32
      %dma_start3A_289 = tpu.memref_slice %arg5[%add3A_282, %dma_start3A_288] : memref<64x32768xi32, #tpu.memory_space<hbm>> -> memref<1x32768xi32, #tpu.memory_space<hbm>>
      %dma_start3A_290 = tpu.memref_squeeze %dma_start3A_289 : memref<1x32768xi32, #tpu.memory_space<hbm>> -> memref<32768xi32, #tpu.memory_space<hbm>>
      %dma_start3A_291 = arith.constant 0 : i32
      %dma_start3A_292 = tpu.memref_slice %arg15[%dma_start3A_291] : memref<32896xi32, #tpu.memory_space<vmem>> -> memref<32768xi32, #tpu.memory_space<vmem>>
      tpu.enqueue_dma source(%dma_start3A_292 : memref<32768xi32, #tpu.memory_space<vmem>>) target(%dma_start3A_290 : memref<32768xi32, #tpu.memory_space<hbm>>) target_semaphore(%run_scoped3A : memref<!tpu.dma_semaphore, #tpu.memory_space<semaphore_mem>>)
      %dma_wait3A_293 = arith.constant 0 : i32
      %dma_wait3A_294 = tpu.memref_slice %arg15[%dma_wait3A_293] : memref<32896xi32, #tpu.memory_space<vmem>> -> memref<32768xi32, #tpu.memory_space<vmem>>
      %dma_wait3A_295 = arith.constant 0 : i32
      %dma_wait3A_296 = tpu.memref_slice %arg5[%add3A_282, %dma_wait3A_295] : memref<64x32768xi32, #tpu.memory_space<hbm>> -> memref<1x32768xi32, #tpu.memory_space<hbm>>
      %dma_wait3A_297 = tpu.memref_squeeze %dma_wait3A_296 : memref<1x32768xi32, #tpu.memory_space<hbm>> -> memref<32768xi32, #tpu.memory_space<hbm>>
      %dma_wait3A_298 = arith.constant 0 : i32
      %dma_wait3A_299 = tpu.memref_slice %arg5[%add3A_282, %dma_wait3A_298] : memref<64x32768xi32, #tpu.memory_space<hbm>> -> memref<1x32768xi32, #tpu.memory_space<hbm>>
      %dma_wait3A_300 = tpu.memref_squeeze %dma_wait3A_299 : memref<1x32768xi32, #tpu.memory_space<hbm>> -> memref<32768xi32, #tpu.memory_space<hbm>>
      %dma_wait3A_301 = arith.constant 0 : i32
      %dma_wait3A_302 = tpu.memref_slice %arg15[%dma_wait3A_301] : memref<32896xi32, #tpu.memory_space<vmem>> -> memref<32768xi32, #tpu.memory_space<vmem>>
      tpu.wait_dma2 semaphore(%run_scoped3A : memref<!tpu.dma_semaphore, #tpu.memory_space<semaphore_mem>>) src(%dma_wait3A_302 : memref<32768xi32, #tpu.memory_space<vmem>>) dst(%dma_wait3A_300 : memref<32768xi32, #tpu.memory_space<hbm>>)
      tpu.yield
    }) : () -> ()
    return
  }
}

module attributes {stable_mosaic.version = 14 : i64} {
  func.func @body(%arg0: i32, %arg1: memref<64x4096xi32, #tpu.memory_space<vmem>>, %arg2: memref<8x512x512xf32, #tpu.memory_space<vmem>>) attributes {dimension_semantics = [#tpu.dimension_semantics<arbitrary>], iteration_bounds = array<i64: 8>, scalar_prefetch = 0 : i64, scratch_operands = 0 : i64, tpu.core_type = #tpu.core_type<tc>, window_params = [{transform_indices = @transform_0, window_bounds = array<i64: 64, 4096>}, {transform_indices = @transform_1, window_bounds = array<i64: 8, 512, 512>}]} {
    %get3A = arith.constant 0 : index
    %get3A_0 = arith.constant 0 : index
    %get3A_1 = vector.load %arg1[%get3A, %get3A_0] : memref<64x4096xi32, #tpu.memory_space<vmem>>, vector<64x4096xi32>
    %slice3A = vector.extract_strided_slice %get3A_1 {offsets = [0, 0], sizes = [64, 512], strides = [1, 1]} : vector<64x4096xi32> to vector<64x512xi32>
    %reduce_max3A = arith.constant dense<-2147483648> : vector<512xi32>
    %reduce_max3A_2 = vector.multi_reduction <maxsi>, %slice3A, %reduce_max3A [0] : vector<64x512xi32> to vector<512xi32>
    %lt3A = arith.constant 0 : i32
    %lt3A_3 = vector.broadcast %lt3A : i32 to vector<512xi32>
    %lt3A_4 = arith.cmpi slt, %reduce_max3A_2, %lt3A_3 : vector<512xi32>
    %jit3A = arith.constant 512 : i32
    %broadcast_in_dim3A = vector.broadcast %jit3A : i32 to vector<512xi32>
    %select_n3A = arith.select %lt3A_4, %broadcast_in_dim3A, %reduce_max3A_2 : vector<512xi1>, vector<512xi32>
    %iota3A = tpu.iota {dimensions = array<i32: 0>} : vector<512x512xi32>
    %broadcast_in_dim3A_5 = vector.shape_cast %select_n3A : vector<512xi32> to vector<1x512xi32>
    %sub3A = vector.broadcast %broadcast_in_dim3A_5 : vector<1x512xi32> to vector<512x512xi32>
    %sub3A_6 = arith.subi %sub3A, %iota3A : vector<512x512xi32>
    %convert_element_type3A = arith.sitofp %sub3A_6 : vector<512x512xi32> to vector<512x512xf32>
    %swap3A = arith.constant 0 : index
    %swap3A_7 = arith.constant 0 : index
    %swap3A_8 = arith.constant 0 : index
    %swap3A_9 = vector.load %arg2[%swap3A, %swap3A_7, %swap3A_8] : memref<8x512x512xf32, #tpu.memory_space<vmem>>, vector<1x512x512xf32>
    %swap3A_10 = vector.shape_cast %swap3A_9 : vector<1x512x512xf32> to vector<512x512xf32>
    %swap3A_11 = vector.shape_cast %convert_element_type3A : vector<512x512xf32> to vector<1x512x512xf32>
    tpu.vector_store %arg2[%swap3A, %swap3A_7, %swap3A_8], %swap3A_11 {strides = array<i32>} : memref<8x512x512xf32, #tpu.memory_space<vmem>>, vector<1x512x512xf32>,
    %slice3A_12 = vector.extract_strided_slice %get3A_1 {offsets = [0, 512], sizes = [64, 512], strides = [1, 1]} : vector<64x4096xi32> to vector<64x512xi32>
    %reduce_max3A_13 = arith.constant dense<-2147483648> : vector<512xi32>
    %reduce_max3A_14 = vector.multi_reduction <maxsi>, %slice3A_12, %reduce_max3A_13 [0] : vector<64x512xi32> to vector<512xi32>
    %lt3A_15 = arith.constant 0 : i32
    %lt3A_16 = vector.broadcast %lt3A_15 : i32 to vector<512xi32>
    %lt3A_17 = arith.cmpi slt, %reduce_max3A_14, %lt3A_16 : vector<512xi32>
    %jit3A_18 = arith.constant 512 : i32
    %broadcast_in_dim3A_19 = vector.broadcast %jit3A_18 : i32 to vector<512xi32>
    %select_n3A_20 = arith.select %lt3A_17, %broadcast_in_dim3A_19, %reduce_max3A_14 : vector<512xi1>, vector<512xi32>
    %iota3A_21 = tpu.iota {dimensions = array<i32: 0>} : vector<512x512xi32>
    %broadcast_in_dim3A_22 = vector.shape_cast %select_n3A_20 : vector<512xi32> to vector<1x512xi32>
    %sub3A_23 = vector.broadcast %broadcast_in_dim3A_22 : vector<1x512xi32> to vector<512x512xi32>
    %sub3A_24 = arith.subi %sub3A_23, %iota3A_21 : vector<512x512xi32>
    %convert_element_type3A_25 = arith.sitofp %sub3A_24 : vector<512x512xi32> to vector<512x512xf32>
    %swap3A_26 = arith.constant 1 : index
    %swap3A_27 = arith.constant 0 : index
    %swap3A_28 = arith.constant 0 : index
    %swap3A_29 = vector.load %arg2[%swap3A_26, %swap3A_27, %swap3A_28] : memref<8x512x512xf32, #tpu.memory_space<vmem>>, vector<1x512x512xf32>
    %swap3A_30 = vector.shape_cast %swap3A_29 : vector<1x512x512xf32> to vector<512x512xf32>
    %swap3A_31 = vector.shape_cast %convert_element_type3A_25 : vector<512x512xf32> to vector<1x512x512xf32>
    tpu.vector_store %arg2[%swap3A_26, %swap3A_27, %swap3A_28], %swap3A_31 {strides = array<i32>} : memref<8x512x512xf32, #tpu.memory_space<vmem>>, vector<1x512x512xf32>,
    %slice3A_32 = vector.extract_strided_slice %get3A_1 {offsets = [0, 1024], sizes = [64, 512], strides = [1, 1]} : vector<64x4096xi32> to vector<64x512xi32>
    %reduce_max3A_33 = arith.constant dense<-2147483648> : vector<512xi32>
    %reduce_max3A_34 = vector.multi_reduction <maxsi>, %slice3A_32, %reduce_max3A_33 [0] : vector<64x512xi32> to vector<512xi32>
    %lt3A_35 = arith.constant 0 : i32
    %lt3A_36 = vector.broadcast %lt3A_35 : i32 to vector<512xi32>
    %lt3A_37 = arith.cmpi slt, %reduce_max3A_34, %lt3A_36 : vector<512xi32>
    %jit3A_38 = arith.constant 512 : i32
    %broadcast_in_dim3A_39 = vector.broadcast %jit3A_38 : i32 to vector<512xi32>
    %select_n3A_40 = arith.select %lt3A_37, %broadcast_in_dim3A_39, %reduce_max3A_34 : vector<512xi1>, vector<512xi32>
    %iota3A_41 = tpu.iota {dimensions = array<i32: 0>} : vector<512x512xi32>
    %broadcast_in_dim3A_42 = vector.shape_cast %select_n3A_40 : vector<512xi32> to vector<1x512xi32>
    %sub3A_43 = vector.broadcast %broadcast_in_dim3A_42 : vector<1x512xi32> to vector<512x512xi32>
    %sub3A_44 = arith.subi %sub3A_43, %iota3A_41 : vector<512x512xi32>
    %convert_element_type3A_45 = arith.sitofp %sub3A_44 : vector<512x512xi32> to vector<512x512xf32>
    %swap3A_46 = arith.constant 2 : index
    %swap3A_47 = arith.constant 0 : index
    %swap3A_48 = arith.constant 0 : index
    %swap3A_49 = vector.load %arg2[%swap3A_46, %swap3A_47, %swap3A_48] : memref<8x512x512xf32, #tpu.memory_space<vmem>>, vector<1x512x512xf32>
    %swap3A_50 = vector.shape_cast %swap3A_49 : vector<1x512x512xf32> to vector<512x512xf32>
    %swap3A_51 = vector.shape_cast %convert_element_type3A_45 : vector<512x512xf32> to vector<1x512x512xf32>
    tpu.vector_store %arg2[%swap3A_46, %swap3A_47, %swap3A_48], %swap3A_51 {strides = array<i32>} : memref<8x512x512xf32, #tpu.memory_space<vmem>>, vector<1x512x512xf32>,
    %slice3A_52 = vector.extract_strided_slice %get3A_1 {offsets = [0, 1536], sizes = [64, 512], strides = [1, 1]} : vector<64x4096xi32> to vector<64x512xi32>
    %reduce_max3A_53 = arith.constant dense<-2147483648> : vector<512xi32>
    %reduce_max3A_54 = vector.multi_reduction <maxsi>, %slice3A_52, %reduce_max3A_53 [0] : vector<64x512xi32> to vector<512xi32>
    %lt3A_55 = arith.constant 0 : i32
    %lt3A_56 = vector.broadcast %lt3A_55 : i32 to vector<512xi32>
    %lt3A_57 = arith.cmpi slt, %reduce_max3A_54, %lt3A_56 : vector<512xi32>
    %jit3A_58 = arith.constant 512 : i32
    %broadcast_in_dim3A_59 = vector.broadcast %jit3A_58 : i32 to vector<512xi32>
    %select_n3A_60 = arith.select %lt3A_57, %broadcast_in_dim3A_59, %reduce_max3A_54 : vector<512xi1>, vector<512xi32>
    %iota3A_61 = tpu.iota {dimensions = array<i32: 0>} : vector<512x512xi32>
    %broadcast_in_dim3A_62 = vector.shape_cast %select_n3A_60 : vector<512xi32> to vector<1x512xi32>
    %sub3A_63 = vector.broadcast %broadcast_in_dim3A_62 : vector<1x512xi32> to vector<512x512xi32>
    %sub3A_64 = arith.subi %sub3A_63, %iota3A_61 : vector<512x512xi32>
    %convert_element_type3A_65 = arith.sitofp %sub3A_64 : vector<512x512xi32> to vector<512x512xf32>
    %swap3A_66 = arith.constant 3 : index
    %swap3A_67 = arith.constant 0 : index
    %swap3A_68 = arith.constant 0 : index
    %swap3A_69 = vector.load %arg2[%swap3A_66, %swap3A_67, %swap3A_68] : memref<8x512x512xf32, #tpu.memory_space<vmem>>, vector<1x512x512xf32>
    %swap3A_70 = vector.shape_cast %swap3A_69 : vector<1x512x512xf32> to vector<512x512xf32>
    %swap3A_71 = vector.shape_cast %convert_element_type3A_65 : vector<512x512xf32> to vector<1x512x512xf32>
    tpu.vector_store %arg2[%swap3A_66, %swap3A_67, %swap3A_68], %swap3A_71 {strides = array<i32>} : memref<8x512x512xf32, #tpu.memory_space<vmem>>, vector<1x512x512xf32>,
    %slice3A_72 = vector.extract_strided_slice %get3A_1 {offsets = [0, 2048], sizes = [64, 512], strides = [1, 1]} : vector<64x4096xi32> to vector<64x512xi32>
    %reduce_max3A_73 = arith.constant dense<-2147483648> : vector<512xi32>
    %reduce_max3A_74 = vector.multi_reduction <maxsi>, %slice3A_72, %reduce_max3A_73 [0] : vector<64x512xi32> to vector<512xi32>
    %lt3A_75 = arith.constant 0 : i32
    %lt3A_76 = vector.broadcast %lt3A_75 : i32 to vector<512xi32>
    %lt3A_77 = arith.cmpi slt, %reduce_max3A_74, %lt3A_76 : vector<512xi32>
    %jit3A_78 = arith.constant 512 : i32
    %broadcast_in_dim3A_79 = vector.broadcast %jit3A_78 : i32 to vector<512xi32>
    %select_n3A_80 = arith.select %lt3A_77, %broadcast_in_dim3A_79, %reduce_max3A_74 : vector<512xi1>, vector<512xi32>
    %iota3A_81 = tpu.iota {dimensions = array<i32: 0>} : vector<512x512xi32>
    %broadcast_in_dim3A_82 = vector.shape_cast %select_n3A_80 : vector<512xi32> to vector<1x512xi32>
    %sub3A_83 = vector.broadcast %broadcast_in_dim3A_82 : vector<1x512xi32> to vector<512x512xi32>
    %sub3A_84 = arith.subi %sub3A_83, %iota3A_81 : vector<512x512xi32>
    %convert_element_type3A_85 = arith.sitofp %sub3A_84 : vector<512x512xi32> to vector<512x512xf32>
    %swap3A_86 = arith.constant 4 : index
    %swap3A_87 = arith.constant 0 : index
    %swap3A_88 = arith.constant 0 : index
    %swap3A_89 = vector.load %arg2[%swap3A_86, %swap3A_87, %swap3A_88] : memref<8x512x512xf32, #tpu.memory_space<vmem>>, vector<1x512x512xf32>
    %swap3A_90 = vector.shape_cast %swap3A_89 : vector<1x512x512xf32> to vector<512x512xf32>
    %swap3A_91 = vector.shape_cast %convert_element_type3A_85 : vector<512x512xf32> to vector<1x512x512xf32>
    tpu.vector_store %arg2[%swap3A_86, %swap3A_87, %swap3A_88], %swap3A_91 {strides = array<i32>} : memref<8x512x512xf32, #tpu.memory_space<vmem>>, vector<1x512x512xf32>,
    %slice3A_92 = vector.extract_strided_slice %get3A_1 {offsets = [0, 2560], sizes = [64, 512], strides = [1, 1]} : vector<64x4096xi32> to vector<64x512xi32>
    %reduce_max3A_93 = arith.constant dense<-2147483648> : vector<512xi32>
    %reduce_max3A_94 = vector.multi_reduction <maxsi>, %slice3A_92, %reduce_max3A_93 [0] : vector<64x512xi32> to vector<512xi32>
    %lt3A_95 = arith.constant 0 : i32
    %lt3A_96 = vector.broadcast %lt3A_95 : i32 to vector<512xi32>
    %lt3A_97 = arith.cmpi slt, %reduce_max3A_94, %lt3A_96 : vector<512xi32>
    %jit3A_98 = arith.constant 512 : i32
    %broadcast_in_dim3A_99 = vector.broadcast %jit3A_98 : i32 to vector<512xi32>
    %select_n3A_100 = arith.select %lt3A_97, %broadcast_in_dim3A_99, %reduce_max3A_94 : vector<512xi1>, vector<512xi32>
    %iota3A_101 = tpu.iota {dimensions = array<i32: 0>} : vector<512x512xi32>
    %broadcast_in_dim3A_102 = vector.shape_cast %select_n3A_100 : vector<512xi32> to vector<1x512xi32>
    %sub3A_103 = vector.broadcast %broadcast_in_dim3A_102 : vector<1x512xi32> to vector<512x512xi32>
    %sub3A_104 = arith.subi %sub3A_103, %iota3A_101 : vector<512x512xi32>
    %convert_element_type3A_105 = arith.sitofp %sub3A_104 : vector<512x512xi32> to vector<512x512xf32>
    %swap3A_106 = arith.constant 5 : index
    %swap3A_107 = arith.constant 0 : index
    %swap3A_108 = arith.constant 0 : index
    %swap3A_109 = vector.load %arg2[%swap3A_106, %swap3A_107, %swap3A_108] : memref<8x512x512xf32, #tpu.memory_space<vmem>>, vector<1x512x512xf32>
    %swap3A_110 = vector.shape_cast %swap3A_109 : vector<1x512x512xf32> to vector<512x512xf32>
    %swap3A_111 = vector.shape_cast %convert_element_type3A_105 : vector<512x512xf32> to vector<1x512x512xf32>
    tpu.vector_store %arg2[%swap3A_106, %swap3A_107, %swap3A_108], %swap3A_111 {strides = array<i32>} : memref<8x512x512xf32, #tpu.memory_space<vmem>>, vector<1x512x512xf32>,
    %slice3A_112 = vector.extract_strided_slice %get3A_1 {offsets = [0, 3072], sizes = [64, 512], strides = [1, 1]} : vector<64x4096xi32> to vector<64x512xi32>
    %reduce_max3A_113 = arith.constant dense<-2147483648> : vector<512xi32>
    %reduce_max3A_114 = vector.multi_reduction <maxsi>, %slice3A_112, %reduce_max3A_113 [0] : vector<64x512xi32> to vector<512xi32>
    %lt3A_115 = arith.constant 0 : i32
    %lt3A_116 = vector.broadcast %lt3A_115 : i32 to vector<512xi32>
    %lt3A_117 = arith.cmpi slt, %reduce_max3A_114, %lt3A_116 : vector<512xi32>
    %jit3A_118 = arith.constant 512 : i32
    %broadcast_in_dim3A_119 = vector.broadcast %jit3A_118 : i32 to vector<512xi32>
    %select_n3A_120 = arith.select %lt3A_117, %broadcast_in_dim3A_119, %reduce_max3A_114 : vector<512xi1>, vector<512xi32>
    %iota3A_121 = tpu.iota {dimensions = array<i32: 0>} : vector<512x512xi32>
    %broadcast_in_dim3A_122 = vector.shape_cast %select_n3A_120 : vector<512xi32> to vector<1x512xi32>
    %sub3A_123 = vector.broadcast %broadcast_in_dim3A_122 : vector<1x512xi32> to vector<512x512xi32>
    %sub3A_124 = arith.subi %sub3A_123, %iota3A_121 : vector<512x512xi32>
    %convert_element_type3A_125 = arith.sitofp %sub3A_124 : vector<512x512xi32> to vector<512x512xf32>
    %swap3A_126 = arith.constant 6 : index
    %swap3A_127 = arith.constant 0 : index
    %swap3A_128 = arith.constant 0 : index
    %swap3A_129 = vector.load %arg2[%swap3A_126, %swap3A_127, %swap3A_128] : memref<8x512x512xf32, #tpu.memory_space<vmem>>, vector<1x512x512xf32>
    %swap3A_130 = vector.shape_cast %swap3A_129 : vector<1x512x512xf32> to vector<512x512xf32>
    %swap3A_131 = vector.shape_cast %convert_element_type3A_125 : vector<512x512xf32> to vector<1x512x512xf32>
    tpu.vector_store %arg2[%swap3A_126, %swap3A_127, %swap3A_128], %swap3A_131 {strides = array<i32>} : memref<8x512x512xf32, #tpu.memory_space<vmem>>, vector<1x512x512xf32>,
    %slice3A_132 = vector.extract_strided_slice %get3A_1 {offsets = [0, 3584], sizes = [64, 512], strides = [1, 1]} : vector<64x4096xi32> to vector<64x512xi32>
    %reduce_max3A_133 = arith.constant dense<-2147483648> : vector<512xi32>
    %reduce_max3A_134 = vector.multi_reduction <maxsi>, %slice3A_132, %reduce_max3A_133 [0] : vector<64x512xi32> to vector<512xi32>
    %lt3A_135 = arith.constant 0 : i32
    %lt3A_136 = vector.broadcast %lt3A_135 : i32 to vector<512xi32>
    %lt3A_137 = arith.cmpi slt, %reduce_max3A_134, %lt3A_136 : vector<512xi32>
    %jit3A_138 = arith.constant 512 : i32
    %broadcast_in_dim3A_139 = vector.broadcast %jit3A_138 : i32 to vector<512xi32>
    %select_n3A_140 = arith.select %lt3A_137, %broadcast_in_dim3A_139, %reduce_max3A_134 : vector<512xi1>, vector<512xi32>
    %iota3A_141 = tpu.iota {dimensions = array<i32: 0>} : vector<512x512xi32>
    %broadcast_in_dim3A_142 = vector.shape_cast %select_n3A_140 : vector<512xi32> to vector<1x512xi32>
    %sub3A_143 = vector.broadcast %broadcast_in_dim3A_142 : vector<1x512xi32> to vector<512x512xi32>
    %sub3A_144 = arith.subi %sub3A_143, %iota3A_141 : vector<512x512xi32>
    %convert_element_type3A_145 = arith.sitofp %sub3A_144 : vector<512x512xi32> to vector<512x512xf32>
    %swap3A_146 = arith.constant 7 : index
    %swap3A_147 = arith.constant 0 : index
    %swap3A_148 = arith.constant 0 : index
    %swap3A_149 = vector.load %arg2[%swap3A_146, %swap3A_147, %swap3A_148] : memref<8x512x512xf32, #tpu.memory_space<vmem>>, vector<1x512x512xf32>
    %swap3A_150 = vector.shape_cast %swap3A_149 : vector<1x512x512xf32> to vector<512x512xf32>
    %swap3A_151 = vector.shape_cast %convert_element_type3A_145 : vector<512x512xf32> to vector<1x512x512xf32>
    tpu.vector_store %arg2[%swap3A_146, %swap3A_147, %swap3A_148], %swap3A_151 {strides = array<i32>} : memref<8x512x512xf32, #tpu.memory_space<vmem>>, vector<1x512x512xf32>,
    return
  }
  func.func @transform_0(%arg0: i32) -> (i32, i32) {
    %c0_i32 = arith.constant 0 : i32
    %c0_i32_0 = arith.constant 0 : i32
    return %c0_i32, %arg0 : i32, i32
  }
  func.func @transform_1(%arg0: i32) -> (i32, i32, i32) {
    %c0_i32 = arith.constant 0 : i32
    %c0_i32_0 = arith.constant 0 : i32
    %c0_i32_1 = arith.constant 0 : i32
    return %arg0, %c0_i32, %c0_i32_0 : i32, i32, i32
  }
}

</mosaic_0001>

<sc_bundles>
// kernel: kernel.4.cloned.1.call-start
scs
__scs_entry_jumppad:
0x0: {  	(pc) =	sbr.rel $0x88, $3  }
0x1: {  	(tag) =	ssettag $0x0;
	lr =	simm.s32 $0x1  }
0x2: {  	[smem:$0x3F9E] =	sst lr;
	_ =	strace $0xD0000000  }
0x3: {  	_ = 	snop  }
0x4: {  	_ = 	snop  }
0x5: {  	_ = 	snop  }
0x6: {  	_ = 	snop  }
0x7: {  	_ = 	snop  }
__scs_overlays_trampoline_lowered:
0x8: {  	[smem:$0x3FAD] =	sst s0  }
0x9: {  	[smem:$0x3FAE] =	sst s1  }
0xa: {  	[smem:$0x3FAF] =	sst s2  }
0xb: {  	[smem:$0x3FB0] =	sst s3  }
0xc: {  	[smem:$0x3FB1] =	sst s4  }
0xd: {  	[smem:$0x3FB2] =	sst s5  }
0xe: {  	[smem:$0x3FB3] =	sst s6  }
0xf: {  	[smem:$0x3FB4] =	sst s7  }
0x10: {  	[smem:$0x3FB5] =	sst s8  }
0x11: {  	[smem:$0x3FB6] =	sst s9;
	s0 =	simm.s32 @!p0 $0x0  }
0x12: {  	s1 =	sld [smem:$0x3F9C];
	s0 =	simm.s32 @p0 $0x1  }
0x13: {  	[smem:$0x3FB7] =	sst s0;
	s0 =	simm.s32 @!p1 $0x0  }
0x14: {  	s2 =	sld [smem:$0x3F9B];
	s0 =	simm.s32 @p1 $0x1  }
0x15: {  	[smem:$0x3FB8] =	sst s0;
	s0 =	simm.s32 @!p2 $0x0  }
0x16: {  	s3 =	sld [smem:$0x3FDB];
	s0 =	simm.s32 @p2 $0x1  }
0x17: {  	s4 =	simm.s32 $0x1BF5;
	[smem:$0x3FBA] =	sst s0  }
0x18: {  	s0 =	sld [smem:$0x3F9D];
	_ =	swait.ge [sflag:s4], $0x0  }
0x19: {  	s7 =	sld [smem:$0x3F9E]  }
0x1a: {  	s8 =	sadd.s32 $0xFFFFE003, lr  }
0x1b: {  	s9 =	sadd.s32 $0xFFFFFEF7, lr;
	s5 =	simm.s32 $0xFFFFFFFF;
	p2 =	slt.u32 s8, $0xFFFFF086  }
0x1c: {  	p1 =	slt.u32 s9, $0xF7A;
	s5 =	simm.s32 @!p2 $0x0  }
0x1d: {  	s5 =	simm.s32 @p1 $0x1;
	p0 =	seq.s32 s7, s2  }
0x1e: {  	s7 =	smul.u32 @!p0 $0xF7A, s2;
	p2 =	seq.s32 @!p0 s5, $0x0  }
0x1f: {  	s9 =	smul.u32 $0xF7A, s1;
	s8 =	simm.s32 @!p0 $0x1BF5;
	p2 =	por !p2, p0  }
0x20: {  	[sflag:s8] =	ssyncset.s32 @!p0 $0xFFFFF086;
	s6 =	sadd.s32 @!p0 s3, s7;
	s7 =	simm.s32 @!p0 $0x108  }
0x21: {  	s3 =	sadd.s32 s3, s9;
	s6 =	sadd.s32 @!p0 $0x88, s6;
	s7 =	simm.s32 @p2 $0x1082  }
0x22: {  	[simem:s7], [sflag:s8] =	dma.local @!p0 [hbm:s6], $0xF7A  }
0x23: {  	s9 =	sor.u32 $0xD0000000, s2;
	s6 =	simm.s32 $0x108;
	_ =	swait.ge @!p0 [sflag:s8], $0x0  }
0x24: {  	s3 =	sadd.s32 $0x88, s3;
	s6 =	simm.s32 @!p1 $0x1082;
	[sflag:s4] =	ssyncset.s32 $0xFFFFF086  }
0x25: {  	[simem:s6], [sflag:s4] =	dma.local [hbm:s3], $0xF7A  }
0x26: {  	[smem:$0x3F9E] =	sst s1;
	(tag) =	ssettag s2;
	_ =	strace s9  }
0x27: {  	s1 =	sld [smem:$0x3FAE]  }
0x28: {  	s2 =	sld [smem:$0x3FAF]  }
0x29: {  	s4 =	sld [smem:$0x3FB1]  }
0x2a: {  	p0 =	seq.s32 s5, $0x0;
	s5 =	sld [smem:$0x3FB2]  }
0x2b: {  	s6 =	sld [smem:$0x3FB3]  }
0x2c: {  	s7 =	sld [smem:$0x3FB4]  }
0x2d: {  	s3 =	simm.s32 $0x108;
	s8 =	sld [smem:$0x3FB5]  }
0x2e: {  	s3 =	simm.s32 @!p0 $0x1082;
	s9 =	sld [smem:$0x3FB6]  }
0x2f: {  	lr =	sadd.s32 s0, s3;
	s0 =	sld [smem:$0x3FAD]  }
0x30: {  	s3 =	sld [smem:$0x3FB0]  }
0x31: {  	[smem:$0x3FB9] =	sst s10  }
0x32: {  	s10 =	sld [smem:$0x3FB7];
	_ =	sdelay $0x3  }
0x33: {  	p0 =	seq.s32 s10, $0x1;
	s10 =	sld [smem:$0x3FB9];
	_ =	sdelay $0x3  }
0x34: {  	[smem:$0x3FB9] =	sst s10  }
0x35: {  	s10 =	sld [smem:$0x3FB8];
	_ =	sdelay $0x3  }
0x36: {  	p1 =	seq.s32 s10, $0x1;
	s10 =	sld [smem:$0x3FB9];
	_ =	sdelay $0x3  }
0x37: {  	[smem:$0x3FB9] =	sst s10  }
0x38: {  	s10 =	sld [smem:$0x3FBA]  }
0x39: {  	_ = 	snop;
	(pc) =	sbr.ind lr, $3  }
0x3a: {  	_ = 	snop  }
0x3b: {  	_ = 	snop  }
0x3c: {  	p2 =	seq.s32 s10, $0x1;
	s10 =	sld [smem:$0x3FB9]  }
0x3d: {  	_ =	shalt  }
0x3e: {  	_ =	shalt  }
0x3f: {  	_ =	shalt  }
0x40: {  	_ =	shalt  }
0x41: {  	_ =	shalt  }
0x42: {  	_ =	shalt  }
0x43: {  	_ =	shalt  }
0x44: {  	_ =	shalt  }
0x45: {  	_ =	shalt  }
0x46: {  	_ =	shalt  }
0x47: {  	_ =	shalt  }
0x48: {  	_ =	shalt  }
0x49: {  	_ =	shalt  }
0x4a: {  	_ =	shalt  }
0x4b: {  	_ =	shalt  }
0x4c: {  	_ =	shalt  }
0x4d: {  	_ =	shalt  }
0x4e: {  	_ =	shalt  }
0x4f: {  	_ =	shalt  }
0x50: {  	_ =	shalt  }
0x51: {  	_ =	shalt  }
0x52: {  	_ =	shalt  }
0x53: {  	_ =	shalt  }
0x54: {  	_ =	shalt  }
0x55: {  	_ =	shalt  }
0x56: {  	_ =	shalt  }
0x57: {  	_ =	shalt  }
0x58: {  	_ =	shalt  }
0x59: {  	_ =	shalt  }
0x5a: {  	_ =	shalt  }
0x5b: {  	_ =	shalt  }
0x5c: {  	_ =	shalt  }
0x5d: {  	_ =	shalt  }
0x5e: {  	_ =	shalt  }
0x5f: {  	_ =	shalt  }
0x60: {  	_ =	shalt  }
0x61: {  	_ =	shalt  }
0x62: {  	_ =	shalt  }
0x63: {  	_ =	shalt  }
0x64: {  	_ =	shalt  }
0x65: {  	_ =	shalt  }
0x66: {  	_ =	shalt  }
0x67: {  	_ =	shalt  }
0x68: {  	_ =	shalt  }
0x69: {  	_ =	shalt  }
0x6a: {  	_ =	shalt  }
0x6b: {  	_ =	shalt  }
0x6c: {  	_ =	shalt  }
0x6d: {  	_ =	shalt  }
0x6e: {  	_ =	shalt  }
0x6f: {  	_ =	shalt  }
0x70: {  	_ =	shalt  }
0x71: {  	_ =	shalt  }
0x72: {  	_ =	shalt  }
0x73: {  	_ =	shalt  }
0x74: {  	_ =	shalt  }
0x75: {  	_ =	shalt  }
0x76: {  	_ =	shalt  }
0x77: {  	_ =	shalt  }
0x78: {  	_ =	shalt  }
0x79: {  	_ =	shalt  }
0x7a: {  	_ =	shalt  }
0x7b: {  	_ =	shalt  }
0x7c: {  	_ =	shalt  }
0x7d: {  	_ =	shalt  }
0x7e: {  	_ =	shalt  }
0x7f: {  	_ =	shalt  }
0x80: {  	_ =	shalt  }
0x81: {  	_ =	shalt  }
0x82: {  	_ =	shalt  }
0x83: {  	_ =	shalt  }
0x84: {  	_ =	shalt  }
0x85: {  	_ =	shalt  }
0x86: {  	_ =	shalt  }
0x87: {  	_ =	shalt  }
.Lfunc_end0:
.L_simem_size_0:
called_computation_lowered:
.L_overlay_start_0:
0x88: {  	s2 =	sld [smem:$0x3FD9]  }
0x89: {  	s3 =	sld [smem:$0x3FFE];
	_ =	sdelay $0x1  }
0x8a: {  	s1 =	srdreg.scid  }
0x8b: {  	s0 =	sand.u32 $0x1, s1  }
0x8c: {  	s18 =	sshll.u32 s0, $0xA;
	s2 =	sadd.s32 s3, s2  }
0x8d: {  	s2 =	sadd.s32 s2, s18  }
0x8e: {  	[smem:$0x3FC5] =	sst s2  }
0x8f: {  	_ = 	snop  }
0x90: {  	s2 =	sld [smem:$0x3FC9]  }
0x91: {  	s19 =	sld [smem:$0x3FC8]  }
0x92: {  	s4 =	sld [smem:$0x3FC7]  }
0x93: {  	s5 =	sld [smem:$0x3FD0];
	(tm) =	ssettm $0x1  }
0x94: {  	s6 =	sld [smem:$0x3FFB];
	_ =	sdelay $0x3  }
0x95: {  	_ =	strace s6  }
0x96: {  	s6 =	sld [smem:$0x3FFC];
	_ =	sdelay $0x3  }
0x97: {  	_ =	strace s6  }
0x98: {  	s6 =	sld [smem:$0x3FFD];
	_ =	sdelay $0x3  }
0x99: {  	_ =	strace s6  }
0x9a: {  	_ =	strace $0x8FFFFFFF  }
0x9b: {  	s20 =	sld [smem:$0x3FDB];
	_ =	sdelay $0x1  }
0x9c: {  	s7 =	simm.s32 $_scs_section_size  }
0x9d: {  	s8 =	simm.s32 $_size__tile_overlayer_lowered;
	s9 =	simm.s32 $_tile_overlayer_lowered  }
0x9e: {  	s23 =	simm.s32 $0x1BFF;
	s22 =	sshll.u32 s9, $0x1;
	s6 =	sadd.s32 s7, s20  }
0x9f: {  	s10 =	simm.s32 $0x0;
	s21 =	sshll.u32 s8, $0x1;
	s8 =	sadd.s32 s22, s6  }
0xa0: {  	[timem:s10], [sflag:s23] =	dma.local [hbm:s8], s21  }
0xa1: {  	_ =	swait.ge [sflag:s23], s21  }
0xa2: {  	s7 =	ssub.s32 $0x0, s21;
	[sflag:s23] =	ssyncset.done $0x0  }
0xa3: {  	[sflag:s23] =	ssyncadd.s32 s7;
	_ =	sdelay $0x1  }
0xa4: {  	s24 =	simm.s32 $0x1B8B  }
0xa5: {  	_ =	swait.ge [sflag:s24], $0x1  }
0xa6: {  	[sflag:s24] =	ssyncset.done $0x0  }
0xa7: {  	s25 =	simm.s32 $0x1B8E;
	[sflag:s24] =	ssyncadd.s32 $0xFFFFFFFF  }
0xa8: {  	s26 =	simm.s32 $execute0_lowered;
	[smem:$0x3FD2] =	sst s25  }
0xa9: {  	s7 =	sshll.u32 s26, $0x1;
	_ =	strace $0x80000046;
	[dreg:$0x1] =	wrdreg $0xFFFFFFFF  }
0xaa: {  	s28 =	simm.s32 $_size_execute0_lowered;
	s6 =	sadd.s32 s6, s7;
	[dreg:$0x0] =	wrdreg $0x0  }
0xab: {  	s7 =	sshll.u32 s28, $0x1;
	[dreg:$0x2] =	wrdreg s6  }
0xac: {  	[dreg:$0x3] =	wrdreg s7  }
0xad: {  	[dreg:$0x4] =	wrdreg $0xC0  }
0xae: {  	_ =	task [dreg:s10], $0x5FFFF  }
0xaf: {  	[dreg:$0x1] =	wrdreg $0xFFFFFFFF  }
0xb0: {  	[dreg:$0x0] =	wrdreg $0x60  }
0xb1: {  	[dreg:$0x2] =	wrdreg s2  }
0xb2: {  	[dreg:$0x3] =	wrdreg s19  }
0xb3: {  	[dreg:$0x4] =	wrdreg s4  }
0xb4: {  	[dreg:$0x5] =	wrdreg s5  }
0xb5: {  	[dreg:$0x6] =	wrdreg $0x9  }
0xb6: {  	_ =	task.clear_ibuf [dreg:s10], $0x7FFFF;
	_ =	strace $0x90000046  }
0xb7: {  	s29 =	simm.s32 $0x9;
	_ =	strace $0x80000048  }
0xb8: {  	_ =	swait.ge [sflag:s29], $0x1  }
0xb9: {  	[sflag:s29] =	ssyncadd.s32 $0xFFFFFFFF  }
0xba: {  	_ =	strace $0x90000048  }
0xbb: {  	_ =	sfence  }
0xbc: {  	s30 =	sld [smem:$0x0];
	_ =	sdelay $0x2  }
0xbd: {  	s31 =	sshll.u32 s1, $0xD;
	s1 =	sshrl.u32 s1, $0x2  }
0xbe: {  	s3 =	sand.u32 $0x4000, s31;
	s1 =	sadd.s32 s1, s30  }
0xbf: {  	s0 =	sor.u32 s3, s0;
	s1 =	sshll.u32 s1, $0x11  }
0xc0: {  	s0 =	sor.u32 s1, s0  }
0xc1: {  	s0 =	sadd.s32 $0x8F2B, s0  }
0xc2: {  	[sflag:s0] =	ssyncadd.remote.s32 $0x1  }
0xc3: {  	_ =	sfence.sel $0xFFFF  }
0xc4: {  	[dreg:$0x0] =	wrdreg $0xFFFFFFFF;
	(pc) =	sbr.abs _section_cstart, $3  }
0xc5: {  	[dreg:$0x1] =	wrdreg $0xFFFFFFFF  }
0xc6: {  	_ =	task.clear_ibuf [dreg:s10], $0x2FFFF;
	_ =	strace $0x9FFFFFFF  }
0xc7: {  	(tm) =	ssettm $0x7FFFFFFF  }
tec
execute0_lowered:
.L_overlay_start_1:
0x0: {  	(tag) =	ssettag $0x1  }
0x1: {  	s0 =	srdreg.scid;
	s9 =	stileid.u32  }
0x2: {  	s0 =	sand.u32 $0x1, s0;
	s1 =	sshll.u32 s9, $0x1  }
0x3: {  	s2 =	sor.u32 s0, s1  }
0x4: {  	s3 =	rddreg [dreg:$0x0];
	s1 =	smul.u32 $0xF43, s2  }
0x5: {  	s4 =	rddreg [dreg:$0x1]  }
0x6: {  	s5 =	rddreg [dreg:$0x2];
	s6 =	smin.u32 s1, $0x1D905  }
0x7: {  	s0 =	ssub.s32 $0x2, s0;
	s1 =	simm.s32 $0x0;
	s6 =	sshll.u32 s6, $0x1  }
0x8: {  	[smem:$0x7FF] =	sst s1;
	s19 =	sadd.s32 $0x370, s6;
	s18 =	sadd.s32 s3, s6  }
0x9: {  	s7 =	sshrl.u32 s0, $0x1;
	s8 =	sadd.s32 s3, s19;
	[dreg:$0x17] =	wrdreg s18  }
0xa: {  	s0 =	ssub.s32 s0, s7;
	s20 =	sadd.s32 s4, s19;
	[dreg:$0x5] =	wrdreg s8  }
0xb: {  	s21 =	sadd.s32 $0x6E0, s6;
	s7 =	sadd.s32 s5, s19;
	[dreg:$0x6] =	wrdreg s20  }
0xc: {  	s22 =	sadd.s32 s3, s21;
	[dreg:$0x7] =	wrdreg s7  }
0xd: {  	s23 =	sadd.s32 $0xA50, s6;
	s10 =	sadd.s32 s4, s21;
	[dreg:$0x8] =	wrdreg s22  }
0xe: {  	s24 =	sadd.s32 s3, s23;
	[dreg:$0x9] =	wrdreg s10  }
0xf: {  	s26 =	sadd.s32 $0xDC0, s6;
	s25 =	sadd.s32 s4, s23;
	[dreg:$0xb] =	wrdreg s24  }
0x10: {  	s12 =	sadd.s32 $0x1130, s6;
	s11 =	sadd.s32 s4, s26;
	[dreg:$0xc] =	wrdreg s25  }
0x11: {  	s9 =	sshll.u32 s9, $0xE;
	s13 =	sadd.s32 s3, s12;
	[dreg:$0xf] =	wrdreg s11  }
0x12: {  	s15 =	sadd.s32 $0x14A0, s6;
	s14 =	sadd.s32 s4, s12;
	[dreg:$0x11] =	wrdreg s13  }
0x13: {  	s2 =	sshll.u32 s2, $0x5;
	s16 =	sadd.s32 s3, s15;
	[dreg:$0x12] =	wrdreg s14  }
0x14: {  	s2 =	sor.u32 s9, s2;
	s17 =	sadd.s32 s4, s15;
	[dreg:$0x14] =	wrdreg s16  }
0x15: {  	s9 =	simm.s32 $0x15C80;
	s19 =	sadd.s32 s4, s6;
	[dreg:$0x15] =	wrdreg s17  }
0x16: {  	s2 =	sand.u32 $0x38060, s2;
	s28 =	smax.u32 s0, $0x1;
	[dreg:$0x18] =	wrdreg s19  }
0x17: {  	s8 =	sadd.s32 s5, s21;
	s7 =	sadd.s32 s5, s23;
	s22 =	rddreg [dreg:$0x3]  }
0x18: {  	s10 =	sadd.s32 s3, s26;
	s20 =	sadd.s32 s5, s6;
	[dreg:$0xa] =	wrdreg s8  }
0x19: {  	s21 =	sadd.s32 $0x1810, s6;
	s6 =	sadd.s32 $0x1B16, s6;
	[dreg:$0xd] =	wrdreg s7  }
0x1a: {  	s11 =	simm.s32 $0x3;
	[dreg:$0xe] =	wrdreg s10;
	s7 =	sadd.s32 s5, s26  }
0x1b: {  	v0 =	vimm.s32 $0xFFEDCBA9;
	v1 =	vimm.s32 $0x87654321;
	s8 =	sadd.s32 s5, s12;
	[dreg:$0x19] =	wrdreg s20;
	s23 =	sadd.s32 s3, s21  }
0x1c: {  	v0 =	vunpack.c.l.s4.s8 v0;
	v1 =	vunpack.c.l.s4.s8 v1;
	s24 =	sadd.s32 s4, s21;
	s25 =	sadd.s32 s5, s21;
	s26 =	sadd.s32 s3, s6  }
0x1d: {  	s29 =	sadd.s32 s4, s6;
	s30 =	sadd.s32 s5, s6;
	s31 =	sadd.s32 s22, s2  }
0x1e: {  	v0 =	vunpack.c.0.s8.s32 v0;
	v1 =	vunpack.c.0.s8.s32 v1;
	s2 =	simm.s32 $0x3700;
	s3 =	simm.s32 $0x6E00;
	s4 =	simm.s32 $0x1B80  }
0x1f: {  	s6 =	simm.s32 $0x8980;
	s10 =	simm.s32 $0x2;
	[dreg:$0x10] =	wrdreg s7  }
0x20: {  	v1 =	vcombine.low v1, v0;
	s12 =	simm.s32 $0x0;
	[dreg:$0x13] =	wrdreg s8;
	s7 =	sadd.s32 s5, s15  }
0x21: {  	v2 =	vimm.s32 $0x1;
	vm0 =	vcmask $0x3B00;
	s0 =	sadd.s32 $0x10, s31;
	s5 =	simm.s32 $0x5280;
	[dreg:$0x16] =	wrdreg s7  }
0x22: {  	v2 =	vsel vm0, $0x0, v2;
	v0 =	vimm.s32 $0xFFFFFFFF;
	v1 =	vand.u32 $0xF, v1;
	s8 =	simm.s32 $0xDC00;
	s7 =	simm.s32 $0x1;
	_ =	strace $0x80000047  }
.LBB2_1:
0x23: {  	s13 =	rddreg [dreg:$0x17]  }
0x24: {  	[tilespmem:s1], [sflag:$0x1] =	stream.linear.gather [hbm4b:s13+s1], $0x1B80, $0x38;
	[tilespmem:$0x1DD00] =	vst v63  }
0x25: {  	s21 =	rddreg [dreg:$0x18]  }
0x26: {  	[tilespmem:s2], [sflag:$0x1] =	stream.linear.gather [hbm4b:s21+s1], $0x1B80, $0x38;
	[tilespmem:$0x1DD00] =	vst v63  }
0x27: {  	s22 =	rddreg [dreg:$0x19];
	s14 =	simm.s32 $0x200;
	s13 =	simm.s32 $0x0  }
0x28: {  	[tilespmem:s3], [sflag:$0x1] =	stream.linear.gather [hbm4b:s22+s1], $0x1B80, $0x38;
	[tilespmem:$0x1DD00] =	vst v63  }
.LBB2_2:
0x29: {  	p0 =	sne.s32 s14, $0x20000;
	[tilespmem:s13+$0x15CF0] =	vst v0  }
0x2a: {  	[tilespmem:s13+$0xDC00] =	vst v0  }
0x2b: {  	[tilespmem:s13+$0x15C80] =	vst v0  }
0x2c: {  	[tilespmem:s13+$0xDC10] =	vst v0  }
0x2d: {  	[tilespmem:s13+$0x15C90] =	vst v0  }
0x2e: {  	[tilespmem:s13+$0xDC20] =	vst v0  }
0x2f: {  	[tilespmem:s13+$0x15CA0] =	vst v0  }
0x30: {  	[tilespmem:s13+$0xDC30] =	vst v0  }
0x31: {  	[tilespmem:s13+$0x15CB0] =	vst v0  }
0x32: {  	[tilespmem:s13+$0xDC40] =	vst v0  }
0x33: {  	[tilespmem:s13+$0x15CC0] =	vst v0  }
.Ltmp0:
0x34: {  	[tilespmem:s13+$0xDC50] =	vst v0;
	(pc) =	sbr.rel @p0 .LBB2_2-.Ltmp0, $4  }
0x35: {  	[tilespmem:s13+$0x15CD0] =	vst v0  }
0x36: {  	[tilespmem:s13+$0xDC60] =	vst v0  }
0x37: {  	[tilespmem:s13+$0x15CE0] =	vst v0  }
0x38: {  	[tilespmem:s13+$0xDC70] =	vst v0;
	s13 =	sshra.s32 s14, $0x2;
	s14 =	sadd.s32 $0x200, s14  }
0x39: {  	[tilespmem:s13+$0x15CF0] =	vst v0  }
0x3a: {  	[tilespmem:s13+$0xDC00] =	vst v0  }
0x3b: {  	[tilespmem:s13+$0x15C80] =	vst v0  }
0x3c: {  	[tilespmem:s13+$0xDC10] =	vst v0  }
0x3d: {  	[tilespmem:s13+$0x15C90] =	vst v0  }
0x3e: {  	[tilespmem:s13+$0xDC20] =	vst v0  }
0x3f: {  	[tilespmem:s13+$0x15CA0] =	vst v0  }
0x40: {  	[tilespmem:s13+$0xDC30] =	vst v0  }
0x41: {  	[tilespmem:s13+$0x15CB0] =	vst v0  }
0x42: {  	[tilespmem:s13+$0xDC40] =	vst v0  }
0x43: {  	[tilespmem:s13+$0x15CC0] =	vst v0  }
0x44: {  	[tilespmem:s13+$0xDC50] =	vst v0  }
0x45: {  	[tilespmem:s13+$0x15CD0] =	vst v0  }
0x46: {  	[tilespmem:s13+$0xDC60] =	vst v0  }
0x47: {  	[tilespmem:s13+$0x15CE0] =	vst v0  }
0x48: {  	[tilespmem:s13+$0xDC70] =	vst v0;
	s15 =	rddreg [dreg:$0x5]  }
0x49: {  	[tilespmem:s4], [sflag:$0x2] =	stream.linear.gather [hbm4b:s15+s1], $0x1B80, $0x38;
	[tilespmem:$0x1DD00] =	vst v63  }
0x4a: {  	s16 =	rddreg [dreg:$0x6]  }
0x4b: {  	[tilespmem:s5], [sflag:$0x2] =	stream.linear.gather [hbm4b:s16+s1], $0x1B80, $0x38;
	[tilespmem:$0x1DD00] =	vst v63  }
0x4c: {  	s17 =	rddreg [dreg:$0x7]  }
0x4d: {  	[tilespmem:s6], [sflag:$0x2] =	stream.linear.gather [hbm4b:s17+s1], $0x1B80, $0x38;
	[tilespmem:$0x1DD00] =	vst v63  }
0x4e: {  	_ =	swait.ge [sflag:s7], $0x1B80  }
0x4f: {  	[sflag:s7] =	ssyncset.done $0x0  }
0x50: {  	[sflag:s7] =	ssyncadd.s32 $0xFFFFE480  }
0x51: {  	_ =	swait.ge [sflag:s7], $0x1B80  }
0x52: {  	[sflag:s7] =	ssyncset.done $0x0  }
0x53: {  	[sflag:s7] =	ssyncadd.s32 $0xFFFFE480  }
0x54: {  	_ =	swait.ge [sflag:s7], $0x1B80  }
0x55: {  	[sflag:s7] =	ssyncset.done $0x0  }
0x56: {  	s18 =	simm.s32 $0x40;
	[sflag:s7] =	ssyncadd.s32 $0xFFFFE480  }
0x57: {  	v3 =	vld [tilespmem:s18+$0xFFFFFFC0]  }
0x58: {  	s14 =	simm.s32 $0x6E40;
	v4 =	vld [tilespmem:s18+$0x20]  }
0x59: {  	v5 =	vld [tilespmem:s14+$0x20]  }
0x5a: {  	v6 =	vld [tilespmem:s18+$0x10]  }
0x5b: {  	v7 =	vld [tilespmem:s14+$0x10]  }
0x5c: {  	v8 =	vld [tilespmem:s18+$0xFFFFFFF0]  }
0x5d: {  	v9 =	vld [tilespmem:s18+$0xFFFFFFE0]  }
0x5e: {  	s15 =	simm.s32 $0x3740;
	v10 =	vld [tilespmem:s14+$0xFFFFFFD0]  }
0x5f: {  	v12 =	vld [tilespmem:s15+$0x30]  }
0x60: {  	v13 =	vld [tilespmem:s14+$0x30]  }
0x61: {  	v14 =	vld [tilespmem:s18+$0x0]  }
0x62: {  	v15 =	vld [tilespmem:s15+$0x20]  }
0x63: {  	v16 =	vld [tilespmem:s18+$0xFFFFFFD0]  }
0x64: {  	v17 =	vld [tilespmem:s15+$0x10]  }
0x65: {  	v18 =	vld [tilespmem:s15+$0x0]  }
0x66: {  	v19 =	vld [tilespmem:s15+$0xFFFFFFF0]  }
0x67: {  	v20 =	vld [tilespmem:s15+$0xFFFFFFE0]  }
0x68: {  	v21 =	vld [tilespmem:s15+$0xFFFFFFD0]  }
0x69: {  	v22 =	vld [tilespmem:s15+$0xFFFFFFC0]  }
0x6a: {  	v23 =	vld [tilespmem:s14+$0xFFFFFFC0]  }
0x6b: {  	v24 =	vld [tilespmem:s14+$0xFFFFFFE0]  }
0x6c: {  	v25 =	vld [tilespmem:s14+$0xFFFFFFF0]  }
0x6d: {  	v26 =	vld [tilespmem:s18+$0x30]  }
0x6e: {  	s19 =	simm.s32 $0xC0;
	v27 =	vld [tilespmem:s14+$0x0]  }
0x6f: {  	v11 =	vld [tilespmem:s19+$0xFFFFFFC0]  }
0x70: {  	s20 =	simm.s32 $0x6EC0;
	v28 =	vld [tilespmem:s19+$0x20]  }
0x71: {  	v29 =	vld [tilespmem:s20+$0x20];
	v15 =	vshll.u32 v15, $0x9  }
0x72: {  	v30 =	vld [tilespmem:s19+$0xFFFFFFE0];
	v5 =	vshll.u32 v5, $0x12;
	v17 =	vshll.u32 v17, $0x9;
	v15 =	vadd.s32 v4, v15  }
0x73: {  	s22 =	simm.s32 $0x140;
	v31 =	vld [tilespmem:s19+$0x0];
	v7 =	vshll.u32 v7, $0x12;
	v5 =	vadd.s32 v5, v15;
	v15 =	vadd.s32 v6, v17  }
0x74: {  	s16 =	simm.s32 $0x6F40;
	v32 =	vld [tilespmem:s22+$0x20];
	v7 =	vadd.s32 v7, v15;
	(xrf1) =	vsort.ascd.msk.u32 $0xffff, v5, v4  }
0x75: {  	v39 =	vld [tilespmem:s16+$0x10];
	s18 =	simm.s32 $0x3840;
	(xrf1) =	vsort.ascd.msk.u32 $0xffff, v7, v6  }
0x76: {  	v53 =	vld [tilespmem:s18+$0x20];
	v20 =	vshll.u32 v20, $0x9  }
0x77: {  	v17 =	vld [tilespmem:s19+$0x10];
	v6 =	vshll.u32 v10, $0x12;
	v10 =	vshll.u32 v18, $0x9;
	v18 =	vshll.u32 v21, $0x9  }
0x78: {  	v5 =	vld [tilespmem:s20+$0x10];
	v4 =	vshll.u32 v12, $0x9;
	v12 =	vshll.u32 v19, $0x9;
	v18 =	vadd.s32 v16, v18  }
0x79: {  	s21 =	simm.s32 $0x37C0;
	v15 =	vld [tilespmem:s19+$0xFFFFFFF0];
	v12 =	vadd.s32 v8, v12;
	v6 =	vadd.s32 v6, v18;
	v18 =	vshll.u32 v25, $0x12  }
0x7a: {  	v24 =	vshll.u32 v24, $0x12;
	v20 =	vadd.s32 v9, v20;
	v19 =	vld [tilespmem:s21+$0x30];
	(xrf1) =	vsort.ascd.msk.u32 $0xffff, v6, v16;
	v6 =	vadd.s32 v18, v12  }
0x7b: {  	v12 =	vld [tilespmem:s21+$0x20];
	v16 =	vadd.s32 v24, v20;
	(xrf1) =	vsort.ascd.msk.u32 $0xffff, v6, v8  }
0x7c: {  	v22 =	vshll.u32 v22, $0x9;
	(xrf1) =	vsort.ascd.msk.u32 $0xffff, v16, v9;
	v9 =	vld [tilespmem:s21+$0x10]  }
0x7d: {  	v7 =	vld [tilespmem:s20+$0xFFFFFFD0];
	v4 =	vadd.s32 v26, v4;
	v10 =	vadd.s32 v14, v10;
	v6 =	vshll.u32 v27, $0x12  }
0x7e: {  	v21 =	vld [tilespmem:s20+$0x30];
	v18 =	vadd.s32 v3, v22;
	v20 =	vshll.u32 v23, $0x12;
	v6 =	vadd.s32 v6, v10  }
0x7f: {  	v23 =	vld [tilespmem:s20+$0xFFFFFFF0];
	v10 =	vshll.u32 v13, $0x12;
	(xrf1) =	vsort.ascd.msk.u32 $0xffff, v6, v14;
	v6 =	vadd.s32 v20, v18  }
0x80: {  	v13 =	vld [tilespmem:s21+$0x0];
	(xrf1) =	vsort.ascd.msk.u32 $0xffff, v6, v3;
	v3 =	vadd.s32 v10, v4;
	v10 =	vshll.u32 v12, $0x9  }
0x81: {  	v16 =	vshll.u32 v29, $0x12;
	v18 =	vld [tilespmem:s21+$0xFFFFFFC0];
	v10 =	vadd.s32 v28, v10;
	v9 =	vshll.u32 v9, $0x9  }
0x82: {  	v5 =	vshll.u32 v5, $0x12;
	v6 =	vld [tilespmem:s21+$0xFFFFFFF0];
	(xrf1) =	vsort.ascd.msk.u32 $0xffff, v3, v26;
	v10 =	vadd.s32 v16, v10;
	v9 =	vadd.s32 v17, v9;
	v14, v4, _ =	vpop (xrf1)  }
0x83: {  	v3 =	vld [tilespmem:s21+$0xFFFFFFE0];
	v5 =	vadd.s32 v5, v9;
	v20, v27, _ =	vpop (xrf1);
	(xrf1) =	vsort.ascd.msk.u32 $0xffff, v10, v28  }
0x84: {  	v56 =	vshll.u32 v39, $0x12;
	v57 =	vshll.u32 v53, $0x9;
	v12 =	vld [tilespmem:s21+$0xFFFFFFD0];
	(xrf1) =	vsort.ascd.msk.u32 $0xffff, v5, v17  }
0x85: {  	v59 =	vadd.s32 v32, v57;
	v8 =	vld [tilespmem:s19+$0xFFFFFFD0];
	v19 =	vshll.u32 v19, $0x9;
	v22 =	vshrl.u32 v20, $0x9  }
0x86: {  	v21 =	vshll.u32 v21, $0x12;
	v16 =	vld [tilespmem:s20+$0xFFFFFFC0];
	v14 =	vshrl.u32 v14, $0x9;
	v10 =	vperm.xlane v22, v1  }
0x87: {  	v13 =	vshll.u32 v13, $0x9;
	v18 =	vshll.u32 v18, $0x9;
	v28 =	vld [tilespmem:s19+$0x30];
	v9 =	vperm.xlane v14, v1  }
0x88: {  	v6 =	vshll.u32 v6, $0x9;
	v5 =	vshll.u32 v7, $0x12;
	v7 =	vadd.s32 v2, v10;
	v10 =	vld [tilespmem:s20+$0x0]  }
0x89: {  	v12 =	vshll.u32 v12, $0x9;
	v20 =	vld [tilespmem:s20+$0xFFFFFFE0];
	v24 =	vadd.s32 v2, v9;
	v9 =	vshll.u32 v3, $0x9  }
0x8a: {  	v18 =	vadd.s32 v11, v18;
	v6 =	vadd.s32 v15, v6;
	v12 =	vadd.s32 v8, v12  }
0x8b: {  	v38 =	vld [tilespmem:s22+$0x10];
	v16 =	vshll.u32 v16, $0x12;
	v12 =	vadd.s32 v5, v12;
	v5 =	vshll.u32 v23, $0x12;
	v26, v37, _ =	vpop (xrf1)  }
0x8c: {  	v58 =	vld [tilespmem:s18+$0xFFFFFFD0];
	v13 =	vadd.s32 v31, v13;
	v52 =	vadd.s32 v16, v18;
	v36 =	vadd.s32 v5, v6;
	v25, v17, _ =	vpop (xrf1)  }
0x8d: {  	v62 =	vld [tilespmem:s16+$0xFFFFFFD0];
	v29 =	vadd.s32 v30, v9;
	vm1 =	veq.s32 v14, v24;
	v34, v9, _ =	vpop (xrf1);
	v10 =	vshll.u32 v10, $0x12  }
0x8e: {  	v46 =	vld [tilespmem:s18+$0x10];
	(xrf1) =	vsort.ascd.msk.u32 $0xffff, v12, v8;
	v20 =	vshll.u32 v20, $0x12;
	v35, v23, _ =	vpop (xrf1);
	v10 =	vadd.s32 v10, v13;
	v13 =	vadd.s32 v28, v19  }
0x8f: {  	v55 =	vld [tilespmem:s18+$0xFFFFFFE0];
	vm0 =	veq.s32 v22, v7;
	v42 =	vshrl.u32 v25, $0x9;
	v20 =	vadd.s32 v20, v29;
	v40, v5, _ =	vpop (xrf1);
	(xrf1) =	vsort.ascd.msk.u32 $0xffff, v36, v15  }
0x90: {  	v60 =	vld [tilespmem:s18+$0xFFFFFFC0];
	s19 =	simm.s32 $0xA540;
	v41 =	vsel vm1, $0x8000, v14;
	v63 =	vsel vm0, $0x8000, v22;
	v44 =	vperm.xlane v42, v1;
	v24, v8, _ =	vpop (xrf1);
	(xrf1) =	vsort.ascd.msk.u32 $0xffff, v20, v30  }
0x91: {  	v6 =	vld [tilespmem:s22+$0xFFFFFFE0];
	[tilespmem:s19+$0x10] =	vst v63;
	v63 =	vshll.u32 v58, $0x9;
	v25 =	vshrl.u32 v34, $0x9;
	(xrf1) =	vsort.ascd.msk.u32 $0xffff, v10, v31;
	v16, v18, _ =	vpop (xrf1)  }
0x92: {  	v33 =	vld [tilespmem:s16+$0x20];
	s20 =	simm.s32 $0xC0C0;
	v15 =	vshrl.u32 v24, $0x9;
	v21 =	vadd.s32 v21, v13;
	v24 =	vshrl.u32 v16, $0x9;
	v16, v13, _ =	vpop (xrf1);
	(xrf1) =	vsort.ascd.msk.u32 $0xffff, v52, v11  }
0x93: {  	v50 =	vld [tilespmem:s18+$0x0];
	v54 =	vadd.s32 v2, v44;
	[tilespmem:s20+$0x10] =	vst v27;
	v27 =	vshll.u32 v46, $0x9;
	v19 =	vshrl.u32 v26, $0x9  }
0x94: {  	v39 =	vld [tilespmem:s16+$0xFFFFFFC0];
	v34 =	vshll.u32 v55, $0x9;
	v12 =	vshrl.u32 v35, $0x9;
	v49 =	vperm.xlane v19, v1;
	(xrf1) =	vsort.ascd.msk.u32 $0xffff, v21, v28  }
0x95: {  	v3 =	vld [tilespmem:s22+$0xFFFFFFC0];
	v35 =	vshll.u32 v62, $0x12;
	vm1 =	veq.s32 v42, v54;
	v27 =	vadd.s32 v38, v27  }
0x96: {  	v44 =	vadd.s32 v6, v34;
	v34 =	vshll.u32 v60, $0x9;
	v21 =	vld [tilespmem:s18+$0xFFFFFFF0];
	v28 =	vadd.s32 v2, v49  }
0x97: {  	v29 =	vld [tilespmem:s18+$0x30];
	v14 =	vshrl.u32 v40, $0x9;
	v48 =	vperm.xlane v12, v1;
	vm0 =	veq.s32 v19, v28  }
0x98: {  	v30 =	vld [tilespmem:s16+$0x30];
	v40 =	vshll.u32 v50, $0x9;
	v31 =	vperm.xlane v25, v1;
	v19 =	vsel vm0, $0x8000, v19  }
0x99: {  	v7 =	vld [tilespmem:s22+$0xFFFFFFF0];
	v61 =	vsel vm1, $0x8000, v42;
	v27 =	vadd.s32 v56, v27;
	v28 =	vshll.u32 v33, $0x12  }
0x9a: {  	v26 =	vld [tilespmem:s22+$0xFFFFFFD0];
	v45 =	vperm.xlane v14, v1;
	v20 =	vperm.xlane v15, v1;
	v62 =	vadd.s32 v2, v31  }
0x9b: {  	[tilespmem:s19+$0x20] =	vst v41;
	v46 =	vld [tilespmem:s16+$0xFFFFFFF0];
	v22 =	vshrl.u32 v16, $0x9;
	v33 =	vadd.s32 v28, v59;
	v21 =	vshll.u32 v21, $0x9  }
0x9c: {  	v10 =	vld [tilespmem:s22+$0x0];
	v43 =	vperm.xlane v24, v1;
	v47 =	vperm.xlane v22, v1;
	[tilespmem:s19+$0xFFFFFFD0] =	vst v19;
	v28, v19, _ =	vpop (xrf1);
	(xrf1) =	vsort.ascd.msk.u32 $0xffff, v33, v32  }
0x9d: {  	v42 =	vld [tilespmem:s16+$0xFFFFFFE0];
	v41 =	vadd.s32 v2, v45;
	v11 =	vshll.u32 v30, $0x12;
	v16 =	vshll.u32 v29, $0x9;
	v36, v31, _ =	vpop (xrf1);
	(xrf1) =	vsort.ascd.msk.u32 $0xffff, v27, v38  }
0x9e: {  	s13 =	simm.s32 $0xA640;
	s17 =	simm.s32 $0xA5C0;
	s15 =	simm.s32 $0xC140;
	[tilespmem:s19+$0xFFFFFFF0] =	vst v61;
	v29 =	vadd.s32 v2, v43;
	vm0 =	veq.s32 v25, v62;
	v30 =	vadd.s32 v2, v47;
	v27 =	vld [tilespmem:s22+$0x30];
	v33, v32, _ =	vpop (xrf1)  }
0x9f: {  	s14 =	simm.s32 $0xC1C0;
	s21 =	simm.s32 $0x10;
	v47 =	vadd.s32 v26, v63;
	[tilespmem:s20+$0xFFFFFFD0] =	vst v37;
	v37 =	vadd.s32 v2, v48;
	v43 =	vadd.s32 v7, v21;
	v38 =	vld [tilespmem:s16+$0x0];
	s22 =	simm.s32 $0x1C0;
	v45, v21, _ =	vpop (xrf1)  }
.LBB2_4:
0xa0: {  	v48 =	vld [tilespmem:s22+$0xFFFFFFC0];
	s21 =	sadd.s32 $0x8, s21;
	v49 =	vadd.s32 v3, v34;
	v35 =	vadd.s32 v35, v47;
	s18 =	sadd.s32 $0x80, s18;
	s16 =	sadd.s32 $0x80, s16;
	v47, v50, _ =	vpop (xrf1);
	v25 =	vsel vm0, $0x8000, v25;
	[tilespmem:s20+$0xFFFFFFF0] =	vst v17  }
0xa1: {  	v39 =	vshll.u32 v39, $0x12;
	v40 =	vadd.s32 v10, v40;
	vm1 =	veq.s32 v12, v37;
	v34 =	vld [tilespmem:s22+$0x20];
	p0 =	slt.u32 s21, $0x1B0;
	[tilespmem:s20+$0x20] =	vst v4;
	v4 =	vmovc v18  }
0xa2: {  	v52 =	vshll.u32 v42, $0x12;
	v51 =	vld [tilespmem:s16+$0x20];
	v18 =	vshll.u32 v46, $0x12;
	(xrf1) =	vsort.ascd.msk.u32 $0xffff, v35, v26;
	v26, v42, _ =	vpop (xrf1);
	v35 =	vadd.s32 v2, v20  }
0xa3: {  	vm0 =	veq.s32 v22, v30;
	vm2 =	veq.s32 v24, v29;
	v37 =	vld [tilespmem:s22+$0x10];
	v18 =	vadd.s32 v18, v43;
	[tilespmem:s19+$0xFFFFFFE0] =	vst v25  }
0xa4: {  	v17 =	vmovc v31;
	v20 =	vadd.s32 v52, v44;
	v44 =	vsel vm2, $0x8000, v24;
	v25 =	vshrl.u32 v45, $0x9;
	v43 =	vld [tilespmem:s16+$0x10];
	[tilespmem:s20+$0xFFFFFFE0] =	vst v9;
	v9 =	vmovc v32  }
0xa5: {  	v31 =	vshrl.u32 v26, $0x9;
	v32 =	vshrl.u32 v36, $0x9;
	(xrf1) =	vsort.ascd.msk.u32 $0xffff, v18, v7;
	v7 =	vld [tilespmem:s22+$0xFFFFFFF0];
	v18 =	vsel vm1, $0x8000, v12;
	v12 =	vmovc v25  }
0xa6: {  	v24 =	vshll.u32 v38, $0x12;
	v25 =	vshrl.u32 v33, $0x9;
	vm1 =	veq.s32 v14, v41;
	(xrf1) =	vsort.ascd.msk.u32 $0xffff, v20, v6;
	v6 =	vld [tilespmem:s22+$0xFFFFFFE0]  }
0xa7: {  	vm2 =	veq.s32 v15, v35;
	v24 =	vadd.s32 v24, v40;
	v20 =	vperm.xlane v31, v1;
	v30 =	vld [tilespmem:s16+$0xFFFFFFD0];
	[tilespmem:s19+$0x0] =	vst v18  }
0xa8: {  	v33 =	vsel vm0, $0x8000, v22;
	v38 =	vperm.xlane v25, v1;
	v29 =	vld [tilespmem:s18+$0x30];
	(xrf1) =	vsort.ascd.msk.u32 $0xffff, v24, v10;
	v10 =	vshrl.u32 v47, $0x9  }
0xa9: {  	v16 =	vadd.s32 v27, v16;
	v22 =	vsel vm1, $0x8000, v14;
	v24 =	vadd.s32 v39, v49;
	v35 =	vld [tilespmem:s16+$0x30];
	[tilespmem:s20+$0x0] =	vst v23;
	v14 =	vmovc v10  }
0xaa: {  	v49 =	vperm.xlane v12, v1;
	v23 =	vshrl.u32 v28, $0x9;
	v10 =	vld [tilespmem:s22+$0x0];
	(xrf1) =	vsort.ascd.msk.u32 $0xffff, v24, v3;
	v3, v18, _ =	vpop (xrf1);
	v41 =	vperm.xlane v14, v1  }
0xab: {  	v15 =	vsel vm2, $0x8000, v15;
	v47 =	vadd.s32 v11, v16;
	v28 =	vld [tilespmem:s18+$0x20];
	v24 =	vshrl.u32 v3, $0x9;
	v11, v36, _ =	vpop (xrf1);
	[tilespmem:s19+$0xFFFFFFC0] =	vst v22  }
0xac: {  	v26 =	vld [tilespmem:s22+$0xFFFFFFD0];
	v22 =	vshrl.u32 v11, $0x9;
	v39 =	vperm.xlane v24, v1;
	(xrf1) =	vsort.ascd.msk.u32 $0xffff, v47, v27;
	v27 =	vperm.xlane v32, v1  }
0xad: {  	v46 =	vperm.xlane v23, v1;
	v3 =	vmovc v48;
	v40 =	vld [tilespmem:s18+$0x10];
	v16 =	vshll.u32 v29, $0x9;
	v45 =	vperm.xlane v22, v1;
	[tilespmem:s17+$0x10] =	vst v33  }
0xae: {  	v33 =	vld [tilespmem:s18+$0x0];
	v11 =	vshll.u32 v35, $0x12;
	v29 =	vadd.s32 v2, v39;
	v27 =	vadd.s32 v2, v27;
	[tilespmem:s20+$0xFFFFFFC0] =	vst v5;
	v5 =	vmovc v50  }
0xaf: {  	v35 =	vshll.u32 v30, $0x12;
	v39 =	vadd.s32 v2, v46;
	v47 =	vld [tilespmem:s18+$0xFFFFFFF0];
	v30 =	vadd.s32 v2, v45;
	[tilespmem:s19+$0x30] =	vst v15;
	v15 =	vmovc v31;
	s19 =	smov.u32 s17;
	s17 =	smov.u32 s13  }
0xb0: {  	v43 =	vshll.u32 v43, $0x12;
	vm0 =	veq.s32 v23, v39;
	v45 =	vld [tilespmem:s18+$0xFFFFFFE0];
	v53 =	vshll.u32 v28, $0x9;
	v28, v48, _ =	vpop (xrf1);
	[tilespmem:s20+$0x30] =	vst v8;
	s20 =	smov.u32 s15;
	s15 =	smov.u32 s14  }
0xb1: {  	v39 =	vshll.u32 v51, $0x12;
	vm1 =	veq.s32 v32, v27;
	v8 =	vmovc v42;
	v50 =	vld [tilespmem:s18+$0xFFFFFFD0];
	v52 =	vadd.s32 v34, v53;
	[tilespmem:s20+$0x10] =	vst v13  }
0xb2: {  	v42 =	vsel vm0, $0x8000, v23;
	v23 =	vmovc v21;
	v13 =	vmovc v36;
	v51 =	vld [tilespmem:s18+$0xFFFFFFC0];
	v27 =	vshll.u32 v40, $0x9;
	v46 =	vadd.s32 v39, v52;
	[tilespmem:s19+$0x20] =	vst v44  }
.Ltmp1:
0xb3: {  	v52 =	vsel vm1, $0x8000, v32;
	v39 =	vld [tilespmem:s16+$0xFFFFFFC0];
	v40 =	vshll.u32 v33, $0x9;
	v53 =	vadd.s32 v37, v27;
	v36, v31, _ =	vpop (xrf1);
	[tilespmem:s19+$0xFFFFFFD0] =	vst v42;
	(pc) =	sbr.rel @p0 .LBB2_4-.Ltmp1, $4  }
0xb4: {  	v42 =	vld [tilespmem:s16+$0xFFFFFFE0];
	v27 =	vshll.u32 v47, $0x9;
	v47 =	vadd.s32 v43, v53;
	(xrf1) =	vsort.ascd.msk.u32 $0xffff, v46, v34;
	v33, v32, _ =	vpop (xrf1);
	v34 =	vadd.s32 v2, v38  }
0xb5: {  	v38 =	vshll.u32 v45, $0x9;
	v46 =	vld [tilespmem:s16+$0xFFFFFFF0];
	v43 =	vadd.s32 v7, v27;
	(xrf1) =	vsort.ascd.msk.u32 $0xffff, v47, v37;
	vm0 =	veq.s32 v25, v34  }
0xb6: {  	v41 =	vadd.s32 v2, v41;
	v37 =	vshll.u32 v50, $0x9;
	v44 =	vadd.s32 v6, v38;
	v27 =	vld [tilespmem:s22+$0x30];
	v45, v21, _ =	vpop (xrf1);
	[tilespmem:s19+$0xFFFFFFF0] =	vst v52  }
0xb7: {  	s13 =	sadd.s32 $0x80, s13;
	s14 =	sadd.s32 $0x80, s14;
	s22 =	sadd.s32 $0x80, s22;
	v34 =	vshll.u32 v51, $0x9;
	v47 =	vadd.s32 v26, v37;
	v38 =	vld [tilespmem:s16+$0x0];
	[tilespmem:s20+$0xFFFFFFD0] =	vst v19;
	v37 =	vadd.s32 v2, v49;
	v19 =	vmovc v48  }
0xb8: {  	v60 =	vadd.s32 v3, v34  }
0xb9: {  	v61 =	vadd.s32 v35, v47;
	v25 =	vsel vm0, $0x8000, v25;
	[tilespmem:s20+$0x20] =	vst v4;
	v4 =	vshll.u32 v39, $0x12  }
0xba: {  	[tilespmem:s20+$0xFFFFFFF0] =	vst v17;
	v62 =	vadd.s32 v10, v40;
	vm0 =	veq.s32 v12, v37;
	vm1 =	veq.s32 v22, v30  }
0xbb: {  	v47 =	vshrl.u32 v45, $0x9;
	v48 =	vshrl.u32 v28, $0x9;
	v51 =	vshrl.u32 v36, $0x9;
	[tilespmem:s19+$0xFFFFFFE0] =	vst v25  }
0xbc: {  	v63 =	vshll.u32 v42, $0x12;
	(xrf1) =	vsort.ascd.msk.u32 $0xffff, v61, v26;
	v42 =	vadd.s32 v2, v20;
	v22 =	vsel vm1, $0x8000, v22  }
0xbd: {  	v52 =	vperm.xlane v48, v1;
	v4 =	vadd.s32 v4, v60;
	v56 =	vperm.xlane v47, v1;
	[tilespmem:s20+$0xFFFFFFE0] =	vst v9  }
0xbe: {  	v40 =	vshll.u32 v46, $0x12;
	v9 =	vsel vm0, $0x8000, v12;
	vm0 =	veq.s32 v14, v41;
	[tilespmem:s17+$0x10] =	vst v22  }
0xbf: {  	v46 =	vadd.s32 v63, v44;
	vm1 =	veq.s32 v15, v42;
	[tilespmem:s19+$0x0] =	vst v9;
	v14 =	vsel vm0, $0x8000, v14  }
0xc0: {  	v9 =	vadd.s32 v40, v43;
	vm0 =	veq.s32 v24, v29;
	v15 =	vsel vm1, $0x8000, v15;
	[tilespmem:s19+$0xFFFFFFC0] =	vst v14  }
0xc1: {  	v50, v49, _ =	vpop (xrf1);
	v54 =	vadd.s32 v2, v52;
	(xrf1) =	vsort.ascd.msk.u32 $0xffff, v9, v7;
	v7 =	vperm.xlane v51, v1;
	[tilespmem:s19+$0x30] =	vst v15  }
0xc2: {  	v24 =	vsel vm0, $0x8000, v24;
	v9 =	vshll.u32 v38, $0x12;
	vm0 =	veq.s32 v48, v54;
	[tilespmem:s20+$0xFFFFFFC0] =	vst v5  }
0xc3: {  	v5, v53, _ =	vpop (xrf1);
	[tilespmem:s20+$0x30] =	vst v8;
	(xrf1) =	vsort.ascd.msk.u32 $0xffff, v46, v6;
	v8 =	vadd.s32 v9, v62;
	v6 =	vadd.s32 v2, v7  }
0xc4: {  	v7 =	vshrl.u32 v33, $0x9;
	(xrf1) =	vsort.ascd.msk.u32 $0xffff, v8, v10;
	vm1 =	veq.s32 v51, v6;
	v6 =	vsel vm0, $0x8000, v48;
	v10, v55, _ =	vpop (xrf1)  }
0xc5: {  	v9 =	vperm.xlane v7, v1;
	[tilespmem:s17+$0xFFFFFFD0] =	vst v6;
	v6 =	vsel vm1, $0x8000, v51;
	(xrf1) =	vsort.ascd.msk.u32 $0xffff, v4, v3;
	v4, v57, _ =	vpop (xrf1)  }
0xc6: {  	v8 =	vshrl.u32 v50, $0x9;
	[tilespmem:s17+$0xFFFFFFF0] =	vst v6;
	v6 =	vadd.s32 v27, v16;
	v4 =	vshrl.u32 v4, $0x9  }
0xc7: {  	[tilespmem:s15+$0x10] =	vst v13;
	v9 =	vadd.s32 v2, v9;
	v6 =	vadd.s32 v11, v6;
	v11 =	vperm.xlane v4, v1  }
0xc8: {  	[tilespmem:s20+$0x0] =	vst v23;
	v3 =	vperm.xlane v8, v1;
	vm0 =	veq.s32 v7, v9;
	v9 =	vadd.s32 v2, v56  }
0xc9: {  	[tilespmem:s17+$0x20] =	vst v24;
	v7 =	vsel vm0, $0x8000, v7;
	vm0 =	veq.s32 v47, v9;
	v9 =	vadd.s32 v2, v11  }
0xca: {  	v5 =	vshrl.u32 v5, $0x9;
	[tilespmem:s15+$0x20] =	vst v18  }
0xcb: {  	[tilespmem:s17+$0xFFFFFFE0] =	vst v7;
	v3 =	vadd.s32 v2, v3;
	v7 =	vperm.xlane v5, v1  }
0xcc: {  	[tilespmem:s15+$0xFFFFFFD0] =	vst v19;
	(xrf1) =	vsort.ascd.msk.u32 $0xffff, v6, v27;
	v6 =	vsel vm0, $0x8000, v47;
	vm0 =	veq.s32 v8, v3  }
0xcd: {  	[tilespmem:s15+$0xFFFFFFF0] =	vst v31;
	v3 =	vsel vm0, $0x8000, v8;
	v7 =	vadd.s32 v2, v7;
	vm1 =	veq.s32 v4, v9;
	v8, v9, _ =	vpop (xrf1)  }
0xce: {  	[tilespmem:s15+$0xFFFFFFE0] =	vst v32;
	vm0 =	veq.s32 v5, v7;
	v7 =	vshrl.u32 v8, $0x9  }
0xcf: {  	[tilespmem:s17+$0x0] =	vst v6;
	v6 =	vshrl.u32 v10, $0x9;
	v8 =	vperm.xlane v7, v1  }
0xd0: {  	[tilespmem:s17+$0xFFFFFFC0] =	vst v3;
	v3 =	vperm.xlane v6, v1  }
0xd1: {  	[tilespmem:s15+$0x0] =	vst v21;
	v5 =	vsel vm0, $0x8000, v5;
	v4 =	vsel vm1, $0x8000, v4;
	v10, v11, _ =	vpop (xrf1)  }
0xd2: {  	v3 =	vadd.s32 v2, v3;
	[tilespmem:s13+$0x10] =	vst v4;
	v4 =	vshrl.u32 v10, $0x9  }
0xd3: {  	[tilespmem:s15+$0xFFFFFFC0] =	vst v49;
	vm0 =	veq.s32 v6, v3;
	v10 =	vperm.xlane v4, v1  }
0xd4: {  	[tilespmem:s17+$0x30] =	vst v5;
	v6 =	vsel vm0, $0x8000, v6;
	v3 =	vadd.s32 v2, v8;
	v5, v8, _ =	vpop (xrf1)  }
0xd5: {  	[tilespmem:s15+$0x30] =	vst v53;
	v10 =	vadd.s32 v2, v10;
	vm0 =	veq.s32 v7, v3;
	v3 =	vshrl.u32 v5, $0x9  }
0xd6: {  	[tilespmem:s14+$0x10] =	vst v57;
	vm1 =	veq.s32 v4, v10;
	v10 =	vperm.xlane v3, v1  }
0xd7: {  	[tilespmem:s13+$0x20] =	vst v6;
	v4 =	vsel vm1, $0x8000, v4  }
0xd8: {  	[tilespmem:s14+$0x20] =	vst v55;
	v5 =	vsel vm0, $0x8000, v7;
	v6, v7, _ =	vpop (xrf1);
	v10 =	vadd.s32 v2, v10  }
0xd9: {  	[tilespmem:s13+$0xFFFFFFD0] =	vst v5;
	v5 =	vshrl.u32 v6, $0x9  }
0xda: {  	[tilespmem:s13+$0xFFFFFFF0] =	vst v4;
	v4, v6, _ =	vpop (xrf1);
	v58 =	vperm.xlane v5, v1  }
0xdb: {  	[tilespmem:s14+$0xFFFFFFF0] =	vst v11;
	v4 =	vshrl.u32 v4, $0x9;
	vm0 =	veq.s32 v3, v10  }
0xdc: {  	[tilespmem:s14+$0xFFFFFFD0] =	vst v9;
	v11 =	vperm.xlane v4, v1;
	v13 =	vadd.s32 v2, v58;
	v3 =	vsel vm0, $0x8000, v3;
	v9, v10, _ =	vpop (xrf1)  }
0xdd: {  	vm0 =	veq.s32 v5, v13;
	[tilespmem:s13+$0xFFFFFFE0] =	vst v3;
	v9 =	vshrl.u32 v9, $0x9  }
0xde: {  	v11 =	vadd.s32 v2, v11;
	v5 =	vsel vm0, $0x8000, v5;
	[tilespmem:s14+$0xFFFFFFE0] =	vst v8;
	v3 =	vperm.xlane v9, v1  }
0xdf: {  	vm0 =	veq.s32 v4, v11;
	[tilespmem:s13+$0x0] =	vst v5  }
0xe0: {  	v4 =	vsel vm0, $0x8000, v4;
	[tilespmem:s14+$0x0] =	vst v7;
	v3 =	vadd.s32 v2, v3  }
0xe1: {  	[tilespmem:s13+$0xFFFFFFC0] =	vst v4;
	vm0 =	veq.s32 v9, v3  }
0xe2: {  	[tilespmem:s14+$0xFFFFFFC0] =	vst v6;
	v3 =	vsel vm0, $0x8000, v9  }
0xe3: {  	[tilespmem:s13+$0x30] =	vst v3  }
0xe4: {  	s22 =	simm.s32 $0x0;
	[tilespmem:s14+$0x30] =	vst v10  }
0xe5: {  	v3 =	vld [tilespmem:s22+$0xC0E0]  }
0xe6: {  	v7 =	vld [tilespmem:s22+$0xA510]  }
0xe7: {  	v8 =	vld [tilespmem:s22+$0xA500]  }
0xe8: {  	v4 =	vld [tilespmem:s22+$0xA560]  }
0xe9: {  	v9 =	vld [tilespmem:s22+$0xC0D0]  }
0xea: {  	v10 =	vld [tilespmem:s22+$0xA550]  }
0xeb: {  	v11 =	vld [tilespmem:s22+$0xA520]  }
0xec: {  	v12 =	vld [tilespmem:s22+$0xC080]  }
0xed: {  	v59 =	vld [tilespmem:s22+$0xC090]  }
0xee: {  	v61 =	vld [tilespmem:s22+$0xA530]  }
0xef: {  	v15 =	vld.idx.msk [tilespmem:v8+s8+$0x0], $0xffff  }
0xf0: {  	v60 =	vld.idx.msk [tilespmem:v7+s9+$0x0], $0xffff  }
0xf1: {  	v62 =	vld [tilespmem:s22+$0xC0C0]  }
0xf2: {  	v18 =	vld [tilespmem:s22+$0xA540]  }
0xf3: {  	v19 =	vld [tilespmem:s22+$0xC0B0]  }
0xf4: {  	v63 =	vld [tilespmem:s22+$0xC0A0];
	vm0 =	vgt.s32 v15, v12  }
0xf5: {  	v5 =	vld [tilespmem:s22+$0xA570];
	vm1 =	vgt.s32 v60, v59;
	v12 =	vsel vm0, v15, v12  }
0xf6: {  	v6 =	vld [tilespmem:s22+$0xC0F0];
	v13 =	vsel vm1, v60, v59;
	[tilespmem:v8+s8+$0x0] =	vst.idx.msk $0xffff, v12  }
0xf7: {  	[tilespmem:v7+s9+$0x0] =	vst.idx.msk $0xffff, v13  }
0xf8: {  	v7 =	vld.idx.msk [tilespmem:v11+s8+$0x0], $0xffff  }
0xf9: {  	v8 =	vld.idx.msk [tilespmem:v61+s9+$0x0], $0xffff;
	_ =	sdelay $0x3  }
0xfa: {  	vm0 =	vgt.s32 v7, v63  }
0xfb: {  	v7 =	vsel vm0, v7, v63;
	vm0 =	vgt.s32 v8, v19  }
0xfc: {  	[tilespmem:v11+s8+$0x0] =	vst.idx.msk $0xffff, v7;
	v7 =	vsel vm0, v8, v19  }
0xfd: {  	[tilespmem:v61+s9+$0x0] =	vst.idx.msk $0xffff, v7  }
0xfe: {  	v7 =	vld.idx.msk [tilespmem:v18+s8+$0x0], $0xffff  }
0xff: {  	v8 =	vld.idx.msk [tilespmem:v10+s9+$0x0], $0xffff;
	_ =	sdelay $0x3  }
0x100: {  	vm0 =	vgt.s32 v7, v62  }
0x101: {  	v7 =	vsel vm0, v7, v62;
	vm0 =	vgt.s32 v8, v9  }
0x102: {  	[tilespmem:v18+s8+$0x0] =	vst.idx.msk $0xffff, v7;
	v7 =	vsel vm0, v8, v9  }
0x103: {  	[tilespmem:v10+s9+$0x0] =	vst.idx.msk $0xffff, v7  }
0x104: {  	p0 =	por $0x1, $0x1;
	v8 =	vld.idx.msk [tilespmem:v4+s8+$0x0], $0xffff  }
.Ltmp2:
0x105: {  	v7 =	vld.idx.msk [tilespmem:v5+s9+$0x0], $0xffff;
	(pc) =	sbr.rel @!p0 .LBB2_7-.Ltmp2, $2  }
0x106: {  	_ =	sdelay $0x2  }
0x107: {  	s13 =	simm.s32 $0x200;
	vm0 =	vgt.s32 v8, v3  }
.LBB2_6:
0x108: {  	p0 =	sne.s32 s13, $0x6C00;
	v3 =	vsel vm0, v8, v3;
	vm0 =	vgt.s32 v7, v6;
	s14 =	smov.u32 s13;
	s13 =	sadd.s32 $0x200, s13  }
0x109: {  	[tilespmem:v4+s8+$0x0] =	vst.idx.msk $0xffff, v3;
	v3 =	vsel vm0, v7, v6  }
0x10a: {  	s14 =	sshra.s32 s14, $0x2;
	[tilespmem:v5+s9+$0x0] =	vst.idx.msk $0xffff, v3  }
0x10b: {  	v3 =	vld [tilespmem:s14+$0xC0E0]  }
0x10c: {  	v7 =	vld [tilespmem:s14+$0xA510]  }
0x10d: {  	v8 =	vld [tilespmem:s14+$0xA500]  }
0x10e: {  	v4 =	vld [tilespmem:s14+$0xA560]  }
0x10f: {  	v9 =	vld [tilespmem:s14+$0xC0D0]  }
0x110: {  	v10 =	vld [tilespmem:s14+$0xA550]  }
0x111: {  	v11 =	vld [tilespmem:s14+$0xA520]  }
0x112: {  	v12 =	vld [tilespmem:s14+$0xC080]  }
0x113: {  	v6 =	vld [tilespmem:s14+$0xC090]  }
0x114: {  	v13 =	vld.idx.msk [tilespmem:v7+s9+$0x0], $0xffff  }
0x115: {  	v14 =	vld.idx.msk [tilespmem:v8+s8+$0x0], $0xffff  }
0x116: {  	v15 =	vld [tilespmem:s14+$0xA530]  }
0x117: {  	v16 =	vld [tilespmem:s14+$0xC0C0]  }
0x118: {  	v17 =	vld [tilespmem:s14+$0xA540]  }
0x119: {  	v18 =	vld [tilespmem:s14+$0xC0B0]  }
0x11a: {  	vm0 =	vgt.s32 v13, v6;
	v19 =	vld [tilespmem:s14+$0xC0A0]  }
0x11b: {  	vm1 =	vgt.s32 v14, v12;
	v13 =	vsel vm0, v13, v6;
	v5 =	vld [tilespmem:s14+$0xA570]  }
0x11c: {  	v12 =	vsel vm1, v14, v12;
	v6 =	vld [tilespmem:s14+$0xC0F0]  }
0x11d: {  	[tilespmem:v8+s8+$0x0] =	vst.idx.msk $0xffff, v12  }
0x11e: {  	[tilespmem:v7+s9+$0x0] =	vst.idx.msk $0xffff, v13  }
0x11f: {  	v7 =	vld.idx.msk [tilespmem:v11+s8+$0x0], $0xffff  }
0x120: {  	v8 =	vld.idx.msk [tilespmem:v15+s9+$0x0], $0xffff;
	_ =	sdelay $0x4  }
0x121: {  	vm0 =	vgt.s32 v7, v19  }
0x122: {  	v7 =	vsel vm0, v7, v19;
	vm0 =	vgt.s32 v8, v18  }
0x123: {  	[tilespmem:v11+s8+$0x0] =	vst.idx.msk $0xffff, v7;
	v7 =	vsel vm0, v8, v18  }
0x124: {  	[tilespmem:v15+s9+$0x0] =	vst.idx.msk $0xffff, v7  }
0x125: {  	v7 =	vld.idx.msk [tilespmem:v17+s8+$0x0], $0xffff  }
0x126: {  	v8 =	vld.idx.msk [tilespmem:v10+s9+$0x0], $0xffff;
	_ =	sdelay $0x4  }
0x127: {  	vm0 =	vgt.s32 v7, v16  }
0x128: {  	v7 =	vsel vm0, v7, v16;
	vm0 =	vgt.s32 v8, v9  }
0x129: {  	[tilespmem:v17+s8+$0x0] =	vst.idx.msk $0xffff, v7;
	v7 =	vsel vm0, v8, v9  }
0x12a: {  	[tilespmem:v10+s9+$0x0] =	vst.idx.msk $0xffff, v7  }
0x12b: {  	v8 =	vld.idx.msk [tilespmem:v4+s8+$0x0], $0xffff  }
0x12c: {  	v7 =	vld.idx.msk [tilespmem:v5+s9+$0x0], $0xffff  }
.Ltmp3:
0x12d: {  	(pc) =	sbr.rel @p0 .LBB2_6-.Ltmp3, $2  }
0x12e: {  	_ =	sdelay $0x2  }
0x12f: {  	vm0 =	vgt.s32 v8, v3  }
.LBB2_7:
0x130: {  	_ =	sdelay $0x2  }
0x131: {  	v3 =	vsel vm0, v8, v3;
	vm0 =	vgt.s32 v7, v6  }
0x132: {  	[tilespmem:v4+s8+$0x0] =	vst.idx.msk $0xffff, v3;
	v3 =	vsel vm0, v7, v6  }
0x133: {  	s13 =	rddreg [dreg:$0x8];
	[tilespmem:v5+s9+$0x0] =	vst.idx.msk $0xffff, v3  }
0x134: {  	[tilespmem:s1], [sflag:$0x1] =	stream.linear.gather [hbm4b:s13+s1], $0x1B80, $0x38;
	[tilespmem:$0x1DD00] =	vst v63  }
0x135: {  	s16 =	rddreg [dreg:$0x9]  }
0x136: {  	[tilespmem:s2], [sflag:$0x1] =	stream.linear.gather [hbm4b:s16+s1], $0x1B80, $0x38;
	[tilespmem:$0x1DD00] =	vst v63  }
0x137: {  	s17 =	rddreg [dreg:$0xa]  }
0x138: {  	[tilespmem:s3], [sflag:$0x1] =	stream.linear.gather [hbm4b:s17+s1], $0x1B80, $0x38;
	[tilespmem:$0x1DD00] =	vst v63  }
0x139: {  	_ =	swait.ge [sflag:s10], $0x1B80  }
0x13a: {  	[sflag:s10] =	ssyncset.done $0x0  }
0x13b: {  	[sflag:s10] =	ssyncadd.s32 $0xFFFFE480  }
0x13c: {  	_ =	swait.ge [sflag:s10], $0x1B80  }
0x13d: {  	[sflag:s10] =	ssyncset.done $0x0  }
0x13e: {  	[sflag:s10] =	ssyncadd.s32 $0xFFFFE480  }
0x13f: {  	_ =	swait.ge [sflag:s10], $0x1B80  }
0x140: {  	[sflag:s10] =	ssyncset.done $0x0  }
0x141: {  	s18 =	simm.s32 $0x1BC0;
	[sflag:s10] =	ssyncadd.s32 $0xFFFFE480  }
0x142: {  	v3 =	vld [tilespmem:s18+$0xFFFFFFC0]  }
0x143: {  	s14 =	simm.s32 $0x89C0;
	v4 =	vld [tilespmem:s18+$0x20]  }
0x144: {  	v5 =	vld [tilespmem:s14+$0x20]  }
0x145: {  	v6 =	vld [tilespmem:s18+$0x10]  }
0x146: {  	v7 =	vld [tilespmem:s14+$0x10]  }
0x147: {  	v8 =	vld [tilespmem:s18+$0xFFFFFFF0]  }
0x148: {  	v9 =	vld [tilespmem:s18+$0xFFFFFFE0]  }
0x149: {  	s15 =	simm.s32 $0x52C0;
	v10 =	vld [tilespmem:s14+$0xFFFFFFD0]  }
0x14a: {  	v12 =	vld [tilespmem:s15+$0x30]  }
0x14b: {  	v13 =	vld [tilespmem:s14+$0x30]  }
0x14c: {  	v14 =	vld [tilespmem:s18+$0x0]  }
0x14d: {  	v15 =	vld [tilespmem:s15+$0x20]  }
0x14e: {  	v16 =	vld [tilespmem:s18+$0xFFFFFFD0]  }
0x14f: {  	v17 =	vld [tilespmem:s15+$0x10]  }
0x150: {  	v18 =	vld [tilespmem:s15+$0x0]  }
0x151: {  	v19 =	vld [tilespmem:s15+$0xFFFFFFF0]  }
0x152: {  	v20 =	vld [tilespmem:s15+$0xFFFFFFE0]  }
0x153: {  	v21 =	vld [tilespmem:s15+$0xFFFFFFD0]  }
0x154: {  	v22 =	vld [tilespmem:s15+$0xFFFFFFC0]  }
0x155: {  	v23 =	vld [tilespmem:s14+$0xFFFFFFC0]  }
0x156: {  	v24 =	vld [tilespmem:s14+$0xFFFFFFE0]  }
0x157: {  	v25 =	vld [tilespmem:s14+$0xFFFFFFF0]  }
0x158: {  	v26 =	vld [tilespmem:s18+$0x30]  }
0x159: {  	s19 =	simm.s32 $0x1C40;
	v27 =	vld [tilespmem:s14+$0x0]  }
0x15a: {  	v11 =	vld [tilespmem:s19+$0xFFFFFFC0]  }
0x15b: {  	s20 =	simm.s32 $0x8A40;
	v28 =	vld [tilespmem:s19+$0x20]  }
0x15c: {  	v29 =	vld [tilespmem:s20+$0x20];
	v15 =	vshll.u32 v15, $0x9  }
0x15d: {  	v30 =	vld [tilespmem:s19+$0xFFFFFFE0];
	v5 =	vshll.u32 v5, $0x12;
	v17 =	vshll.u32 v17, $0x9;
	v15 =	vadd.s32 v4, v15  }
0x15e: {  	s22 =	simm.s32 $0x1CC0;
	v31 =	vld [tilespmem:s19+$0x0];
	v7 =	vshll.u32 v7, $0x12;
	v5 =	vadd.s32 v5, v15;
	v15 =	vadd.s32 v6, v17  }
0x15f: {  	s16 =	simm.s32 $0x8AC0;
	v32 =	vld [tilespmem:s22+$0x20];
	v7 =	vadd.s32 v7, v15;
	(xrf1) =	vsort.ascd.msk.u32 $0xffff, v5, v4  }
0x160: {  	v39 =	vld [tilespmem:s16+$0x10];
	s18 =	simm.s32 $0x53C0;
	(xrf1) =	vsort.ascd.msk.u32 $0xffff, v7, v6  }
0x161: {  	v53 =	vld [tilespmem:s18+$0x20];
	v20 =	vshll.u32 v20, $0x9  }
0x162: {  	v17 =	vld [tilespmem:s19+$0x10];
	v6 =	vshll.u32 v10, $0x12;
	v10 =	vshll.u32 v18, $0x9;
	v18 =	vshll.u32 v21, $0x9  }
0x163: {  	v5 =	vld [tilespmem:s20+$0x10];
	v4 =	vshll.u32 v12, $0x9;
	v12 =	vshll.u32 v19, $0x9;
	v18 =	vadd.s32 v16, v18  }
0x164: {  	s21 =	simm.s32 $0x5340;
	v15 =	vld [tilespmem:s19+$0xFFFFFFF0];
	v12 =	vadd.s32 v8, v12;
	v6 =	vadd.s32 v6, v18;
	v18 =	vshll.u32 v25, $0x12  }
0x165: {  	v24 =	vshll.u32 v24, $0x12;
	v20 =	vadd.s32 v9, v20;
	v19 =	vld [tilespmem:s21+$0x30];
	(xrf1) =	vsort.ascd.msk.u32 $0xffff, v6, v16;
	v6 =	vadd.s32 v18, v12  }
0x166: {  	v12 =	vld [tilespmem:s21+$0x20];
	v16 =	vadd.s32 v24, v20;
	(xrf1) =	vsort.ascd.msk.u32 $0xffff, v6, v8  }
0x167: {  	v22 =	vshll.u32 v22, $0x9;
	(xrf1) =	vsort.ascd.msk.u32 $0xffff, v16, v9;
	v9 =	vld [tilespmem:s21+$0x10]  }
0x168: {  	v7 =	vld [tilespmem:s20+$0xFFFFFFD0];
	v4 =	vadd.s32 v26, v4;
	v10 =	vadd.s32 v14, v10;
	v6 =	vshll.u32 v27, $0x12  }
0x169: {  	v21 =	vld [tilespmem:s20+$0x30];
	v18 =	vadd.s32 v3, v22;
	v20 =	vshll.u32 v23, $0x12;
	v6 =	vadd.s32 v6, v10  }
0x16a: {  	v23 =	vld [tilespmem:s20+$0xFFFFFFF0];
	v10 =	vshll.u32 v13, $0x12;
	(xrf1) =	vsort.ascd.msk.u32 $0xffff, v6, v14;
	v6 =	vadd.s32 v20, v18  }
0x16b: {  	v13 =	vld [tilespmem:s21+$0x0];
	(xrf1) =	vsort.ascd.msk.u32 $0xffff, v6, v3;
	v3 =	vadd.s32 v10, v4;
	v10 =	vshll.u32 v12, $0x9  }
0x16c: {  	v16 =	vshll.u32 v29, $0x12;
	v18 =	vld [tilespmem:s21+$0xFFFFFFC0];
	v10 =	vadd.s32 v28, v10;
	v9 =	vshll.u32 v9, $0x9  }
0x16d: {  	v5 =	vshll.u32 v5, $0x12;
	v6 =	vld [tilespmem:s21+$0xFFFFFFF0];
	(xrf1) =	vsort.ascd.msk.u32 $0xffff, v3, v26;
	v10 =	vadd.s32 v16, v10;
	v9 =	vadd.s32 v17, v9;
	v14, v4, _ =	vpop (xrf1)  }
0x16e: {  	v3 =	vld [tilespmem:s21+$0xFFFFFFE0];
	v5 =	vadd.s32 v5, v9;
	v20, v27, _ =	vpop (xrf1);
	(xrf1) =	vsort.ascd.msk.u32 $0xffff, v10, v28  }
0x16f: {  	v56 =	vshll.u32 v39, $0x12;
	v57 =	vshll.u32 v53, $0x9;
	v12 =	vld [tilespmem:s21+$0xFFFFFFD0];
	(xrf1) =	vsort.ascd.msk.u32 $0xffff, v5, v17  }
0x170: {  	v59 =	vadd.s32 v32, v57;
	v8 =	vld [tilespmem:s19+$0xFFFFFFD0];
	v19 =	vshll.u32 v19, $0x9;
	v22 =	vshrl.u32 v20, $0x9  }
0x171: {  	v21 =	vshll.u32 v21, $0x12;
	v16 =	vld [tilespmem:s20+$0xFFFFFFC0];
	v14 =	vshrl.u32 v14, $0x9;
	v10 =	vperm.xlane v22, v1  }
0x172: {  	v13 =	vshll.u32 v13, $0x9;
	v18 =	vshll.u32 v18, $0x9;
	v28 =	vld [tilespmem:s19+$0x30];
	v9 =	vperm.xlane v14, v1  }
0x173: {  	v6 =	vshll.u32 v6, $0x9;
	v5 =	vshll.u32 v7, $0x12;
	v7 =	vadd.s32 v2, v10;
	v10 =	vld [tilespmem:s20+$0x0]  }
0x174: {  	v12 =	vshll.u32 v12, $0x9;
	v20 =	vld [tilespmem:s20+$0xFFFFFFE0];
	v24 =	vadd.s32 v2, v9;
	v9 =	vshll.u32 v3, $0x9  }
0x175: {  	v18 =	vadd.s32 v11, v18;
	v6 =	vadd.s32 v15, v6;
	v12 =	vadd.s32 v8, v12  }
0x176: {  	v38 =	vld [tilespmem:s22+$0x10];
	v16 =	vshll.u32 v16, $0x12;
	v12 =	vadd.s32 v5, v12;
	v5 =	vshll.u32 v23, $0x12;
	v26, v37, _ =	vpop (xrf1)  }
0x177: {  	v58 =	vld [tilespmem:s18+$0xFFFFFFD0];
	v13 =	vadd.s32 v31, v13;
	v52 =	vadd.s32 v16, v18;
	v36 =	vadd.s32 v5, v6;
	v25, v17, _ =	vpop (xrf1)  }
0x178: {  	v62 =	vld [tilespmem:s16+$0xFFFFFFD0];
	v29 =	vadd.s32 v30, v9;
	vm1 =	veq.s32 v14, v24;
	v34, v9, _ =	vpop (xrf1);
	v10 =	vshll.u32 v10, $0x12  }
0x179: {  	v46 =	vld [tilespmem:s18+$0x10];
	(xrf1) =	vsort.ascd.msk.u32 $0xffff, v12, v8;
	v20 =	vshll.u32 v20, $0x12;
	v35, v23, _ =	vpop (xrf1);
	v10 =	vadd.s32 v10, v13;
	v13 =	vadd.s32 v28, v19  }
0x17a: {  	v55 =	vld [tilespmem:s18+$0xFFFFFFE0];
	vm0 =	veq.s32 v22, v7;
	v42 =	vshrl.u32 v25, $0x9;
	v20 =	vadd.s32 v20, v29;
	v40, v5, _ =	vpop (xrf1);
	(xrf1) =	vsort.ascd.msk.u32 $0xffff, v36, v15  }
0x17b: {  	v60 =	vld [tilespmem:s18+$0xFFFFFFC0];
	s19 =	simm.s32 $0xA540;
	v41 =	vsel vm1, $0x8000, v14;
	v63 =	vsel vm0, $0x8000, v22;
	v44 =	vperm.xlane v42, v1;
	v24, v8, _ =	vpop (xrf1);
	(xrf1) =	vsort.ascd.msk.u32 $0xffff, v20, v30  }
0x17c: {  	v6 =	vld [tilespmem:s22+$0xFFFFFFE0];
	[tilespmem:s19+$0x10] =	vst v63;
	v63 =	vshll.u32 v58, $0x9;
	v25 =	vshrl.u32 v34, $0x9;
	(xrf1) =	vsort.ascd.msk.u32 $0xffff, v10, v31;
	v16, v18, _ =	vpop (xrf1)  }
0x17d: {  	v33 =	vld [tilespmem:s16+$0x20];
	s20 =	simm.s32 $0xC0C0;
	v15 =	vshrl.u32 v24, $0x9;
	v21 =	vadd.s32 v21, v13;
	v24 =	vshrl.u32 v16, $0x9;
	v16, v13, _ =	vpop (xrf1);
	(xrf1) =	vsort.ascd.msk.u32 $0xffff, v52, v11  }
0x17e: {  	v50 =	vld [tilespmem:s18+$0x0];
	v54 =	vadd.s32 v2, v44;
	[tilespmem:s20+$0x10] =	vst v27;
	v27 =	vshll.u32 v46, $0x9;
	v19 =	vshrl.u32 v26, $0x9  }
0x17f: {  	v39 =	vld [tilespmem:s16+$0xFFFFFFC0];
	v34 =	vshll.u32 v55, $0x9;
	v12 =	vshrl.u32 v35, $0x9;
	v49 =	vperm.xlane v19, v1;
	(xrf1) =	vsort.ascd.msk.u32 $0xffff, v21, v28  }
0x180: {  	v3 =	vld [tilespmem:s22+$0xFFFFFFC0];
	v35 =	vshll.u32 v62, $0x12;
	vm1 =	veq.s32 v42, v54;
	v27 =	vadd.s32 v38, v27  }
0x181: {  	v44 =	vadd.s32 v6, v34;
	v34 =	vshll.u32 v60, $0x9;
	v21 =	vld [tilespmem:s18+$0xFFFFFFF0];
	v28 =	vadd.s32 v2, v49  }
0x182: {  	v29 =	vld [tilespmem:s18+$0x30];
	v14 =	vshrl.u32 v40, $0x9;
	v48 =	vperm.xlane v12, v1;
	vm0 =	veq.s32 v19, v28  }
0x183: {  	v30 =	vld [tilespmem:s16+$0x30];
	v40 =	vshll.u32 v50, $0x9;
	v31 =	vperm.xlane v25, v1;
	v19 =	vsel vm0, $0x8000, v19  }
0x184: {  	v7 =	vld [tilespmem:s22+$0xFFFFFFF0];
	v61 =	vsel vm1, $0x8000, v42;
	v27 =	vadd.s32 v56, v27;
	v28 =	vshll.u32 v33, $0x12  }
0x185: {  	v26 =	vld [tilespmem:s22+$0xFFFFFFD0];
	v45 =	vperm.xlane v14, v1;
	v20 =	vperm.xlane v15, v1;
	v62 =	vadd.s32 v2, v31  }
0x186: {  	[tilespmem:s19+$0x20] =	vst v41;
	v46 =	vld [tilespmem:s16+$0xFFFFFFF0];
	v22 =	vshrl.u32 v16, $0x9;
	v33 =	vadd.s32 v28, v59;
	v21 =	vshll.u32 v21, $0x9  }
0x187: {  	v10 =	vld [tilespmem:s22+$0x0];
	v43 =	vperm.xlane v24, v1;
	v47 =	vperm.xlane v22, v1;
	[tilespmem:s19+$0xFFFFFFD0] =	vst v19;
	v28, v19, _ =	vpop (xrf1);
	(xrf1) =	vsort.ascd.msk.u32 $0xffff, v33, v32  }
0x188: {  	v42 =	vld [tilespmem:s16+$0xFFFFFFE0];
	v41 =	vadd.s32 v2, v45;
	v11 =	vshll.u32 v30, $0x12;
	v16 =	vshll.u32 v29, $0x9;
	v36, v31, _ =	vpop (xrf1);
	(xrf1) =	vsort.ascd.msk.u32 $0xffff, v27, v38  }
0x189: {  	s13 =	simm.s32 $0xA640;
	s17 =	simm.s32 $0xA5C0;
	s15 =	simm.s32 $0xC140;
	[tilespmem:s19+$0xFFFFFFF0] =	vst v61;
	v29 =	vadd.s32 v2, v43;
	vm0 =	veq.s32 v25, v62;
	v30 =	vadd.s32 v2, v47;
	v27 =	vld [tilespmem:s22+$0x30];
	v33, v32, _ =	vpop (xrf1)  }
0x18a: {  	s14 =	simm.s32 $0xC1C0;
	s21 =	simm.s32 $0x10;
	v47 =	vadd.s32 v26, v63;
	[tilespmem:s20+$0xFFFFFFD0] =	vst v37;
	v37 =	vadd.s32 v2, v48;
	v43 =	vadd.s32 v7, v21;
	v38 =	vld [tilespmem:s16+$0x0];
	s22 =	simm.s32 $0x1D40;
	v45, v21, _ =	vpop (xrf1)  }
.LBB2_8:
0x18b: {  	v48 =	vld [tilespmem:s22+$0xFFFFFFC0];
	s21 =	sadd.s32 $0x8, s21;
	v49 =	vadd.s32 v3, v34;
	v35 =	vadd.s32 v35, v47;
	s18 =	sadd.s32 $0x80, s18;
	s16 =	sadd.s32 $0x80, s16;
	v47, v50, _ =	vpop (xrf1);
	v25 =	vsel vm0, $0x8000, v25;
	[tilespmem:s20+$0xFFFFFFF0] =	vst v17  }
0x18c: {  	v39 =	vshll.u32 v39, $0x12;
	v40 =	vadd.s32 v10, v40;
	vm1 =	veq.s32 v12, v37;
	v34 =	vld [tilespmem:s22+$0x20];
	p0 =	slt.u32 s21, $0x1B0;
	[tilespmem:s20+$0x20] =	vst v4;
	v4 =	vmovc v18  }
0x18d: {  	v52 =	vshll.u32 v42, $0x12;
	v51 =	vld [tilespmem:s16+$0x20];
	v18 =	vshll.u32 v46, $0x12;
	(xrf1) =	vsort.ascd.msk.u32 $0xffff, v35, v26;
	v26, v42, _ =	vpop (xrf1);
	v35 =	vadd.s32 v2, v20  }
0x18e: {  	vm0 =	veq.s32 v22, v30;
	vm2 =	veq.s32 v24, v29;
	v37 =	vld [tilespmem:s22+$0x10];
	v18 =	vadd.s32 v18, v43;
	[tilespmem:s19+$0xFFFFFFE0] =	vst v25  }
0x18f: {  	v17 =	vmovc v31;
	v20 =	vadd.s32 v52, v44;
	v44 =	vsel vm2, $0x8000, v24;
	v25 =	vshrl.u32 v45, $0x9;
	v43 =	vld [tilespmem:s16+$0x10];
	[tilespmem:s20+$0xFFFFFFE0] =	vst v9;
	v9 =	vmovc v32  }
0x190: {  	v31 =	vshrl.u32 v26, $0x9;
	v32 =	vshrl.u32 v36, $0x9;
	(xrf1) =	vsort.ascd.msk.u32 $0xffff, v18, v7;
	v7 =	vld [tilespmem:s22+$0xFFFFFFF0];
	v18 =	vsel vm1, $0x8000, v12;
	v12 =	vmovc v25  }
0x191: {  	v24 =	vshll.u32 v38, $0x12;
	v25 =	vshrl.u32 v33, $0x9;
	vm1 =	veq.s32 v14, v41;
	(xrf1) =	vsort.ascd.msk.u32 $0xffff, v20, v6;
	v6 =	vld [tilespmem:s22+$0xFFFFFFE0]  }
0x192: {  	vm2 =	veq.s32 v15, v35;
	v24 =	vadd.s32 v24, v40;
	v20 =	vperm.xlane v31, v1;
	v30 =	vld [tilespmem:s16+$0xFFFFFFD0];
	[tilespmem:s19+$0x0] =	vst v18  }
0x193: {  	v33 =	vsel vm0, $0x8000, v22;
	v38 =	vperm.xlane v25, v1;
	v29 =	vld [tilespmem:s18+$0x30];
	(xrf1) =	vsort.ascd.msk.u32 $0xffff, v24, v10;
	v10 =	vshrl.u32 v47, $0x9  }
0x194: {  	v16 =	vadd.s32 v27, v16;
	v22 =	vsel vm1, $0x8000, v14;
	v24 =	vadd.s32 v39, v49;
	v35 =	vld [tilespmem:s16+$0x30];
	[tilespmem:s20+$0x0] =	vst v23;
	v14 =	vmovc v10  }
0x195: {  	v49 =	vperm.xlane v12, v1;
	v23 =	vshrl.u32 v28, $0x9;
	v10 =	vld [tilespmem:s22+$0x0];
	(xrf1) =	vsort.ascd.msk.u32 $0xffff, v24, v3;
	v3, v18, _ =	vpop (xrf1);
	v41 =	vperm.xlane v14, v1  }
0x196: {  	v15 =	vsel vm2, $0x8000, v15;
	v47 =	vadd.s32 v11, v16;
	v28 =	vld [tilespmem:s18+$0x20];
	v24 =	vshrl.u32 v3, $0x9;
	v11, v36, _ =	vpop (xrf1);
	[tilespmem:s19+$0xFFFFFFC0] =	vst v22  }
0x197: {  	v26 =	vld [tilespmem:s22+$0xFFFFFFD0];
	v22 =	vshrl.u32 v11, $0x9;
	v39 =	vperm.xlane v24, v1;
	(xrf1) =	vsort.ascd.msk.u32 $0xffff, v47, v27;
	v27 =	vperm.xlane v32, v1  }
0x198: {  	v46 =	vperm.xlane v23, v1;
	v3 =	vmovc v48;
	v40 =	vld [tilespmem:s18+$0x10];
	v16 =	vshll.u32 v29, $0x9;
	v45 =	vperm.xlane v22, v1;
	[tilespmem:s17+$0x10] =	vst v33  }
0x199: {  	v33 =	vld [tilespmem:s18+$0x0];
	v11 =	vshll.u32 v35, $0x12;
	v29 =	vadd.s32 v2, v39;
	v27 =	vadd.s32 v2, v27;
	[tilespmem:s20+$0xFFFFFFC0] =	vst v5;
	v5 =	vmovc v50  }
0x19a: {  	v35 =	vshll.u32 v30, $0x12;
	v39 =	vadd.s32 v2, v46;
	v47 =	vld [tilespmem:s18+$0xFFFFFFF0];
	v30 =	vadd.s32 v2, v45;
	[tilespmem:s19+$0x30] =	vst v15;
	v15 =	vmovc v31;
	s19 =	smov.u32 s17;
	s17 =	smov.u32 s13  }
0x19b: {  	v43 =	vshll.u32 v43, $0x12;
	vm0 =	veq.s32 v23, v39;
	v45 =	vld [tilespmem:s18+$0xFFFFFFE0];
	v53 =	vshll.u32 v28, $0x9;
	v28, v48, _ =	vpop (xrf1);
	[tilespmem:s20+$0x30] =	vst v8;
	s20 =	smov.u32 s15;
	s15 =	smov.u32 s14  }
0x19c: {  	v39 =	vshll.u32 v51, $0x12;
	vm1 =	veq.s32 v32, v27;
	v8 =	vmovc v42;
	v50 =	vld [tilespmem:s18+$0xFFFFFFD0];
	v52 =	vadd.s32 v34, v53;
	[tilespmem:s20+$0x10] =	vst v13  }
0x19d: {  	v42 =	vsel vm0, $0x8000, v23;
	v23 =	vmovc v21;
	v13 =	vmovc v36;
	v51 =	vld [tilespmem:s18+$0xFFFFFFC0];
	v27 =	vshll.u32 v40, $0x9;
	v46 =	vadd.s32 v39, v52;
	[tilespmem:s19+$0x20] =	vst v44  }
.Ltmp4:
0x19e: {  	v52 =	vsel vm1, $0x8000, v32;
	v39 =	vld [tilespmem:s16+$0xFFFFFFC0];
	v40 =	vshll.u32 v33, $0x9;
	v53 =	vadd.s32 v37, v27;
	v36, v31, _ =	vpop (xrf1);
	[tilespmem:s19+$0xFFFFFFD0] =	vst v42;
	(pc) =	sbr.rel @p0 .LBB2_8-.Ltmp4, $4  }
0x19f: {  	v42 =	vld [tilespmem:s16+$0xFFFFFFE0];
	v27 =	vshll.u32 v47, $0x9;
	v47 =	vadd.s32 v43, v53;
	(xrf1) =	vsort.ascd.msk.u32 $0xffff, v46, v34;
	v33, v32, _ =	vpop (xrf1);
	v34 =	vadd.s32 v2, v38  }
0x1a0: {  	v38 =	vshll.u32 v45, $0x9;
	v46 =	vld [tilespmem:s16+$0xFFFFFFF0];
	v43 =	vadd.s32 v7, v27;
	(xrf1) =	vsort.ascd.msk.u32 $0xffff, v47, v37;
	vm0 =	veq.s32 v25, v34  }
0x1a1: {  	v41 =	vadd.s32 v2, v41;
	v37 =	vshll.u32 v50, $0x9;
	v44 =	vadd.s32 v6, v38;
	v27 =	vld [tilespmem:s22+$0x30];
	v45, v21, _ =	vpop (xrf1);
	[tilespmem:s19+$0xFFFFFFF0] =	vst v52  }
0x1a2: {  	s13 =	sadd.s32 $0x80, s13;
	s14 =	sadd.s32 $0x80, s14;
	s22 =	sadd.s32 $0x80, s22;
	v34 =	vshll.u32 v51, $0x9;
	v47 =	vadd.s32 v26, v37;
	v38 =	vld [tilespmem:s16+$0x0];
	[tilespmem:s20+$0xFFFFFFD0] =	vst v19;
	v37 =	vadd.s32 v2, v49;
	v19 =	vmovc v48  }
0x1a3: {  	v60 =	vadd.s32 v3, v34  }
0x1a4: {  	v61 =	vadd.s32 v35, v47;
	v25 =	vsel vm0, $0x8000, v25;
	[tilespmem:s20+$0x20] =	vst v4;
	v4 =	vshll.u32 v39, $0x12  }
0x1a5: {  	[tilespmem:s20+$0xFFFFFFF0] =	vst v17;
	v62 =	vadd.s32 v10, v40;
	vm0 =	veq.s32 v12, v37;
	vm1 =	veq.s32 v22, v30  }
0x1a6: {  	v47 =	vshrl.u32 v45, $0x9;
	v48 =	vshrl.u32 v28, $0x9;
	v51 =	vshrl.u32 v36, $0x9;
	[tilespmem:s19+$0xFFFFFFE0] =	vst v25  }
0x1a7: {  	v63 =	vshll.u32 v42, $0x12;
	(xrf1) =	vsort.ascd.msk.u32 $0xffff, v61, v26;
	v42 =	vadd.s32 v2, v20;
	v22 =	vsel vm1, $0x8000, v22  }
0x1a8: {  	v52 =	vperm.xlane v48, v1;
	v4 =	vadd.s32 v4, v60;
	v56 =	vperm.xlane v47, v1;
	[tilespmem:s20+$0xFFFFFFE0] =	vst v9  }
0x1a9: {  	v40 =	vshll.u32 v46, $0x12;
	v9 =	vsel vm0, $0x8000, v12;
	vm0 =	veq.s32 v14, v41;
	[tilespmem:s17+$0x10] =	vst v22  }
0x1aa: {  	v46 =	vadd.s32 v63, v44;
	vm1 =	veq.s32 v15, v42;
	[tilespmem:s19+$0x0] =	vst v9;
	v14 =	vsel vm0, $0x8000, v14  }
0x1ab: {  	v9 =	vadd.s32 v40, v43;
	vm0 =	veq.s32 v24, v29;
	v15 =	vsel vm1, $0x8000, v15;
	[tilespmem:s19+$0xFFFFFFC0] =	vst v14  }
0x1ac: {  	v50, v49, _ =	vpop (xrf1);
	v54 =	vadd.s32 v2, v52;
	(xrf1) =	vsort.ascd.msk.u32 $0xffff, v9, v7;
	v7 =	vperm.xlane v51, v1;
	[tilespmem:s19+$0x30] =	vst v15  }
0x1ad: {  	v24 =	vsel vm0, $0x8000, v24;
	v9 =	vshll.u32 v38, $0x12;
	vm0 =	veq.s32 v48, v54;
	[tilespmem:s20+$0xFFFFFFC0] =	vst v5  }
0x1ae: {  	v5, v53, _ =	vpop (xrf1);
	[tilespmem:s20+$0x30] =	vst v8;
	(xrf1) =	vsort.ascd.msk.u32 $0xffff, v46, v6;
	v8 =	vadd.s32 v9, v62;
	v6 =	vadd.s32 v2, v7  }
0x1af: {  	v7 =	vshrl.u32 v33, $0x9;
	(xrf1) =	vsort.ascd.msk.u32 $0xffff, v8, v10;
	vm1 =	veq.s32 v51, v6;
	v6 =	vsel vm0, $0x8000, v48;
	v10, v55, _ =	vpop (xrf1)  }
0x1b0: {  	v9 =	vperm.xlane v7, v1;
	[tilespmem:s17+$0xFFFFFFD0] =	vst v6;
	v6 =	vsel vm1, $0x8000, v51;
	(xrf1) =	vsort.ascd.msk.u32 $0xffff, v4, v3;
	v4, v57, _ =	vpop (xrf1)  }
0x1b1: {  	v8 =	vshrl.u32 v50, $0x9;
	[tilespmem:s17+$0xFFFFFFF0] =	vst v6;
	v6 =	vadd.s32 v27, v16;
	v4 =	vshrl.u32 v4, $0x9  }
0x1b2: {  	[tilespmem:s15+$0x10] =	vst v13;
	v9 =	vadd.s32 v2, v9;
	v6 =	vadd.s32 v11, v6;
	v11 =	vperm.xlane v4, v1  }
0x1b3: {  	[tilespmem:s20+$0x0] =	vst v23;
	v3 =	vperm.xlane v8, v1;
	vm0 =	veq.s32 v7, v9;
	v9 =	vadd.s32 v2, v56  }
0x1b4: {  	[tilespmem:s17+$0x20] =	vst v24;
	v7 =	vsel vm0, $0x8000, v7;
	vm0 =	veq.s32 v47, v9;
	v9 =	vadd.s32 v2, v11  }
0x1b5: {  	v5 =	vshrl.u32 v5, $0x9;
	[tilespmem:s15+$0x20] =	vst v18  }
0x1b6: {  	[tilespmem:s17+$0xFFFFFFE0] =	vst v7;
	v3 =	vadd.s32 v2, v3;
	v7 =	vperm.xlane v5, v1  }
0x1b7: {  	[tilespmem:s15+$0xFFFFFFD0] =	vst v19;
	(xrf1) =	vsort.ascd.msk.u32 $0xffff, v6, v27;
	v6 =	vsel vm0, $0x8000, v47;
	vm0 =	veq.s32 v8, v3  }
0x1b8: {  	[tilespmem:s15+$0xFFFFFFF0] =	vst v31;
	v3 =	vsel vm0, $0x8000, v8;
	v7 =	vadd.s32 v2, v7;
	vm1 =	veq.s32 v4, v9;
	v8, v9, _ =	vpop (xrf1)  }
0x1b9: {  	[tilespmem:s15+$0xFFFFFFE0] =	vst v32;
	vm0 =	veq.s32 v5, v7;
	v7 =	vshrl.u32 v8, $0x9  }
0x1ba: {  	[tilespmem:s17+$0x0] =	vst v6;
	v6 =	vshrl.u32 v10, $0x9;
	v8 =	vperm.xlane v7, v1  }
0x1bb: {  	[tilespmem:s17+$0xFFFFFFC0] =	vst v3;
	v3 =	vperm.xlane v6, v1  }
0x1bc: {  	[tilespmem:s15+$0x0] =	vst v21;
	v5 =	vsel vm0, $0x8000, v5;
	v4 =	vsel vm1, $0x8000, v4;
	v10, v11, _ =	vpop (xrf1)  }
0x1bd: {  	v3 =	vadd.s32 v2, v3;
	[tilespmem:s13+$0x10] =	vst v4;
	v4 =	vshrl.u32 v10, $0x9  }
0x1be: {  	[tilespmem:s15+$0xFFFFFFC0] =	vst v49;
	vm0 =	veq.s32 v6, v3;
	v10 =	vperm.xlane v4, v1  }
0x1bf: {  	[tilespmem:s17+$0x30] =	vst v5;
	v6 =	vsel vm0, $0x8000, v6;
	v3 =	vadd.s32 v2, v8;
	v5, v8, _ =	vpop (xrf1)  }
0x1c0: {  	[tilespmem:s15+$0x30] =	vst v53;
	v10 =	vadd.s32 v2, v10;
	vm0 =	veq.s32 v7, v3;
	v3 =	vshrl.u32 v5, $0x9  }
0x1c1: {  	[tilespmem:s14+$0x10] =	vst v57;
	vm1 =	veq.s32 v4, v10;
	v10 =	vperm.xlane v3, v1  }
0x1c2: {  	[tilespmem:s13+$0x20] =	vst v6;
	v4 =	vsel vm1, $0x8000, v4  }
0x1c3: {  	[tilespmem:s14+$0x20] =	vst v55;
	v5 =	vsel vm0, $0x8000, v7;
	v6, v7, _ =	vpop (xrf1);
	v10 =	vadd.s32 v2, v10  }
0x1c4: {  	[tilespmem:s13+$0xFFFFFFD0] =	vst v5;
	v5 =	vshrl.u32 v6, $0x9  }
0x1c5: {  	[tilespmem:s13+$0xFFFFFFF0] =	vst v4;
	v4, v6, _ =	vpop (xrf1);
	v58 =	vperm.xlane v5, v1  }
0x1c6: {  	[tilespmem:s14+$0xFFFFFFF0] =	vst v11;
	v4 =	vshrl.u32 v4, $0x9;
	vm0 =	veq.s32 v3, v10  }
0x1c7: {  	[tilespmem:s14+$0xFFFFFFD0] =	vst v9;
	v11 =	vperm.xlane v4, v1;
	v13 =	vadd.s32 v2, v58;
	v3 =	vsel vm0, $0x8000, v3;
	v9, v10, _ =	vpop (xrf1)  }
0x1c8: {  	vm0 =	veq.s32 v5, v13;
	[tilespmem:s13+$0xFFFFFFE0] =	vst v3;
	v9 =	vshrl.u32 v9, $0x9  }
0x1c9: {  	v11 =	vadd.s32 v2, v11;
	v5 =	vsel vm0, $0x8000, v5;
	[tilespmem:s14+$0xFFFFFFE0] =	vst v8;
	v3 =	vperm.xlane v9, v1  }
0x1ca: {  	vm0 =	veq.s32 v4, v11;
	[tilespmem:s13+$0x0] =	vst v5  }
0x1cb: {  	v4 =	vsel vm0, $0x8000, v4;
	[tilespmem:s14+$0x0] =	vst v7;
	v3 =	vadd.s32 v2, v3  }
0x1cc: {  	[tilespmem:s13+$0xFFFFFFC0] =	vst v4;
	vm0 =	veq.s32 v9, v3  }
0x1cd: {  	[tilespmem:s14+$0xFFFFFFC0] =	vst v6;
	v3 =	vsel vm0, $0x8000, v9  }
0x1ce: {  	[tilespmem:s13+$0x30] =	vst v3  }
0x1cf: {  	s22 =	simm.s32 $0x0;
	[tilespmem:s14+$0x30] =	vst v10  }
0x1d0: {  	v3 =	vld [tilespmem:s22+$0xC0E0]  }
0x1d1: {  	v7 =	vld [tilespmem:s22+$0xA510]  }
0x1d2: {  	v8 =	vld [tilespmem:s22+$0xA500]  }
0x1d3: {  	v4 =	vld [tilespmem:s22+$0xA560]  }
0x1d4: {  	v9 =	vld [tilespmem:s22+$0xC0D0]  }
0x1d5: {  	v10 =	vld [tilespmem:s22+$0xA550]  }
0x1d6: {  	v11 =	vld [tilespmem:s22+$0xA520]  }
0x1d7: {  	v12 =	vld [tilespmem:s22+$0xC080]  }
0x1d8: {  	v59 =	vld [tilespmem:s22+$0xC090]  }
0x1d9: {  	v61 =	vld [tilespmem:s22+$0xA530]  }
0x1da: {  	v15 =	vld.idx.msk [tilespmem:v8+s8+$0x0], $0xffff  }
0x1db: {  	v60 =	vld.idx.msk [tilespmem:v7+s9+$0x0], $0xffff  }
0x1dc: {  	v62 =	vld [tilespmem:s22+$0xC0C0]  }
0x1dd: {  	v18 =	vld [tilespmem:s22+$0xA540]  }
0x1de: {  	v19 =	vld [tilespmem:s22+$0xC0B0]  }
0x1df: {  	v63 =	vld [tilespmem:s22+$0xC0A0];
	vm0 =	vgt.s32 v15, v12  }
0x1e0: {  	v5 =	vld [tilespmem:s22+$0xA570];
	vm1 =	vgt.s32 v60, v59;
	v12 =	vsel vm0, v15, v12  }
0x1e1: {  	v6 =	vld [tilespmem:s22+$0xC0F0];
	v13 =	vsel vm1, v60, v59;
	[tilespmem:v8+s8+$0x0] =	vst.idx.msk $0xffff, v12  }
0x1e2: {  	[tilespmem:v7+s9+$0x0] =	vst.idx.msk $0xffff, v13  }
0x1e3: {  	v7 =	vld.idx.msk [tilespmem:v11+s8+$0x0], $0xffff  }
0x1e4: {  	v8 =	vld.idx.msk [tilespmem:v61+s9+$0x0], $0xffff;
	_ =	sdelay $0x3  }
0x1e5: {  	vm0 =	vgt.s32 v7, v63  }
0x1e6: {  	v7 =	vsel vm0, v7, v63;
	vm0 =	vgt.s32 v8, v19  }
0x1e7: {  	[tilespmem:v11+s8+$0x0] =	vst.idx.msk $0xffff, v7;
	v7 =	vsel vm0, v8, v19  }
0x1e8: {  	[tilespmem:v61+s9+$0x0] =	vst.idx.msk $0xffff, v7  }
0x1e9: {  	v7 =	vld.idx.msk [tilespmem:v18+s8+$0x0], $0xffff  }
0x1ea: {  	v8 =	vld.idx.msk [tilespmem:v10+s9+$0x0], $0xffff;
	_ =	sdelay $0x3  }
0x1eb: {  	vm0 =	vgt.s32 v7, v62  }
0x1ec: {  	v7 =	vsel vm0, v7, v62;
	vm0 =	vgt.s32 v8, v9  }
0x1ed: {  	[tilespmem:v18+s8+$0x0] =	vst.idx.msk $0xffff, v7;
	v7 =	vsel vm0, v8, v9  }
0x1ee: {  	[tilespmem:v10+s9+$0x0] =	vst.idx.msk $0xffff, v7  }
0x1ef: {  	p0 =	por $0x1, $0x1;
	v8 =	vld.idx.msk [tilespmem:v4+s8+$0x0], $0xffff  }
.Ltmp5:
0x1f0: {  	v7 =	vld.idx.msk [tilespmem:v5+s9+$0x0], $0xffff;
	(pc) =	sbr.rel @!p0 .LBB2_11-.Ltmp5, $2  }
0x1f1: {  	_ =	sdelay $0x2  }
0x1f2: {  	s13 =	simm.s32 $0x200;
	vm0 =	vgt.s32 v8, v3  }
.LBB2_10:
0x1f3: {  	p0 =	sne.s32 s13, $0x6C00;
	v3 =	vsel vm0, v8, v3;
	vm0 =	vgt.s32 v7, v6;
	s14 =	smov.u32 s13;
	s13 =	sadd.s32 $0x200, s13  }
0x1f4: {  	[tilespmem:v4+s8+$0x0] =	vst.idx.msk $0xffff, v3;
	v3 =	vsel vm0, v7, v6  }
0x1f5: {  	s14 =	sshra.s32 s14, $0x2;
	[tilespmem:v5+s9+$0x0] =	vst.idx.msk $0xffff, v3  }
0x1f6: {  	v3 =	vld [tilespmem:s14+$0xC0E0]  }
0x1f7: {  	v7 =	vld [tilespmem:s14+$0xA510]  }
0x1f8: {  	v8 =	vld [tilespmem:s14+$0xA500]  }
0x1f9: {  	v4 =	vld [tilespmem:s14+$0xA560]  }
0x1fa: {  	v9 =	vld [tilespmem:s14+$0xC0D0]  }
0x1fb: {  	v10 =	vld [tilespmem:s14+$0xA550]  }
0x1fc: {  	v11 =	vld [tilespmem:s14+$0xA520]  }
0x1fd: {  	v12 =	vld [tilespmem:s14+$0xC080]  }
0x1fe: {  	v6 =	vld [tilespmem:s14+$0xC090]  }
0x1ff: {  	v13 =	vld.idx.msk [tilespmem:v7+s9+$0x0], $0xffff  }
0x200: {  	v14 =	vld.idx.msk [tilespmem:v8+s8+$0x0], $0xffff  }
0x201: {  	v15 =	vld [tilespmem:s14+$0xA530]  }
0x202: {  	v16 =	vld [tilespmem:s14+$0xC0C0]  }
0x203: {  	v17 =	vld [tilespmem:s14+$0xA540]  }
0x204: {  	v18 =	vld [tilespmem:s14+$0xC0B0]  }
0x205: {  	vm0 =	vgt.s32 v13, v6;
	v19 =	vld [tilespmem:s14+$0xC0A0]  }
0x206: {  	vm1 =	vgt.s32 v14, v12;
	v13 =	vsel vm0, v13, v6;
	v5 =	vld [tilespmem:s14+$0xA570]  }
0x207: {  	v12 =	vsel vm1, v14, v12;
	v6 =	vld [tilespmem:s14+$0xC0F0]  }
0x208: {  	[tilespmem:v8+s8+$0x0] =	vst.idx.msk $0xffff, v12  }
0x209: {  	[tilespmem:v7+s9+$0x0] =	vst.idx.msk $0xffff, v13  }
0x20a: {  	v7 =	vld.idx.msk [tilespmem:v11+s8+$0x0], $0xffff  }
0x20b: {  	v8 =	vld.idx.msk [tilespmem:v15+s9+$0x0], $0xffff;
	_ =	sdelay $0x4  }
0x20c: {  	vm0 =	vgt.s32 v7, v19  }
0x20d: {  	v7 =	vsel vm0, v7, v19;
	vm0 =	vgt.s32 v8, v18  }
0x20e: {  	[tilespmem:v11+s8+$0x0] =	vst.idx.msk $0xffff, v7;
	v7 =	vsel vm0, v8, v18  }
0x20f: {  	[tilespmem:v15+s9+$0x0] =	vst.idx.msk $0xffff, v7  }
0x210: {  	v7 =	vld.idx.msk [tilespmem:v17+s8+$0x0], $0xffff  }
0x211: {  	v8 =	vld.idx.msk [tilespmem:v10+s9+$0x0], $0xffff;
	_ =	sdelay $0x4  }
0x212: {  	vm0 =	vgt.s32 v7, v16  }
0x213: {  	v7 =	vsel vm0, v7, v16;
	vm0 =	vgt.s32 v8, v9  }
0x214: {  	[tilespmem:v17+s8+$0x0] =	vst.idx.msk $0xffff, v7;
	v7 =	vsel vm0, v8, v9  }
0x215: {  	[tilespmem:v10+s9+$0x0] =	vst.idx.msk $0xffff, v7  }
0x216: {  	v8 =	vld.idx.msk [tilespmem:v4+s8+$0x0], $0xffff  }
0x217: {  	v7 =	vld.idx.msk [tilespmem:v5+s9+$0x0], $0xffff  }
.Ltmp6:
0x218: {  	(pc) =	sbr.rel @p0 .LBB2_10-.Ltmp6, $2  }
0x219: {  	_ =	sdelay $0x2  }
0x21a: {  	vm0 =	vgt.s32 v8, v3  }
.LBB2_11:
0x21b: {  	_ =	sdelay $0x2  }
0x21c: {  	v3 =	vsel vm0, v8, v3;
	vm0 =	vgt.s32 v7, v6  }
0x21d: {  	[tilespmem:v4+s8+$0x0] =	vst.idx.msk $0xffff, v3;
	v3 =	vsel vm0, v7, v6  }
0x21e: {  	s13 =	rddreg [dreg:$0xb];
	[tilespmem:v5+s9+$0x0] =	vst.idx.msk $0xffff, v3  }
0x21f: {  	[tilespmem:s4], [sflag:$0x2] =	stream.linear.gather [hbm4b:s13+s1], $0x1B80, $0x38;
	[tilespmem:$0x1DD00] =	vst v63  }
0x220: {  	s16 =	rddreg [dreg:$0xc]  }
0x221: {  	[tilespmem:s5], [sflag:$0x2] =	stream.linear.gather [hbm4b:s16+s1], $0x1B80, $0x38;
	[tilespmem:$0x1DD00] =	vst v63  }
0x222: {  	s17 =	rddreg [dreg:$0xd]  }
0x223: {  	[tilespmem:s6], [sflag:$0x2] =	stream.linear.gather [hbm4b:s17+s1], $0x1B80, $0x38;
	[tilespmem:$0x1DD00] =	vst v63  }
0x224: {  	_ =	swait.ge [sflag:s7], $0x1B80  }
0x225: {  	[sflag:s7] =	ssyncset.done $0x0  }
0x226: {  	[sflag:s7] =	ssyncadd.s32 $0xFFFFE480  }
0x227: {  	_ =	swait.ge [sflag:s7], $0x1B80  }
0x228: {  	[sflag:s7] =	ssyncset.done $0x0  }
0x229: {  	[sflag:s7] =	ssyncadd.s32 $0xFFFFE480  }
0x22a: {  	_ =	swait.ge [sflag:s7], $0x1B80  }
0x22b: {  	[sflag:s7] =	ssyncset.done $0x0  }
0x22c: {  	s18 =	simm.s32 $0x40;
	[sflag:s7] =	ssyncadd.s32 $0xFFFFE480  }
0x22d: {  	v3 =	vld [tilespmem:s18+$0xFFFFFFC0]  }
0x22e: {  	s14 =	simm.s32 $0x6E40;
	v4 =	vld [tilespmem:s18+$0x20]  }
0x22f: {  	v5 =	vld [tilespmem:s14+$0x20]  }
0x230: {  	v6 =	vld [tilespmem:s18+$0x10]  }
0x231: {  	v7 =	vld [tilespmem:s14+$0x10]  }
0x232: {  	v8 =	vld [tilespmem:s18+$0xFFFFFFF0]  }
0x233: {  	v9 =	vld [tilespmem:s18+$0xFFFFFFE0]  }
0x234: {  	s15 =	simm.s32 $0x3740;
	v10 =	vld [tilespmem:s14+$0xFFFFFFD0]  }
0x235: {  	v12 =	vld [tilespmem:s15+$0x30]  }
0x236: {  	v13 =	vld [tilespmem:s14+$0x30]  }
0x237: {  	v14 =	vld [tilespmem:s18+$0x0]  }
0x238: {  	v15 =	vld [tilespmem:s15+$0x20]  }
0x239: {  	v16 =	vld [tilespmem:s18+$0xFFFFFFD0]  }
0x23a: {  	v17 =	vld [tilespmem:s15+$0x10]  }
0x23b: {  	v18 =	vld [tilespmem:s15+$0x0]  }
0x23c: {  	v19 =	vld [tilespmem:s15+$0xFFFFFFF0]  }
0x23d: {  	v20 =	vld [tilespmem:s15+$0xFFFFFFE0]  }
0x23e: {  	v21 =	vld [tilespmem:s15+$0xFFFFFFD0]  }
0x23f: {  	v22 =	vld [tilespmem:s15+$0xFFFFFFC0]  }
0x240: {  	v23 =	vld [tilespmem:s14+$0xFFFFFFC0]  }
0x241: {  	v24 =	vld [tilespmem:s14+$0xFFFFFFE0]  }
0x242: {  	v25 =	vld [tilespmem:s14+$0xFFFFFFF0]  }
0x243: {  	v26 =	vld [tilespmem:s18+$0x30]  }
0x244: {  	s19 =	simm.s32 $0xC0;
	v27 =	vld [tilespmem:s14+$0x0]  }
0x245: {  	v11 =	vld [tilespmem:s19+$0xFFFFFFC0]  }
0x246: {  	s20 =	simm.s32 $0x6EC0;
	v28 =	vld [tilespmem:s19+$0x20]  }
0x247: {  	v29 =	vld [tilespmem:s20+$0x20];
	v15 =	vshll.u32 v15, $0x9  }
0x248: {  	v30 =	vld [tilespmem:s19+$0xFFFFFFE0];
	v5 =	vshll.u32 v5, $0x12;
	v17 =	vshll.u32 v17, $0x9;
	v15 =	vadd.s32 v4, v15  }
0x249: {  	s22 =	simm.s32 $0x140;
	v31 =	vld [tilespmem:s19+$0x0];
	v7 =	vshll.u32 v7, $0x12;
	v5 =	vadd.s32 v5, v15;
	v15 =	vadd.s32 v6, v17  }
0x24a: {  	s16 =	simm.s32 $0x6F40;
	v32 =	vld [tilespmem:s22+$0x20];
	v7 =	vadd.s32 v7, v15;
	(xrf1) =	vsort.ascd.msk.u32 $0xffff, v5, v4  }
0x24b: {  	v39 =	vld [tilespmem:s16+$0x10];
	s18 =	simm.s32 $0x3840;
	(xrf1) =	vsort.ascd.msk.u32 $0xffff, v7, v6  }
0x24c: {  	v53 =	vld [tilespmem:s18+$0x20];
	v20 =	vshll.u32 v20, $0x9  }
0x24d: {  	v17 =	vld [tilespmem:s19+$0x10];
	v6 =	vshll.u32 v10, $0x12;
	v10 =	vshll.u32 v18, $0x9;
	v18 =	vshll.u32 v21, $0x9  }
0x24e: {  	v5 =	vld [tilespmem:s20+$0x10];
	v4 =	vshll.u32 v12, $0x9;
	v12 =	vshll.u32 v19, $0x9;
	v18 =	vadd.s32 v16, v18  }
0x24f: {  	s21 =	simm.s32 $0x37C0;
	v15 =	vld [tilespmem:s19+$0xFFFFFFF0];
	v12 =	vadd.s32 v8, v12;
	v6 =	vadd.s32 v6, v18;
	v18 =	vshll.u32 v25, $0x12  }
0x250: {  	v24 =	vshll.u32 v24, $0x12;
	v20 =	vadd.s32 v9, v20;
	v19 =	vld [tilespmem:s21+$0x30];
	(xrf1) =	vsort.ascd.msk.u32 $0xffff, v6, v16;
	v6 =	vadd.s32 v18, v12  }
0x251: {  	v12 =	vld [tilespmem:s21+$0x20];
	v16 =	vadd.s32 v24, v20;
	(xrf1) =	vsort.ascd.msk.u32 $0xffff, v6, v8  }
0x252: {  	v22 =	vshll.u32 v22, $0x9;
	(xrf1) =	vsort.ascd.msk.u32 $0xffff, v16, v9;
	v9 =	vld [tilespmem:s21+$0x10]  }
0x253: {  	v7 =	vld [tilespmem:s20+$0xFFFFFFD0];
	v4 =	vadd.s32 v26, v4;
	v10 =	vadd.s32 v14, v10;
	v6 =	vshll.u32 v27, $0x12  }
0x254: {  	v21 =	vld [tilespmem:s20+$0x30];
	v18 =	vadd.s32 v3, v22;
	v20 =	vshll.u32 v23, $0x12;
	v6 =	vadd.s32 v6, v10  }
0x255: {  	v23 =	vld [tilespmem:s20+$0xFFFFFFF0];
	v10 =	vshll.u32 v13, $0x12;
	(xrf1) =	vsort.ascd.msk.u32 $0xffff, v6, v14;
	v6 =	vadd.s32 v20, v18  }
0x256: {  	v13 =	vld [tilespmem:s21+$0x0];
	(xrf1) =	vsort.ascd.msk.u32 $0xffff, v6, v3;
	v3 =	vadd.s32 v10, v4;
	v10 =	vshll.u32 v12, $0x9  }
0x257: {  	v16 =	vshll.u32 v29, $0x12;
	v18 =	vld [tilespmem:s21+$0xFFFFFFC0];
	v10 =	vadd.s32 v28, v10;
	v9 =	vshll.u32 v9, $0x9  }
0x258: {  	v5 =	vshll.u32 v5, $0x12;
	v6 =	vld [tilespmem:s21+$0xFFFFFFF0];
	(xrf1) =	vsort.ascd.msk.u32 $0xffff, v3, v26;
	v10 =	vadd.s32 v16, v10;
	v9 =	vadd.s32 v17, v9;
	v14, v4, _ =	vpop (xrf1)  }
0x259: {  	v3 =	vld [tilespmem:s21+$0xFFFFFFE0];
	v5 =	vadd.s32 v5, v9;
	v20, v27, _ =	vpop (xrf1);
	(xrf1) =	vsort.ascd.msk.u32 $0xffff, v10, v28  }
0x25a: {  	v56 =	vshll.u32 v39, $0x12;
	v57 =	vshll.u32 v53, $0x9;
	v12 =	vld [tilespmem:s21+$0xFFFFFFD0];
	(xrf1) =	vsort.ascd.msk.u32 $0xffff, v5, v17  }
0x25b: {  	v59 =	vadd.s32 v32, v57;
	v8 =	vld [tilespmem:s19+$0xFFFFFFD0];
	v19 =	vshll.u32 v19, $0x9;
	v22 =	vshrl.u32 v20, $0x9  }
0x25c: {  	v21 =	vshll.u32 v21, $0x12;
	v16 =	vld [tilespmem:s20+$0xFFFFFFC0];
	v14 =	vshrl.u32 v14, $0x9;
	v10 =	vperm.xlane v22, v1  }
0x25d: {  	v13 =	vshll.u32 v13, $0x9;
	v18 =	vshll.u32 v18, $0x9;
	v28 =	vld [tilespmem:s19+$0x30];
	v9 =	vperm.xlane v14, v1  }
0x25e: {  	v6 =	vshll.u32 v6, $0x9;
	v5 =	vshll.u32 v7, $0x12;
	v7 =	vadd.s32 v2, v10;
	v10 =	vld [tilespmem:s20+$0x0]  }
0x25f: {  	v12 =	vshll.u32 v12, $0x9;
	v20 =	vld [tilespmem:s20+$0xFFFFFFE0];
	v24 =	vadd.s32 v2, v9;
	v9 =	vshll.u32 v3, $0x9  }
0x260: {  	v18 =	vadd.s32 v11, v18;
	v6 =	vadd.s32 v15, v6;
	v12 =	vadd.s32 v8, v12  }
0x261: {  	v38 =	vld [tilespmem:s22+$0x10];
	v16 =	vshll.u32 v16, $0x12;
	v12 =	vadd.s32 v5, v12;
	v5 =	vshll.u32 v23, $0x12;
	v26, v37, _ =	vpop (xrf1)  }
0x262: {  	v58 =	vld [tilespmem:s18+$0xFFFFFFD0];
	v13 =	vadd.s32 v31, v13;
	v52 =	vadd.s32 v16, v18;
	v36 =	vadd.s32 v5, v6;
	v25, v17, _ =	vpop (xrf1)  }
0x263: {  	v62 =	vld [tilespmem:s16+$0xFFFFFFD0];
	v29 =	vadd.s32 v30, v9;
	vm1 =	veq.s32 v14, v24;
	v34, v9, _ =	vpop (xrf1);
	v10 =	vshll.u32 v10, $0x12  }
0x264: {  	v46 =	vld [tilespmem:s18+$0x10];
	(xrf1) =	vsort.ascd.msk.u32 $0xffff, v12, v8;
	v20 =	vshll.u32 v20, $0x12;
	v35, v23, _ =	vpop (xrf1);
	v10 =	vadd.s32 v10, v13;
	v13 =	vadd.s32 v28, v19  }
0x265: {  	v55 =	vld [tilespmem:s18+$0xFFFFFFE0];
	vm0 =	veq.s32 v22, v7;
	v42 =	vshrl.u32 v25, $0x9;
	v20 =	vadd.s32 v20, v29;
	v40, v5, _ =	vpop (xrf1);
	(xrf1) =	vsort.ascd.msk.u32 $0xffff, v36, v15  }
0x266: {  	v60 =	vld [tilespmem:s18+$0xFFFFFFC0];
	s19 =	simm.s32 $0xA540;
	v41 =	vsel vm1, $0x8000, v14;
	v63 =	vsel vm0, $0x8000, v22;
	v44 =	vperm.xlane v42, v1;
	v24, v8, _ =	vpop (xrf1);
	(xrf1) =	vsort.ascd.msk.u32 $0xffff, v20, v30  }
0x267: {  	v6 =	vld [tilespmem:s22+$0xFFFFFFE0];
	[tilespmem:s19+$0x10] =	vst v63;
	v63 =	vshll.u32 v58, $0x9;
	v25 =	vshrl.u32 v34, $0x9;
	(xrf1) =	vsort.ascd.msk.u32 $0xffff, v10, v31;
	v16, v18, _ =	vpop (xrf1)  }
0x268: {  	v33 =	vld [tilespmem:s16+$0x20];
	s20 =	simm.s32 $0xC0C0;
	v15 =	vshrl.u32 v24, $0x9;
	v21 =	vadd.s32 v21, v13;
	v24 =	vshrl.u32 v16, $0x9;
	v16, v13, _ =	vpop (xrf1);
	(xrf1) =	vsort.ascd.msk.u32 $0xffff, v52, v11  }
0x269: {  	v50 =	vld [tilespmem:s18+$0x0];
	v54 =	vadd.s32 v2, v44;
	[tilespmem:s20+$0x10] =	vst v27;
	v27 =	vshll.u32 v46, $0x9;
	v19 =	vshrl.u32 v26, $0x9  }
0x26a: {  	v39 =	vld [tilespmem:s16+$0xFFFFFFC0];
	v34 =	vshll.u32 v55, $0x9;
	v12 =	vshrl.u32 v35, $0x9;
	v49 =	vperm.xlane v19, v1;
	(xrf1) =	vsort.ascd.msk.u32 $0xffff, v21, v28  }
0x26b: {  	v3 =	vld [tilespmem:s22+$0xFFFFFFC0];
	v35 =	vshll.u32 v62, $0x12;
	vm1 =	veq.s32 v42, v54;
	v27 =	vadd.s32 v38, v27  }
0x26c: {  	v44 =	vadd.s32 v6, v34;
	v34 =	vshll.u32 v60, $0x9;
	v21 =	vld [tilespmem:s18+$0xFFFFFFF0];
	v28 =	vadd.s32 v2, v49  }
0x26d: {  	v29 =	vld [tilespmem:s18+$0x30];
	v14 =	vshrl.u32 v40, $0x9;
	v48 =	vperm.xlane v12, v1;
	vm0 =	veq.s32 v19, v28  }
0x26e: {  	v30 =	vld [tilespmem:s16+$0x30];
	v40 =	vshll.u32 v50, $0x9;
	v31 =	vperm.xlane v25, v1;
	v19 =	vsel vm0, $0x8000, v19  }
0x26f: {  	v7 =	vld [tilespmem:s22+$0xFFFFFFF0];
	v61 =	vsel vm1, $0x8000, v42;
	v27 =	vadd.s32 v56, v27;
	v28 =	vshll.u32 v33, $0x12  }
0x270: {  	v26 =	vld [tilespmem:s22+$0xFFFFFFD0];
	v45 =	vperm.xlane v14, v1;
	v20 =	vperm.xlane v15, v1;
	v62 =	vadd.s32 v2, v31  }
0x271: {  	[tilespmem:s19+$0x20] =	vst v41;
	v46 =	vld [tilespmem:s16+$0xFFFFFFF0];
	v22 =	vshrl.u32 v16, $0x9;
	v33 =	vadd.s32 v28, v59;
	v21 =	vshll.u32 v21, $0x9  }
0x272: {  	v10 =	vld [tilespmem:s22+$0x0];
	v43 =	vperm.xlane v24, v1;
	v47 =	vperm.xlane v22, v1;
	[tilespmem:s19+$0xFFFFFFD0] =	vst v19;
	v28, v19, _ =	vpop (xrf1);
	(xrf1) =	vsort.ascd.msk.u32 $0xffff, v33, v32  }
0x273: {  	v42 =	vld [tilespmem:s16+$0xFFFFFFE0];
	v41 =	vadd.s32 v2, v45;
	v11 =	vshll.u32 v30, $0x12;
	v16 =	vshll.u32 v29, $0x9;
	v36, v31, _ =	vpop (xrf1);
	(xrf1) =	vsort.ascd.msk.u32 $0xffff, v27, v38  }
0x274: {  	s13 =	simm.s32 $0xA640;
	s17 =	simm.s32 $0xA5C0;
	s15 =	simm.s32 $0xC140;
	[tilespmem:s19+$0xFFFFFFF0] =	vst v61;
	v29 =	vadd.s32 v2, v43;
	vm0 =	veq.s32 v25, v62;
	v30 =	vadd.s32 v2, v47;
	v27 =	vld [tilespmem:s22+$0x30];
	v33, v32, _ =	vpop (xrf1)  }
0x275: {  	s14 =	simm.s32 $0xC1C0;
	s21 =	simm.s32 $0x10;
	v47 =	vadd.s32 v26, v63;
	[tilespmem:s20+$0xFFFFFFD0] =	vst v37;
	v37 =	vadd.s32 v2, v48;
	v43 =	vadd.s32 v7, v21;
	v38 =	vld [tilespmem:s16+$0x0];
	s22 =	simm.s32 $0x1C0;
	v45, v21, _ =	vpop (xrf1)  }
.LBB2_12:
0x276: {  	v48 =	vld [tilespmem:s22+$0xFFFFFFC0];
	s21 =	sadd.s32 $0x8, s21;
	v49 =	vadd.s32 v3, v34;
	v35 =	vadd.s32 v35, v47;
	s18 =	sadd.s32 $0x80, s18;
	s16 =	sadd.s32 $0x80, s16;
	v47, v50, _ =	vpop (xrf1);
	v25 =	vsel vm0, $0x8000, v25;
	[tilespmem:s20+$0xFFFFFFF0] =	vst v17  }
0x277: {  	v39 =	vshll.u32 v39, $0x12;
	v40 =	vadd.s32 v10, v40;
	vm1 =	veq.s32 v12, v37;
	v34 =	vld [tilespmem:s22+$0x20];
	p0 =	slt.u32 s21, $0x1B0;
	[tilespmem:s20+$0x20] =	vst v4;
	v4 =	vmovc v18  }
0x278: {  	v52 =	vshll.u32 v42, $0x12;
	v51 =	vld [tilespmem:s16+$0x20];
	v18 =	vshll.u32 v46, $0x12;
	(xrf1) =	vsort.ascd.msk.u32 $0xffff, v35, v26;
	v26, v42, _ =	vpop (xrf1);
	v35 =	vadd.s32 v2, v20  }
0x279: {  	vm0 =	veq.s32 v22, v30;
	vm2 =	veq.s32 v24, v29;
	v37 =	vld [tilespmem:s22+$0x10];
	v18 =	vadd.s32 v18, v43;
	[tilespmem:s19+$0xFFFFFFE0] =	vst v25  }
0x27a: {  	v17 =	vmovc v31;
	v20 =	vadd.s32 v52, v44;
	v44 =	vsel vm2, $0x8000, v24;
	v25 =	vshrl.u32 v45, $0x9;
	v43 =	vld [tilespmem:s16+$0x10];
	[tilespmem:s20+$0xFFFFFFE0] =	vst v9;
	v9 =	vmovc v32  }
0x27b: {  	v31 =	vshrl.u32 v26, $0x9;
	v32 =	vshrl.u32 v36, $0x9;
	(xrf1) =	vsort.ascd.msk.u32 $0xffff, v18, v7;
	v7 =	vld [tilespmem:s22+$0xFFFFFFF0];
	v18 =	vsel vm1, $0x8000, v12;
	v12 =	vmovc v25  }
0x27c: {  	v24 =	vshll.u32 v38, $0x12;
	v25 =	vshrl.u32 v33, $0x9;
	vm1 =	veq.s32 v14, v41;
	(xrf1) =	vsort.ascd.msk.u32 $0xffff, v20, v6;
	v6 =	vld [tilespmem:s22+$0xFFFFFFE0]  }
0x27d: {  	vm2 =	veq.s32 v15, v35;
	v24 =	vadd.s32 v24, v40;
	v20 =	vperm.xlane v31, v1;
	v30 =	vld [tilespmem:s16+$0xFFFFFFD0];
	[tilespmem:s19+$0x0] =	vst v18  }
0x27e: {  	v33 =	vsel vm0, $0x8000, v22;
	v38 =	vperm.xlane v25, v1;
	v29 =	vld [tilespmem:s18+$0x30];
	(xrf1) =	vsort.ascd.msk.u32 $0xffff, v24, v10;
	v10 =	vshrl.u32 v47, $0x9  }
0x27f: {  	v16 =	vadd.s32 v27, v16;
	v22 =	vsel vm1, $0x8000, v14;
	v24 =	vadd.s32 v39, v49;
	v35 =	vld [tilespmem:s16+$0x30];
	[tilespmem:s20+$0x0] =	vst v23;
	v14 =	vmovc v10  }
0x280: {  	v49 =	vperm.xlane v12, v1;
	v23 =	vshrl.u32 v28, $0x9;
	v10 =	vld [tilespmem:s22+$0x0];
	(xrf1) =	vsort.ascd.msk.u32 $0xffff, v24, v3;
	v3, v18, _ =	vpop (xrf1);
	v41 =	vperm.xlane v14, v1  }
0x281: {  	v15 =	vsel vm2, $0x8000, v15;
	v47 =	vadd.s32 v11, v16;
	v28 =	vld [tilespmem:s18+$0x20];
	v24 =	vshrl.u32 v3, $0x9;
	v11, v36, _ =	vpop (xrf1);
	[tilespmem:s19+$0xFFFFFFC0] =	vst v22  }
0x282: {  	v26 =	vld [tilespmem:s22+$0xFFFFFFD0];
	v22 =	vshrl.u32 v11, $0x9;
	v39 =	vperm.xlane v24, v1;
	(xrf1) =	vsort.ascd.msk.u32 $0xffff, v47, v27;
	v27 =	vperm.xlane v32, v1  }
0x283: {  	v46 =	vperm.xlane v23, v1;
	v3 =	vmovc v48;
	v40 =	vld [tilespmem:s18+$0x10];
	v16 =	vshll.u32 v29, $0x9;
	v45 =	vperm.xlane v22, v1;
	[tilespmem:s17+$0x10] =	vst v33  }
0x284: {  	v33 =	vld [tilespmem:s18+$0x0];
	v11 =	vshll.u32 v35, $0x12;
	v29 =	vadd.s32 v2, v39;
	v27 =	vadd.s32 v2, v27;
	[tilespmem:s20+$0xFFFFFFC0] =	vst v5;
	v5 =	vmovc v50  }
0x285: {  	v35 =	vshll.u32 v30, $0x12;
	v39 =	vadd.s32 v2, v46;
	v47 =	vld [tilespmem:s18+$0xFFFFFFF0];
	v30 =	vadd.s32 v2, v45;
	[tilespmem:s19+$0x30] =	vst v15;
	v15 =	vmovc v31;
	s19 =	smov.u32 s17;
	s17 =	smov.u32 s13  }
0x286: {  	v43 =	vshll.u32 v43, $0x12;
	vm0 =	veq.s32 v23, v39;
	v45 =	vld [tilespmem:s18+$0xFFFFFFE0];
	v53 =	vshll.u32 v28, $0x9;
	v28, v48, _ =	vpop (xrf1);
	[tilespmem:s20+$0x30] =	vst v8;
	s20 =	smov.u32 s15;
	s15 =	smov.u32 s14  }
0x287: {  	v39 =	vshll.u32 v51, $0x12;
	vm1 =	veq.s32 v32, v27;
	v8 =	vmovc v42;
	v50 =	vld [tilespmem:s18+$0xFFFFFFD0];
	v52 =	vadd.s32 v34, v53;
	[tilespmem:s20+$0x10] =	vst v13  }
0x288: {  	v42 =	vsel vm0, $0x8000, v23;
	v23 =	vmovc v21;
	v13 =	vmovc v36;
	v51 =	vld [tilespmem:s18+$0xFFFFFFC0];
	v27 =	vshll.u32 v40, $0x9;
	v46 =	vadd.s32 v39, v52;
	[tilespmem:s19+$0x20] =	vst v44  }
.Ltmp7:
0x289: {  	v52 =	vsel vm1, $0x8000, v32;
	v39 =	vld [tilespmem:s16+$0xFFFFFFC0];
	v40 =	vshll.u32 v33, $0x9;
	v53 =	vadd.s32 v37, v27;
	v36, v31, _ =	vpop (xrf1);
	[tilespmem:s19+$0xFFFFFFD0] =	vst v42;
	(pc) =	sbr.rel @p0 .LBB2_12-.Ltmp7, $4  }
0x28a: {  	v42 =	vld [tilespmem:s16+$0xFFFFFFE0];
	v27 =	vshll.u32 v47, $0x9;
	v47 =	vadd.s32 v43, v53;
	(xrf1) =	vsort.ascd.msk.u32 $0xffff, v46, v34;
	v33, v32, _ =	vpop (xrf1);
	v34 =	vadd.s32 v2, v38  }
0x28b: {  	v38 =	vshll.u32 v45, $0x9;
	v46 =	vld [tilespmem:s16+$0xFFFFFFF0];
	v43 =	vadd.s32 v7, v27;
	(xrf1) =	vsort.ascd.msk.u32 $0xffff, v47, v37;
	vm0 =	veq.s32 v25, v34  }
0x28c: {  	v41 =	vadd.s32 v2, v41;
	v37 =	vshll.u32 v50, $0x9;
	v44 =	vadd.s32 v6, v38;
	v27 =	vld [tilespmem:s22+$0x30];
	v45, v21, _ =	vpop (xrf1);
	[tilespmem:s19+$0xFFFFFFF0] =	vst v52  }
0x28d: {  	s13 =	sadd.s32 $0x80, s13;
	s14 =	sadd.s32 $0x80, s14;
	s22 =	sadd.s32 $0x80, s22;
	v34 =	vshll.u32 v51, $0x9;
	v47 =	vadd.s32 v26, v37;
	v38 =	vld [tilespmem:s16+$0x0];
	[tilespmem:s20+$0xFFFFFFD0] =	vst v19;
	v37 =	vadd.s32 v2, v49;
	v19 =	vmovc v48  }
0x28e: {  	v60 =	vadd.s32 v3, v34  }
0x28f: {  	v61 =	vadd.s32 v35, v47;
	v25 =	vsel vm0, $0x8000, v25;
	[tilespmem:s20+$0x20] =	vst v4;
	v4 =	vshll.u32 v39, $0x12  }
0x290: {  	[tilespmem:s20+$0xFFFFFFF0] =	vst v17;
	v62 =	vadd.s32 v10, v40;
	vm0 =	veq.s32 v12, v37;
	vm1 =	veq.s32 v22, v30  }
0x291: {  	v47 =	vshrl.u32 v45, $0x9;
	v48 =	vshrl.u32 v28, $0x9;
	v51 =	vshrl.u32 v36, $0x9;
	[tilespmem:s19+$0xFFFFFFE0] =	vst v25  }
0x292: {  	v63 =	vshll.u32 v42, $0x12;
	(xrf1) =	vsort.ascd.msk.u32 $0xffff, v61, v26;
	v42 =	vadd.s32 v2, v20;
	v22 =	vsel vm1, $0x8000, v22  }
0x293: {  	v52 =	vperm.xlane v48, v1;
	v4 =	vadd.s32 v4, v60;
	v56 =	vperm.xlane v47, v1;
	[tilespmem:s20+$0xFFFFFFE0] =	vst v9  }
0x294: {  	v40 =	vshll.u32 v46, $0x12;
	v9 =	vsel vm0, $0x8000, v12;
	vm0 =	veq.s32 v14, v41;
	[tilespmem:s17+$0x10] =	vst v22  }
0x295: {  	v46 =	vadd.s32 v63, v44;
	vm1 =	veq.s32 v15, v42;
	[tilespmem:s19+$0x0] =	vst v9;
	v14 =	vsel vm0, $0x8000, v14  }
0x296: {  	v9 =	vadd.s32 v40, v43;
	vm0 =	veq.s32 v24, v29;
	v15 =	vsel vm1, $0x8000, v15;
	[tilespmem:s19+$0xFFFFFFC0] =	vst v14  }
0x297: {  	v50, v49, _ =	vpop (xrf1);
	v54 =	vadd.s32 v2, v52;
	(xrf1) =	vsort.ascd.msk.u32 $0xffff, v9, v7;
	v7 =	vperm.xlane v51, v1;
	[tilespmem:s19+$0x30] =	vst v15  }
0x298: {  	v24 =	vsel vm0, $0x8000, v24;
	v9 =	vshll.u32 v38, $0x12;
	vm0 =	veq.s32 v48, v54;
	[tilespmem:s20+$0xFFFFFFC0] =	vst v5  }
0x299: {  	v5, v53, _ =	vpop (xrf1);
	[tilespmem:s20+$0x30] =	vst v8;
	(xrf1) =	vsort.ascd.msk.u32 $0xffff, v46, v6;
	v8 =	vadd.s32 v9, v62;
	v6 =	vadd.s32 v2, v7  }
0x29a: {  	v7 =	vshrl.u32 v33, $0x9;
	(xrf1) =	vsort.ascd.msk.u32 $0xffff, v8, v10;
	vm1 =	veq.s32 v51, v6;
	v6 =	vsel vm0, $0x8000, v48;
	v10, v55, _ =	vpop (xrf1)  }
0x29b: {  	v9 =	vperm.xlane v7, v1;
	[tilespmem:s17+$0xFFFFFFD0] =	vst v6;
	v6 =	vsel vm1, $0x8000, v51;
	(xrf1) =	vsort.ascd.msk.u32 $0xffff, v4, v3;
	v4, v57, _ =	vpop (xrf1)  }
0x29c: {  	v8 =	vshrl.u32 v50, $0x9;
	[tilespmem:s17+$0xFFFFFFF0] =	vst v6;
	v6 =	vadd.s32 v27, v16;
	v4 =	vshrl.u32 v4, $0x9  }
0x29d: {  	[tilespmem:s15+$0x10] =	vst v13;
	v9 =	vadd.s32 v2, v9;
	v6 =	vadd.s32 v11, v6;
	v11 =	vperm.xlane v4, v1  }
0x29e: {  	[tilespmem:s20+$0x0] =	vst v23;
	v3 =	vperm.xlane v8, v1;
	vm0 =	veq.s32 v7, v9;
	v9 =	vadd.s32 v2, v56  }
0x29f: {  	[tilespmem:s17+$0x20] =	vst v24;
	v7 =	vsel vm0, $0x8000, v7;
	vm0 =	veq.s32 v47, v9;
	v9 =	vadd.s32 v2, v11  }
0x2a0: {  	v5 =	vshrl.u32 v5, $0x9;
	[tilespmem:s15+$0x20] =	vst v18  }
0x2a1: {  	[tilespmem:s17+$0xFFFFFFE0] =	vst v7;
	v3 =	vadd.s32 v2, v3;
	v7 =	vperm.xlane v5, v1  }
0x2a2: {  	[tilespmem:s15+$0xFFFFFFD0] =	vst v19;
	(xrf1) =	vsort.ascd.msk.u32 $0xffff, v6, v27;
	v6 =	vsel vm0, $0x8000, v47;
	vm0 =	veq.s32 v8, v3  }
0x2a3: {  	[tilespmem:s15+$0xFFFFFFF0] =	vst v31;
	v3 =	vsel vm0, $0x8000, v8;
	v7 =	vadd.s32 v2, v7;
	vm1 =	veq.s32 v4, v9;
	v8, v9, _ =	vpop (xrf1)  }
0x2a4: {  	[tilespmem:s15+$0xFFFFFFE0] =	vst v32;
	vm0 =	veq.s32 v5, v7;
	v7 =	vshrl.u32 v8, $0x9  }
0x2a5: {  	[tilespmem:s17+$0x0] =	vst v6;
	v6 =	vshrl.u32 v10, $0x9;
	v8 =	vperm.xlane v7, v1  }
0x2a6: {  	[tilespmem:s17+$0xFFFFFFC0] =	vst v3;
	v3 =	vperm.xlane v6, v1  }
0x2a7: {  	[tilespmem:s15+$0x0] =	vst v21;
	v5 =	vsel vm0, $0x8000, v5;
	v4 =	vsel vm1, $0x8000, v4;
	v10, v11, _ =	vpop (xrf1)  }
0x2a8: {  	v3 =	vadd.s32 v2, v3;
	[tilespmem:s13+$0x10] =	vst v4;
	v4 =	vshrl.u32 v10, $0x9  }
0x2a9: {  	[tilespmem:s15+$0xFFFFFFC0] =	vst v49;
	vm0 =	veq.s32 v6, v3;
	v10 =	vperm.xlane v4, v1  }
0x2aa: {  	[tilespmem:s17+$0x30] =	vst v5;
	v6 =	vsel vm0, $0x8000, v6;
	v3 =	vadd.s32 v2, v8;
	v5, v8, _ =	vpop (xrf1)  }
0x2ab: {  	[tilespmem:s15+$0x30] =	vst v53;
	v10 =	vadd.s32 v2, v10;
	vm0 =	veq.s32 v7, v3;
	v3 =	vshrl.u32 v5, $0x9  }
0x2ac: {  	[tilespmem:s14+$0x10] =	vst v57;
	vm1 =	veq.s32 v4, v10;
	v10 =	vperm.xlane v3, v1  }
0x2ad: {  	[tilespmem:s13+$0x20] =	vst v6;
	v4 =	vsel vm1, $0x8000, v4  }
0x2ae: {  	[tilespmem:s14+$0x20] =	vst v55;
	v5 =	vsel vm0, $0x8000, v7;
	v6, v7, _ =	vpop (xrf1);
	v10 =	vadd.s32 v2, v10  }
0x2af: {  	[tilespmem:s13+$0xFFFFFFD0] =	vst v5;
	v5 =	vshrl.u32 v6, $0x9  }
0x2b0: {  	[tilespmem:s13+$0xFFFFFFF0] =	vst v4;
	v4, v6, _ =	vpop (xrf1);
	v58 =	vperm.xlane v5, v1  }
0x2b1: {  	[tilespmem:s14+$0xFFFFFFF0] =	vst v11;
	v4 =	vshrl.u32 v4, $0x9;
	vm0 =	veq.s32 v3, v10  }
0x2b2: {  	[tilespmem:s14+$0xFFFFFFD0] =	vst v9;
	v11 =	vperm.xlane v4, v1;
	v13 =	vadd.s32 v2, v58;
	v3 =	vsel vm0, $0x8000, v3;
	v9, v10, _ =	vpop (xrf1)  }
0x2b3: {  	vm0 =	veq.s32 v5, v13;
	[tilespmem:s13+$0xFFFFFFE0] =	vst v3;
	v9 =	vshrl.u32 v9, $0x9  }
0x2b4: {  	v11 =	vadd.s32 v2, v11;
	v5 =	vsel vm0, $0x8000, v5;
	[tilespmem:s14+$0xFFFFFFE0] =	vst v8;
	v3 =	vperm.xlane v9, v1  }
0x2b5: {  	vm0 =	veq.s32 v4, v11;
	[tilespmem:s13+$0x0] =	vst v5  }
0x2b6: {  	v4 =	vsel vm0, $0x8000, v4;
	[tilespmem:s14+$0x0] =	vst v7;
	v3 =	vadd.s32 v2, v3  }
0x2b7: {  	[tilespmem:s13+$0xFFFFFFC0] =	vst v4;
	vm0 =	veq.s32 v9, v3  }
0x2b8: {  	[tilespmem:s14+$0xFFFFFFC0] =	vst v6;
	v3 =	vsel vm0, $0x8000, v9  }
0x2b9: {  	[tilespmem:s13+$0x30] =	vst v3  }
0x2ba: {  	s22 =	simm.s32 $0x0;
	[tilespmem:s14+$0x30] =	vst v10  }
0x2bb: {  	v3 =	vld [tilespmem:s22+$0xC0E0]  }
0x2bc: {  	v7 =	vld [tilespmem:s22+$0xA510]  }
0x2bd: {  	v8 =	vld [tilespmem:s22+$0xA500]  }
0x2be: {  	v4 =	vld [tilespmem:s22+$0xA560]  }
0x2bf: {  	v9 =	vld [tilespmem:s22+$0xC0D0]  }
0x2c0: {  	v10 =	vld [tilespmem:s22+$0xA550]  }
0x2c1: {  	v11 =	vld [tilespmem:s22+$0xA520]  }
0x2c2: {  	v12 =	vld [tilespmem:s22+$0xC080]  }
0x2c3: {  	v59 =	vld [tilespmem:s22+$0xC090]  }
0x2c4: {  	v61 =	vld [tilespmem:s22+$0xA530]  }
0x2c5: {  	v15 =	vld.idx.msk [tilespmem:v8+s8+$0x0], $0xffff  }
0x2c6: {  	v60 =	vld.idx.msk [tilespmem:v7+s9+$0x0], $0xffff  }
0x2c7: {  	v62 =	vld [tilespmem:s22+$0xC0C0]  }
0x2c8: {  	v18 =	vld [tilespmem:s22+$0xA540]  }
0x2c9: {  	v19 =	vld [tilespmem:s22+$0xC0B0]  }
0x2ca: {  	v63 =	vld [tilespmem:s22+$0xC0A0];
	vm0 =	vgt.s32 v15, v12  }
0x2cb: {  	v5 =	vld [tilespmem:s22+$0xA570];
	vm1 =	vgt.s32 v60, v59;
	v12 =	vsel vm0, v15, v12  }
0x2cc: {  	v6 =	vld [tilespmem:s22+$0xC0F0];
	v13 =	vsel vm1, v60, v59;
	[tilespmem:v8+s8+$0x0] =	vst.idx.msk $0xffff, v12  }
0x2cd: {  	[tilespmem:v7+s9+$0x0] =	vst.idx.msk $0xffff, v13  }
0x2ce: {  	v7 =	vld.idx.msk [tilespmem:v11+s8+$0x0], $0xffff  }
0x2cf: {  	v8 =	vld.idx.msk [tilespmem:v61+s9+$0x0], $0xffff;
	_ =	sdelay $0x3  }
0x2d0: {  	vm0 =	vgt.s32 v7, v63  }
0x2d1: {  	v7 =	vsel vm0, v7, v63;
	vm0 =	vgt.s32 v8, v19  }
0x2d2: {  	[tilespmem:v11+s8+$0x0] =	vst.idx.msk $0xffff, v7;
	v7 =	vsel vm0, v8, v19  }
0x2d3: {  	[tilespmem:v61+s9+$0x0] =	vst.idx.msk $0xffff, v7  }
0x2d4: {  	v7 =	vld.idx.msk [tilespmem:v18+s8+$0x0], $0xffff  }
0x2d5: {  	v8 =	vld.idx.msk [tilespmem:v10+s9+$0x0], $0xffff;
	_ =	sdelay $0x3  }
0x2d6: {  	vm0 =	vgt.s32 v7, v62  }
0x2d7: {  	v7 =	vsel vm0, v7, v62;
	vm0 =	vgt.s32 v8, v9  }
0x2d8: {  	[tilespmem:v18+s8+$0x0] =	vst.idx.msk $0xffff, v7;
	v7 =	vsel vm0, v8, v9  }
0x2d9: {  	[tilespmem:v10+s9+$0x0] =	vst.idx.msk $0xffff, v7  }
0x2da: {  	p0 =	por $0x1, $0x1;
	v8 =	vld.idx.msk [tilespmem:v4+s8+$0x0], $0xffff  }
.Ltmp8:
0x2db: {  	v7 =	vld.idx.msk [tilespmem:v5+s9+$0x0], $0xffff;
	(pc) =	sbr.rel @!p0 .LBB2_15-.Ltmp8, $2  }
0x2dc: {  	_ =	sdelay $0x2  }
0x2dd: {  	s13 =	simm.s32 $0x200;
	vm0 =	vgt.s32 v8, v3  }
.LBB2_14:
0x2de: {  	p0 =	sne.s32 s13, $0x6C00;
	v3 =	vsel vm0, v8, v3;
	vm0 =	vgt.s32 v7, v6;
	s14 =	smov.u32 s13;
	s13 =	sadd.s32 $0x200, s13  }
0x2df: {  	[tilespmem:v4+s8+$0x0] =	vst.idx.msk $0xffff, v3;
	v3 =	vsel vm0, v7, v6  }
0x2e0: {  	s14 =	sshra.s32 s14, $0x2;
	[tilespmem:v5+s9+$0x0] =	vst.idx.msk $0xffff, v3  }
0x2e1: {  	v3 =	vld [tilespmem:s14+$0xC0E0]  }
0x2e2: {  	v7 =	vld [tilespmem:s14+$0xA510]  }
0x2e3: {  	v8 =	vld [tilespmem:s14+$0xA500]  }
0x2e4: {  	v4 =	vld [tilespmem:s14+$0xA560]  }
0x2e5: {  	v9 =	vld [tilespmem:s14+$0xC0D0]  }
0x2e6: {  	v10 =	vld [tilespmem:s14+$0xA550]  }
0x2e7: {  	v11 =	vld [tilespmem:s14+$0xA520]  }
0x2e8: {  	v12 =	vld [tilespmem:s14+$0xC080]  }
0x2e9: {  	v6 =	vld [tilespmem:s14+$0xC090]  }
0x2ea: {  	v13 =	vld.idx.msk [tilespmem:v7+s9+$0x0], $0xffff  }
0x2eb: {  	v14 =	vld.idx.msk [tilespmem:v8+s8+$0x0], $0xffff  }
0x2ec: {  	v15 =	vld [tilespmem:s14+$0xA530]  }
0x2ed: {  	v16 =	vld [tilespmem:s14+$0xC0C0]  }
0x2ee: {  	v17 =	vld [tilespmem:s14+$0xA540]  }
0x2ef: {  	v18 =	vld [tilespmem:s14+$0xC0B0]  }
0x2f0: {  	vm0 =	vgt.s32 v13, v6;
	v19 =	vld [tilespmem:s14+$0xC0A0]  }
0x2f1: {  	vm1 =	vgt.s32 v14, v12;
	v13 =	vsel vm0, v13, v6;
	v5 =	vld [tilespmem:s14+$0xA570]  }
0x2f2: {  	v12 =	vsel vm1, v14, v12;
	v6 =	vld [tilespmem:s14+$0xC0F0]  }
0x2f3: {  	[tilespmem:v8+s8+$0x0] =	vst.idx.msk $0xffff, v12  }
0x2f4: {  	[tilespmem:v7+s9+$0x0] =	vst.idx.msk $0xffff, v13  }
0x2f5: {  	v7 =	vld.idx.msk [tilespmem:v11+s8+$0x0], $0xffff  }
0x2f6: {  	v8 =	vld.idx.msk [tilespmem:v15+s9+$0x0], $0xffff;
	_ =	sdelay $0x4  }
0x2f7: {  	vm0 =	vgt.s32 v7, v19  }
0x2f8: {  	v7 =	vsel vm0, v7, v19;
	vm0 =	vgt.s32 v8, v18  }
0x2f9: {  	[tilespmem:v11+s8+$0x0] =	vst.idx.msk $0xffff, v7;
	v7 =	vsel vm0, v8, v18  }
0x2fa: {  	[tilespmem:v15+s9+$0x0] =	vst.idx.msk $0xffff, v7  }
0x2fb: {  	v7 =	vld.idx.msk [tilespmem:v17+s8+$0x0], $0xffff  }
0x2fc: {  	v8 =	vld.idx.msk [tilespmem:v10+s9+$0x0], $0xffff;
	_ =	sdelay $0x4  }
0x2fd: {  	vm0 =	vgt.s32 v7, v16  }
0x2fe: {  	v7 =	vsel vm0, v7, v16;
	vm0 =	vgt.s32 v8, v9  }
0x2ff: {  	[tilespmem:v17+s8+$0x0] =	vst.idx.msk $0xffff, v7;
	v7 =	vsel vm0, v8, v9  }
0x300: {  	[tilespmem:v10+s9+$0x0] =	vst.idx.msk $0xffff, v7  }
0x301: {  	v8 =	vld.idx.msk [tilespmem:v4+s8+$0x0], $0xffff  }
0x302: {  	v7 =	vld.idx.msk [tilespmem:v5+s9+$0x0], $0xffff  }
.Ltmp9:
0x303: {  	(pc) =	sbr.rel @p0 .LBB2_14-.Ltmp9, $2  }
0x304: {  	_ =	sdelay $0x2  }
0x305: {  	vm0 =	vgt.s32 v8, v3  }
.LBB2_15:
0x306: {  	_ =	sdelay $0x2  }
0x307: {  	v3 =	vsel vm0, v8, v3;
	vm0 =	vgt.s32 v7, v6  }
0x308: {  	[tilespmem:v4+s8+$0x0] =	vst.idx.msk $0xffff, v3;
	v3 =	vsel vm0, v7, v6  }
0x309: {  	s13 =	rddreg [dreg:$0xe];
	[tilespmem:v5+s9+$0x0] =	vst.idx.msk $0xffff, v3  }
0x30a: {  	[tilespmem:s1], [sflag:$0x1] =	stream.linear.gather [hbm4b:s13+s1], $0x1B80, $0x38;
	[tilespmem:$0x1DD00] =	vst v63  }
0x30b: {  	s16 =	rddreg [dreg:$0xf]  }
0x30c: {  	[tilespmem:s2], [sflag:$0x1] =	stream.linear.gather [hbm4b:s16+s1], $0x1B80, $0x38;
	[tilespmem:$0x1DD00] =	vst v63  }
0x30d: {  	s17 =	rddreg [dreg:$0x10]  }
0x30e: {  	[tilespmem:s3], [sflag:$0x1] =	stream.linear.gather [hbm4b:s17+s1], $0x1B80, $0x38;
	[tilespmem:$0x1DD00] =	vst v63  }
0x30f: {  	_ =	swait.ge [sflag:s10], $0x1B80  }
0x310: {  	[sflag:s10] =	ssyncset.done $0x0  }
0x311: {  	[sflag:s10] =	ssyncadd.s32 $0xFFFFE480  }
0x312: {  	_ =	swait.ge [sflag:s10], $0x1B80  }
0x313: {  	[sflag:s10] =	ssyncset.done $0x0  }
0x314: {  	[sflag:s10] =	ssyncadd.s32 $0xFFFFE480  }
0x315: {  	_ =	swait.ge [sflag:s10], $0x1B80  }
0x316: {  	[sflag:s10] =	ssyncset.done $0x0  }
0x317: {  	s18 =	simm.s32 $0x1BC0;
	[sflag:s10] =	ssyncadd.s32 $0xFFFFE480  }
0x318: {  	v3 =	vld [tilespmem:s18+$0xFFFFFFC0]  }
0x319: {  	s14 =	simm.s32 $0x89C0;
	v4 =	vld [tilespmem:s18+$0x20]  }
0x31a: {  	v5 =	vld [tilespmem:s14+$0x20]  }
0x31b: {  	v6 =	vld [tilespmem:s18+$0x10]  }
0x31c: {  	v7 =	vld [tilespmem:s14+$0x10]  }
0x31d: {  	v8 =	vld [tilespmem:s18+$0xFFFFFFF0]  }
0x31e: {  	v9 =	vld [tilespmem:s18+$0xFFFFFFE0]  }
0x31f: {  	s15 =	simm.s32 $0x52C0;
	v10 =	vld [tilespmem:s14+$0xFFFFFFD0]  }
0x320: {  	v12 =	vld [tilespmem:s15+$0x30]  }
0x321: {  	v13 =	vld [tilespmem:s14+$0x30]  }
0x322: {  	v14 =	vld [tilespmem:s18+$0x0]  }
0x323: {  	v15 =	vld [tilespmem:s15+$0x20]  }
0x324: {  	v16 =	vld [tilespmem:s18+$0xFFFFFFD0]  }
0x325: {  	v17 =	vld [tilespmem:s15+$0x10]  }
0x326: {  	v18 =	vld [tilespmem:s15+$0x0]  }
0x327: {  	v19 =	vld [tilespmem:s15+$0xFFFFFFF0]  }
0x328: {  	v20 =	vld [tilespmem:s15+$0xFFFFFFE0]  }
0x329: {  	v21 =	vld [tilespmem:s15+$0xFFFFFFD0]  }
0x32a: {  	v22 =	vld [tilespmem:s15+$0xFFFFFFC0]  }
0x32b: {  	v23 =	vld [tilespmem:s14+$0xFFFFFFC0]  }
0x32c: {  	v24 =	vld [tilespmem:s14+$0xFFFFFFE0]  }
0x32d: {  	v25 =	vld [tilespmem:s14+$0xFFFFFFF0]  }
0x32e: {  	v26 =	vld [tilespmem:s18+$0x30]  }
0x32f: {  	s19 =	simm.s32 $0x1C40;
	v27 =	vld [tilespmem:s14+$0x0]  }
0x330: {  	v11 =	vld [tilespmem:s19+$0xFFFFFFC0]  }
0x331: {  	s20 =	simm.s32 $0x8A40;
	v28 =	vld [tilespmem:s19+$0x20]  }
0x332: {  	v29 =	vld [tilespmem:s20+$0x20];
	v15 =	vshll.u32 v15, $0x9  }
0x333: {  	v30 =	vld [tilespmem:s19+$0xFFFFFFE0];
	v5 =	vshll.u32 v5, $0x12;
	v17 =	vshll.u32 v17, $0x9;
	v15 =	vadd.s32 v4, v15  }
0x334: {  	s22 =	simm.s32 $0x1CC0;
	v31 =	vld [tilespmem:s19+$0x0];
	v7 =	vshll.u32 v7, $0x12;
	v5 =	vadd.s32 v5, v15;
	v15 =	vadd.s32 v6, v17  }
0x335: {  	s16 =	simm.s32 $0x8AC0;
	v32 =	vld [tilespmem:s22+$0x20];
	v7 =	vadd.s32 v7, v15;
	(xrf1) =	vsort.ascd.msk.u32 $0xffff, v5, v4  }
0x336: {  	v39 =	vld [tilespmem:s16+$0x10];
	s18 =	simm.s32 $0x53C0;
	(xrf1) =	vsort.ascd.msk.u32 $0xffff, v7, v6  }
0x337: {  	v53 =	vld [tilespmem:s18+$0x20];
	v20 =	vshll.u32 v20, $0x9  }
0x338: {  	v17 =	vld [tilespmem:s19+$0x10];
	v6 =	vshll.u32 v10, $0x12;
	v10 =	vshll.u32 v18, $0x9;
	v18 =	vshll.u32 v21, $0x9  }
0x339: {  	v5 =	vld [tilespmem:s20+$0x10];
	v4 =	vshll.u32 v12, $0x9;
	v12 =	vshll.u32 v19, $0x9;
	v18 =	vadd.s32 v16, v18  }
0x33a: {  	s21 =	simm.s32 $0x5340;
	v15 =	vld [tilespmem:s19+$0xFFFFFFF0];
	v12 =	vadd.s32 v8, v12;
	v6 =	vadd.s32 v6, v18;
	v18 =	vshll.u32 v25, $0x12  }
0x33b: {  	v24 =	vshll.u32 v24, $0x12;
	v20 =	vadd.s32 v9, v20;
	v19 =	vld [tilespmem:s21+$0x30];
	(xrf1) =	vsort.ascd.msk.u32 $0xffff, v6, v16;
	v6 =	vadd.s32 v18, v12  }
0x33c: {  	v12 =	vld [tilespmem:s21+$0x20];
	v16 =	vadd.s32 v24, v20;
	(xrf1) =	vsort.ascd.msk.u32 $0xffff, v6, v8  }
0x33d: {  	v22 =	vshll.u32 v22, $0x9;
	(xrf1) =	vsort.ascd.msk.u32 $0xffff, v16, v9;
	v9 =	vld [tilespmem:s21+$0x10]  }
0x33e: {  	v7 =	vld [tilespmem:s20+$0xFFFFFFD0];
	v4 =	vadd.s32 v26, v4;
	v10 =	vadd.s32 v14, v10;
	v6 =	vshll.u32 v27, $0x12  }
0x33f: {  	v21 =	vld [tilespmem:s20+$0x30];
	v18 =	vadd.s32 v3, v22;
	v20 =	vshll.u32 v23, $0x12;
	v6 =	vadd.s32 v6, v10  }
0x340: {  	v23 =	vld [tilespmem:s20+$0xFFFFFFF0];
	v10 =	vshll.u32 v13, $0x12;
	(xrf1) =	vsort.ascd.msk.u32 $0xffff, v6, v14;
	v6 =	vadd.s32 v20, v18  }
0x341: {  	v13 =	vld [tilespmem:s21+$0x0];
	(xrf1) =	vsort.ascd.msk.u32 $0xffff, v6, v3;
	v3 =	vadd.s32 v10, v4;
	v10 =	vshll.u32 v12, $0x9  }
0x342: {  	v16 =	vshll.u32 v29, $0x12;
	v18 =	vld [tilespmem:s21+$0xFFFFFFC0];
	v10 =	vadd.s32 v28, v10;
	v9 =	vshll.u32 v9, $0x9  }
0x343: {  	v5 =	vshll.u32 v5, $0x12;
	v6 =	vld [tilespmem:s21+$0xFFFFFFF0];
	(xrf1) =	vsort.ascd.msk.u32 $0xffff, v3, v26;
	v10 =	vadd.s32 v16, v10;
	v9 =	vadd.s32 v17, v9;
	v14, v4, _ =	vpop (xrf1)  }
0x344: {  	v3 =	vld [tilespmem:s21+$0xFFFFFFE0];
	v5 =	vadd.s32 v5, v9;
	v20, v27, _ =	vpop (xrf1);
	(xrf1) =	vsort.ascd.msk.u32 $0xffff, v10, v28  }
0x345: {  	v56 =	vshll.u32 v39, $0x12;
	v57 =	vshll.u32 v53, $0x9;
	v12 =	vld [tilespmem:s21+$0xFFFFFFD0];
	(xrf1) =	vsort.ascd.msk.u32 $0xffff, v5, v17  }
0x346: {  	v59 =	vadd.s32 v32, v57;
	v8 =	vld [tilespmem:s19+$0xFFFFFFD0];
	v19 =	vshll.u32 v19, $0x9;
	v22 =	vshrl.u32 v20, $0x9  }
0x347: {  	v21 =	vshll.u32 v21, $0x12;
	v16 =	vld [tilespmem:s20+$0xFFFFFFC0];
	v14 =	vshrl.u32 v14, $0x9;
	v10 =	vperm.xlane v22, v1  }
0x348: {  	v13 =	vshll.u32 v13, $0x9;
	v18 =	vshll.u32 v18, $0x9;
	v28 =	vld [tilespmem:s19+$0x30];
	v9 =	vperm.xlane v14, v1  }
0x349: {  	v6 =	vshll.u32 v6, $0x9;
	v5 =	vshll.u32 v7, $0x12;
	v7 =	vadd.s32 v2, v10;
	v10 =	vld [tilespmem:s20+$0x0]  }
0x34a: {  	v12 =	vshll.u32 v12, $0x9;
	v20 =	vld [tilespmem:s20+$0xFFFFFFE0];
	v24 =	vadd.s32 v2, v9;
	v9 =	vshll.u32 v3, $0x9  }
0x34b: {  	v18 =	vadd.s32 v11, v18;
	v6 =	vadd.s32 v15, v6;
	v12 =	vadd.s32 v8, v12  }
0x34c: {  	v38 =	vld [tilespmem:s22+$0x10];
	v16 =	vshll.u32 v16, $0x12;
	v12 =	vadd.s32 v5, v12;
	v5 =	vshll.u32 v23, $0x12;
	v26, v37, _ =	vpop (xrf1)  }
0x34d: {  	v58 =	vld [tilespmem:s18+$0xFFFFFFD0];
	v13 =	vadd.s32 v31, v13;
	v52 =	vadd.s32 v16, v18;
	v36 =	vadd.s32 v5, v6;
	v25, v17, _ =	vpop (xrf1)  }
0x34e: {  	v62 =	vld [tilespmem:s16+$0xFFFFFFD0];
	v29 =	vadd.s32 v30, v9;
	vm1 =	veq.s32 v14, v24;
	v34, v9, _ =	vpop (xrf1);
	v10 =	vshll.u32 v10, $0x12  }
0x34f: {  	v46 =	vld [tilespmem:s18+$0x10];
	(xrf1) =	vsort.ascd.msk.u32 $0xffff, v12, v8;
	v20 =	vshll.u32 v20, $0x12;
	v35, v23, _ =	vpop (xrf1);
	v10 =	vadd.s32 v10, v13;
	v13 =	vadd.s32 v28, v19  }
0x350: {  	v55 =	vld [tilespmem:s18+$0xFFFFFFE0];
	vm0 =	veq.s32 v22, v7;
	v42 =	vshrl.u32 v25, $0x9;
	v20 =	vadd.s32 v20, v29;
	v40, v5, _ =	vpop (xrf1);
	(xrf1) =	vsort.ascd.msk.u32 $0xffff, v36, v15  }
0x351: {  	v60 =	vld [tilespmem:s18+$0xFFFFFFC0];
	s19 =	simm.s32 $0xA540;
	v41 =	vsel vm1, $0x8000, v14;
	v63 =	vsel vm0, $0x8000, v22;
	v44 =	vperm.xlane v42, v1;
	v24, v8, _ =	vpop (xrf1);
	(xrf1) =	vsort.ascd.msk.u32 $0xffff, v20, v30  }
0x352: {  	v6 =	vld [tilespmem:s22+$0xFFFFFFE0];
	[tilespmem:s19+$0x10] =	vst v63;
	v63 =	vshll.u32 v58, $0x9;
	v25 =	vshrl.u32 v34, $0x9;
	(xrf1) =	vsort.ascd.msk.u32 $0xffff, v10, v31;
	v16, v18, _ =	vpop (xrf1)  }
0x353: {  	v33 =	vld [tilespmem:s16+$0x20];
	s20 =	simm.s32 $0xC0C0;
	v15 =	vshrl.u32 v24, $0x9;
	v21 =	vadd.s32 v21, v13;
	v24 =	vshrl.u32 v16, $0x9;
	v16, v13, _ =	vpop (xrf1);
	(xrf1) =	vsort.ascd.msk.u32 $0xffff, v52, v11  }
0x354: {  	v50 =	vld [tilespmem:s18+$0x0];
	v54 =	vadd.s32 v2, v44;
	[tilespmem:s20+$0x10] =	vst v27;
	v27 =	vshll.u32 v46, $0x9;
	v19 =	vshrl.u32 v26, $0x9  }
0x355: {  	v39 =	vld [tilespmem:s16+$0xFFFFFFC0];
	v34 =	vshll.u32 v55, $0x9;
	v12 =	vshrl.u32 v35, $0x9;
	v49 =	vperm.xlane v19, v1;
	(xrf1) =	vsort.ascd.msk.u32 $0xffff, v21, v28  }
0x356: {  	v3 =	vld [tilespmem:s22+$0xFFFFFFC0];
	v35 =	vshll.u32 v62, $0x12;
	vm1 =	veq.s32 v42, v54;
	v27 =	vadd.s32 v38, v27  }
0x357: {  	v44 =	vadd.s32 v6, v34;
	v34 =	vshll.u32 v60, $0x9;
	v21 =	vld [tilespmem:s18+$0xFFFFFFF0];
	v28 =	vadd.s32 v2, v49  }
0x358: {  	v29 =	vld [tilespmem:s18+$0x30];
	v14 =	vshrl.u32 v40, $0x9;
	v48 =	vperm.xlane v12, v1;
	vm0 =	veq.s32 v19, v28  }
0x359: {  	v30 =	vld [tilespmem:s16+$0x30];
	v40 =	vshll.u32 v50, $0x9;
	v31 =	vperm.xlane v25, v1;
	v19 =	vsel vm0, $0x8000, v19  }
0x35a: {  	v7 =	vld [tilespmem:s22+$0xFFFFFFF0];
	v61 =	vsel vm1, $0x8000, v42;
	v27 =	vadd.s32 v56, v27;
	v28 =	vshll.u32 v33, $0x12  }
0x35b: {  	v26 =	vld [tilespmem:s22+$0xFFFFFFD0];
	v45 =	vperm.xlane v14, v1;
	v20 =	vperm.xlane v15, v1;
	v62 =	vadd.s32 v2, v31  }
0x35c: {  	[tilespmem:s19+$0x20] =	vst v41;
	v46 =	vld [tilespmem:s16+$0xFFFFFFF0];
	v22 =	vshrl.u32 v16, $0x9;
	v33 =	vadd.s32 v28, v59;
	v21 =	vshll.u32 v21, $0x9  }
0x35d: {  	v10 =	vld [tilespmem:s22+$0x0];
	v43 =	vperm.xlane v24, v1;
	v47 =	vperm.xlane v22, v1;
	[tilespmem:s19+$0xFFFFFFD0] =	vst v19;
	v28, v19, _ =	vpop (xrf1);
	(xrf1) =	vsort.ascd.msk.u32 $0xffff, v33, v32  }
0x35e: {  	v42 =	vld [tilespmem:s16+$0xFFFFFFE0];
	v41 =	vadd.s32 v2, v45;
	v11 =	vshll.u32 v30, $0x12;
	v16 =	vshll.u32 v29, $0x9;
	v36, v31, _ =	vpop (xrf1);
	(xrf1) =	vsort.ascd.msk.u32 $0xffff, v27, v38  }
0x35f: {  	s13 =	simm.s32 $0xA640;
	s17 =	simm.s32 $0xA5C0;
	s15 =	simm.s32 $0xC140;
	[tilespmem:s19+$0xFFFFFFF0] =	vst v61;
	v29 =	vadd.s32 v2, v43;
	vm0 =	veq.s32 v25, v62;
	v30 =	vadd.s32 v2, v47;
	v27 =	vld [tilespmem:s22+$0x30];
	v33, v32, _ =	vpop (xrf1)  }
0x360: {  	s14 =	simm.s32 $0xC1C0;
	s21 =	simm.s32 $0x10;
	v47 =	vadd.s32 v26, v63;
	[tilespmem:s20+$0xFFFFFFD0] =	vst v37;
	v37 =	vadd.s32 v2, v48;
	v43 =	vadd.s32 v7, v21;
	v38 =	vld [tilespmem:s16+$0x0];
	s22 =	simm.s32 $0x1D40;
	v45, v21, _ =	vpop (xrf1)  }
.LBB2_16:
0x361: {  	v48 =	vld [tilespmem:s22+$0xFFFFFFC0];
	s21 =	sadd.s32 $0x8, s21;
	v49 =	vadd.s32 v3, v34;
	v35 =	vadd.s32 v35, v47;
	s18 =	sadd.s32 $0x80, s18;
	s16 =	sadd.s32 $0x80, s16;
	v47, v50, _ =	vpop (xrf1);
	v25 =	vsel vm0, $0x8000, v25;
	[tilespmem:s20+$0xFFFFFFF0] =	vst v17  }
0x362: {  	v39 =	vshll.u32 v39, $0x12;
	v40 =	vadd.s32 v10, v40;
	vm1 =	veq.s32 v12, v37;
	v34 =	vld [tilespmem:s22+$0x20];
	p0 =	slt.u32 s21, $0x1B0;
	[tilespmem:s20+$0x20] =	vst v4;
	v4 =	vmovc v18  }
0x363: {  	v52 =	vshll.u32 v42, $0x12;
	v51 =	vld [tilespmem:s16+$0x20];
	v18 =	vshll.u32 v46, $0x12;
	(xrf1) =	vsort.ascd.msk.u32 $0xffff, v35, v26;
	v26, v42, _ =	vpop (xrf1);
	v35 =	vadd.s32 v2, v20  }
0x364: {  	vm0 =	veq.s32 v22, v30;
	vm2 =	veq.s32 v24, v29;
	v37 =	vld [tilespmem:s22+$0x10];
	v18 =	vadd.s32 v18, v43;
	[tilespmem:s19+$0xFFFFFFE0] =	vst v25  }
0x365: {  	v17 =	vmovc v31;
	v20 =	vadd.s32 v52, v44;
	v44 =	vsel vm2, $0x8000, v24;
	v25 =	vshrl.u32 v45, $0x9;
	v43 =	vld [tilespmem:s16+$0x10];
	[tilespmem:s20+$0xFFFFFFE0] =	vst v9;
	v9 =	vmovc v32  }
0x366: {  	v31 =	vshrl.u32 v26, $0x9;
	v32 =	vshrl.u32 v36, $0x9;
	(xrf1) =	vsort.ascd.msk.u32 $0xffff, v18, v7;
	v7 =	vld [tilespmem:s22+$0xFFFFFFF0];
	v18 =	vsel vm1, $0x8000, v12;
	v12 =	vmovc v25  }
0x367: {  	v24 =	vshll.u32 v38, $0x12;
	v25 =	vshrl.u32 v33, $0x9;
	vm1 =	veq.s32 v14, v41;
	(xrf1) =	vsort.ascd.msk.u32 $0xffff, v20, v6;
	v6 =	vld [tilespmem:s22+$0xFFFFFFE0]  }
0x368: {  	vm2 =	veq.s32 v15, v35;
	v24 =	vadd.s32 v24, v40;
	v20 =	vperm.xlane v31, v1;
	v30 =	vld [tilespmem:s16+$0xFFFFFFD0];
	[tilespmem:s19+$0x0] =	vst v18  }
0x369: {  	v33 =	vsel vm0, $0x8000, v22;
	v38 =	vperm.xlane v25, v1;
	v29 =	vld [tilespmem:s18+$0x30];
	(xrf1) =	vsort.ascd.msk.u32 $0xffff, v24, v10;
	v10 =	vshrl.u32 v47, $0x9  }
0x36a: {  	v16 =	vadd.s32 v27, v16;
	v22 =	vsel vm1, $0x8000, v14;
	v24 =	vadd.s32 v39, v49;
	v35 =	vld [tilespmem:s16+$0x30];
	[tilespmem:s20+$0x0] =	vst v23;
	v14 =	vmovc v10  }
0x36b: {  	v49 =	vperm.xlane v12, v1;
	v23 =	vshrl.u32 v28, $0x9;
	v10 =	vld [tilespmem:s22+$0x0];
	(xrf1) =	vsort.ascd.msk.u32 $0xffff, v24, v3;
	v3, v18, _ =	vpop (xrf1);
	v41 =	vperm.xlane v14, v1  }
0x36c: {  	v15 =	vsel vm2, $0x8000, v15;
	v47 =	vadd.s32 v11, v16;
	v28 =	vld [tilespmem:s18+$0x20];
	v24 =	vshrl.u32 v3, $0x9;
	v11, v36, _ =	vpop (xrf1);
	[tilespmem:s19+$0xFFFFFFC0] =	vst v22  }
0x36d: {  	v26 =	vld [tilespmem:s22+$0xFFFFFFD0];
	v22 =	vshrl.u32 v11, $0x9;
	v39 =	vperm.xlane v24, v1;
	(xrf1) =	vsort.ascd.msk.u32 $0xffff, v47, v27;
	v27 =	vperm.xlane v32, v1  }
0x36e: {  	v46 =	vperm.xlane v23, v1;
	v3 =	vmovc v48;
	v40 =	vld [tilespmem:s18+$0x10];
	v16 =	vshll.u32 v29, $0x9;
	v45 =	vperm.xlane v22, v1;
	[tilespmem:s17+$0x10] =	vst v33  }
0x36f: {  	v33 =	vld [tilespmem:s18+$0x0];
	v11 =	vshll.u32 v35, $0x12;
	v29 =	vadd.s32 v2, v39;
	v27 =	vadd.s32 v2, v27;
	[tilespmem:s20+$0xFFFFFFC0] =	vst v5;
	v5 =	vmovc v50  }
0x370: {  	v35 =	vshll.u32 v30, $0x12;
	v39 =	vadd.s32 v2, v46;
	v47 =	vld [tilespmem:s18+$0xFFFFFFF0];
	v30 =	vadd.s32 v2, v45;
	[tilespmem:s19+$0x30] =	vst v15;
	v15 =	vmovc v31;
	s19 =	smov.u32 s17;
	s17 =	smov.u32 s13  }
0x371: {  	v43 =	vshll.u32 v43, $0x12;
	vm0 =	veq.s32 v23, v39;
	v45 =	vld [tilespmem:s18+$0xFFFFFFE0];
	v53 =	vshll.u32 v28, $0x9;
	v28, v48, _ =	vpop (xrf1);
	[tilespmem:s20+$0x30] =	vst v8;
	s20 =	smov.u32 s15;
	s15 =	smov.u32 s14  }
0x372: {  	v39 =	vshll.u32 v51, $0x12;
	vm1 =	veq.s32 v32, v27;
	v8 =	vmovc v42;
	v50 =	vld [tilespmem:s18+$0xFFFFFFD0];
	v52 =	vadd.s32 v34, v53;
	[tilespmem:s20+$0x10] =	vst v13  }
0x373: {  	v42 =	vsel vm0, $0x8000, v23;
	v23 =	vmovc v21;
	v13 =	vmovc v36;
	v51 =	vld [tilespmem:s18+$0xFFFFFFC0];
	v27 =	vshll.u32 v40, $0x9;
	v46 =	vadd.s32 v39, v52;
	[tilespmem:s19+$0x20] =	vst v44  }
.Ltmp10:
0x374: {  	v52 =	vsel vm1, $0x8000, v32;
	v39 =	vld [tilespmem:s16+$0xFFFFFFC0];
	v40 =	vshll.u32 v33, $0x9;
	v53 =	vadd.s32 v37, v27;
	v36, v31, _ =	vpop (xrf1);
	[tilespmem:s19+$0xFFFFFFD0] =	vst v42;
	(pc) =	sbr.rel @p0 .LBB2_16-.Ltmp10, $4  }
0x375: {  	v42 =	vld [tilespmem:s16+$0xFFFFFFE0];
	v27 =	vshll.u32 v47, $0x9;
	v47 =	vadd.s32 v43, v53;
	(xrf1) =	vsort.ascd.msk.u32 $0xffff, v46, v34;
	v33, v32, _ =	vpop (xrf1);
	v34 =	vadd.s32 v2, v38  }
0x376: {  	v38 =	vshll.u32 v45, $0x9;
	v46 =	vld [tilespmem:s16+$0xFFFFFFF0];
	v43 =	vadd.s32 v7, v27;
	(xrf1) =	vsort.ascd.msk.u32 $0xffff, v47, v37;
	vm0 =	veq.s32 v25, v34  }
0x377: {  	v41 =	vadd.s32 v2, v41;
	v37 =	vshll.u32 v50, $0x9;
	v44 =	vadd.s32 v6, v38;
	v27 =	vld [tilespmem:s22+$0x30];
	v45, v21, _ =	vpop (xrf1);
	[tilespmem:s19+$0xFFFFFFF0] =	vst v52  }
0x378: {  	s13 =	sadd.s32 $0x80, s13;
	s14 =	sadd.s32 $0x80, s14;
	s22 =	sadd.s32 $0x80, s22;
	v34 =	vshll.u32 v51, $0x9;
	v47 =	vadd.s32 v26, v37;
	v38 =	vld [tilespmem:s16+$0x0];
	[tilespmem:s20+$0xFFFFFFD0] =	vst v19;
	v37 =	vadd.s32 v2, v49;
	v19 =	vmovc v48  }
0x379: {  	v60 =	vadd.s32 v3, v34  }
0x37a: {  	v61 =	vadd.s32 v35, v47;
	v25 =	vsel vm0, $0x8000, v25;
	[tilespmem:s20+$0x20] =	vst v4;
	v4 =	vshll.u32 v39, $0x12  }
0x37b: {  	[tilespmem:s20+$0xFFFFFFF0] =	vst v17;
	v62 =	vadd.s32 v10, v40;
	vm0 =	veq.s32 v12, v37;
	vm1 =	veq.s32 v22, v30  }
0x37c: {  	v47 =	vshrl.u32 v45, $0x9;
	v48 =	vshrl.u32 v28, $0x9;
	v51 =	vshrl.u32 v36, $0x9;
	[tilespmem:s19+$0xFFFFFFE0] =	vst v25  }
0x37d: {  	v63 =	vshll.u32 v42, $0x12;
	(xrf1) =	vsort.ascd.msk.u32 $0xffff, v61, v26;
	v42 =	vadd.s32 v2, v20;
	v22 =	vsel vm1, $0x8000, v22  }
0x37e: {  	v52 =	vperm.xlane v48, v1;
	v4 =	vadd.s32 v4, v60;
	v56 =	vperm.xlane v47, v1;
	[tilespmem:s20+$0xFFFFFFE0] =	vst v9  }
0x37f: {  	v40 =	vshll.u32 v46, $0x12;
	v9 =	vsel vm0, $0x8000, v12;
	vm0 =	veq.s32 v14, v41;
	[tilespmem:s17+$0x10] =	vst v22  }
0x380: {  	v46 =	vadd.s32 v63, v44;
	vm1 =	veq.s32 v15, v42;
	[tilespmem:s19+$0x0] =	vst v9;
	v14 =	vsel vm0, $0x8000, v14  }
0x381: {  	v9 =	vadd.s32 v40, v43;
	vm0 =	veq.s32 v24, v29;
	v15 =	vsel vm1, $0x8000, v15;
	[tilespmem:s19+$0xFFFFFFC0] =	vst v14  }
0x382: {  	v50, v49, _ =	vpop (xrf1);
	v54 =	vadd.s32 v2, v52;
	(xrf1) =	vsort.ascd.msk.u32 $0xffff, v9, v7;
	v7 =	vperm.xlane v51, v1;
	[tilespmem:s19+$0x30] =	vst v15  }
0x383: {  	v24 =	vsel vm0, $0x8000, v24;
	v9 =	vshll.u32 v38, $0x12;
	vm0 =	veq.s32 v48, v54;
	[tilespmem:s20+$0xFFFFFFC0] =	vst v5  }
0x384: {  	v5, v53, _ =	vpop (xrf1);
	[tilespmem:s20+$0x30] =	vst v8;
	(xrf1) =	vsort.ascd.msk.u32 $0xffff, v46, v6;
	v8 =	vadd.s32 v9, v62;
	v6 =	vadd.s32 v2, v7  }
0x385: {  	v7 =	vshrl.u32 v33, $0x9;
	(xrf1) =	vsort.ascd.msk.u32 $0xffff, v8, v10;
	vm1 =	veq.s32 v51, v6;
	v6 =	vsel vm0, $0x8000, v48;
	v10, v55, _ =	vpop (xrf1)  }
0x386: {  	v9 =	vperm.xlane v7, v1;
	[tilespmem:s17+$0xFFFFFFD0] =	vst v6;
	v6 =	vsel vm1, $0x8000, v51;
	(xrf1) =	vsort.ascd.msk.u32 $0xffff, v4, v3;
	v4, v57, _ =	vpop (xrf1)  }
0x387: {  	v8 =	vshrl.u32 v50, $0x9;
	[tilespmem:s17+$0xFFFFFFF0] =	vst v6;
	v6 =	vadd.s32 v27, v16;
	v4 =	vshrl.u32 v4, $0x9  }
0x388: {  	[tilespmem:s15+$0x10] =	vst v13;
	v9 =	vadd.s32 v2, v9;
	v6 =	vadd.s32 v11, v6;
	v11 =	vperm.xlane v4, v1  }
0x389: {  	[tilespmem:s20+$0x0] =	vst v23;
	v3 =	vperm.xlane v8, v1;
	vm0 =	veq.s32 v7, v9;
	v9 =	vadd.s32 v2, v56  }
0x38a: {  	[tilespmem:s17+$0x20] =	vst v24;
	v7 =	vsel vm0, $0x8000, v7;
	vm0 =	veq.s32 v47, v9;
	v9 =	vadd.s32 v2, v11  }
0x38b: {  	v5 =	vshrl.u32 v5, $0x9;
	[tilespmem:s15+$0x20] =	vst v18  }
0x38c: {  	[tilespmem:s17+$0xFFFFFFE0] =	vst v7;
	v3 =	vadd.s32 v2, v3;
	v7 =	vperm.xlane v5, v1  }
0x38d: {  	[tilespmem:s15+$0xFFFFFFD0] =	vst v19;
	(xrf1) =	vsort.ascd.msk.u32 $0xffff, v6, v27;
	v6 =	vsel vm0, $0x8000, v47;
	vm0 =	veq.s32 v8, v3  }
0x38e: {  	[tilespmem:s15+$0xFFFFFFF0] =	vst v31;
	v3 =	vsel vm0, $0x8000, v8;
	v7 =	vadd.s32 v2, v7;
	vm1 =	veq.s32 v4, v9;
	v8, v9, _ =	vpop (xrf1)  }
0x38f: {  	[tilespmem:s15+$0xFFFFFFE0] =	vst v32;
	vm0 =	veq.s32 v5, v7;
	v7 =	vshrl.u32 v8, $0x9  }
0x390: {  	[tilespmem:s17+$0x0] =	vst v6;
	v6 =	vshrl.u32 v10, $0x9;
	v8 =	vperm.xlane v7, v1  }
0x391: {  	[tilespmem:s17+$0xFFFFFFC0] =	vst v3;
	v3 =	vperm.xlane v6, v1  }
0x392: {  	[tilespmem:s15+$0x0] =	vst v21;
	v5 =	vsel vm0, $0x8000, v5;
	v4 =	vsel vm1, $0x8000, v4;
	v10, v11, _ =	vpop (xrf1)  }
0x393: {  	v3 =	vadd.s32 v2, v3;
	[tilespmem:s13+$0x10] =	vst v4;
	v4 =	vshrl.u32 v10, $0x9  }
0x394: {  	[tilespmem:s15+$0xFFFFFFC0] =	vst v49;
	vm0 =	veq.s32 v6, v3;
	v10 =	vperm.xlane v4, v1  }
0x395: {  	[tilespmem:s17+$0x30] =	vst v5;
	v6 =	vsel vm0, $0x8000, v6;
	v3 =	vadd.s32 v2, v8;
	v5, v8, _ =	vpop (xrf1)  }
0x396: {  	[tilespmem:s15+$0x30] =	vst v53;
	v10 =	vadd.s32 v2, v10;
	vm0 =	veq.s32 v7, v3;
	v3 =	vshrl.u32 v5, $0x9  }
0x397: {  	[tilespmem:s14+$0x10] =	vst v57;
	vm1 =	veq.s32 v4, v10;
	v10 =	vperm.xlane v3, v1  }
0x398: {  	[tilespmem:s13+$0x20] =	vst v6;
	v4 =	vsel vm1, $0x8000, v4  }
0x399: {  	[tilespmem:s14+$0x20] =	vst v55;
	v5 =	vsel vm0, $0x8000, v7;
	v6, v7, _ =	vpop (xrf1);
	v10 =	vadd.s32 v2, v10  }
0x39a: {  	[tilespmem:s13+$0xFFFFFFD0] =	vst v5;
	v5 =	vshrl.u32 v6, $0x9  }
0x39b: {  	[tilespmem:s13+$0xFFFFFFF0] =	vst v4;
	v4, v6, _ =	vpop (xrf1);
	v58 =	vperm.xlane v5, v1  }
0x39c: {  	[tilespmem:s14+$0xFFFFFFF0] =	vst v11;
	v4 =	vshrl.u32 v4, $0x9;
	vm0 =	veq.s32 v3, v10  }
0x39d: {  	[tilespmem:s14+$0xFFFFFFD0] =	vst v9;
	v11 =	vperm.xlane v4, v1;
	v13 =	vadd.s32 v2, v58;
	v3 =	vsel vm0, $0x8000, v3;
	v9, v10, _ =	vpop (xrf1)  }
0x39e: {  	vm0 =	veq.s32 v5, v13;
	[tilespmem:s13+$0xFFFFFFE0] =	vst v3;
	v9 =	vshrl.u32 v9, $0x9  }
0x39f: {  	v11 =	vadd.s32 v2, v11;
	v5 =	vsel vm0, $0x8000, v5;
	[tilespmem:s14+$0xFFFFFFE0] =	vst v8;
	v3 =	vperm.xlane v9, v1  }
0x3a0: {  	vm0 =	veq.s32 v4, v11;
	[tilespmem:s13+$0x0] =	vst v5  }
0x3a1: {  	v4 =	vsel vm0, $0x8000, v4;
	[tilespmem:s14+$0x0] =	vst v7;
	v3 =	vadd.s32 v2, v3  }
0x3a2: {  	[tilespmem:s13+$0xFFFFFFC0] =	vst v4;
	vm0 =	veq.s32 v9, v3  }
0x3a3: {  	[tilespmem:s14+$0xFFFFFFC0] =	vst v6;
	v3 =	vsel vm0, $0x8000, v9  }
0x3a4: {  	[tilespmem:s13+$0x30] =	vst v3  }
0x3a5: {  	s22 =	simm.s32 $0x0;
	[tilespmem:s14+$0x30] =	vst v10  }
0x3a6: {  	v3 =	vld [tilespmem:s22+$0xC0E0]  }
0x3a7: {  	v7 =	vld [tilespmem:s22+$0xA510]  }
0x3a8: {  	v8 =	vld [tilespmem:s22+$0xA500]  }
0x3a9: {  	v4 =	vld [tilespmem:s22+$0xA560]  }
0x3aa: {  	v9 =	vld [tilespmem:s22+$0xC0D0]  }
0x3ab: {  	v10 =	vld [tilespmem:s22+$0xA550]  }
0x3ac: {  	v11 =	vld [tilespmem:s22+$0xA520]  }
0x3ad: {  	v12 =	vld [tilespmem:s22+$0xC080]  }
0x3ae: {  	v59 =	vld [tilespmem:s22+$0xC090]  }
0x3af: {  	v61 =	vld [tilespmem:s22+$0xA530]  }
0x3b0: {  	v15 =	vld.idx.msk [tilespmem:v8+s8+$0x0], $0xffff  }
0x3b1: {  	v60 =	vld.idx.msk [tilespmem:v7+s9+$0x0], $0xffff  }
0x3b2: {  	v62 =	vld [tilespmem:s22+$0xC0C0]  }
0x3b3: {  	v18 =	vld [tilespmem:s22+$0xA540]  }
0x3b4: {  	v19 =	vld [tilespmem:s22+$0xC0B0]  }
0x3b5: {  	v63 =	vld [tilespmem:s22+$0xC0A0];
	vm0 =	vgt.s32 v15, v12  }
0x3b6: {  	v5 =	vld [tilespmem:s22+$0xA570];
	vm1 =	vgt.s32 v60, v59;
	v12 =	vsel vm0, v15, v12  }
0x3b7: {  	v6 =	vld [tilespmem:s22+$0xC0F0];
	v13 =	vsel vm1, v60, v59;
	[tilespmem:v8+s8+$0x0] =	vst.idx.msk $0xffff, v12  }
0x3b8: {  	[tilespmem:v7+s9+$0x0] =	vst.idx.msk $0xffff, v13  }
0x3b9: {  	v7 =	vld.idx.msk [tilespmem:v11+s8+$0x0], $0xffff  }
0x3ba: {  	v8 =	vld.idx.msk [tilespmem:v61+s9+$0x0], $0xffff;
	_ =	sdelay $0x3  }
0x3bb: {  	vm0 =	vgt.s32 v7, v63  }
0x3bc: {  	v7 =	vsel vm0, v7, v63;
	vm0 =	vgt.s32 v8, v19  }
0x3bd: {  	[tilespmem:v11+s8+$0x0] =	vst.idx.msk $0xffff, v7;
	v7 =	vsel vm0, v8, v19  }
0x3be: {  	[tilespmem:v61+s9+$0x0] =	vst.idx.msk $0xffff, v7  }
0x3bf: {  	v7 =	vld.idx.msk [tilespmem:v18+s8+$0x0], $0xffff  }
0x3c0: {  	v8 =	vld.idx.msk [tilespmem:v10+s9+$0x0], $0xffff;
	_ =	sdelay $0x3  }
0x3c1: {  	vm0 =	vgt.s32 v7, v62  }
0x3c2: {  	v7 =	vsel vm0, v7, v62;
	vm0 =	vgt.s32 v8, v9  }
0x3c3: {  	[tilespmem:v18+s8+$0x0] =	vst.idx.msk $0xffff, v7;
	v7 =	vsel vm0, v8, v9  }
0x3c4: {  	[tilespmem:v10+s9+$0x0] =	vst.idx.msk $0xffff, v7  }
0x3c5: {  	p0 =	por $0x1, $0x1;
	v8 =	vld.idx.msk [tilespmem:v4+s8+$0x0], $0xffff  }
.Ltmp11:
0x3c6: {  	v7 =	vld.idx.msk [tilespmem:v5+s9+$0x0], $0xffff;
	(pc) =	sbr.rel @!p0 .LBB2_19-.Ltmp11, $2  }
0x3c7: {  	_ =	sdelay $0x2  }
0x3c8: {  	s13 =	simm.s32 $0x200;
	vm0 =	vgt.s32 v8, v3  }
.LBB2_18:
0x3c9: {  	p0 =	sne.s32 s13, $0x6C00;
	v3 =	vsel vm0, v8, v3;
	vm0 =	vgt.s32 v7, v6;
	s14 =	smov.u32 s13;
	s13 =	sadd.s32 $0x200, s13  }
0x3ca: {  	[tilespmem:v4+s8+$0x0] =	vst.idx.msk $0xffff, v3;
	v3 =	vsel vm0, v7, v6  }
0x3cb: {  	s14 =	sshra.s32 s14, $0x2;
	[tilespmem:v5+s9+$0x0] =	vst.idx.msk $0xffff, v3  }
0x3cc: {  	v3 =	vld [tilespmem:s14+$0xC0E0]  }
0x3cd: {  	v7 =	vld [tilespmem:s14+$0xA510]  }
0x3ce: {  	v8 =	vld [tilespmem:s14+$0xA500]  }
0x3cf: {  	v4 =	vld [tilespmem:s14+$0xA560]  }
0x3d0: {  	v9 =	vld [tilespmem:s14+$0xC0D0]  }
0x3d1: {  	v10 =	vld [tilespmem:s14+$0xA550]  }
0x3d2: {  	v11 =	vld [tilespmem:s14+$0xA520]  }
0x3d3: {  	v12 =	vld [tilespmem:s14+$0xC080]  }
0x3d4: {  	v6 =	vld [tilespmem:s14+$0xC090]  }
0x3d5: {  	v13 =	vld.idx.msk [tilespmem:v7+s9+$0x0], $0xffff  }
0x3d6: {  	v14 =	vld.idx.msk [tilespmem:v8+s8+$0x0], $0xffff  }
0x3d7: {  	v15 =	vld [tilespmem:s14+$0xA530]  }
0x3d8: {  	v16 =	vld [tilespmem:s14+$0xC0C0]  }
0x3d9: {  	v17 =	vld [tilespmem:s14+$0xA540]  }
0x3da: {  	v18 =	vld [tilespmem:s14+$0xC0B0]  }
0x3db: {  	vm0 =	vgt.s32 v13, v6;
	v19 =	vld [tilespmem:s14+$0xC0A0]  }
0x3dc: {  	vm1 =	vgt.s32 v14, v12;
	v13 =	vsel vm0, v13, v6;
	v5 =	vld [tilespmem:s14+$0xA570]  }
0x3dd: {  	v12 =	vsel vm1, v14, v12;
	v6 =	vld [tilespmem:s14+$0xC0F0]  }
0x3de: {  	[tilespmem:v8+s8+$0x0] =	vst.idx.msk $0xffff, v12  }
0x3df: {  	[tilespmem:v7+s9+$0x0] =	vst.idx.msk $0xffff, v13  }
0x3e0: {  	v7 =	vld.idx.msk [tilespmem:v11+s8+$0x0], $0xffff  }
0x3e1: {  	v8 =	vld.idx.msk [tilespmem:v15+s9+$0x0], $0xffff;
	_ =	sdelay $0x4  }
0x3e2: {  	vm0 =	vgt.s32 v7, v19  }
0x3e3: {  	v7 =	vsel vm0, v7, v19;
	vm0 =	vgt.s32 v8, v18  }
0x3e4: {  	[tilespmem:v11+s8+$0x0] =	vst.idx.msk $0xffff, v7;
	v7 =	vsel vm0, v8, v18  }
0x3e5: {  	[tilespmem:v15+s9+$0x0] =	vst.idx.msk $0xffff, v7  }
0x3e6: {  	v7 =	vld.idx.msk [tilespmem:v17+s8+$0x0], $0xffff  }
0x3e7: {  	v8 =	vld.idx.msk [tilespmem:v10+s9+$0x0], $0xffff;
	_ =	sdelay $0x4  }
0x3e8: {  	vm0 =	vgt.s32 v7, v16  }
0x3e9: {  	v7 =	vsel vm0, v7, v16;
	vm0 =	vgt.s32 v8, v9  }
0x3ea: {  	[tilespmem:v17+s8+$0x0] =	vst.idx.msk $0xffff, v7;
	v7 =	vsel vm0, v8, v9  }
0x3eb: {  	[tilespmem:v10+s9+$0x0] =	vst.idx.msk $0xffff, v7  }
0x3ec: {  	v8 =	vld.idx.msk [tilespmem:v4+s8+$0x0], $0xffff  }
0x3ed: {  	v7 =	vld.idx.msk [tilespmem:v5+s9+$0x0], $0xffff  }
.Ltmp12:
0x3ee: {  	(pc) =	sbr.rel @p0 .LBB2_18-.Ltmp12, $2  }
0x3ef: {  	_ =	sdelay $0x2  }
0x3f0: {  	vm0 =	vgt.s32 v8, v3  }
.LBB2_19:
0x3f1: {  	_ =	sdelay $0x2  }
0x3f2: {  	v3 =	vsel vm0, v8, v3;
	vm0 =	vgt.s32 v7, v6  }
0x3f3: {  	[tilespmem:v4+s8+$0x0] =	vst.idx.msk $0xffff, v3;
	v3 =	vsel vm0, v7, v6  }
0x3f4: {  	s13 =	rddreg [dreg:$0x11];
	[tilespmem:v5+s9+$0x0] =	vst.idx.msk $0xffff, v3  }
0x3f5: {  	[tilespmem:s4], [sflag:$0x2] =	stream.linear.gather [hbm4b:s13+s1], $0x1B80, $0x38;
	[tilespmem:$0x1DD00] =	vst v63  }
0x3f6: {  	s16 =	rddreg [dreg:$0x12]  }
0x3f7: {  	[tilespmem:s5], [sflag:$0x2] =	stream.linear.gather [hbm4b:s16+s1], $0x1B80, $0x38;
	[tilespmem:$0x1DD00] =	vst v63  }
0x3f8: {  	s17 =	rddreg [dreg:$0x13]  }
0x3f9: {  	[tilespmem:s6], [sflag:$0x2] =	stream.linear.gather [hbm4b:s17+s1], $0x1B80, $0x38;
	[tilespmem:$0x1DD00] =	vst v63  }
0x3fa: {  	_ =	swait.ge [sflag:s7], $0x1B80  }
0x3fb: {  	[sflag:s7] =	ssyncset.done $0x0  }
0x3fc: {  	[sflag:s7] =	ssyncadd.s32 $0xFFFFE480  }
0x3fd: {  	_ =	swait.ge [sflag:s7], $0x1B80  }
0x3fe: {  	[sflag:s7] =	ssyncset.done $0x0  }
0x3ff: {  	[sflag:s7] =	ssyncadd.s32 $0xFFFFE480  }
0x400: {  	_ =	swait.ge [sflag:s7], $0x1B80  }
0x401: {  	[sflag:s7] =	ssyncset.done $0x0  }
0x402: {  	s18 =	simm.s32 $0x40;
	[sflag:s7] =	ssyncadd.s32 $0xFFFFE480  }
0x403: {  	v3 =	vld [tilespmem:s18+$0xFFFFFFC0]  }
0x404: {  	s14 =	simm.s32 $0x6E40;
	v4 =	vld [tilespmem:s18+$0x20]  }
0x405: {  	v5 =	vld [tilespmem:s14+$0x20]  }
0x406: {  	v6 =	vld [tilespmem:s18+$0x10]  }
0x407: {  	v7 =	vld [tilespmem:s14+$0x10]  }
0x408: {  	v8 =	vld [tilespmem:s18+$0xFFFFFFF0]  }
0x409: {  	v9 =	vld [tilespmem:s18+$0xFFFFFFE0]  }
0x40a: {  	s15 =	simm.s32 $0x3740;
	v10 =	vld [tilespmem:s14+$0xFFFFFFD0]  }
0x40b: {  	v12 =	vld [tilespmem:s15+$0x30]  }
0x40c: {  	v13 =	vld [tilespmem:s14+$0x30]  }
0x40d: {  	v14 =	vld [tilespmem:s18+$0x0]  }
0x40e: {  	v15 =	vld [tilespmem:s15+$0x20]  }
0x40f: {  	v16 =	vld [tilespmem:s18+$0xFFFFFFD0]  }
0x410: {  	v17 =	vld [tilespmem:s15+$0x10]  }
0x411: {  	v18 =	vld [tilespmem:s15+$0x0]  }
0x412: {  	v19 =	vld [tilespmem:s15+$0xFFFFFFF0]  }
0x413: {  	v20 =	vld [tilespmem:s15+$0xFFFFFFE0]  }
0x414: {  	v21 =	vld [tilespmem:s15+$0xFFFFFFD0]  }
0x415: {  	v22 =	vld [tilespmem:s15+$0xFFFFFFC0]  }
0x416: {  	v23 =	vld [tilespmem:s14+$0xFFFFFFC0]  }
0x417: {  	v24 =	vld [tilespmem:s14+$0xFFFFFFE0]  }
0x418: {  	v25 =	vld [tilespmem:s14+$0xFFFFFFF0]  }
0x419: {  	v26 =	vld [tilespmem:s18+$0x30]  }
0x41a: {  	s19 =	simm.s32 $0xC0;
	v27 =	vld [tilespmem:s14+$0x0]  }
0x41b: {  	v11 =	vld [tilespmem:s19+$0xFFFFFFC0]  }
0x41c: {  	s20 =	simm.s32 $0x6EC0;
	v28 =	vld [tilespmem:s19+$0x20]  }
0x41d: {  	v29 =	vld [tilespmem:s20+$0x20];
	v15 =	vshll.u32 v15, $0x9  }
0x41e: {  	v30 =	vld [tilespmem:s19+$0xFFFFFFE0];
	v5 =	vshll.u32 v5, $0x12;
	v17 =	vshll.u32 v17, $0x9;
	v15 =	vadd.s32 v4, v15  }
0x41f: {  	s22 =	simm.s32 $0x140;
	v31 =	vld [tilespmem:s19+$0x0];
	v7 =	vshll.u32 v7, $0x12;
	v5 =	vadd.s32 v5, v15;
	v15 =	vadd.s32 v6, v17  }
0x420: {  	s16 =	simm.s32 $0x6F40;
	v32 =	vld [tilespmem:s22+$0x20];
	v7 =	vadd.s32 v7, v15;
	(xrf1) =	vsort.ascd.msk.u32 $0xffff, v5, v4  }
0x421: {  	v39 =	vld [tilespmem:s16+$0x10];
	s18 =	simm.s32 $0x3840;
	(xrf1) =	vsort.ascd.msk.u32 $0xffff, v7, v6  }
0x422: {  	v53 =	vld [tilespmem:s18+$0x20];
	v20 =	vshll.u32 v20, $0x9  }
0x423: {  	v17 =	vld [tilespmem:s19+$0x10];
	v6 =	vshll.u32 v10, $0x12;
	v10 =	vshll.u32 v18, $0x9;
	v18 =	vshll.u32 v21, $0x9  }
0x424: {  	v5 =	vld [tilespmem:s20+$0x10];
	v4 =	vshll.u32 v12, $0x9;
	v12 =	vshll.u32 v19, $0x9;
	v18 =	vadd.s32 v16, v18  }
0x425: {  	s21 =	simm.s32 $0x37C0;
	v15 =	vld [tilespmem:s19+$0xFFFFFFF0];
	v12 =	vadd.s32 v8, v12;
	v6 =	vadd.s32 v6, v18;
	v18 =	vshll.u32 v25, $0x12  }
0x426: {  	v24 =	vshll.u32 v24, $0x12;
	v20 =	vadd.s32 v9, v20;
	v19 =	vld [tilespmem:s21+$0x30];
	(xrf1) =	vsort.ascd.msk.u32 $0xffff, v6, v16;
	v6 =	vadd.s32 v18, v12  }
0x427: {  	v12 =	vld [tilespmem:s21+$0x20];
	v16 =	vadd.s32 v24, v20;
	(xrf1) =	vsort.ascd.msk.u32 $0xffff, v6, v8  }
0x428: {  	v22 =	vshll.u32 v22, $0x9;
	(xrf1) =	vsort.ascd.msk.u32 $0xffff, v16, v9;
	v9 =	vld [tilespmem:s21+$0x10]  }
0x429: {  	v7 =	vld [tilespmem:s20+$0xFFFFFFD0];
	v4 =	vadd.s32 v26, v4;
	v10 =	vadd.s32 v14, v10;
	v6 =	vshll.u32 v27, $0x12  }
0x42a: {  	v21 =	vld [tilespmem:s20+$0x30];
	v18 =	vadd.s32 v3, v22;
	v20 =	vshll.u32 v23, $0x12;
	v6 =	vadd.s32 v6, v10  }
0x42b: {  	v23 =	vld [tilespmem:s20+$0xFFFFFFF0];
	v10 =	vshll.u32 v13, $0x12;
	(xrf1) =	vsort.ascd.msk.u32 $0xffff, v6, v14;
	v6 =	vadd.s32 v20, v18  }
0x42c: {  	v13 =	vld [tilespmem:s21+$0x0];
	(xrf1) =	vsort.ascd.msk.u32 $0xffff, v6, v3;
	v3 =	vadd.s32 v10, v4;
	v10 =	vshll.u32 v12, $0x9  }
0x42d: {  	v16 =	vshll.u32 v29, $0x12;
	v18 =	vld [tilespmem:s21+$0xFFFFFFC0];
	v10 =	vadd.s32 v28, v10;
	v9 =	vshll.u32 v9, $0x9  }
0x42e: {  	v5 =	vshll.u32 v5, $0x12;
	v6 =	vld [tilespmem:s21+$0xFFFFFFF0];
	(xrf1) =	vsort.ascd.msk.u32 $0xffff, v3, v26;
	v10 =	vadd.s32 v16, v10;
	v9 =	vadd.s32 v17, v9;
	v14, v4, _ =	vpop (xrf1)  }
0x42f: {  	v3 =	vld [tilespmem:s21+$0xFFFFFFE0];
	v5 =	vadd.s32 v5, v9;
	v20, v27, _ =	vpop (xrf1);
	(xrf1) =	vsort.ascd.msk.u32 $0xffff, v10, v28  }
0x430: {  	v56 =	vshll.u32 v39, $0x12;
	v57 =	vshll.u32 v53, $0x9;
	v12 =	vld [tilespmem:s21+$0xFFFFFFD0];
	(xrf1) =	vsort.ascd.msk.u32 $0xffff, v5, v17  }
0x431: {  	v59 =	vadd.s32 v32, v57;
	v8 =	vld [tilespmem:s19+$0xFFFFFFD0];
	v19 =	vshll.u32 v19, $0x9;
	v22 =	vshrl.u32 v20, $0x9  }
0x432: {  	v21 =	vshll.u32 v21, $0x12;
	v16 =	vld [tilespmem:s20+$0xFFFFFFC0];
	v14 =	vshrl.u32 v14, $0x9;
	v10 =	vperm.xlane v22, v1  }
0x433: {  	v13 =	vshll.u32 v13, $0x9;
	v18 =	vshll.u32 v18, $0x9;
	v28 =	vld [tilespmem:s19+$0x30];
	v9 =	vperm.xlane v14, v1  }
0x434: {  	v6 =	vshll.u32 v6, $0x9;
	v5 =	vshll.u32 v7, $0x12;
	v7 =	vadd.s32 v2, v10;
	v10 =	vld [tilespmem:s20+$0x0]  }
0x435: {  	v12 =	vshll.u32 v12, $0x9;
	v20 =	vld [tilespmem:s20+$0xFFFFFFE0];
	v24 =	vadd.s32 v2, v9;
	v9 =	vshll.u32 v3, $0x9  }
0x436: {  	v18 =	vadd.s32 v11, v18;
	v6 =	vadd.s32 v15, v6;
	v12 =	vadd.s32 v8, v12  }
0x437: {  	v38 =	vld [tilespmem:s22+$0x10];
	v16 =	vshll.u32 v16, $0x12;
	v12 =	vadd.s32 v5, v12;
	v5 =	vshll.u32 v23, $0x12;
	v26, v37, _ =	vpop (xrf1)  }
0x438: {  	v58 =	vld [tilespmem:s18+$0xFFFFFFD0];
	v13 =	vadd.s32 v31, v13;
	v52 =	vadd.s32 v16, v18;
	v36 =	vadd.s32 v5, v6;
	v25, v17, _ =	vpop (xrf1)  }
0x439: {  	v62 =	vld [tilespmem:s16+$0xFFFFFFD0];
	v29 =	vadd.s32 v30, v9;
	vm1 =	veq.s32 v14, v24;
	v34, v9, _ =	vpop (xrf1);
	v10 =	vshll.u32 v10, $0x12  }
0x43a: {  	v46 =	vld [tilespmem:s18+$0x10];
	(xrf1) =	vsort.ascd.msk.u32 $0xffff, v12, v8;
	v20 =	vshll.u32 v20, $0x12;
	v35, v23, _ =	vpop (xrf1);
	v10 =	vadd.s32 v10, v13;
	v13 =	vadd.s32 v28, v19  }
0x43b: {  	v55 =	vld [tilespmem:s18+$0xFFFFFFE0];
	vm0 =	veq.s32 v22, v7;
	v42 =	vshrl.u32 v25, $0x9;
	v20 =	vadd.s32 v20, v29;
	v40, v5, _ =	vpop (xrf1);
	(xrf1) =	vsort.ascd.msk.u32 $0xffff, v36, v15  }
0x43c: {  	v60 =	vld [tilespmem:s18+$0xFFFFFFC0];
	s19 =	simm.s32 $0xA540;
	v41 =	vsel vm1, $0x8000, v14;
	v63 =	vsel vm0, $0x8000, v22;
	v44 =	vperm.xlane v42, v1;
	v24, v8, _ =	vpop (xrf1);
	(xrf1) =	vsort.ascd.msk.u32 $0xffff, v20, v30  }
0x43d: {  	v6 =	vld [tilespmem:s22+$0xFFFFFFE0];
	[tilespmem:s19+$0x10] =	vst v63;
	v63 =	vshll.u32 v58, $0x9;
	v25 =	vshrl.u32 v34, $0x9;
	(xrf1) =	vsort.ascd.msk.u32 $0xffff, v10, v31;
	v16, v18, _ =	vpop (xrf1)  }
0x43e: {  	v33 =	vld [tilespmem:s16+$0x20];
	s20 =	simm.s32 $0xC0C0;
	v15 =	vshrl.u32 v24, $0x9;
	v21 =	vadd.s32 v21, v13;
	v24 =	vshrl.u32 v16, $0x9;
	v16, v13, _ =	vpop (xrf1);
	(xrf1) =	vsort.ascd.msk.u32 $0xffff, v52, v11  }
0x43f: {  	v50 =	vld [tilespmem:s18+$0x0];
	v54 =	vadd.s32 v2, v44;
	[tilespmem:s20+$0x10] =	vst v27;
	v27 =	vshll.u32 v46, $0x9;
	v19 =	vshrl.u32 v26, $0x9  }
0x440: {  	v39 =	vld [tilespmem:s16+$0xFFFFFFC0];
	v34 =	vshll.u32 v55, $0x9;
	v12 =	vshrl.u32 v35, $0x9;
	v49 =	vperm.xlane v19, v1;
	(xrf1) =	vsort.ascd.msk.u32 $0xffff, v21, v28  }
0x441: {  	v3 =	vld [tilespmem:s22+$0xFFFFFFC0];
	v35 =	vshll.u32 v62, $0x12;
	vm1 =	veq.s32 v42, v54;
	v27 =	vadd.s32 v38, v27  }
0x442: {  	v44 =	vadd.s32 v6, v34;
	v34 =	vshll.u32 v60, $0x9;
	v21 =	vld [tilespmem:s18+$0xFFFFFFF0];
	v28 =	vadd.s32 v2, v49  }
0x443: {  	v29 =	vld [tilespmem:s18+$0x30];
	v14 =	vshrl.u32 v40, $0x9;
	v48 =	vperm.xlane v12, v1;
	vm0 =	veq.s32 v19, v28  }
0x444: {  	v30 =	vld [tilespmem:s16+$0x30];
	v40 =	vshll.u32 v50, $0x9;
	v31 =	vperm.xlane v25, v1;
	v19 =	vsel vm0, $0x8000, v19  }
0x445: {  	v7 =	vld [tilespmem:s22+$0xFFFFFFF0];
	v61 =	vsel vm1, $0x8000, v42;
	v27 =	vadd.s32 v56, v27;
	v28 =	vshll.u32 v33, $0x12  }
0x446: {  	v26 =	vld [tilespmem:s22+$0xFFFFFFD0];
	v45 =	vperm.xlane v14, v1;
	v20 =	vperm.xlane v15, v1;
	v62 =	vadd.s32 v2, v31  }
0x447: {  	[tilespmem:s19+$0x20] =	vst v41;
	v46 =	vld [tilespmem:s16+$0xFFFFFFF0];
	v22 =	vshrl.u32 v16, $0x9;
	v33 =	vadd.s32 v28, v59;
	v21 =	vshll.u32 v21, $0x9  }
0x448: {  	v10 =	vld [tilespmem:s22+$0x0];
	v43 =	vperm.xlane v24, v1;
	v47 =	vperm.xlane v22, v1;
	[tilespmem:s19+$0xFFFFFFD0] =	vst v19;
	v28, v19, _ =	vpop (xrf1);
	(xrf1) =	vsort.ascd.msk.u32 $0xffff, v33, v32  }
0x449: {  	v42 =	vld [tilespmem:s16+$0xFFFFFFE0];
	v41 =	vadd.s32 v2, v45;
	v11 =	vshll.u32 v30, $0x12;
	v16 =	vshll.u32 v29, $0x9;
	v36, v31, _ =	vpop (xrf1);
	(xrf1) =	vsort.ascd.msk.u32 $0xffff, v27, v38  }
0x44a: {  	s13 =	simm.s32 $0xA640;
	s17 =	simm.s32 $0xA5C0;
	s15 =	simm.s32 $0xC140;
	[tilespmem:s19+$0xFFFFFFF0] =	vst v61;
	v29 =	vadd.s32 v2, v43;
	vm0 =	veq.s32 v25, v62;
	v30 =	vadd.s32 v2, v47;
	v27 =	vld [tilespmem:s22+$0x30];
	v33, v32, _ =	vpop (xrf1)  }
0x44b: {  	s14 =	simm.s32 $0xC1C0;
	s21 =	simm.s32 $0x10;
	v47 =	vadd.s32 v26, v63;
	[tilespmem:s20+$0xFFFFFFD0] =	vst v37;
	v37 =	vadd.s32 v2, v48;
	v43 =	vadd.s32 v7, v21;
	v38 =	vld [tilespmem:s16+$0x0];
	s22 =	simm.s32 $0x1C0;
	v45, v21, _ =	vpop (xrf1)  }
.LBB2_20:
0x44c: {  	v48 =	vld [tilespmem:s22+$0xFFFFFFC0];
	s21 =	sadd.s32 $0x8, s21;
	v49 =	vadd.s32 v3, v34;
	v35 =	vadd.s32 v35, v47;
	s18 =	sadd.s32 $0x80, s18;
	s16 =	sadd.s32 $0x80, s16;
	v47, v50, _ =	vpop (xrf1);
	v25 =	vsel vm0, $0x8000, v25;
	[tilespmem:s20+$0xFFFFFFF0] =	vst v17  }
0x44d: {  	v39 =	vshll.u32 v39, $0x12;
	v40 =	vadd.s32 v10, v40;
	vm1 =	veq.s32 v12, v37;
	v34 =	vld [tilespmem:s22+$0x20];
	p0 =	slt.u32 s21, $0x1B0;
	[tilespmem:s20+$0x20] =	vst v4;
	v4 =	vmovc v18  }
0x44e: {  	v52 =	vshll.u32 v42, $0x12;
	v51 =	vld [tilespmem:s16+$0x20];
	v18 =	vshll.u32 v46, $0x12;
	(xrf1) =	vsort.ascd.msk.u32 $0xffff, v35, v26;
	v26, v42, _ =	vpop (xrf1);
	v35 =	vadd.s32 v2, v20  }
0x44f: {  	vm0 =	veq.s32 v22, v30;
	vm2 =	veq.s32 v24, v29;
	v37 =	vld [tilespmem:s22+$0x10];
	v18 =	vadd.s32 v18, v43;
	[tilespmem:s19+$0xFFFFFFE0] =	vst v25  }
0x450: {  	v17 =	vmovc v31;
	v20 =	vadd.s32 v52, v44;
	v44 =	vsel vm2, $0x8000, v24;
	v25 =	vshrl.u32 v45, $0x9;
	v43 =	vld [tilespmem:s16+$0x10];
	[tilespmem:s20+$0xFFFFFFE0] =	vst v9;
	v9 =	vmovc v32  }
0x451: {  	v31 =	vshrl.u32 v26, $0x9;
	v32 =	vshrl.u32 v36, $0x9;
	(xrf1) =	vsort.ascd.msk.u32 $0xffff, v18, v7;
	v7 =	vld [tilespmem:s22+$0xFFFFFFF0];
	v18 =	vsel vm1, $0x8000, v12;
	v12 =	vmovc v25  }
0x452: {  	v24 =	vshll.u32 v38, $0x12;
	v25 =	vshrl.u32 v33, $0x9;
	vm1 =	veq.s32 v14, v41;
	(xrf1) =	vsort.ascd.msk.u32 $0xffff, v20, v6;
	v6 =	vld [tilespmem:s22+$0xFFFFFFE0]  }
0x453: {  	vm2 =	veq.s32 v15, v35;
	v24 =	vadd.s32 v24, v40;
	v20 =	vperm.xlane v31, v1;
	v30 =	vld [tilespmem:s16+$0xFFFFFFD0];
	[tilespmem:s19+$0x0] =	vst v18  }
0x454: {  	v33 =	vsel vm0, $0x8000, v22;
	v38 =	vperm.xlane v25, v1;
	v29 =	vld [tilespmem:s18+$0x30];
	(xrf1) =	vsort.ascd.msk.u32 $0xffff, v24, v10;
	v10 =	vshrl.u32 v47, $0x9  }
0x455: {  	v16 =	vadd.s32 v27, v16;
	v22 =	vsel vm1, $0x8000, v14;
	v24 =	vadd.s32 v39, v49;
	v35 =	vld [tilespmem:s16+$0x30];
	[tilespmem:s20+$0x0] =	vst v23;
	v14 =	vmovc v10  }
0x456: {  	v49 =	vperm.xlane v12, v1;
	v23 =	vshrl.u32 v28, $0x9;
	v10 =	vld [tilespmem:s22+$0x0];
	(xrf1) =	vsort.ascd.msk.u32 $0xffff, v24, v3;
	v3, v18, _ =	vpop (xrf1);
	v41 =	vperm.xlane v14, v1  }
0x457: {  	v15 =	vsel vm2, $0x8000, v15;
	v47 =	vadd.s32 v11, v16;
	v28 =	vld [tilespmem:s18+$0x20];
	v24 =	vshrl.u32 v3, $0x9;
	v11, v36, _ =	vpop (xrf1);
	[tilespmem:s19+$0xFFFFFFC0] =	vst v22  }
0x458: {  	v26 =	vld [tilespmem:s22+$0xFFFFFFD0];
	v22 =	vshrl.u32 v11, $0x9;
	v39 =	vperm.xlane v24, v1;
	(xrf1) =	vsort.ascd.msk.u32 $0xffff, v47, v27;
	v27 =	vperm.xlane v32, v1  }
0x459: {  	v46 =	vperm.xlane v23, v1;
	v3 =	vmovc v48;
	v40 =	vld [tilespmem:s18+$0x10];
	v16 =	vshll.u32 v29, $0x9;
	v45 =	vperm.xlane v22, v1;
	[tilespmem:s17+$0x10] =	vst v33  }
0x45a: {  	v33 =	vld [tilespmem:s18+$0x0];
	v11 =	vshll.u32 v35, $0x12;
	v29 =	vadd.s32 v2, v39;
	v27 =	vadd.s32 v2, v27;
	[tilespmem:s20+$0xFFFFFFC0] =	vst v5;
	v5 =	vmovc v50  }
0x45b: {  	v35 =	vshll.u32 v30, $0x12;
	v39 =	vadd.s32 v2, v46;
	v47 =	vld [tilespmem:s18+$0xFFFFFFF0];
	v30 =	vadd.s32 v2, v45;
	[tilespmem:s19+$0x30] =	vst v15;
	v15 =	vmovc v31;
	s19 =	smov.u32 s17;
	s17 =	smov.u32 s13  }
0x45c: {  	v43 =	vshll.u32 v43, $0x12;
	vm0 =	veq.s32 v23, v39;
	v45 =	vld [tilespmem:s18+$0xFFFFFFE0];
	v53 =	vshll.u32 v28, $0x9;
	v28, v48, _ =	vpop (xrf1);
	[tilespmem:s20+$0x30] =	vst v8;
	s20 =	smov.u32 s15;
	s15 =	smov.u32 s14  }
0x45d: {  	v39 =	vshll.u32 v51, $0x12;
	vm1 =	veq.s32 v32, v27;
	v8 =	vmovc v42;
	v50 =	vld [tilespmem:s18+$0xFFFFFFD0];
	v52 =	vadd.s32 v34, v53;
	[tilespmem:s20+$0x10] =	vst v13  }
0x45e: {  	v42 =	vsel vm0, $0x8000, v23;
	v23 =	vmovc v21;
	v13 =	vmovc v36;
	v51 =	vld [tilespmem:s18+$0xFFFFFFC0];
	v27 =	vshll.u32 v40, $0x9;
	v46 =	vadd.s32 v39, v52;
	[tilespmem:s19+$0x20] =	vst v44  }
.Ltmp13:
0x45f: {  	v52 =	vsel vm1, $0x8000, v32;
	v39 =	vld [tilespmem:s16+$0xFFFFFFC0];
	v40 =	vshll.u32 v33, $0x9;
	v53 =	vadd.s32 v37, v27;
	v36, v31, _ =	vpop (xrf1);
	[tilespmem:s19+$0xFFFFFFD0] =	vst v42;
	(pc) =	sbr.rel @p0 .LBB2_20-.Ltmp13, $4  }
0x460: {  	v42 =	vld [tilespmem:s16+$0xFFFFFFE0];
	v27 =	vshll.u32 v47, $0x9;
	v47 =	vadd.s32 v43, v53;
	(xrf1) =	vsort.ascd.msk.u32 $0xffff, v46, v34;
	v33, v32, _ =	vpop (xrf1);
	v34 =	vadd.s32 v2, v38  }
0x461: {  	v38 =	vshll.u32 v45, $0x9;
	v46 =	vld [tilespmem:s16+$0xFFFFFFF0];
	v43 =	vadd.s32 v7, v27;
	(xrf1) =	vsort.ascd.msk.u32 $0xffff, v47, v37;
	vm0 =	veq.s32 v25, v34  }
0x462: {  	v41 =	vadd.s32 v2, v41;
	v37 =	vshll.u32 v50, $0x9;
	v44 =	vadd.s32 v6, v38;
	v27 =	vld [tilespmem:s22+$0x30];
	v45, v21, _ =	vpop (xrf1);
	[tilespmem:s19+$0xFFFFFFF0] =	vst v52  }
0x463: {  	s13 =	sadd.s32 $0x80, s13;
	s14 =	sadd.s32 $0x80, s14;
	s22 =	sadd.s32 $0x80, s22;
	v34 =	vshll.u32 v51, $0x9;
	v47 =	vadd.s32 v26, v37;
	v38 =	vld [tilespmem:s16+$0x0];
	[tilespmem:s20+$0xFFFFFFD0] =	vst v19;
	v37 =	vadd.s32 v2, v49;
	v19 =	vmovc v48  }
0x464: {  	v60 =	vadd.s32 v3, v34  }
0x465: {  	v61 =	vadd.s32 v35, v47;
	v25 =	vsel vm0, $0x8000, v25;
	[tilespmem:s20+$0x20] =	vst v4;
	v4 =	vshll.u32 v39, $0x12  }
0x466: {  	[tilespmem:s20+$0xFFFFFFF0] =	vst v17;
	v62 =	vadd.s32 v10, v40;
	vm0 =	veq.s32 v12, v37;
	vm1 =	veq.s32 v22, v30  }
0x467: {  	v47 =	vshrl.u32 v45, $0x9;
	v48 =	vshrl.u32 v28, $0x9;
	v51 =	vshrl.u32 v36, $0x9;
	[tilespmem:s19+$0xFFFFFFE0] =	vst v25  }
0x468: {  	v63 =	vshll.u32 v42, $0x12;
	(xrf1) =	vsort.ascd.msk.u32 $0xffff, v61, v26;
	v42 =	vadd.s32 v2, v20;
	v22 =	vsel vm1, $0x8000, v22  }
0x469: {  	v52 =	vperm.xlane v48, v1;
	v4 =	vadd.s32 v4, v60;
	v56 =	vperm.xlane v47, v1;
	[tilespmem:s20+$0xFFFFFFE0] =	vst v9  }
0x46a: {  	v40 =	vshll.u32 v46, $0x12;
	v9 =	vsel vm0, $0x8000, v12;
	vm0 =	veq.s32 v14, v41;
	[tilespmem:s17+$0x10] =	vst v22  }
0x46b: {  	v46 =	vadd.s32 v63, v44;
	vm1 =	veq.s32 v15, v42;
	[tilespmem:s19+$0x0] =	vst v9;
	v14 =	vsel vm0, $0x8000, v14  }
0x46c: {  	v9 =	vadd.s32 v40, v43;
	vm0 =	veq.s32 v24, v29;
	v15 =	vsel vm1, $0x8000, v15;
	[tilespmem:s19+$0xFFFFFFC0] =	vst v14  }
0x46d: {  	v50, v49, _ =	vpop (xrf1);
	v54 =	vadd.s32 v2, v52;
	(xrf1) =	vsort.ascd.msk.u32 $0xffff, v9, v7;
	v7 =	vperm.xlane v51, v1;
	[tilespmem:s19+$0x30] =	vst v15  }
0x46e: {  	v24 =	vsel vm0, $0x8000, v24;
	v9 =	vshll.u32 v38, $0x12;
	vm0 =	veq.s32 v48, v54;
	[tilespmem:s20+$0xFFFFFFC0] =	vst v5  }
0x46f: {  	v5, v53, _ =	vpop (xrf1);
	[tilespmem:s20+$0x30] =	vst v8;
	(xrf1) =	vsort.ascd.msk.u32 $0xffff, v46, v6;
	v8 =	vadd.s32 v9, v62;
	v6 =	vadd.s32 v2, v7  }
0x470: {  	v7 =	vshrl.u32 v33, $0x9;
	(xrf1) =	vsort.ascd.msk.u32 $0xffff, v8, v10;
	vm1 =	veq.s32 v51, v6;
	v6 =	vsel vm0, $0x8000, v48;
	v10, v55, _ =	vpop (xrf1)  }
0x471: {  	v9 =	vperm.xlane v7, v1;
	[tilespmem:s17+$0xFFFFFFD0] =	vst v6;
	v6 =	vsel vm1, $0x8000, v51;
	(xrf1) =	vsort.ascd.msk.u32 $0xffff, v4, v3;
	v4, v57, _ =	vpop (xrf1)  }
0x472: {  	v8 =	vshrl.u32 v50, $0x9;
	[tilespmem:s17+$0xFFFFFFF0] =	vst v6;
	v6 =	vadd.s32 v27, v16;
	v4 =	vshrl.u32 v4, $0x9  }
0x473: {  	[tilespmem:s15+$0x10] =	vst v13;
	v9 =	vadd.s32 v2, v9;
	v6 =	vadd.s32 v11, v6;
	v11 =	vperm.xlane v4, v1  }
0x474: {  	[tilespmem:s20+$0x0] =	vst v23;
	v3 =	vperm.xlane v8, v1;
	vm0 =	veq.s32 v7, v9;
	v9 =	vadd.s32 v2, v56  }
0x475: {  	[tilespmem:s17+$0x20] =	vst v24;
	v7 =	vsel vm0, $0x8000, v7;
	vm0 =	veq.s32 v47, v9;
	v9 =	vadd.s32 v2, v11  }
0x476: {  	v5 =	vshrl.u32 v5, $0x9;
	[tilespmem:s15+$0x20] =	vst v18  }
0x477: {  	[tilespmem:s17+$0xFFFFFFE0] =	vst v7;
	v3 =	vadd.s32 v2, v3;
	v7 =	vperm.xlane v5, v1  }
0x478: {  	[tilespmem:s15+$0xFFFFFFD0] =	vst v19;
	(xrf1) =	vsort.ascd.msk.u32 $0xffff, v6, v27;
	v6 =	vsel vm0, $0x8000, v47;
	vm0 =	veq.s32 v8, v3  }
0x479: {  	[tilespmem:s15+$0xFFFFFFF0] =	vst v31;
	v3 =	vsel vm0, $0x8000, v8;
	v7 =	vadd.s32 v2, v7;
	vm1 =	veq.s32 v4, v9;
	v8, v9, _ =	vpop (xrf1)  }
0x47a: {  	[tilespmem:s15+$0xFFFFFFE0] =	vst v32;
	vm0 =	veq.s32 v5, v7;
	v7 =	vshrl.u32 v8, $0x9  }
0x47b: {  	[tilespmem:s17+$0x0] =	vst v6;
	v6 =	vshrl.u32 v10, $0x9;
	v8 =	vperm.xlane v7, v1  }
0x47c: {  	[tilespmem:s17+$0xFFFFFFC0] =	vst v3;
	v3 =	vperm.xlane v6, v1  }
0x47d: {  	[tilespmem:s15+$0x0] =	vst v21;
	v5 =	vsel vm0, $0x8000, v5;
	v4 =	vsel vm1, $0x8000, v4;
	v10, v11, _ =	vpop (xrf1)  }
0x47e: {  	v3 =	vadd.s32 v2, v3;
	[tilespmem:s13+$0x10] =	vst v4;
	v4 =	vshrl.u32 v10, $0x9  }
0x47f: {  	[tilespmem:s15+$0xFFFFFFC0] =	vst v49;
	vm0 =	veq.s32 v6, v3;
	v10 =	vperm.xlane v4, v1  }
0x480: {  	[tilespmem:s17+$0x30] =	vst v5;
	v6 =	vsel vm0, $0x8000, v6;
	v3 =	vadd.s32 v2, v8;
	v5, v8, _ =	vpop (xrf1)  }
0x481: {  	[tilespmem:s15+$0x30] =	vst v53;
	v10 =	vadd.s32 v2, v10;
	vm0 =	veq.s32 v7, v3;
	v3 =	vshrl.u32 v5, $0x9  }
0x482: {  	[tilespmem:s14+$0x10] =	vst v57;
	vm1 =	veq.s32 v4, v10;
	v10 =	vperm.xlane v3, v1  }
0x483: {  	[tilespmem:s13+$0x20] =	vst v6;
	v4 =	vsel vm1, $0x8000, v4  }
0x484: {  	[tilespmem:s14+$0x20] =	vst v55;
	v5 =	vsel vm0, $0x8000, v7;
	v6, v7, _ =	vpop (xrf1);
	v10 =	vadd.s32 v2, v10  }
0x485: {  	[tilespmem:s13+$0xFFFFFFD0] =	vst v5;
	v5 =	vshrl.u32 v6, $0x9  }
0x486: {  	[tilespmem:s13+$0xFFFFFFF0] =	vst v4;
	v4, v6, _ =	vpop (xrf1);
	v58 =	vperm.xlane v5, v1  }
0x487: {  	[tilespmem:s14+$0xFFFFFFF0] =	vst v11;
	v4 =	vshrl.u32 v4, $0x9;
	vm0 =	veq.s32 v3, v10  }
0x488: {  	[tilespmem:s14+$0xFFFFFFD0] =	vst v9;
	v11 =	vperm.xlane v4, v1;
	v13 =	vadd.s32 v2, v58;
	v3 =	vsel vm0, $0x8000, v3;
	v9, v10, _ =	vpop (xrf1)  }
0x489: {  	vm0 =	veq.s32 v5, v13;
	[tilespmem:s13+$0xFFFFFFE0] =	vst v3;
	v9 =	vshrl.u32 v9, $0x9  }
0x48a: {  	v11 =	vadd.s32 v2, v11;
	v5 =	vsel vm0, $0x8000, v5;
	[tilespmem:s14+$0xFFFFFFE0] =	vst v8;
	v3 =	vperm.xlane v9, v1  }
0x48b: {  	vm0 =	veq.s32 v4, v11;
	[tilespmem:s13+$0x0] =	vst v5  }
0x48c: {  	v4 =	vsel vm0, $0x8000, v4;
	[tilespmem:s14+$0x0] =	vst v7;
	v3 =	vadd.s32 v2, v3  }
0x48d: {  	[tilespmem:s13+$0xFFFFFFC0] =	vst v4;
	vm0 =	veq.s32 v9, v3  }
0x48e: {  	[tilespmem:s14+$0xFFFFFFC0] =	vst v6;
	v3 =	vsel vm0, $0x8000, v9  }
0x48f: {  	[tilespmem:s13+$0x30] =	vst v3  }
0x490: {  	s22 =	simm.s32 $0x0;
	[tilespmem:s14+$0x30] =	vst v10  }
0x491: {  	v3 =	vld [tilespmem:s22+$0xC0E0]  }
0x492: {  	v7 =	vld [tilespmem:s22+$0xA510]  }
0x493: {  	v8 =	vld [tilespmem:s22+$0xA500]  }
0x494: {  	v4 =	vld [tilespmem:s22+$0xA560]  }
0x495: {  	v9 =	vld [tilespmem:s22+$0xC0D0]  }
0x496: {  	v10 =	vld [tilespmem:s22+$0xA550]  }
0x497: {  	v11 =	vld [tilespmem:s22+$0xA520]  }
0x498: {  	v12 =	vld [tilespmem:s22+$0xC080]  }
0x499: {  	v59 =	vld [tilespmem:s22+$0xC090]  }
0x49a: {  	v61 =	vld [tilespmem:s22+$0xA530]  }
0x49b: {  	v15 =	vld.idx.msk [tilespmem:v8+s8+$0x0], $0xffff  }
0x49c: {  	v60 =	vld.idx.msk [tilespmem:v7+s9+$0x0], $0xffff  }
0x49d: {  	v62 =	vld [tilespmem:s22+$0xC0C0]  }
0x49e: {  	v18 =	vld [tilespmem:s22+$0xA540]  }
0x49f: {  	v19 =	vld [tilespmem:s22+$0xC0B0]  }
0x4a0: {  	v63 =	vld [tilespmem:s22+$0xC0A0];
	vm0 =	vgt.s32 v15, v12  }
0x4a1: {  	v5 =	vld [tilespmem:s22+$0xA570];
	vm1 =	vgt.s32 v60, v59;
	v12 =	vsel vm0, v15, v12  }
0x4a2: {  	v6 =	vld [tilespmem:s22+$0xC0F0];
	v13 =	vsel vm1, v60, v59;
	[tilespmem:v8+s8+$0x0] =	vst.idx.msk $0xffff, v12  }
0x4a3: {  	[tilespmem:v7+s9+$0x0] =	vst.idx.msk $0xffff, v13  }
0x4a4: {  	v7 =	vld.idx.msk [tilespmem:v11+s8+$0x0], $0xffff  }
0x4a5: {  	v8 =	vld.idx.msk [tilespmem:v61+s9+$0x0], $0xffff;
	_ =	sdelay $0x3  }
0x4a6: {  	vm0 =	vgt.s32 v7, v63  }
0x4a7: {  	v7 =	vsel vm0, v7, v63;
	vm0 =	vgt.s32 v8, v19  }
0x4a8: {  	[tilespmem:v11+s8+$0x0] =	vst.idx.msk $0xffff, v7;
	v7 =	vsel vm0, v8, v19  }
0x4a9: {  	[tilespmem:v61+s9+$0x0] =	vst.idx.msk $0xffff, v7  }
0x4aa: {  	v7 =	vld.idx.msk [tilespmem:v18+s8+$0x0], $0xffff  }
0x4ab: {  	v8 =	vld.idx.msk [tilespmem:v10+s9+$0x0], $0xffff;
	_ =	sdelay $0x3  }
0x4ac: {  	vm0 =	vgt.s32 v7, v62  }
0x4ad: {  	v7 =	vsel vm0, v7, v62;
	vm0 =	vgt.s32 v8, v9  }
0x4ae: {  	[tilespmem:v18+s8+$0x0] =	vst.idx.msk $0xffff, v7;
	v7 =	vsel vm0, v8, v9  }
0x4af: {  	[tilespmem:v10+s9+$0x0] =	vst.idx.msk $0xffff, v7  }
0x4b0: {  	p0 =	por $0x1, $0x1;
	v8 =	vld.idx.msk [tilespmem:v4+s8+$0x0], $0xffff  }
.Ltmp14:
0x4b1: {  	v7 =	vld.idx.msk [tilespmem:v5+s9+$0x0], $0xffff;
	(pc) =	sbr.rel @!p0 .LBB2_23-.Ltmp14, $2  }
0x4b2: {  	_ =	sdelay $0x2  }
0x4b3: {  	s13 =	simm.s32 $0x200;
	vm0 =	vgt.s32 v8, v3  }
.LBB2_22:
0x4b4: {  	p0 =	sne.s32 s13, $0x6C00;
	v3 =	vsel vm0, v8, v3;
	vm0 =	vgt.s32 v7, v6;
	s14 =	smov.u32 s13;
	s13 =	sadd.s32 $0x200, s13  }
0x4b5: {  	[tilespmem:v4+s8+$0x0] =	vst.idx.msk $0xffff, v3;
	v3 =	vsel vm0, v7, v6  }
0x4b6: {  	s14 =	sshra.s32 s14, $0x2;
	[tilespmem:v5+s9+$0x0] =	vst.idx.msk $0xffff, v3  }
0x4b7: {  	v3 =	vld [tilespmem:s14+$0xC0E0]  }
0x4b8: {  	v7 =	vld [tilespmem:s14+$0xA510]  }
0x4b9: {  	v8 =	vld [tilespmem:s14+$0xA500]  }
0x4ba: {  	v4 =	vld [tilespmem:s14+$0xA560]  }
0x4bb: {  	v9 =	vld [tilespmem:s14+$0xC0D0]  }
0x4bc: {  	v10 =	vld [tilespmem:s14+$0xA550]  }
0x4bd: {  	v11 =	vld [tilespmem:s14+$0xA520]  }
0x4be: {  	v12 =	vld [tilespmem:s14+$0xC080]  }
0x4bf: {  	v6 =	vld [tilespmem:s14+$0xC090]  }
0x4c0: {  	v13 =	vld.idx.msk [tilespmem:v7+s9+$0x0], $0xffff  }
0x4c1: {  	v14 =	vld.idx.msk [tilespmem:v8+s8+$0x0], $0xffff  }
0x4c2: {  	v15 =	vld [tilespmem:s14+$0xA530]  }
0x4c3: {  	v16 =	vld [tilespmem:s14+$0xC0C0]  }
0x4c4: {  	v17 =	vld [tilespmem:s14+$0xA540]  }
0x4c5: {  	v18 =	vld [tilespmem:s14+$0xC0B0]  }
0x4c6: {  	vm0 =	vgt.s32 v13, v6;
	v19 =	vld [tilespmem:s14+$0xC0A0]  }
0x4c7: {  	vm1 =	vgt.s32 v14, v12;
	v13 =	vsel vm0, v13, v6;
	v5 =	vld [tilespmem:s14+$0xA570]  }
0x4c8: {  	v12 =	vsel vm1, v14, v12;
	v6 =	vld [tilespmem:s14+$0xC0F0]  }
0x4c9: {  	[tilespmem:v8+s8+$0x0] =	vst.idx.msk $0xffff, v12  }
0x4ca: {  	[tilespmem:v7+s9+$0x0] =	vst.idx.msk $0xffff, v13  }
0x4cb: {  	v7 =	vld.idx.msk [tilespmem:v11+s8+$0x0], $0xffff  }
0x4cc: {  	v8 =	vld.idx.msk [tilespmem:v15+s9+$0x0], $0xffff;
	_ =	sdelay $0x4  }
0x4cd: {  	vm0 =	vgt.s32 v7, v19  }
0x4ce: {  	v7 =	vsel vm0, v7, v19;
	vm0 =	vgt.s32 v8, v18  }
0x4cf: {  	[tilespmem:v11+s8+$0x0] =	vst.idx.msk $0xffff, v7;
	v7 =	vsel vm0, v8, v18  }
0x4d0: {  	[tilespmem:v15+s9+$0x0] =	vst.idx.msk $0xffff, v7  }
0x4d1: {  	v7 =	vld.idx.msk [tilespmem:v17+s8+$0x0], $0xffff  }
0x4d2: {  	v8 =	vld.idx.msk [tilespmem:v10+s9+$0x0], $0xffff;
	_ =	sdelay $0x4  }
0x4d3: {  	vm0 =	vgt.s32 v7, v16  }
0x4d4: {  	v7 =	vsel vm0, v7, v16;
	vm0 =	vgt.s32 v8, v9  }
0x4d5: {  	[tilespmem:v17+s8+$0x0] =	vst.idx.msk $0xffff, v7;
	v7 =	vsel vm0, v8, v9  }
0x4d6: {  	[tilespmem:v10+s9+$0x0] =	vst.idx.msk $0xffff, v7  }
0x4d7: {  	v8 =	vld.idx.msk [tilespmem:v4+s8+$0x0], $0xffff  }
0x4d8: {  	v7 =	vld.idx.msk [tilespmem:v5+s9+$0x0], $0xffff  }
.Ltmp15:
0x4d9: {  	(pc) =	sbr.rel @p0 .LBB2_22-.Ltmp15, $2  }
0x4da: {  	_ =	sdelay $0x2  }
0x4db: {  	vm0 =	vgt.s32 v8, v3  }
.LBB2_23:
0x4dc: {  	_ =	sdelay $0x2  }
0x4dd: {  	v3 =	vsel vm0, v8, v3;
	vm0 =	vgt.s32 v7, v6  }
0x4de: {  	[tilespmem:v4+s8+$0x0] =	vst.idx.msk $0xffff, v3;
	v3 =	vsel vm0, v7, v6  }
0x4df: {  	s13 =	rddreg [dreg:$0x14];
	[tilespmem:v5+s9+$0x0] =	vst.idx.msk $0xffff, v3  }
0x4e0: {  	[tilespmem:s1], [sflag:$0x1] =	stream.linear.gather [hbm4b:s13+s1], $0x1B80, $0x38;
	[tilespmem:$0x1DD00] =	vst v63  }
0x4e1: {  	s16 =	rddreg [dreg:$0x15]  }
0x4e2: {  	[tilespmem:s2], [sflag:$0x1] =	stream.linear.gather [hbm4b:s16+s1], $0x1B80, $0x38;
	[tilespmem:$0x1DD00] =	vst v63  }
0x4e3: {  	s17 =	rddreg [dreg:$0x16]  }
0x4e4: {  	[tilespmem:s3], [sflag:$0x1] =	stream.linear.gather [hbm4b:s17+s1], $0x1B80, $0x38;
	[tilespmem:$0x1DD00] =	vst v63  }
0x4e5: {  	_ =	swait.ge [sflag:s10], $0x1B80  }
0x4e6: {  	[sflag:s10] =	ssyncset.done $0x0  }
0x4e7: {  	[sflag:s10] =	ssyncadd.s32 $0xFFFFE480  }
0x4e8: {  	_ =	swait.ge [sflag:s10], $0x1B80  }
0x4e9: {  	[sflag:s10] =	ssyncset.done $0x0  }
0x4ea: {  	[sflag:s10] =	ssyncadd.s32 $0xFFFFE480  }
0x4eb: {  	_ =	swait.ge [sflag:s10], $0x1B80  }
0x4ec: {  	[sflag:s10] =	ssyncset.done $0x0  }
0x4ed: {  	s18 =	simm.s32 $0x1BC0;
	[sflag:s10] =	ssyncadd.s32 $0xFFFFE480  }
0x4ee: {  	v3 =	vld [tilespmem:s18+$0xFFFFFFC0]  }
0x4ef: {  	s14 =	simm.s32 $0x89C0;
	v4 =	vld [tilespmem:s18+$0x20]  }
0x4f0: {  	v5 =	vld [tilespmem:s14+$0x20]  }
0x4f1: {  	v6 =	vld [tilespmem:s18+$0x10]  }
0x4f2: {  	v7 =	vld [tilespmem:s14+$0x10]  }
0x4f3: {  	v8 =	vld [tilespmem:s18+$0xFFFFFFF0]  }
0x4f4: {  	v9 =	vld [tilespmem:s18+$0xFFFFFFE0]  }
0x4f5: {  	s15 =	simm.s32 $0x52C0;
	v10 =	vld [tilespmem:s14+$0xFFFFFFD0]  }
0x4f6: {  	v12 =	vld [tilespmem:s15+$0x30]  }
0x4f7: {  	v13 =	vld [tilespmem:s14+$0x30]  }
0x4f8: {  	v14 =	vld [tilespmem:s18+$0x0]  }
0x4f9: {  	v15 =	vld [tilespmem:s15+$0x20]  }
0x4fa: {  	v16 =	vld [tilespmem:s18+$0xFFFFFFD0]  }
0x4fb: {  	v17 =	vld [tilespmem:s15+$0x10]  }
0x4fc: {  	v18 =	vld [tilespmem:s15+$0x0]  }
0x4fd: {  	v19 =	vld [tilespmem:s15+$0xFFFFFFF0]  }
0x4fe: {  	v20 =	vld [tilespmem:s15+$0xFFFFFFE0]  }
0x4ff: {  	v21 =	vld [tilespmem:s15+$0xFFFFFFD0]  }
0x500: {  	v22 =	vld [tilespmem:s15+$0xFFFFFFC0]  }
0x501: {  	v23 =	vld [tilespmem:s14+$0xFFFFFFC0]  }
0x502: {  	v24 =	vld [tilespmem:s14+$0xFFFFFFE0]  }
0x503: {  	v25 =	vld [tilespmem:s14+$0xFFFFFFF0]  }
0x504: {  	v26 =	vld [tilespmem:s18+$0x30]  }
0x505: {  	s19 =	simm.s32 $0x1C40;
	v27 =	vld [tilespmem:s14+$0x0]  }
0x506: {  	v11 =	vld [tilespmem:s19+$0xFFFFFFC0]  }
0x507: {  	s20 =	simm.s32 $0x8A40;
	v28 =	vld [tilespmem:s19+$0x20]  }
0x508: {  	v29 =	vld [tilespmem:s20+$0x20];
	v15 =	vshll.u32 v15, $0x9  }
0x509: {  	v30 =	vld [tilespmem:s19+$0xFFFFFFE0];
	v5 =	vshll.u32 v5, $0x12;
	v17 =	vshll.u32 v17, $0x9;
	v15 =	vadd.s32 v4, v15  }
0x50a: {  	s22 =	simm.s32 $0x1CC0;
	v31 =	vld [tilespmem:s19+$0x0];
	v7 =	vshll.u32 v7, $0x12;
	v5 =	vadd.s32 v5, v15;
	v15 =	vadd.s32 v6, v17  }
0x50b: {  	s16 =	simm.s32 $0x8AC0;
	v32 =	vld [tilespmem:s22+$0x20];
	v7 =	vadd.s32 v7, v15;
	(xrf1) =	vsort.ascd.msk.u32 $0xffff, v5, v4  }
0x50c: {  	v39 =	vld [tilespmem:s16+$0x10];
	s18 =	simm.s32 $0x53C0;
	(xrf1) =	vsort.ascd.msk.u32 $0xffff, v7, v6  }
0x50d: {  	v53 =	vld [tilespmem:s18+$0x20];
	v20 =	vshll.u32 v20, $0x9  }
0x50e: {  	v17 =	vld [tilespmem:s19+$0x10];
	v6 =	vshll.u32 v10, $0x12;
	v10 =	vshll.u32 v18, $0x9;
	v18 =	vshll.u32 v21, $0x9  }
0x50f: {  	v5 =	vld [tilespmem:s20+$0x10];
	v4 =	vshll.u32 v12, $0x9;
	v12 =	vshll.u32 v19, $0x9;
	v18 =	vadd.s32 v16, v18  }
0x510: {  	s21 =	simm.s32 $0x5340;
	v15 =	vld [tilespmem:s19+$0xFFFFFFF0];
	v12 =	vadd.s32 v8, v12;
	v6 =	vadd.s32 v6, v18;
	v18 =	vshll.u32 v25, $0x12  }
0x511: {  	v24 =	vshll.u32 v24, $0x12;
	v20 =	vadd.s32 v9, v20;
	v19 =	vld [tilespmem:s21+$0x30];
	(xrf1) =	vsort.ascd.msk.u32 $0xffff, v6, v16;
	v6 =	vadd.s32 v18, v12  }
0x512: {  	v12 =	vld [tilespmem:s21+$0x20];
	v16 =	vadd.s32 v24, v20;
	(xrf1) =	vsort.ascd.msk.u32 $0xffff, v6, v8  }
0x513: {  	v22 =	vshll.u32 v22, $0x9;
	(xrf1) =	vsort.ascd.msk.u32 $0xffff, v16, v9;
	v9 =	vld [tilespmem:s21+$0x10]  }
0x514: {  	v7 =	vld [tilespmem:s20+$0xFFFFFFD0];
	v4 =	vadd.s32 v26, v4;
	v10 =	vadd.s32 v14, v10;
	v6 =	vshll.u32 v27, $0x12  }
0x515: {  	v21 =	vld [tilespmem:s20+$0x30];
	v18 =	vadd.s32 v3, v22;
	v20 =	vshll.u32 v23, $0x12;
	v6 =	vadd.s32 v6, v10  }
0x516: {  	v23 =	vld [tilespmem:s20+$0xFFFFFFF0];
	v10 =	vshll.u32 v13, $0x12;
	(xrf1) =	vsort.ascd.msk.u32 $0xffff, v6, v14;
	v6 =	vadd.s32 v20, v18  }
0x517: {  	v13 =	vld [tilespmem:s21+$0x0];
	(xrf1) =	vsort.ascd.msk.u32 $0xffff, v6, v3;
	v3 =	vadd.s32 v10, v4;
	v10 =	vshll.u32 v12, $0x9  }
0x518: {  	v16 =	vshll.u32 v29, $0x12;
	v18 =	vld [tilespmem:s21+$0xFFFFFFC0];
	v10 =	vadd.s32 v28, v10;
	v9 =	vshll.u32 v9, $0x9  }
0x519: {  	v5 =	vshll.u32 v5, $0x12;
	v6 =	vld [tilespmem:s21+$0xFFFFFFF0];
	(xrf1) =	vsort.ascd.msk.u32 $0xffff, v3, v26;
	v10 =	vadd.s32 v16, v10;
	v9 =	vadd.s32 v17, v9;
	v14, v4, _ =	vpop (xrf1)  }
0x51a: {  	v3 =	vld [tilespmem:s21+$0xFFFFFFE0];
	v5 =	vadd.s32 v5, v9;
	v20, v27, _ =	vpop (xrf1);
	(xrf1) =	vsort.ascd.msk.u32 $0xffff, v10, v28  }
0x51b: {  	v56 =	vshll.u32 v39, $0x12;
	v57 =	vshll.u32 v53, $0x9;
	v12 =	vld [tilespmem:s21+$0xFFFFFFD0];
	(xrf1) =	vsort.ascd.msk.u32 $0xffff, v5, v17  }
0x51c: {  	v59 =	vadd.s32 v32, v57;
	v8 =	vld [tilespmem:s19+$0xFFFFFFD0];
	v19 =	vshll.u32 v19, $0x9;
	v22 =	vshrl.u32 v20, $0x9  }
0x51d: {  	v21 =	vshll.u32 v21, $0x12;
	v16 =	vld [tilespmem:s20+$0xFFFFFFC0];
	v14 =	vshrl.u32 v14, $0x9;
	v10 =	vperm.xlane v22, v1  }
0x51e: {  	v13 =	vshll.u32 v13, $0x9;
	v18 =	vshll.u32 v18, $0x9;
	v28 =	vld [tilespmem:s19+$0x30];
	v9 =	vperm.xlane v14, v1  }
0x51f: {  	v6 =	vshll.u32 v6, $0x9;
	v5 =	vshll.u32 v7, $0x12;
	v7 =	vadd.s32 v2, v10;
	v10 =	vld [tilespmem:s20+$0x0]  }
0x520: {  	v12 =	vshll.u32 v12, $0x9;
	v20 =	vld [tilespmem:s20+$0xFFFFFFE0];
	v24 =	vadd.s32 v2, v9;
	v9 =	vshll.u32 v3, $0x9  }
0x521: {  	v18 =	vadd.s32 v11, v18;
	v6 =	vadd.s32 v15, v6;
	v12 =	vadd.s32 v8, v12  }
0x522: {  	v38 =	vld [tilespmem:s22+$0x10];
	v16 =	vshll.u32 v16, $0x12;
	v12 =	vadd.s32 v5, v12;
	v5 =	vshll.u32 v23, $0x12;
	v26, v37, _ =	vpop (xrf1)  }
0x523: {  	v58 =	vld [tilespmem:s18+$0xFFFFFFD0];
	v13 =	vadd.s32 v31, v13;
	v52 =	vadd.s32 v16, v18;
	v36 =	vadd.s32 v5, v6;
	v25, v17, _ =	vpop (xrf1)  }
0x524: {  	v62 =	vld [tilespmem:s16+$0xFFFFFFD0];
	v29 =	vadd.s32 v30, v9;
	vm1 =	veq.s32 v14, v24;
	v34, v9, _ =	vpop (xrf1);
	v10 =	vshll.u32 v10, $0x12  }
0x525: {  	v46 =	vld [tilespmem:s18+$0x10];
	(xrf1) =	vsort.ascd.msk.u32 $0xffff, v12, v8;
	v20 =	vshll.u32 v20, $0x12;
	v35, v23, _ =	vpop (xrf1);
	v10 =	vadd.s32 v10, v13;
	v13 =	vadd.s32 v28, v19  }
0x526: {  	v55 =	vld [tilespmem:s18+$0xFFFFFFE0];
	vm0 =	veq.s32 v22, v7;
	v42 =	vshrl.u32 v25, $0x9;
	v20 =	vadd.s32 v20, v29;
	v40, v5, _ =	vpop (xrf1);
	(xrf1) =	vsort.ascd.msk.u32 $0xffff, v36, v15  }
0x527: {  	v60 =	vld [tilespmem:s18+$0xFFFFFFC0];
	s19 =	simm.s32 $0xA540;
	v41 =	vsel vm1, $0x8000, v14;
	v63 =	vsel vm0, $0x8000, v22;
	v44 =	vperm.xlane v42, v1;
	v24, v8, _ =	vpop (xrf1);
	(xrf1) =	vsort.ascd.msk.u32 $0xffff, v20, v30  }
0x528: {  	v6 =	vld [tilespmem:s22+$0xFFFFFFE0];
	[tilespmem:s19+$0x10] =	vst v63;
	v63 =	vshll.u32 v58, $0x9;
	v25 =	vshrl.u32 v34, $0x9;
	(xrf1) =	vsort.ascd.msk.u32 $0xffff, v10, v31;
	v16, v18, _ =	vpop (xrf1)  }
0x529: {  	v33 =	vld [tilespmem:s16+$0x20];
	s20 =	simm.s32 $0xC0C0;
	v15 =	vshrl.u32 v24, $0x9;
	v21 =	vadd.s32 v21, v13;
	v24 =	vshrl.u32 v16, $0x9;
	v16, v13, _ =	vpop (xrf1);
	(xrf1) =	vsort.ascd.msk.u32 $0xffff, v52, v11  }
0x52a: {  	v50 =	vld [tilespmem:s18+$0x0];
	v54 =	vadd.s32 v2, v44;
	[tilespmem:s20+$0x10] =	vst v27;
	v27 =	vshll.u32 v46, $0x9;
	v19 =	vshrl.u32 v26, $0x9  }
0x52b: {  	v39 =	vld [tilespmem:s16+$0xFFFFFFC0];
	v34 =	vshll.u32 v55, $0x9;
	v12 =	vshrl.u32 v35, $0x9;
	v49 =	vperm.xlane v19, v1;
	(xrf1) =	vsort.ascd.msk.u32 $0xffff, v21, v28  }
0x52c: {  	v3 =	vld [tilespmem:s22+$0xFFFFFFC0];
	v35 =	vshll.u32 v62, $0x12;
	vm1 =	veq.s32 v42, v54;
	v27 =	vadd.s32 v38, v27  }
0x52d: {  	v44 =	vadd.s32 v6, v34;
	v34 =	vshll.u32 v60, $0x9;
	v21 =	vld [tilespmem:s18+$0xFFFFFFF0];
	v28 =	vadd.s32 v2, v49  }
0x52e: {  	v29 =	vld [tilespmem:s18+$0x30];
	v14 =	vshrl.u32 v40, $0x9;
	v48 =	vperm.xlane v12, v1;
	vm0 =	veq.s32 v19, v28  }
0x52f: {  	v30 =	vld [tilespmem:s16+$0x30];
	v40 =	vshll.u32 v50, $0x9;
	v31 =	vperm.xlane v25, v1;
	v19 =	vsel vm0, $0x8000, v19  }
0x530: {  	v7 =	vld [tilespmem:s22+$0xFFFFFFF0];
	v61 =	vsel vm1, $0x8000, v42;
	v27 =	vadd.s32 v56, v27;
	v28 =	vshll.u32 v33, $0x12  }
0x531: {  	v26 =	vld [tilespmem:s22+$0xFFFFFFD0];
	v45 =	vperm.xlane v14, v1;
	v20 =	vperm.xlane v15, v1;
	v62 =	vadd.s32 v2, v31  }
0x532: {  	[tilespmem:s19+$0x20] =	vst v41;
	v46 =	vld [tilespmem:s16+$0xFFFFFFF0];
	v22 =	vshrl.u32 v16, $0x9;
	v33 =	vadd.s32 v28, v59;
	v21 =	vshll.u32 v21, $0x9  }
0x533: {  	v10 =	vld [tilespmem:s22+$0x0];
	v43 =	vperm.xlane v24, v1;
	v47 =	vperm.xlane v22, v1;
	[tilespmem:s19+$0xFFFFFFD0] =	vst v19;
	v28, v19, _ =	vpop (xrf1);
	(xrf1) =	vsort.ascd.msk.u32 $0xffff, v33, v32  }
0x534: {  	v42 =	vld [tilespmem:s16+$0xFFFFFFE0];
	v41 =	vadd.s32 v2, v45;
	v11 =	vshll.u32 v30, $0x12;
	v16 =	vshll.u32 v29, $0x9;
	v36, v31, _ =	vpop (xrf1);
	(xrf1) =	vsort.ascd.msk.u32 $0xffff, v27, v38  }
0x535: {  	s13 =	simm.s32 $0xA640;
	s17 =	simm.s32 $0xA5C0;
	s15 =	simm.s32 $0xC140;
	[tilespmem:s19+$0xFFFFFFF0] =	vst v61;
	v29 =	vadd.s32 v2, v43;
	vm0 =	veq.s32 v25, v62;
	v30 =	vadd.s32 v2, v47;
	v27 =	vld [tilespmem:s22+$0x30];
	v33, v32, _ =	vpop (xrf1)  }
0x536: {  	s14 =	simm.s32 $0xC1C0;
	s21 =	simm.s32 $0x10;
	v47 =	vadd.s32 v26, v63;
	[tilespmem:s20+$0xFFFFFFD0] =	vst v37;
	v37 =	vadd.s32 v2, v48;
	v43 =	vadd.s32 v7, v21;
	v38 =	vld [tilespmem:s16+$0x0];
	s22 =	simm.s32 $0x1D40;
	v45, v21, _ =	vpop (xrf1)  }
.LBB2_24:
0x537: {  	v48 =	vld [tilespmem:s22+$0xFFFFFFC0];
	s21 =	sadd.s32 $0x8, s21;
	v49 =	vadd.s32 v3, v34;
	v35 =	vadd.s32 v35, v47;
	s18 =	sadd.s32 $0x80, s18;
	s16 =	sadd.s32 $0x80, s16;
	v47, v50, _ =	vpop (xrf1);
	v25 =	vsel vm0, $0x8000, v25;
	[tilespmem:s20+$0xFFFFFFF0] =	vst v17  }
0x538: {  	v39 =	vshll.u32 v39, $0x12;
	v40 =	vadd.s32 v10, v40;
	vm1 =	veq.s32 v12, v37;
	v34 =	vld [tilespmem:s22+$0x20];
	p0 =	slt.u32 s21, $0x1B0;
	[tilespmem:s20+$0x20] =	vst v4;
	v4 =	vmovc v18  }
0x539: {  	v52 =	vshll.u32 v42, $0x12;
	v51 =	vld [tilespmem:s16+$0x20];
	v18 =	vshll.u32 v46, $0x12;
	(xrf1) =	vsort.ascd.msk.u32 $0xffff, v35, v26;
	v26, v42, _ =	vpop (xrf1);
	v35 =	vadd.s32 v2, v20  }
0x53a: {  	vm0 =	veq.s32 v22, v30;
	vm2 =	veq.s32 v24, v29;
	v37 =	vld [tilespmem:s22+$0x10];
	v18 =	vadd.s32 v18, v43;
	[tilespmem:s19+$0xFFFFFFE0] =	vst v25  }
0x53b: {  	v17 =	vmovc v31;
	v20 =	vadd.s32 v52, v44;
	v44 =	vsel vm2, $0x8000, v24;
	v25 =	vshrl.u32 v45, $0x9;
	v43 =	vld [tilespmem:s16+$0x10];
	[tilespmem:s20+$0xFFFFFFE0] =	vst v9;
	v9 =	vmovc v32  }
0x53c: {  	v31 =	vshrl.u32 v26, $0x9;
	v32 =	vshrl.u32 v36, $0x9;
	(xrf1) =	vsort.ascd.msk.u32 $0xffff, v18, v7;
	v7 =	vld [tilespmem:s22+$0xFFFFFFF0];
	v18 =	vsel vm1, $0x8000, v12;
	v12 =	vmovc v25  }
0x53d: {  	v24 =	vshll.u32 v38, $0x12;
	v25 =	vshrl.u32 v33, $0x9;
	vm1 =	veq.s32 v14, v41;
	(xrf1) =	vsort.ascd.msk.u32 $0xffff, v20, v6;
	v6 =	vld [tilespmem:s22+$0xFFFFFFE0]  }
0x53e: {  	vm2 =	veq.s32 v15, v35;
	v24 =	vadd.s32 v24, v40;
	v20 =	vperm.xlane v31, v1;
	v30 =	vld [tilespmem:s16+$0xFFFFFFD0];
	[tilespmem:s19+$0x0] =	vst v18  }
0x53f: {  	v33 =	vsel vm0, $0x8000, v22;
	v38 =	vperm.xlane v25, v1;
	v29 =	vld [tilespmem:s18+$0x30];
	(xrf1) =	vsort.ascd.msk.u32 $0xffff, v24, v10;
	v10 =	vshrl.u32 v47, $0x9  }
0x540: {  	v16 =	vadd.s32 v27, v16;
	v22 =	vsel vm1, $0x8000, v14;
	v24 =	vadd.s32 v39, v49;
	v35 =	vld [tilespmem:s16+$0x30];
	[tilespmem:s20+$0x0] =	vst v23;
	v14 =	vmovc v10  }
0x541: {  	v49 =	vperm.xlane v12, v1;
	v23 =	vshrl.u32 v28, $0x9;
	v10 =	vld [tilespmem:s22+$0x0];
	(xrf1) =	vsort.ascd.msk.u32 $0xffff, v24, v3;
	v3, v18, _ =	vpop (xrf1);
	v41 =	vperm.xlane v14, v1  }
0x542: {  	v15 =	vsel vm2, $0x8000, v15;
	v47 =	vadd.s32 v11, v16;
	v28 =	vld [tilespmem:s18+$0x20];
	v24 =	vshrl.u32 v3, $0x9;
	v11, v36, _ =	vpop (xrf1);
	[tilespmem:s19+$0xFFFFFFC0] =	vst v22  }
0x543: {  	v26 =	vld [tilespmem:s22+$0xFFFFFFD0];
	v22 =	vshrl.u32 v11, $0x9;
	v39 =	vperm.xlane v24, v1;
	(xrf1) =	vsort.ascd.msk.u32 $0xffff, v47, v27;
	v27 =	vperm.xlane v32, v1  }
0x544: {  	v46 =	vperm.xlane v23, v1;
	v3 =	vmovc v48;
	v40 =	vld [tilespmem:s18+$0x10];
	v16 =	vshll.u32 v29, $0x9;
	v45 =	vperm.xlane v22, v1;
	[tilespmem:s17+$0x10] =	vst v33  }
0x545: {  	v33 =	vld [tilespmem:s18+$0x0];
	v11 =	vshll.u32 v35, $0x12;
	v29 =	vadd.s32 v2, v39;
	v27 =	vadd.s32 v2, v27;
	[tilespmem:s20+$0xFFFFFFC0] =	vst v5;
	v5 =	vmovc v50  }
0x546: {  	v35 =	vshll.u32 v30, $0x12;
	v39 =	vadd.s32 v2, v46;
	v47 =	vld [tilespmem:s18+$0xFFFFFFF0];
	v30 =	vadd.s32 v2, v45;
	[tilespmem:s19+$0x30] =	vst v15;
	v15 =	vmovc v31;
	s19 =	smov.u32 s17;
	s17 =	smov.u32 s13  }
0x547: {  	v43 =	vshll.u32 v43, $0x12;
	vm0 =	veq.s32 v23, v39;
	v45 =	vld [tilespmem:s18+$0xFFFFFFE0];
	v53 =	vshll.u32 v28, $0x9;
	v28, v48, _ =	vpop (xrf1);
	[tilespmem:s20+$0x30] =	vst v8;
	s20 =	smov.u32 s15;
	s15 =	smov.u32 s14  }
0x548: {  	v39 =	vshll.u32 v51, $0x12;
	vm1 =	veq.s32 v32, v27;
	v8 =	vmovc v42;
	v50 =	vld [tilespmem:s18+$0xFFFFFFD0];
	v52 =	vadd.s32 v34, v53;
	[tilespmem:s20+$0x10] =	vst v13  }
0x549: {  	v42 =	vsel vm0, $0x8000, v23;
	v23 =	vmovc v21;
	v13 =	vmovc v36;
	v51 =	vld [tilespmem:s18+$0xFFFFFFC0];
	v27 =	vshll.u32 v40, $0x9;
	v46 =	vadd.s32 v39, v52;
	[tilespmem:s19+$0x20] =	vst v44  }
.Ltmp16:
0x54a: {  	v52 =	vsel vm1, $0x8000, v32;
	v39 =	vld [tilespmem:s16+$0xFFFFFFC0];
	v40 =	vshll.u32 v33, $0x9;
	v53 =	vadd.s32 v37, v27;
	v36, v31, _ =	vpop (xrf1);
	[tilespmem:s19+$0xFFFFFFD0] =	vst v42;
	(pc) =	sbr.rel @p0 .LBB2_24-.Ltmp16, $4  }
0x54b: {  	v42 =	vld [tilespmem:s16+$0xFFFFFFE0];
	v27 =	vshll.u32 v47, $0x9;
	v47 =	vadd.s32 v43, v53;
	(xrf1) =	vsort.ascd.msk.u32 $0xffff, v46, v34;
	v33, v32, _ =	vpop (xrf1);
	v34 =	vadd.s32 v2, v38  }
0x54c: {  	v38 =	vshll.u32 v45, $0x9;
	v46 =	vld [tilespmem:s16+$0xFFFFFFF0];
	v43 =	vadd.s32 v7, v27;
	(xrf1) =	vsort.ascd.msk.u32 $0xffff, v47, v37;
	vm0 =	veq.s32 v25, v34  }
0x54d: {  	v41 =	vadd.s32 v2, v41;
	v37 =	vshll.u32 v50, $0x9;
	v44 =	vadd.s32 v6, v38;
	v27 =	vld [tilespmem:s22+$0x30];
	v45, v21, _ =	vpop (xrf1);
	[tilespmem:s19+$0xFFFFFFF0] =	vst v52  }
0x54e: {  	s13 =	sadd.s32 $0x80, s13;
	s14 =	sadd.s32 $0x80, s14;
	s22 =	sadd.s32 $0x80, s22;
	v34 =	vshll.u32 v51, $0x9;
	v47 =	vadd.s32 v26, v37;
	v38 =	vld [tilespmem:s16+$0x0];
	[tilespmem:s20+$0xFFFFFFD0] =	vst v19;
	v37 =	vadd.s32 v2, v49;
	v19 =	vmovc v48  }
0x54f: {  	v60 =	vadd.s32 v3, v34  }
0x550: {  	v61 =	vadd.s32 v35, v47;
	v25 =	vsel vm0, $0x8000, v25;
	[tilespmem:s20+$0x20] =	vst v4;
	v4 =	vshll.u32 v39, $0x12  }
0x551: {  	[tilespmem:s20+$0xFFFFFFF0] =	vst v17;
	v62 =	vadd.s32 v10, v40;
	vm0 =	veq.s32 v12, v37;
	vm1 =	veq.s32 v22, v30  }
0x552: {  	v47 =	vshrl.u32 v45, $0x9;
	v48 =	vshrl.u32 v28, $0x9;
	v51 =	vshrl.u32 v36, $0x9;
	[tilespmem:s19+$0xFFFFFFE0] =	vst v25  }
0x553: {  	v63 =	vshll.u32 v42, $0x12;
	(xrf1) =	vsort.ascd.msk.u32 $0xffff, v61, v26;
	v42 =	vadd.s32 v2, v20;
	v22 =	vsel vm1, $0x8000, v22  }
0x554: {  	v52 =	vperm.xlane v48, v1;
	v4 =	vadd.s32 v4, v60;
	v56 =	vperm.xlane v47, v1;
	[tilespmem:s20+$0xFFFFFFE0] =	vst v9  }
0x555: {  	v40 =	vshll.u32 v46, $0x12;
	v9 =	vsel vm0, $0x8000, v12;
	vm0 =	veq.s32 v14, v41;
	[tilespmem:s17+$0x10] =	vst v22  }
0x556: {  	v46 =	vadd.s32 v63, v44;
	vm1 =	veq.s32 v15, v42;
	[tilespmem:s19+$0x0] =	vst v9;
	v14 =	vsel vm0, $0x8000, v14  }
0x557: {  	v9 =	vadd.s32 v40, v43;
	vm0 =	veq.s32 v24, v29;
	v15 =	vsel vm1, $0x8000, v15;
	[tilespmem:s19+$0xFFFFFFC0] =	vst v14  }
0x558: {  	v50, v49, _ =	vpop (xrf1);
	v54 =	vadd.s32 v2, v52;
	(xrf1) =	vsort.ascd.msk.u32 $0xffff, v9, v7;
	v7 =	vperm.xlane v51, v1;
	[tilespmem:s19+$0x30] =	vst v15  }
0x559: {  	v24 =	vsel vm0, $0x8000, v24;
	v9 =	vshll.u32 v38, $0x12;
	vm0 =	veq.s32 v48, v54;
	[tilespmem:s20+$0xFFFFFFC0] =	vst v5  }
0x55a: {  	v5, v53, _ =	vpop (xrf1);
	[tilespmem:s20+$0x30] =	vst v8;
	(xrf1) =	vsort.ascd.msk.u32 $0xffff, v46, v6;
	v8 =	vadd.s32 v9, v62;
	v6 =	vadd.s32 v2, v7  }
0x55b: {  	v7 =	vshrl.u32 v33, $0x9;
	(xrf1) =	vsort.ascd.msk.u32 $0xffff, v8, v10;
	vm1 =	veq.s32 v51, v6;
	v6 =	vsel vm0, $0x8000, v48;
	v10, v55, _ =	vpop (xrf1)  }
0x55c: {  	v9 =	vperm.xlane v7, v1;
	[tilespmem:s17+$0xFFFFFFD0] =	vst v6;
	v6 =	vsel vm1, $0x8000, v51;
	(xrf1) =	vsort.ascd.msk.u32 $0xffff, v4, v3;
	v4, v57, _ =	vpop (xrf1)  }
0x55d: {  	v8 =	vshrl.u32 v50, $0x9;
	[tilespmem:s17+$0xFFFFFFF0] =	vst v6;
	v6 =	vadd.s32 v27, v16;
	v4 =	vshrl.u32 v4, $0x9  }
0x55e: {  	[tilespmem:s15+$0x10] =	vst v13;
	v9 =	vadd.s32 v2, v9;
	v6 =	vadd.s32 v11, v6;
	v11 =	vperm.xlane v4, v1  }
0x55f: {  	[tilespmem:s20+$0x0] =	vst v23;
	v3 =	vperm.xlane v8, v1;
	vm0 =	veq.s32 v7, v9;
	v9 =	vadd.s32 v2, v56  }
0x560: {  	[tilespmem:s17+$0x20] =	vst v24;
	v7 =	vsel vm0, $0x8000, v7;
	vm0 =	veq.s32 v47, v9;
	v9 =	vadd.s32 v2, v11  }
0x561: {  	v5 =	vshrl.u32 v5, $0x9;
	[tilespmem:s15+$0x20] =	vst v18  }
0x562: {  	[tilespmem:s17+$0xFFFFFFE0] =	vst v7;
	v3 =	vadd.s32 v2, v3;
	v7 =	vperm.xlane v5, v1  }
0x563: {  	[tilespmem:s15+$0xFFFFFFD0] =	vst v19;
	(xrf1) =	vsort.ascd.msk.u32 $0xffff, v6, v27;
	v6 =	vsel vm0, $0x8000, v47;
	vm0 =	veq.s32 v8, v3  }
0x564: {  	[tilespmem:s15+$0xFFFFFFF0] =	vst v31;
	v3 =	vsel vm0, $0x8000, v8;
	v7 =	vadd.s32 v2, v7;
	vm1 =	veq.s32 v4, v9;
	v8, v9, _ =	vpop (xrf1)  }
0x565: {  	[tilespmem:s15+$0xFFFFFFE0] =	vst v32;
	vm0 =	veq.s32 v5, v7;
	v7 =	vshrl.u32 v8, $0x9  }
0x566: {  	[tilespmem:s17+$0x0] =	vst v6;
	v6 =	vshrl.u32 v10, $0x9;
	v8 =	vperm.xlane v7, v1  }
0x567: {  	[tilespmem:s17+$0xFFFFFFC0] =	vst v3;
	v3 =	vperm.xlane v6, v1  }
0x568: {  	[tilespmem:s15+$0x0] =	vst v21;
	v5 =	vsel vm0, $0x8000, v5;
	v4 =	vsel vm1, $0x8000, v4;
	v10, v11, _ =	vpop (xrf1)  }
0x569: {  	v3 =	vadd.s32 v2, v3;
	[tilespmem:s13+$0x10] =	vst v4;
	v4 =	vshrl.u32 v10, $0x9  }
0x56a: {  	[tilespmem:s15+$0xFFFFFFC0] =	vst v49;
	vm0 =	veq.s32 v6, v3;
	v10 =	vperm.xlane v4, v1  }
0x56b: {  	[tilespmem:s17+$0x30] =	vst v5;
	v6 =	vsel vm0, $0x8000, v6;
	v3 =	vadd.s32 v2, v8;
	v5, v8, _ =	vpop (xrf1)  }
0x56c: {  	[tilespmem:s15+$0x30] =	vst v53;
	v10 =	vadd.s32 v2, v10;
	vm0 =	veq.s32 v7, v3;
	v3 =	vshrl.u32 v5, $0x9  }
0x56d: {  	[tilespmem:s14+$0x10] =	vst v57;
	vm1 =	veq.s32 v4, v10;
	v10 =	vperm.xlane v3, v1  }
0x56e: {  	[tilespmem:s13+$0x20] =	vst v6;
	v4 =	vsel vm1, $0x8000, v4  }
0x56f: {  	[tilespmem:s14+$0x20] =	vst v55;
	v5 =	vsel vm0, $0x8000, v7;
	v6, v7, _ =	vpop (xrf1);
	v10 =	vadd.s32 v2, v10  }
0x570: {  	[tilespmem:s13+$0xFFFFFFD0] =	vst v5;
	v5 =	vshrl.u32 v6, $0x9  }
0x571: {  	[tilespmem:s13+$0xFFFFFFF0] =	vst v4;
	v4, v6, _ =	vpop (xrf1);
	v58 =	vperm.xlane v5, v1  }
0x572: {  	[tilespmem:s14+$0xFFFFFFF0] =	vst v11;
	v4 =	vshrl.u32 v4, $0x9;
	vm0 =	veq.s32 v3, v10  }
0x573: {  	[tilespmem:s14+$0xFFFFFFD0] =	vst v9;
	v11 =	vperm.xlane v4, v1;
	v13 =	vadd.s32 v2, v58;
	v3 =	vsel vm0, $0x8000, v3;
	v9, v10, _ =	vpop (xrf1)  }
0x574: {  	vm0 =	veq.s32 v5, v13;
	[tilespmem:s13+$0xFFFFFFE0] =	vst v3;
	v9 =	vshrl.u32 v9, $0x9  }
0x575: {  	v11 =	vadd.s32 v2, v11;
	v5 =	vsel vm0, $0x8000, v5;
	[tilespmem:s14+$0xFFFFFFE0] =	vst v8;
	v3 =	vperm.xlane v9, v1  }
0x576: {  	vm0 =	veq.s32 v4, v11;
	[tilespmem:s13+$0x0] =	vst v5  }
0x577: {  	v4 =	vsel vm0, $0x8000, v4;
	[tilespmem:s14+$0x0] =	vst v7;
	v3 =	vadd.s32 v2, v3  }
0x578: {  	[tilespmem:s13+$0xFFFFFFC0] =	vst v4;
	vm0 =	veq.s32 v9, v3  }
0x579: {  	[tilespmem:s14+$0xFFFFFFC0] =	vst v6;
	v3 =	vsel vm0, $0x8000, v9  }
0x57a: {  	[tilespmem:s13+$0x30] =	vst v3  }
0x57b: {  	s22 =	simm.s32 $0x0;
	[tilespmem:s14+$0x30] =	vst v10  }
0x57c: {  	v3 =	vld [tilespmem:s22+$0xC0E0]  }
0x57d: {  	v7 =	vld [tilespmem:s22+$0xA510]  }
0x57e: {  	v8 =	vld [tilespmem:s22+$0xA500]  }
0x57f: {  	v4 =	vld [tilespmem:s22+$0xA560]  }
0x580: {  	v9 =	vld [tilespmem:s22+$0xC0D0]  }
0x581: {  	v10 =	vld [tilespmem:s22+$0xA550]  }
0x582: {  	v11 =	vld [tilespmem:s22+$0xA520]  }
0x583: {  	v12 =	vld [tilespmem:s22+$0xC080]  }
0x584: {  	v59 =	vld [tilespmem:s22+$0xC090]  }
0x585: {  	v61 =	vld [tilespmem:s22+$0xA530]  }
0x586: {  	v15 =	vld.idx.msk [tilespmem:v8+s8+$0x0], $0xffff  }
0x587: {  	v60 =	vld.idx.msk [tilespmem:v7+s9+$0x0], $0xffff  }
0x588: {  	v62 =	vld [tilespmem:s22+$0xC0C0]  }
0x589: {  	v18 =	vld [tilespmem:s22+$0xA540]  }
0x58a: {  	v19 =	vld [tilespmem:s22+$0xC0B0]  }
0x58b: {  	v63 =	vld [tilespmem:s22+$0xC0A0];
	vm0 =	vgt.s32 v15, v12  }
0x58c: {  	v5 =	vld [tilespmem:s22+$0xA570];
	vm1 =	vgt.s32 v60, v59;
	v12 =	vsel vm0, v15, v12  }
0x58d: {  	v6 =	vld [tilespmem:s22+$0xC0F0];
	v13 =	vsel vm1, v60, v59;
	[tilespmem:v8+s8+$0x0] =	vst.idx.msk $0xffff, v12  }
0x58e: {  	[tilespmem:v7+s9+$0x0] =	vst.idx.msk $0xffff, v13  }
0x58f: {  	v7 =	vld.idx.msk [tilespmem:v11+s8+$0x0], $0xffff  }
0x590: {  	v8 =	vld.idx.msk [tilespmem:v61+s9+$0x0], $0xffff;
	_ =	sdelay $0x3  }
0x591: {  	vm0 =	vgt.s32 v7, v63  }
0x592: {  	v7 =	vsel vm0, v7, v63;
	vm0 =	vgt.s32 v8, v19  }
0x593: {  	[tilespmem:v11+s8+$0x0] =	vst.idx.msk $0xffff, v7;
	v7 =	vsel vm0, v8, v19  }
0x594: {  	[tilespmem:v61+s9+$0x0] =	vst.idx.msk $0xffff, v7  }
0x595: {  	v7 =	vld.idx.msk [tilespmem:v18+s8+$0x0], $0xffff  }
0x596: {  	v8 =	vld.idx.msk [tilespmem:v10+s9+$0x0], $0xffff;
	_ =	sdelay $0x3  }
0x597: {  	vm0 =	vgt.s32 v7, v62  }
0x598: {  	v7 =	vsel vm0, v7, v62;
	vm0 =	vgt.s32 v8, v9  }
0x599: {  	[tilespmem:v18+s8+$0x0] =	vst.idx.msk $0xffff, v7;
	v7 =	vsel vm0, v8, v9  }
0x59a: {  	[tilespmem:v10+s9+$0x0] =	vst.idx.msk $0xffff, v7  }
0x59b: {  	p0 =	por $0x1, $0x1;
	v8 =	vld.idx.msk [tilespmem:v4+s8+$0x0], $0xffff  }
.Ltmp17:
0x59c: {  	v7 =	vld.idx.msk [tilespmem:v5+s9+$0x0], $0xffff;
	(pc) =	sbr.rel @!p0 .LBB2_27-.Ltmp17, $2  }
0x59d: {  	_ =	sdelay $0x2  }
0x59e: {  	s13 =	simm.s32 $0x200;
	vm0 =	vgt.s32 v8, v3  }
.LBB2_26:
0x59f: {  	p0 =	sne.s32 s13, $0x6C00;
	v3 =	vsel vm0, v8, v3;
	vm0 =	vgt.s32 v7, v6;
	s14 =	smov.u32 s13;
	s13 =	sadd.s32 $0x200, s13  }
0x5a0: {  	[tilespmem:v4+s8+$0x0] =	vst.idx.msk $0xffff, v3;
	v3 =	vsel vm0, v7, v6  }
0x5a1: {  	s14 =	sshra.s32 s14, $0x2;
	[tilespmem:v5+s9+$0x0] =	vst.idx.msk $0xffff, v3  }
0x5a2: {  	v3 =	vld [tilespmem:s14+$0xC0E0]  }
0x5a3: {  	v7 =	vld [tilespmem:s14+$0xA510]  }
0x5a4: {  	v8 =	vld [tilespmem:s14+$0xA500]  }
0x5a5: {  	v4 =	vld [tilespmem:s14+$0xA560]  }
0x5a6: {  	v9 =	vld [tilespmem:s14+$0xC0D0]  }
0x5a7: {  	v10 =	vld [tilespmem:s14+$0xA550]  }
0x5a8: {  	v11 =	vld [tilespmem:s14+$0xA520]  }
0x5a9: {  	v12 =	vld [tilespmem:s14+$0xC080]  }
0x5aa: {  	v6 =	vld [tilespmem:s14+$0xC090]  }
0x5ab: {  	v13 =	vld.idx.msk [tilespmem:v7+s9+$0x0], $0xffff  }
0x5ac: {  	v14 =	vld.idx.msk [tilespmem:v8+s8+$0x0], $0xffff  }
0x5ad: {  	v15 =	vld [tilespmem:s14+$0xA530]  }
0x5ae: {  	v16 =	vld [tilespmem:s14+$0xC0C0]  }
0x5af: {  	v17 =	vld [tilespmem:s14+$0xA540]  }
0x5b0: {  	v18 =	vld [tilespmem:s14+$0xC0B0]  }
0x5b1: {  	vm0 =	vgt.s32 v13, v6;
	v19 =	vld [tilespmem:s14+$0xC0A0]  }
0x5b2: {  	vm1 =	vgt.s32 v14, v12;
	v13 =	vsel vm0, v13, v6;
	v5 =	vld [tilespmem:s14+$0xA570]  }
0x5b3: {  	v12 =	vsel vm1, v14, v12;
	v6 =	vld [tilespmem:s14+$0xC0F0]  }
0x5b4: {  	[tilespmem:v8+s8+$0x0] =	vst.idx.msk $0xffff, v12  }
0x5b5: {  	[tilespmem:v7+s9+$0x0] =	vst.idx.msk $0xffff, v13  }
0x5b6: {  	v7 =	vld.idx.msk [tilespmem:v11+s8+$0x0], $0xffff  }
0x5b7: {  	v8 =	vld.idx.msk [tilespmem:v15+s9+$0x0], $0xffff;
	_ =	sdelay $0x4  }
0x5b8: {  	vm0 =	vgt.s32 v7, v19  }
0x5b9: {  	v7 =	vsel vm0, v7, v19;
	vm0 =	vgt.s32 v8, v18  }
0x5ba: {  	[tilespmem:v11+s8+$0x0] =	vst.idx.msk $0xffff, v7;
	v7 =	vsel vm0, v8, v18  }
0x5bb: {  	[tilespmem:v15+s9+$0x0] =	vst.idx.msk $0xffff, v7  }
0x5bc: {  	v7 =	vld.idx.msk [tilespmem:v17+s8+$0x0], $0xffff  }
0x5bd: {  	v8 =	vld.idx.msk [tilespmem:v10+s9+$0x0], $0xffff;
	_ =	sdelay $0x4  }
0x5be: {  	vm0 =	vgt.s32 v7, v16  }
0x5bf: {  	v7 =	vsel vm0, v7, v16;
	vm0 =	vgt.s32 v8, v9  }
0x5c0: {  	[tilespmem:v17+s8+$0x0] =	vst.idx.msk $0xffff, v7;
	v7 =	vsel vm0, v8, v9  }
0x5c1: {  	[tilespmem:v10+s9+$0x0] =	vst.idx.msk $0xffff, v7  }
0x5c2: {  	v8 =	vld.idx.msk [tilespmem:v4+s8+$0x0], $0xffff  }
0x5c3: {  	v7 =	vld.idx.msk [tilespmem:v5+s9+$0x0], $0xffff  }
.Ltmp18:
0x5c4: {  	(pc) =	sbr.rel @p0 .LBB2_26-.Ltmp18, $2  }
0x5c5: {  	_ =	sdelay $0x2  }
0x5c6: {  	vm0 =	vgt.s32 v8, v3  }
.LBB2_27:
0x5c7: {  	_ =	sdelay $0x2  }
0x5c8: {  	v3 =	vsel vm0, v8, v3;
	vm0 =	vgt.s32 v7, v6  }
0x5c9: {  	[tilespmem:v4+s8+$0x0] =	vst.idx.msk $0xffff, v3;
	v3 =	vsel vm0, v7, v6  }
0x5ca: {  	[tilespmem:v5+s9+$0x0] =	vst.idx.msk $0xffff, v3  }
0x5cb: {  	[tilespmem:s4], [sflag:$0x2] =	stream.linear.gather [hbm4b:s23+s1], $0x1B80, $0x38;
	[tilespmem:$0x1DD00] =	vst v63  }
0x5cc: {  	_ = 	snop  }
0x5cd: {  	[tilespmem:s5], [sflag:$0x2] =	stream.linear.gather [hbm4b:s24+s1], $0x1B80, $0x38;
	[tilespmem:$0x1DD00] =	vst v63  }
0x5ce: {  	_ = 	snop  }
0x5cf: {  	[tilespmem:s6], [sflag:$0x2] =	stream.linear.gather [hbm4b:s25+s1], $0x1B80, $0x38;
	[tilespmem:$0x1DD00] =	vst v63  }
0x5d0: {  	_ =	swait.ge [sflag:s7], $0x1B80  }
0x5d1: {  	[sflag:s7] =	ssyncset.done $0x0  }
0x5d2: {  	[sflag:s7] =	ssyncadd.s32 $0xFFFFE480  }
0x5d3: {  	_ =	swait.ge [sflag:s7], $0x1B80  }
0x5d4: {  	[sflag:s7] =	ssyncset.done $0x0  }
0x5d5: {  	[sflag:s7] =	ssyncadd.s32 $0xFFFFE480  }
0x5d6: {  	_ =	swait.ge [sflag:s7], $0x1B80  }
0x5d7: {  	[sflag:s7] =	ssyncset.done $0x0  }
0x5d8: {  	s13 =	simm.s32 $0x40;
	[sflag:s7] =	ssyncadd.s32 $0xFFFFE480  }
0x5d9: {  	v3 =	vld [tilespmem:s13+$0xFFFFFFC0]  }
0x5da: {  	s14 =	simm.s32 $0x6E40;
	v4 =	vld [tilespmem:s13+$0x20]  }
0x5db: {  	v5 =	vld [tilespmem:s14+$0x20]  }
0x5dc: {  	v6 =	vld [tilespmem:s13+$0x10]  }
0x5dd: {  	v7 =	vld [tilespmem:s14+$0x10]  }
0x5de: {  	v8 =	vld [tilespmem:s13+$0xFFFFFFF0]  }
0x5df: {  	v9 =	vld [tilespmem:s13+$0xFFFFFFE0]  }
0x5e0: {  	s15 =	simm.s32 $0x3740;
	v10 =	vld [tilespmem:s14+$0xFFFFFFD0]  }
0x5e1: {  	v12 =	vld [tilespmem:s15+$0x30]  }
0x5e2: {  	v13 =	vld [tilespmem:s14+$0x30]  }
0x5e3: {  	v14 =	vld [tilespmem:s13+$0x0]  }
0x5e4: {  	v15 =	vld [tilespmem:s15+$0x20]  }
0x5e5: {  	v16 =	vld [tilespmem:s13+$0xFFFFFFD0]  }
0x5e6: {  	v17 =	vld [tilespmem:s15+$0x10]  }
0x5e7: {  	v18 =	vld [tilespmem:s15+$0x0]  }
0x5e8: {  	v19 =	vld [tilespmem:s15+$0xFFFFFFF0]  }
0x5e9: {  	v20 =	vld [tilespmem:s15+$0xFFFFFFE0]  }
0x5ea: {  	v21 =	vld [tilespmem:s15+$0xFFFFFFD0]  }
0x5eb: {  	v22 =	vld [tilespmem:s15+$0xFFFFFFC0]  }
0x5ec: {  	v23 =	vld [tilespmem:s14+$0xFFFFFFC0]  }
0x5ed: {  	v24 =	vld [tilespmem:s14+$0xFFFFFFE0]  }
0x5ee: {  	v25 =	vld [tilespmem:s14+$0xFFFFFFF0]  }
0x5ef: {  	v26 =	vld [tilespmem:s13+$0x30]  }
0x5f0: {  	s19 =	simm.s32 $0xC0;
	v27 =	vld [tilespmem:s14+$0x0]  }
0x5f1: {  	v11 =	vld [tilespmem:s19+$0xFFFFFFC0]  }
0x5f2: {  	s20 =	simm.s32 $0x6EC0;
	v28 =	vld [tilespmem:s19+$0x20]  }
0x5f3: {  	v29 =	vld [tilespmem:s20+$0x20];
	v15 =	vshll.u32 v15, $0x9  }
0x5f4: {  	v30 =	vld [tilespmem:s19+$0xFFFFFFE0];
	v5 =	vshll.u32 v5, $0x12;
	v17 =	vshll.u32 v17, $0x9;
	v15 =	vadd.s32 v4, v15  }
0x5f5: {  	s22 =	simm.s32 $0x140;
	v31 =	vld [tilespmem:s19+$0x0];
	v7 =	vshll.u32 v7, $0x12;
	v5 =	vadd.s32 v5, v15;
	v15 =	vadd.s32 v6, v17  }
0x5f6: {  	s16 =	simm.s32 $0x6F40;
	v32 =	vld [tilespmem:s22+$0x20];
	v7 =	vadd.s32 v7, v15;
	(xrf1) =	vsort.ascd.msk.u32 $0xffff, v5, v4  }
0x5f7: {  	s18 =	simm.s32 $0x3840;
	v39 =	vld [tilespmem:s16+$0x10];
	(xrf1) =	vsort.ascd.msk.u32 $0xffff, v7, v6  }
0x5f8: {  	v53 =	vld [tilespmem:s18+$0x20];
	v20 =	vshll.u32 v20, $0x9  }
0x5f9: {  	v17 =	vld [tilespmem:s19+$0x10];
	v6 =	vshll.u32 v10, $0x12;
	v10 =	vshll.u32 v18, $0x9;
	v18 =	vshll.u32 v21, $0x9  }
0x5fa: {  	v5 =	vld [tilespmem:s20+$0x10];
	v4 =	vshll.u32 v12, $0x9;
	v12 =	vshll.u32 v19, $0x9;
	v18 =	vadd.s32 v16, v18  }
0x5fb: {  	s21 =	simm.s32 $0x37C0;
	v15 =	vld [tilespmem:s19+$0xFFFFFFF0];
	v12 =	vadd.s32 v8, v12;
	v6 =	vadd.s32 v6, v18;
	v18 =	vshll.u32 v25, $0x12  }
0x5fc: {  	v24 =	vshll.u32 v24, $0x12;
	v20 =	vadd.s32 v9, v20;
	v19 =	vld [tilespmem:s21+$0x30];
	(xrf1) =	vsort.ascd.msk.u32 $0xffff, v6, v16;
	v6 =	vadd.s32 v18, v12  }
0x5fd: {  	v12 =	vld [tilespmem:s21+$0x20];
	v16 =	vadd.s32 v24, v20;
	(xrf1) =	vsort.ascd.msk.u32 $0xffff, v6, v8  }
0x5fe: {  	v22 =	vshll.u32 v22, $0x9;
	(xrf1) =	vsort.ascd.msk.u32 $0xffff, v16, v9;
	v9 =	vld [tilespmem:s21+$0x10]  }
0x5ff: {  	v7 =	vld [tilespmem:s20+$0xFFFFFFD0];
	v4 =	vadd.s32 v26, v4;
	v10 =	vadd.s32 v14, v10;
	v6 =	vshll.u32 v27, $0x12  }
0x600: {  	v21 =	vld [tilespmem:s20+$0x30];
	v18 =	vadd.s32 v3, v22;
	v20 =	vshll.u32 v23, $0x12;
	v6 =	vadd.s32 v6, v10  }
0x601: {  	v23 =	vld [tilespmem:s20+$0xFFFFFFF0];
	v10 =	vshll.u32 v13, $0x12;
	(xrf1) =	vsort.ascd.msk.u32 $0xffff, v6, v14;
	v6 =	vadd.s32 v20, v18  }
0x602: {  	v13 =	vld [tilespmem:s21+$0x0];
	(xrf1) =	vsort.ascd.msk.u32 $0xffff, v6, v3;
	v3 =	vadd.s32 v10, v4;
	v10 =	vshll.u32 v12, $0x9  }
0x603: {  	v16 =	vshll.u32 v29, $0x12;
	v18 =	vld [tilespmem:s21+$0xFFFFFFC0];
	v10 =	vadd.s32 v28, v10;
	v9 =	vshll.u32 v9, $0x9  }
0x604: {  	v5 =	vshll.u32 v5, $0x12;
	v6 =	vld [tilespmem:s21+$0xFFFFFFF0];
	(xrf1) =	vsort.ascd.msk.u32 $0xffff, v3, v26;
	v10 =	vadd.s32 v16, v10;
	v9 =	vadd.s32 v17, v9;
	v14, v4, _ =	vpop (xrf1)  }
0x605: {  	v3 =	vld [tilespmem:s21+$0xFFFFFFE0];
	v5 =	vadd.s32 v5, v9;
	v20, v27, _ =	vpop (xrf1);
	(xrf1) =	vsort.ascd.msk.u32 $0xffff, v10, v28  }
0x606: {  	v56 =	vshll.u32 v39, $0x12;
	v57 =	vshll.u32 v53, $0x9;
	v12 =	vld [tilespmem:s21+$0xFFFFFFD0];
	(xrf1) =	vsort.ascd.msk.u32 $0xffff, v5, v17  }
0x607: {  	v59 =	vadd.s32 v32, v57;
	v8 =	vld [tilespmem:s19+$0xFFFFFFD0];
	v19 =	vshll.u32 v19, $0x9;
	v22 =	vshrl.u32 v20, $0x9  }
0x608: {  	v21 =	vshll.u32 v21, $0x12;
	v16 =	vld [tilespmem:s20+$0xFFFFFFC0];
	v14 =	vshrl.u32 v14, $0x9;
	v10 =	vperm.xlane v22, v1  }
0x609: {  	v13 =	vshll.u32 v13, $0x9;
	v18 =	vshll.u32 v18, $0x9;
	v28 =	vld [tilespmem:s19+$0x30];
	v9 =	vperm.xlane v14, v1  }
0x60a: {  	v6 =	vshll.u32 v6, $0x9;
	v5 =	vshll.u32 v7, $0x12;
	v7 =	vadd.s32 v2, v10;
	v10 =	vld [tilespmem:s20+$0x0]  }
0x60b: {  	v12 =	vshll.u32 v12, $0x9;
	v20 =	vld [tilespmem:s20+$0xFFFFFFE0];
	v24 =	vadd.s32 v2, v9;
	v9 =	vshll.u32 v3, $0x9  }
0x60c: {  	v18 =	vadd.s32 v11, v18;
	v6 =	vadd.s32 v15, v6;
	v12 =	vadd.s32 v8, v12  }
0x60d: {  	v38 =	vld [tilespmem:s22+$0x10];
	v16 =	vshll.u32 v16, $0x12;
	v12 =	vadd.s32 v5, v12;
	v5 =	vshll.u32 v23, $0x12;
	v26, v37, _ =	vpop (xrf1)  }
0x60e: {  	v58 =	vld [tilespmem:s18+$0xFFFFFFD0];
	v13 =	vadd.s32 v31, v13;
	v52 =	vadd.s32 v16, v18;
	v36 =	vadd.s32 v5, v6;
	v25, v17, _ =	vpop (xrf1)  }
0x60f: {  	v62 =	vld [tilespmem:s16+$0xFFFFFFD0];
	v29 =	vadd.s32 v30, v9;
	vm1 =	veq.s32 v14, v24;
	v34, v9, _ =	vpop (xrf1);
	v10 =	vshll.u32 v10, $0x12  }
0x610: {  	v46 =	vld [tilespmem:s18+$0x10];
	(xrf1) =	vsort.ascd.msk.u32 $0xffff, v12, v8;
	v20 =	vshll.u32 v20, $0x12;
	v35, v23, _ =	vpop (xrf1);
	v10 =	vadd.s32 v10, v13;
	v13 =	vadd.s32 v28, v19  }
0x611: {  	v55 =	vld [tilespmem:s18+$0xFFFFFFE0];
	vm0 =	veq.s32 v22, v7;
	v42 =	vshrl.u32 v25, $0x9;
	v20 =	vadd.s32 v20, v29;
	v40, v5, _ =	vpop (xrf1);
	(xrf1) =	vsort.ascd.msk.u32 $0xffff, v36, v15  }
0x612: {  	v60 =	vld [tilespmem:s18+$0xFFFFFFC0];
	s19 =	simm.s32 $0xA540;
	v41 =	vsel vm1, $0x8000, v14;
	v63 =	vsel vm0, $0x8000, v22;
	v44 =	vperm.xlane v42, v1;
	v24, v8, _ =	vpop (xrf1);
	(xrf1) =	vsort.ascd.msk.u32 $0xffff, v20, v30  }
0x613: {  	v6 =	vld [tilespmem:s22+$0xFFFFFFE0];
	[tilespmem:s19+$0x10] =	vst v63;
	v63 =	vshll.u32 v58, $0x9;
	v25 =	vshrl.u32 v34, $0x9;
	(xrf1) =	vsort.ascd.msk.u32 $0xffff, v10, v31;
	v16, v18, _ =	vpop (xrf1)  }
0x614: {  	v33 =	vld [tilespmem:s16+$0x20];
	s20 =	simm.s32 $0xC0C0;
	v15 =	vshrl.u32 v24, $0x9;
	v21 =	vadd.s32 v21, v13;
	v24 =	vshrl.u32 v16, $0x9;
	v16, v13, _ =	vpop (xrf1);
	(xrf1) =	vsort.ascd.msk.u32 $0xffff, v52, v11  }
0x615: {  	v50 =	vld [tilespmem:s18+$0x0];
	v54 =	vadd.s32 v2, v44;
	[tilespmem:s20+$0x10] =	vst v27;
	v27 =	vshll.u32 v46, $0x9;
	v19 =	vshrl.u32 v26, $0x9  }
0x616: {  	v39 =	vld [tilespmem:s16+$0xFFFFFFC0];
	v34 =	vshll.u32 v55, $0x9;
	v12 =	vshrl.u32 v35, $0x9;
	v49 =	vperm.xlane v19, v1;
	(xrf1) =	vsort.ascd.msk.u32 $0xffff, v21, v28  }
0x617: {  	v3 =	vld [tilespmem:s22+$0xFFFFFFC0];
	v35 =	vshll.u32 v62, $0x12;
	vm1 =	veq.s32 v42, v54;
	v27 =	vadd.s32 v38, v27  }
0x618: {  	v44 =	vadd.s32 v6, v34;
	v34 =	vshll.u32 v60, $0x9;
	v21 =	vld [tilespmem:s18+$0xFFFFFFF0];
	v28 =	vadd.s32 v2, v49  }
0x619: {  	v29 =	vld [tilespmem:s18+$0x30];
	v14 =	vshrl.u32 v40, $0x9;
	v48 =	vperm.xlane v12, v1;
	vm0 =	veq.s32 v19, v28  }
0x61a: {  	v30 =	vld [tilespmem:s16+$0x30];
	v40 =	vshll.u32 v50, $0x9;
	v31 =	vperm.xlane v25, v1;
	v19 =	vsel vm0, $0x8000, v19  }
0x61b: {  	v7 =	vld [tilespmem:s22+$0xFFFFFFF0];
	v61 =	vsel vm1, $0x8000, v42;
	v27 =	vadd.s32 v56, v27;
	v28 =	vshll.u32 v33, $0x12  }
0x61c: {  	v26 =	vld [tilespmem:s22+$0xFFFFFFD0];
	v45 =	vperm.xlane v14, v1;
	v20 =	vperm.xlane v15, v1;
	v62 =	vadd.s32 v2, v31  }
0x61d: {  	[tilespmem:s19+$0x20] =	vst v41;
	v46 =	vld [tilespmem:s16+$0xFFFFFFF0];
	v22 =	vshrl.u32 v16, $0x9;
	v33 =	vadd.s32 v28, v59;
	v21 =	vshll.u32 v21, $0x9  }
0x61e: {  	v10 =	vld [tilespmem:s22+$0x0];
	v43 =	vperm.xlane v24, v1;
	v47 =	vperm.xlane v22, v1;
	[tilespmem:s19+$0xFFFFFFD0] =	vst v19;
	v28, v19, _ =	vpop (xrf1);
	(xrf1) =	vsort.ascd.msk.u32 $0xffff, v33, v32  }
0x61f: {  	v42 =	vld [tilespmem:s16+$0xFFFFFFE0];
	v41 =	vadd.s32 v2, v45;
	v11 =	vshll.u32 v30, $0x12;
	v16 =	vshll.u32 v29, $0x9;
	v36, v31, _ =	vpop (xrf1);
	(xrf1) =	vsort.ascd.msk.u32 $0xffff, v27, v38  }
0x620: {  	s17 =	simm.s32 $0xA5C0;
	s15 =	simm.s32 $0xC140;
	s13 =	simm.s32 $0xA640;
	[tilespmem:s19+$0xFFFFFFF0] =	vst v61;
	v29 =	vadd.s32 v2, v43;
	vm0 =	veq.s32 v25, v62;
	v30 =	vadd.s32 v2, v47;
	v27 =	vld [tilespmem:s22+$0x30];
	v33, v32, _ =	vpop (xrf1)  }
0x621: {  	s14 =	simm.s32 $0xC1C0;
	s21 =	simm.s32 $0x10;
	v47 =	vadd.s32 v26, v63;
	[tilespmem:s20+$0xFFFFFFD0] =	vst v37;
	v37 =	vadd.s32 v2, v48;
	v43 =	vadd.s32 v7, v21;
	v38 =	vld [tilespmem:s16+$0x0];
	s22 =	simm.s32 $0x1C0;
	v45, v21, _ =	vpop (xrf1)  }
.LBB2_28:
0x622: {  	v48 =	vld [tilespmem:s22+$0xFFFFFFC0];
	s21 =	sadd.s32 $0x8, s21;
	v49 =	vadd.s32 v3, v34;
	v35 =	vadd.s32 v35, v47;
	s18 =	sadd.s32 $0x80, s18;
	s16 =	sadd.s32 $0x80, s16;
	v47, v50, _ =	vpop (xrf1);
	v25 =	vsel vm0, $0x8000, v25;
	[tilespmem:s20+$0xFFFFFFF0] =	vst v17  }
0x623: {  	v39 =	vshll.u32 v39, $0x12;
	v40 =	vadd.s32 v10, v40;
	vm1 =	veq.s32 v12, v37;
	v34 =	vld [tilespmem:s22+$0x20];
	p0 =	slt.u32 s21, $0x1B0;
	[tilespmem:s20+$0x20] =	vst v4;
	v4 =	vmovc v18  }
0x624: {  	v52 =	vshll.u32 v42, $0x12;
	v51 =	vld [tilespmem:s16+$0x20];
	v18 =	vshll.u32 v46, $0x12;
	(xrf1) =	vsort.ascd.msk.u32 $0xffff, v35, v26;
	v26, v42, _ =	vpop (xrf1);
	v35 =	vadd.s32 v2, v20  }
0x625: {  	vm0 =	veq.s32 v22, v30;
	vm2 =	veq.s32 v24, v29;
	v37 =	vld [tilespmem:s22+$0x10];
	v18 =	vadd.s32 v18, v43;
	[tilespmem:s19+$0xFFFFFFE0] =	vst v25  }
0x626: {  	v17 =	vmovc v31;
	v20 =	vadd.s32 v52, v44;
	v44 =	vsel vm2, $0x8000, v24;
	v25 =	vshrl.u32 v45, $0x9;
	v43 =	vld [tilespmem:s16+$0x10];
	[tilespmem:s20+$0xFFFFFFE0] =	vst v9;
	v9 =	vmovc v32  }
0x627: {  	v31 =	vshrl.u32 v26, $0x9;
	v32 =	vshrl.u32 v36, $0x9;
	(xrf1) =	vsort.ascd.msk.u32 $0xffff, v18, v7;
	v7 =	vld [tilespmem:s22+$0xFFFFFFF0];
	v18 =	vsel vm1, $0x8000, v12;
	v12 =	vmovc v25  }
0x628: {  	v24 =	vshll.u32 v38, $0x12;
	v25 =	vshrl.u32 v33, $0x9;
	vm1 =	veq.s32 v14, v41;
	(xrf1) =	vsort.ascd.msk.u32 $0xffff, v20, v6;
	v6 =	vld [tilespmem:s22+$0xFFFFFFE0]  }
0x629: {  	vm2 =	veq.s32 v15, v35;
	v24 =	vadd.s32 v24, v40;
	v20 =	vperm.xlane v31, v1;
	v30 =	vld [tilespmem:s16+$0xFFFFFFD0];
	[tilespmem:s19+$0x0] =	vst v18  }
0x62a: {  	v33 =	vsel vm0, $0x8000, v22;
	v38 =	vperm.xlane v25, v1;
	v29 =	vld [tilespmem:s18+$0x30];
	(xrf1) =	vsort.ascd.msk.u32 $0xffff, v24, v10;
	v10 =	vshrl.u32 v47, $0x9  }
0x62b: {  	v16 =	vadd.s32 v27, v16;
	v22 =	vsel vm1, $0x8000, v14;
	v24 =	vadd.s32 v39, v49;
	v35 =	vld [tilespmem:s16+$0x30];
	[tilespmem:s20+$0x0] =	vst v23;
	v14 =	vmovc v10  }
0x62c: {  	v49 =	vperm.xlane v12, v1;
	v23 =	vshrl.u32 v28, $0x9;
	v10 =	vld [tilespmem:s22+$0x0];
	(xrf1) =	vsort.ascd.msk.u32 $0xffff, v24, v3;
	v3, v18, _ =	vpop (xrf1);
	v41 =	vperm.xlane v14, v1  }
0x62d: {  	v15 =	vsel vm2, $0x8000, v15;
	v47 =	vadd.s32 v11, v16;
	v28 =	vld [tilespmem:s18+$0x20];
	v24 =	vshrl.u32 v3, $0x9;
	v11, v36, _ =	vpop (xrf1);
	[tilespmem:s19+$0xFFFFFFC0] =	vst v22  }
0x62e: {  	v26 =	vld [tilespmem:s22+$0xFFFFFFD0];
	v22 =	vshrl.u32 v11, $0x9;
	v39 =	vperm.xlane v24, v1;
	(xrf1) =	vsort.ascd.msk.u32 $0xffff, v47, v27;
	v27 =	vperm.xlane v32, v1  }
0x62f: {  	v46 =	vperm.xlane v23, v1;
	v3 =	vmovc v48;
	v40 =	vld [tilespmem:s18+$0x10];
	v16 =	vshll.u32 v29, $0x9;
	v45 =	vperm.xlane v22, v1;
	[tilespmem:s17+$0x10] =	vst v33  }
0x630: {  	v33 =	vld [tilespmem:s18+$0x0];
	v11 =	vshll.u32 v35, $0x12;
	v29 =	vadd.s32 v2, v39;
	v27 =	vadd.s32 v2, v27;
	[tilespmem:s20+$0xFFFFFFC0] =	vst v5;
	v5 =	vmovc v50  }
0x631: {  	v35 =	vshll.u32 v30, $0x12;
	v39 =	vadd.s32 v2, v46;
	v47 =	vld [tilespmem:s18+$0xFFFFFFF0];
	v30 =	vadd.s32 v2, v45;
	[tilespmem:s19+$0x30] =	vst v15;
	v15 =	vmovc v31;
	s19 =	smov.u32 s17;
	s17 =	smov.u32 s13  }
0x632: {  	v43 =	vshll.u32 v43, $0x12;
	vm0 =	veq.s32 v23, v39;
	v45 =	vld [tilespmem:s18+$0xFFFFFFE0];
	v53 =	vshll.u32 v28, $0x9;
	v28, v48, _ =	vpop (xrf1);
	[tilespmem:s20+$0x30] =	vst v8;
	s20 =	smov.u32 s15;
	s15 =	smov.u32 s14  }
0x633: {  	v39 =	vshll.u32 v51, $0x12;
	vm1 =	veq.s32 v32, v27;
	v8 =	vmovc v42;
	v50 =	vld [tilespmem:s18+$0xFFFFFFD0];
	v52 =	vadd.s32 v34, v53;
	[tilespmem:s20+$0x10] =	vst v13  }
0x634: {  	v42 =	vsel vm0, $0x8000, v23;
	v23 =	vmovc v21;
	v13 =	vmovc v36;
	v51 =	vld [tilespmem:s18+$0xFFFFFFC0];
	v27 =	vshll.u32 v40, $0x9;
	v46 =	vadd.s32 v39, v52;
	[tilespmem:s19+$0x20] =	vst v44  }
.Ltmp19:
0x635: {  	v52 =	vsel vm1, $0x8000, v32;
	v39 =	vld [tilespmem:s16+$0xFFFFFFC0];
	v40 =	vshll.u32 v33, $0x9;
	v53 =	vadd.s32 v37, v27;
	v36, v31, _ =	vpop (xrf1);
	[tilespmem:s19+$0xFFFFFFD0] =	vst v42;
	(pc) =	sbr.rel @p0 .LBB2_28-.Ltmp19, $4  }
0x636: {  	v42 =	vld [tilespmem:s16+$0xFFFFFFE0];
	v27 =	vshll.u32 v47, $0x9;
	v47 =	vadd.s32 v43, v53;
	(xrf1) =	vsort.ascd.msk.u32 $0xffff, v46, v34;
	v33, v32, _ =	vpop (xrf1);
	v34 =	vadd.s32 v2, v38  }
0x637: {  	v38 =	vshll.u32 v45, $0x9;
	v46 =	vld [tilespmem:s16+$0xFFFFFFF0];
	v43 =	vadd.s32 v7, v27;
	(xrf1) =	vsort.ascd.msk.u32 $0xffff, v47, v37;
	vm0 =	veq.s32 v25, v34  }
0x638: {  	v41 =	vadd.s32 v2, v41;
	v37 =	vshll.u32 v50, $0x9;
	v44 =	vadd.s32 v6, v38;
	v27 =	vld [tilespmem:s22+$0x30];
	v45, v21, _ =	vpop (xrf1);
	[tilespmem:s19+$0xFFFFFFF0] =	vst v52  }
0x639: {  	s13 =	sadd.s32 $0x80, s13;
	s14 =	sadd.s32 $0x80, s14;
	s22 =	sadd.s32 $0x80, s22;
	v34 =	vshll.u32 v51, $0x9;
	v47 =	vadd.s32 v26, v37;
	v38 =	vld [tilespmem:s16+$0x0];
	[tilespmem:s20+$0xFFFFFFD0] =	vst v19;
	v37 =	vadd.s32 v2, v49;
	v19 =	vmovc v48  }
0x63a: {  	v60 =	vadd.s32 v3, v34  }
0x63b: {  	v61 =	vadd.s32 v35, v47;
	v25 =	vsel vm0, $0x8000, v25;
	[tilespmem:s20+$0x20] =	vst v4;
	v4 =	vshll.u32 v39, $0x12  }
0x63c: {  	[tilespmem:s20+$0xFFFFFFF0] =	vst v17;
	v62 =	vadd.s32 v10, v40;
	vm0 =	veq.s32 v12, v37;
	vm1 =	veq.s32 v22, v30  }
0x63d: {  	v47 =	vshrl.u32 v45, $0x9;
	v48 =	vshrl.u32 v28, $0x9;
	v51 =	vshrl.u32 v36, $0x9;
	[tilespmem:s19+$0xFFFFFFE0] =	vst v25  }
0x63e: {  	v63 =	vshll.u32 v42, $0x12;
	(xrf1) =	vsort.ascd.msk.u32 $0xffff, v61, v26;
	v42 =	vadd.s32 v2, v20;
	v22 =	vsel vm1, $0x8000, v22  }
0x63f: {  	v52 =	vperm.xlane v48, v1;
	v4 =	vadd.s32 v4, v60;
	v56 =	vperm.xlane v47, v1;
	[tilespmem:s20+$0xFFFFFFE0] =	vst v9  }
0x640: {  	v40 =	vshll.u32 v46, $0x12;
	v9 =	vsel vm0, $0x8000, v12;
	vm0 =	veq.s32 v14, v41;
	[tilespmem:s17+$0x10] =	vst v22  }
0x641: {  	v46 =	vadd.s32 v63, v44;
	vm1 =	veq.s32 v15, v42;
	[tilespmem:s19+$0x0] =	vst v9;
	v14 =	vsel vm0, $0x8000, v14  }
0x642: {  	v9 =	vadd.s32 v40, v43;
	vm0 =	veq.s32 v24, v29;
	v15 =	vsel vm1, $0x8000, v15;
	[tilespmem:s19+$0xFFFFFFC0] =	vst v14  }
0x643: {  	v50, v49, _ =	vpop (xrf1);
	v54 =	vadd.s32 v2, v52;
	(xrf1) =	vsort.ascd.msk.u32 $0xffff, v9, v7;
	v7 =	vperm.xlane v51, v1;
	[tilespmem:s19+$0x30] =	vst v15  }
0x644: {  	v24 =	vsel vm0, $0x8000, v24;
	v9 =	vshll.u32 v38, $0x12;
	vm0 =	veq.s32 v48, v54;
	[tilespmem:s20+$0xFFFFFFC0] =	vst v5  }
0x645: {  	v5, v53, _ =	vpop (xrf1);
	[tilespmem:s20+$0x30] =	vst v8;
	(xrf1) =	vsort.ascd.msk.u32 $0xffff, v46, v6;
	v8 =	vadd.s32 v9, v62;
	v6 =	vadd.s32 v2, v7  }
0x646: {  	v7 =	vshrl.u32 v33, $0x9;
	(xrf1) =	vsort.ascd.msk.u32 $0xffff, v8, v10;
	vm1 =	veq.s32 v51, v6;
	v6 =	vsel vm0, $0x8000, v48;
	v10, v55, _ =	vpop (xrf1)  }
0x647: {  	v9 =	vperm.xlane v7, v1;
	[tilespmem:s17+$0xFFFFFFD0] =	vst v6;
	v6 =	vsel vm1, $0x8000, v51;
	(xrf1) =	vsort.ascd.msk.u32 $0xffff, v4, v3;
	v4, v57, _ =	vpop (xrf1)  }
0x648: {  	v8 =	vshrl.u32 v50, $0x9;
	[tilespmem:s17+$0xFFFFFFF0] =	vst v6;
	v6 =	vadd.s32 v27, v16;
	v4 =	vshrl.u32 v4, $0x9  }
0x649: {  	[tilespmem:s15+$0x10] =	vst v13;
	v9 =	vadd.s32 v2, v9;
	v6 =	vadd.s32 v11, v6;
	v11 =	vperm.xlane v4, v1  }
0x64a: {  	[tilespmem:s20+$0x0] =	vst v23;
	v3 =	vperm.xlane v8, v1;
	vm0 =	veq.s32 v7, v9;
	v9 =	vadd.s32 v2, v56  }
0x64b: {  	[tilespmem:s17+$0x20] =	vst v24;
	v7 =	vsel vm0, $0x8000, v7;
	vm0 =	veq.s32 v47, v9;
	v9 =	vadd.s32 v2, v11  }
0x64c: {  	v5 =	vshrl.u32 v5, $0x9;
	[tilespmem:s15+$0x20] =	vst v18  }
0x64d: {  	[tilespmem:s17+$0xFFFFFFE0] =	vst v7;
	v3 =	vadd.s32 v2, v3;
	v7 =	vperm.xlane v5, v1  }
0x64e: {  	[tilespmem:s15+$0xFFFFFFD0] =	vst v19;
	(xrf1) =	vsort.ascd.msk.u32 $0xffff, v6, v27;
	v6 =	vsel vm0, $0x8000, v47;
	vm0 =	veq.s32 v8, v3  }
0x64f: {  	[tilespmem:s15+$0xFFFFFFF0] =	vst v31;
	v3 =	vsel vm0, $0x8000, v8;
	v7 =	vadd.s32 v2, v7;
	vm1 =	veq.s32 v4, v9;
	v8, v9, _ =	vpop (xrf1)  }
0x650: {  	[tilespmem:s15+$0xFFFFFFE0] =	vst v32;
	vm0 =	veq.s32 v5, v7;
	v7 =	vshrl.u32 v8, $0x9  }
0x651: {  	[tilespmem:s17+$0x0] =	vst v6;
	v6 =	vshrl.u32 v10, $0x9;
	v8 =	vperm.xlane v7, v1  }
0x652: {  	[tilespmem:s17+$0xFFFFFFC0] =	vst v3;
	v3 =	vperm.xlane v6, v1  }
0x653: {  	[tilespmem:s15+$0x0] =	vst v21;
	v5 =	vsel vm0, $0x8000, v5;
	v4 =	vsel vm1, $0x8000, v4;
	v10, v11, _ =	vpop (xrf1)  }
0x654: {  	v3 =	vadd.s32 v2, v3;
	[tilespmem:s13+$0x10] =	vst v4;
	v4 =	vshrl.u32 v10, $0x9  }
0x655: {  	[tilespmem:s15+$0xFFFFFFC0] =	vst v49;
	vm0 =	veq.s32 v6, v3;
	v10 =	vperm.xlane v4, v1  }
0x656: {  	[tilespmem:s17+$0x30] =	vst v5;
	v6 =	vsel vm0, $0x8000, v6;
	v3 =	vadd.s32 v2, v8;
	v5, v8, _ =	vpop (xrf1)  }
0x657: {  	[tilespmem:s15+$0x30] =	vst v53;
	v10 =	vadd.s32 v2, v10;
	vm0 =	veq.s32 v7, v3;
	v3 =	vshrl.u32 v5, $0x9  }
0x658: {  	[tilespmem:s14+$0x10] =	vst v57;
	vm1 =	veq.s32 v4, v10;
	v10 =	vperm.xlane v3, v1  }
0x659: {  	[tilespmem:s13+$0x20] =	vst v6;
	v4 =	vsel vm1, $0x8000, v4  }
0x65a: {  	[tilespmem:s14+$0x20] =	vst v55;
	v5 =	vsel vm0, $0x8000, v7;
	v6, v7, _ =	vpop (xrf1);
	v10 =	vadd.s32 v2, v10  }
0x65b: {  	[tilespmem:s13+$0xFFFFFFD0] =	vst v5;
	v5 =	vshrl.u32 v6, $0x9  }
0x65c: {  	[tilespmem:s13+$0xFFFFFFF0] =	vst v4;
	v4, v6, _ =	vpop (xrf1);
	v58 =	vperm.xlane v5, v1  }
0x65d: {  	[tilespmem:s14+$0xFFFFFFF0] =	vst v11;
	v4 =	vshrl.u32 v4, $0x9;
	vm0 =	veq.s32 v3, v10  }
0x65e: {  	[tilespmem:s14+$0xFFFFFFD0] =	vst v9;
	v11 =	vperm.xlane v4, v1;
	v13 =	vadd.s32 v2, v58;
	v3 =	vsel vm0, $0x8000, v3;
	v9, v10, _ =	vpop (xrf1)  }
0x65f: {  	vm0 =	veq.s32 v5, v13;
	[tilespmem:s13+$0xFFFFFFE0] =	vst v3;
	v9 =	vshrl.u32 v9, $0x9  }
0x660: {  	v11 =	vadd.s32 v2, v11;
	v5 =	vsel vm0, $0x8000, v5;
	[tilespmem:s14+$0xFFFFFFE0] =	vst v8;
	v3 =	vperm.xlane v9, v1  }
0x661: {  	vm0 =	veq.s32 v4, v11;
	[tilespmem:s13+$0x0] =	vst v5  }
0x662: {  	v4 =	vsel vm0, $0x8000, v4;
	[tilespmem:s14+$0x0] =	vst v7;
	v3 =	vadd.s32 v2, v3  }
0x663: {  	[tilespmem:s13+$0xFFFFFFC0] =	vst v4;
	vm0 =	veq.s32 v9, v3  }
0x664: {  	[tilespmem:s14+$0xFFFFFFC0] =	vst v6;
	v3 =	vsel vm0, $0x8000, v9  }
0x665: {  	[tilespmem:s13+$0x30] =	vst v3  }
0x666: {  	s22 =	simm.s32 $0x0;
	[tilespmem:s14+$0x30] =	vst v10  }
0x667: {  	v3 =	vld [tilespmem:s22+$0xC0E0]  }
0x668: {  	v7 =	vld [tilespmem:s22+$0xA510]  }
0x669: {  	v8 =	vld [tilespmem:s22+$0xA500]  }
0x66a: {  	v4 =	vld [tilespmem:s22+$0xA560]  }
0x66b: {  	v9 =	vld [tilespmem:s22+$0xC0D0]  }
0x66c: {  	v10 =	vld [tilespmem:s22+$0xA550]  }
0x66d: {  	v11 =	vld [tilespmem:s22+$0xA520]  }
0x66e: {  	v12 =	vld [tilespmem:s22+$0xC080]  }
0x66f: {  	v59 =	vld [tilespmem:s22+$0xC090]  }
0x670: {  	v61 =	vld [tilespmem:s22+$0xA530]  }
0x671: {  	v15 =	vld.idx.msk [tilespmem:v8+s8+$0x0], $0xffff  }
0x672: {  	v60 =	vld.idx.msk [tilespmem:v7+s9+$0x0], $0xffff  }
0x673: {  	v62 =	vld [tilespmem:s22+$0xC0C0]  }
0x674: {  	v18 =	vld [tilespmem:s22+$0xA540]  }
0x675: {  	v19 =	vld [tilespmem:s22+$0xC0B0]  }
0x676: {  	v63 =	vld [tilespmem:s22+$0xC0A0];
	vm0 =	vgt.s32 v15, v12  }
0x677: {  	v5 =	vld [tilespmem:s22+$0xA570];
	vm1 =	vgt.s32 v60, v59;
	v12 =	vsel vm0, v15, v12  }
0x678: {  	v6 =	vld [tilespmem:s22+$0xC0F0];
	v13 =	vsel vm1, v60, v59;
	[tilespmem:v8+s8+$0x0] =	vst.idx.msk $0xffff, v12  }
0x679: {  	[tilespmem:v7+s9+$0x0] =	vst.idx.msk $0xffff, v13  }
0x67a: {  	v7 =	vld.idx.msk [tilespmem:v11+s8+$0x0], $0xffff  }
0x67b: {  	v8 =	vld.idx.msk [tilespmem:v61+s9+$0x0], $0xffff;
	_ =	sdelay $0x3  }
0x67c: {  	vm0 =	vgt.s32 v7, v63  }
0x67d: {  	v7 =	vsel vm0, v7, v63;
	vm0 =	vgt.s32 v8, v19  }
0x67e: {  	[tilespmem:v11+s8+$0x0] =	vst.idx.msk $0xffff, v7;
	v7 =	vsel vm0, v8, v19  }
0x67f: {  	[tilespmem:v61+s9+$0x0] =	vst.idx.msk $0xffff, v7  }
0x680: {  	v7 =	vld.idx.msk [tilespmem:v18+s8+$0x0], $0xffff  }
0x681: {  	v8 =	vld.idx.msk [tilespmem:v10+s9+$0x0], $0xffff;
	_ =	sdelay $0x3  }
0x682: {  	vm0 =	vgt.s32 v7, v62  }
0x683: {  	v7 =	vsel vm0, v7, v62;
	vm0 =	vgt.s32 v8, v9  }
0x684: {  	[tilespmem:v18+s8+$0x0] =	vst.idx.msk $0xffff, v7;
	v7 =	vsel vm0, v8, v9  }
0x685: {  	[tilespmem:v10+s9+$0x0] =	vst.idx.msk $0xffff, v7  }
0x686: {  	p0 =	por $0x1, $0x1;
	v8 =	vld.idx.msk [tilespmem:v4+s8+$0x0], $0xffff  }
.Ltmp20:
0x687: {  	v7 =	vld.idx.msk [tilespmem:v5+s9+$0x0], $0xffff;
	(pc) =	sbr.rel @!p0 .LBB2_31-.Ltmp20, $2  }
0x688: {  	_ =	sdelay $0x2  }
0x689: {  	s13 =	simm.s32 $0x200;
	vm0 =	vgt.s32 v8, v3  }
.LBB2_30:
0x68a: {  	p0 =	sne.s32 s13, $0x6C00;
	v3 =	vsel vm0, v8, v3;
	vm0 =	vgt.s32 v7, v6;
	s14 =	smov.u32 s13;
	s13 =	sadd.s32 $0x200, s13  }
0x68b: {  	[tilespmem:v4+s8+$0x0] =	vst.idx.msk $0xffff, v3;
	v3 =	vsel vm0, v7, v6  }
0x68c: {  	s14 =	sshra.s32 s14, $0x2;
	[tilespmem:v5+s9+$0x0] =	vst.idx.msk $0xffff, v3  }
0x68d: {  	v3 =	vld [tilespmem:s14+$0xC0E0]  }
0x68e: {  	v7 =	vld [tilespmem:s14+$0xA510]  }
0x68f: {  	v8 =	vld [tilespmem:s14+$0xA500]  }
0x690: {  	v4 =	vld [tilespmem:s14+$0xA560]  }
0x691: {  	v9 =	vld [tilespmem:s14+$0xC0D0]  }
0x692: {  	v10 =	vld [tilespmem:s14+$0xA550]  }
0x693: {  	v11 =	vld [tilespmem:s14+$0xA520]  }
0x694: {  	v12 =	vld [tilespmem:s14+$0xC080]  }
0x695: {  	v6 =	vld [tilespmem:s14+$0xC090]  }
0x696: {  	v13 =	vld.idx.msk [tilespmem:v7+s9+$0x0], $0xffff  }
0x697: {  	v14 =	vld.idx.msk [tilespmem:v8+s8+$0x0], $0xffff  }
0x698: {  	v15 =	vld [tilespmem:s14+$0xA530]  }
0x699: {  	v16 =	vld [tilespmem:s14+$0xC0C0]  }
0x69a: {  	v17 =	vld [tilespmem:s14+$0xA540]  }
0x69b: {  	v18 =	vld [tilespmem:s14+$0xC0B0]  }
0x69c: {  	vm0 =	vgt.s32 v13, v6;
	v19 =	vld [tilespmem:s14+$0xC0A0]  }
0x69d: {  	vm1 =	vgt.s32 v14, v12;
	v13 =	vsel vm0, v13, v6;
	v5 =	vld [tilespmem:s14+$0xA570]  }
0x69e: {  	v12 =	vsel vm1, v14, v12;
	v6 =	vld [tilespmem:s14+$0xC0F0]  }
0x69f: {  	[tilespmem:v8+s8+$0x0] =	vst.idx.msk $0xffff, v12  }
0x6a0: {  	[tilespmem:v7+s9+$0x0] =	vst.idx.msk $0xffff, v13  }
0x6a1: {  	v7 =	vld.idx.msk [tilespmem:v11+s8+$0x0], $0xffff  }
0x6a2: {  	v8 =	vld.idx.msk [tilespmem:v15+s9+$0x0], $0xffff;
	_ =	sdelay $0x4  }
0x6a3: {  	vm0 =	vgt.s32 v7, v19  }
0x6a4: {  	v7 =	vsel vm0, v7, v19;
	vm0 =	vgt.s32 v8, v18  }
0x6a5: {  	[tilespmem:v11+s8+$0x0] =	vst.idx.msk $0xffff, v7;
	v7 =	vsel vm0, v8, v18  }
0x6a6: {  	[tilespmem:v15+s9+$0x0] =	vst.idx.msk $0xffff, v7  }
0x6a7: {  	v7 =	vld.idx.msk [tilespmem:v17+s8+$0x0], $0xffff  }
0x6a8: {  	v8 =	vld.idx.msk [tilespmem:v10+s9+$0x0], $0xffff;
	_ =	sdelay $0x4  }
0x6a9: {  	vm0 =	vgt.s32 v7, v16  }
0x6aa: {  	v7 =	vsel vm0, v7, v16;
	vm0 =	vgt.s32 v8, v9  }
0x6ab: {  	[tilespmem:v17+s8+$0x0] =	vst.idx.msk $0xffff, v7;
	v7 =	vsel vm0, v8, v9  }
0x6ac: {  	[tilespmem:v10+s9+$0x0] =	vst.idx.msk $0xffff, v7  }
0x6ad: {  	v8 =	vld.idx.msk [tilespmem:v4+s8+$0x0], $0xffff  }
0x6ae: {  	v7 =	vld.idx.msk [tilespmem:v5+s9+$0x0], $0xffff  }
.Ltmp21:
0x6af: {  	(pc) =	sbr.rel @p0 .LBB2_30-.Ltmp21, $2  }
0x6b0: {  	_ =	sdelay $0x2  }
0x6b1: {  	vm0 =	vgt.s32 v8, v3  }
.LBB2_31:
0x6b2: {  	_ =	sdelay $0x2  }
0x6b3: {  	v3 =	vsel vm0, v8, v3;
	vm0 =	vgt.s32 v7, v6  }
0x6b4: {  	[tilespmem:v4+s8+$0x0] =	vst.idx.msk $0xffff, v3;
	v3 =	vsel vm0, v7, v6  }
0x6b5: {  	[tilespmem:v5+s9+$0x0] =	vst.idx.msk $0xffff, v3  }
0x6b6: {  	[tilespmem:s1], [sflag:$0x1] =	stream.linear.gather [hbm4b:s26+s1], $0x1B80, $0x38;
	[tilespmem:$0x1DD00] =	vst v63  }
0x6b7: {  	_ = 	snop  }
0x6b8: {  	[tilespmem:s2], [sflag:$0x1] =	stream.linear.gather [hbm4b:s29+s1], $0x1B80, $0x38;
	[tilespmem:$0x1DD00] =	vst v63  }
0x6b9: {  	_ = 	snop  }
0x6ba: {  	[tilespmem:s3], [sflag:$0x1] =	stream.linear.gather [hbm4b:s30+s1], $0x1B80, $0x38;
	[tilespmem:$0x1DD00] =	vst v63  }
0x6bb: {  	_ =	swait.ge [sflag:s10], $0x1B80  }
0x6bc: {  	[sflag:s10] =	ssyncset.done $0x0  }
0x6bd: {  	[sflag:s10] =	ssyncadd.s32 $0xFFFFE480  }
0x6be: {  	_ =	swait.ge [sflag:s10], $0x1B80  }
0x6bf: {  	[sflag:s10] =	ssyncset.done $0x0  }
0x6c0: {  	[sflag:s10] =	ssyncadd.s32 $0xFFFFE480  }
0x6c1: {  	_ =	swait.ge [sflag:s10], $0x1B80  }
0x6c2: {  	[sflag:s10] =	ssyncset.done $0x0  }
0x6c3: {  	s13 =	simm.s32 $0x1BC0;
	[sflag:s10] =	ssyncadd.s32 $0xFFFFE480  }
0x6c4: {  	v3 =	vld [tilespmem:s13+$0xFFFFFFC0]  }
0x6c5: {  	s14 =	simm.s32 $0x89C0;
	v4 =	vld [tilespmem:s13+$0x20]  }
0x6c6: {  	v5 =	vld [tilespmem:s14+$0x20]  }
0x6c7: {  	v6 =	vld [tilespmem:s13+$0x10]  }
0x6c8: {  	v7 =	vld [tilespmem:s14+$0x10]  }
0x6c9: {  	v8 =	vld [tilespmem:s13+$0xFFFFFFF0]  }
0x6ca: {  	v9 =	vld [tilespmem:s13+$0xFFFFFFE0]  }
0x6cb: {  	s15 =	simm.s32 $0x52C0;
	v10 =	vld [tilespmem:s14+$0xFFFFFFD0]  }
0x6cc: {  	v12 =	vld [tilespmem:s15+$0x30]  }
0x6cd: {  	v13 =	vld [tilespmem:s14+$0x30]  }
0x6ce: {  	v14 =	vld [tilespmem:s13+$0x0]  }
0x6cf: {  	v15 =	vld [tilespmem:s15+$0x20]  }
0x6d0: {  	v16 =	vld [tilespmem:s13+$0xFFFFFFD0]  }
0x6d1: {  	v17 =	vld [tilespmem:s15+$0x10]  }
0x6d2: {  	v18 =	vld [tilespmem:s15+$0x0]  }
0x6d3: {  	v19 =	vld [tilespmem:s15+$0xFFFFFFF0]  }
0x6d4: {  	v20 =	vld [tilespmem:s15+$0xFFFFFFE0]  }
0x6d5: {  	v21 =	vld [tilespmem:s15+$0xFFFFFFD0]  }
0x6d6: {  	v22 =	vld [tilespmem:s15+$0xFFFFFFC0]  }
0x6d7: {  	v23 =	vld [tilespmem:s14+$0xFFFFFFC0]  }
0x6d8: {  	v24 =	vld [tilespmem:s14+$0xFFFFFFE0]  }
0x6d9: {  	v25 =	vld [tilespmem:s14+$0xFFFFFFF0]  }
0x6da: {  	v26 =	vld [tilespmem:s13+$0x30]  }
0x6db: {  	s19 =	simm.s32 $0x1C40;
	v27 =	vld [tilespmem:s14+$0x0]  }
0x6dc: {  	v11 =	vld [tilespmem:s19+$0xFFFFFFC0]  }
0x6dd: {  	s20 =	simm.s32 $0x8A40;
	v28 =	vld [tilespmem:s19+$0x20]  }
0x6de: {  	v29 =	vld [tilespmem:s20+$0x20];
	v15 =	vshll.u32 v15, $0x9  }
0x6df: {  	v30 =	vld [tilespmem:s19+$0xFFFFFFE0];
	v5 =	vshll.u32 v5, $0x12;
	v17 =	vshll.u32 v17, $0x9;
	v15 =	vadd.s32 v4, v15  }
0x6e0: {  	s22 =	simm.s32 $0x1CC0;
	v31 =	vld [tilespmem:s19+$0x0];
	v7 =	vshll.u32 v7, $0x12;
	v5 =	vadd.s32 v5, v15;
	v15 =	vadd.s32 v6, v17  }
0x6e1: {  	s16 =	simm.s32 $0x8AC0;
	v32 =	vld [tilespmem:s22+$0x20];
	v7 =	vadd.s32 v7, v15;
	(xrf1) =	vsort.ascd.msk.u32 $0xffff, v5, v4  }
0x6e2: {  	s18 =	simm.s32 $0x53C0;
	v39 =	vld [tilespmem:s16+$0x10];
	(xrf1) =	vsort.ascd.msk.u32 $0xffff, v7, v6  }
0x6e3: {  	v53 =	vld [tilespmem:s18+$0x20];
	v20 =	vshll.u32 v20, $0x9  }
0x6e4: {  	v17 =	vld [tilespmem:s19+$0x10];
	v6 =	vshll.u32 v10, $0x12;
	v10 =	vshll.u32 v18, $0x9;
	v18 =	vshll.u32 v21, $0x9  }
0x6e5: {  	v5 =	vld [tilespmem:s20+$0x10];
	v4 =	vshll.u32 v12, $0x9;
	v12 =	vshll.u32 v19, $0x9;
	v18 =	vadd.s32 v16, v18  }
0x6e6: {  	s21 =	simm.s32 $0x5340;
	v15 =	vld [tilespmem:s19+$0xFFFFFFF0];
	v12 =	vadd.s32 v8, v12;
	v6 =	vadd.s32 v6, v18;
	v18 =	vshll.u32 v25, $0x12  }
0x6e7: {  	v24 =	vshll.u32 v24, $0x12;
	v20 =	vadd.s32 v9, v20;
	v19 =	vld [tilespmem:s21+$0x30];
	(xrf1) =	vsort.ascd.msk.u32 $0xffff, v6, v16;
	v6 =	vadd.s32 v18, v12  }
0x6e8: {  	v12 =	vld [tilespmem:s21+$0x20];
	v16 =	vadd.s32 v24, v20;
	(xrf1) =	vsort.ascd.msk.u32 $0xffff, v6, v8  }
0x6e9: {  	v22 =	vshll.u32 v22, $0x9;
	(xrf1) =	vsort.ascd.msk.u32 $0xffff, v16, v9;
	v9 =	vld [tilespmem:s21+$0x10]  }
0x6ea: {  	v7 =	vld [tilespmem:s20+$0xFFFFFFD0];
	v4 =	vadd.s32 v26, v4;
	v10 =	vadd.s32 v14, v10;
	v6 =	vshll.u32 v27, $0x12  }
0x6eb: {  	v21 =	vld [tilespmem:s20+$0x30];
	v18 =	vadd.s32 v3, v22;
	v20 =	vshll.u32 v23, $0x12;
	v6 =	vadd.s32 v6, v10  }
0x6ec: {  	v23 =	vld [tilespmem:s20+$0xFFFFFFF0];
	v10 =	vshll.u32 v13, $0x12;
	(xrf1) =	vsort.ascd.msk.u32 $0xffff, v6, v14;
	v6 =	vadd.s32 v20, v18  }
0x6ed: {  	v13 =	vld [tilespmem:s21+$0x0];
	(xrf1) =	vsort.ascd.msk.u32 $0xffff, v6, v3;
	v3 =	vadd.s32 v10, v4;
	v10 =	vshll.u32 v12, $0x9  }
0x6ee: {  	v16 =	vshll.u32 v29, $0x12;
	v18 =	vld [tilespmem:s21+$0xFFFFFFC0];
	v10 =	vadd.s32 v28, v10;
	v9 =	vshll.u32 v9, $0x9  }
0x6ef: {  	v5 =	vshll.u32 v5, $0x12;
	v6 =	vld [tilespmem:s21+$0xFFFFFFF0];
	(xrf1) =	vsort.ascd.msk.u32 $0xffff, v3, v26;
	v10 =	vadd.s32 v16, v10;
	v9 =	vadd.s32 v17, v9;
	v14, v4, _ =	vpop (xrf1)  }
0x6f0: {  	v3 =	vld [tilespmem:s21+$0xFFFFFFE0];
	v5 =	vadd.s32 v5, v9;
	v20, v27, _ =	vpop (xrf1);
	(xrf1) =	vsort.ascd.msk.u32 $0xffff, v10, v28  }
0x6f1: {  	v56 =	vshll.u32 v39, $0x12;
	v57 =	vshll.u32 v53, $0x9;
	v12 =	vld [tilespmem:s21+$0xFFFFFFD0];
	(xrf1) =	vsort.ascd.msk.u32 $0xffff, v5, v17  }
0x6f2: {  	v59 =	vadd.s32 v32, v57;
	v8 =	vld [tilespmem:s19+$0xFFFFFFD0];
	v19 =	vshll.u32 v19, $0x9;
	v22 =	vshrl.u32 v20, $0x9  }
0x6f3: {  	v21 =	vshll.u32 v21, $0x12;
	v16 =	vld [tilespmem:s20+$0xFFFFFFC0];
	v14 =	vshrl.u32 v14, $0x9;
	v10 =	vperm.xlane v22, v1  }
0x6f4: {  	v13 =	vshll.u32 v13, $0x9;
	v18 =	vshll.u32 v18, $0x9;
	v28 =	vld [tilespmem:s19+$0x30];
	v9 =	vperm.xlane v14, v1  }
0x6f5: {  	v6 =	vshll.u32 v6, $0x9;
	v5 =	vshll.u32 v7, $0x12;
	v7 =	vadd.s32 v2, v10;
	v10 =	vld [tilespmem:s20+$0x0]  }
0x6f6: {  	v12 =	vshll.u32 v12, $0x9;
	v20 =	vld [tilespmem:s20+$0xFFFFFFE0];
	v24 =	vadd.s32 v2, v9;
	v9 =	vshll.u32 v3, $0x9  }
0x6f7: {  	v18 =	vadd.s32 v11, v18;
	v6 =	vadd.s32 v15, v6;
	v12 =	vadd.s32 v8, v12  }
0x6f8: {  	v38 =	vld [tilespmem:s22+$0x10];
	v16 =	vshll.u32 v16, $0x12;
	v12 =	vadd.s32 v5, v12;
	v5 =	vshll.u32 v23, $0x12;
	v26, v37, _ =	vpop (xrf1)  }
0x6f9: {  	v58 =	vld [tilespmem:s18+$0xFFFFFFD0];
	v13 =	vadd.s32 v31, v13;
	v52 =	vadd.s32 v16, v18;
	v36 =	vadd.s32 v5, v6;
	v25, v17, _ =	vpop (xrf1)  }
0x6fa: {  	v62 =	vld [tilespmem:s16+$0xFFFFFFD0];
	v29 =	vadd.s32 v30, v9;
	vm1 =	veq.s32 v14, v24;
	v34, v9, _ =	vpop (xrf1);
	v10 =	vshll.u32 v10, $0x12  }
0x6fb: {  	v46 =	vld [tilespmem:s18+$0x10];
	(xrf1) =	vsort.ascd.msk.u32 $0xffff, v12, v8;
	v20 =	vshll.u32 v20, $0x12;
	v35, v23, _ =	vpop (xrf1);
	v10 =	vadd.s32 v10, v13;
	v13 =	vadd.s32 v28, v19  }
0x6fc: {  	v55 =	vld [tilespmem:s18+$0xFFFFFFE0];
	vm0 =	veq.s32 v22, v7;
	v42 =	vshrl.u32 v25, $0x9;
	v20 =	vadd.s32 v20, v29;
	v40, v5, _ =	vpop (xrf1);
	(xrf1) =	vsort.ascd.msk.u32 $0xffff, v36, v15  }
0x6fd: {  	v60 =	vld [tilespmem:s18+$0xFFFFFFC0];
	s19 =	simm.s32 $0xA540;
	v41 =	vsel vm1, $0x8000, v14;
	v63 =	vsel vm0, $0x8000, v22;
	v44 =	vperm.xlane v42, v1;
	v24, v8, _ =	vpop (xrf1);
	(xrf1) =	vsort.ascd.msk.u32 $0xffff, v20, v30  }
0x6fe: {  	v6 =	vld [tilespmem:s22+$0xFFFFFFE0];
	[tilespmem:s19+$0x10] =	vst v63;
	v63 =	vshll.u32 v58, $0x9;
	v25 =	vshrl.u32 v34, $0x9;
	(xrf1) =	vsort.ascd.msk.u32 $0xffff, v10, v31;
	v16, v18, _ =	vpop (xrf1)  }
0x6ff: {  	v33 =	vld [tilespmem:s16+$0x20];
	s20 =	simm.s32 $0xC0C0;
	v15 =	vshrl.u32 v24, $0x9;
	v21 =	vadd.s32 v21, v13;
	v24 =	vshrl.u32 v16, $0x9;
	v16, v13, _ =	vpop (xrf1);
	(xrf1) =	vsort.ascd.msk.u32 $0xffff, v52, v11  }
0x700: {  	v50 =	vld [tilespmem:s18+$0x0];
	v54 =	vadd.s32 v2, v44;
	[tilespmem:s20+$0x10] =	vst v27;
	v27 =	vshll.u32 v46, $0x9;
	v19 =	vshrl.u32 v26, $0x9  }
0x701: {  	v39 =	vld [tilespmem:s16+$0xFFFFFFC0];
	v34 =	vshll.u32 v55, $0x9;
	v12 =	vshrl.u32 v35, $0x9;
	v49 =	vperm.xlane v19, v1;
	(xrf1) =	vsort.ascd.msk.u32 $0xffff, v21, v28  }
0x702: {  	v3 =	vld [tilespmem:s22+$0xFFFFFFC0];
	v35 =	vshll.u32 v62, $0x12;
	vm1 =	veq.s32 v42, v54;
	v27 =	vadd.s32 v38, v27  }
0x703: {  	v44 =	vadd.s32 v6, v34;
	v34 =	vshll.u32 v60, $0x9;
	v21 =	vld [tilespmem:s18+$0xFFFFFFF0];
	v28 =	vadd.s32 v2, v49  }
0x704: {  	v29 =	vld [tilespmem:s18+$0x30];
	v14 =	vshrl.u32 v40, $0x9;
	v48 =	vperm.xlane v12, v1;
	vm0 =	veq.s32 v19, v28  }
0x705: {  	v30 =	vld [tilespmem:s16+$0x30];
	v40 =	vshll.u32 v50, $0x9;
	v31 =	vperm.xlane v25, v1;
	v19 =	vsel vm0, $0x8000, v19  }
0x706: {  	v7 =	vld [tilespmem:s22+$0xFFFFFFF0];
	v61 =	vsel vm1, $0x8000, v42;
	v27 =	vadd.s32 v56, v27;
	v28 =	vshll.u32 v33, $0x12  }
0x707: {  	v26 =	vld [tilespmem:s22+$0xFFFFFFD0];
	v45 =	vperm.xlane v14, v1;
	v20 =	vperm.xlane v15, v1;
	v62 =	vadd.s32 v2, v31  }
0x708: {  	[tilespmem:s19+$0x20] =	vst v41;
	v46 =	vld [tilespmem:s16+$0xFFFFFFF0];
	v22 =	vshrl.u32 v16, $0x9;
	v33 =	vadd.s32 v28, v59;
	v21 =	vshll.u32 v21, $0x9  }
0x709: {  	v10 =	vld [tilespmem:s22+$0x0];
	v43 =	vperm.xlane v24, v1;
	v47 =	vperm.xlane v22, v1;
	[tilespmem:s19+$0xFFFFFFD0] =	vst v19;
	v28, v19, _ =	vpop (xrf1);
	(xrf1) =	vsort.ascd.msk.u32 $0xffff, v33, v32  }
0x70a: {  	v42 =	vld [tilespmem:s16+$0xFFFFFFE0];
	v41 =	vadd.s32 v2, v45;
	v11 =	vshll.u32 v30, $0x12;
	v16 =	vshll.u32 v29, $0x9;
	v36, v31, _ =	vpop (xrf1);
	(xrf1) =	vsort.ascd.msk.u32 $0xffff, v27, v38  }
0x70b: {  	s17 =	simm.s32 $0xA5C0;
	s15 =	simm.s32 $0xC140;
	s13 =	simm.s32 $0xA640;
	[tilespmem:s19+$0xFFFFFFF0] =	vst v61;
	v29 =	vadd.s32 v2, v43;
	vm0 =	veq.s32 v25, v62;
	v30 =	vadd.s32 v2, v47;
	v27 =	vld [tilespmem:s22+$0x30];
	v33, v32, _ =	vpop (xrf1)  }
0x70c: {  	s14 =	simm.s32 $0xC1C0;
	s21 =	simm.s32 $0x10;
	v47 =	vadd.s32 v26, v63;
	[tilespmem:s20+$0xFFFFFFD0] =	vst v37;
	v37 =	vadd.s32 v2, v48;
	v43 =	vadd.s32 v7, v21;
	v38 =	vld [tilespmem:s16+$0x0];
	s22 =	simm.s32 $0x1D40;
	v45, v21, _ =	vpop (xrf1)  }
.LBB2_32:
0x70d: {  	v48 =	vld [tilespmem:s22+$0xFFFFFFC0];
	s21 =	sadd.s32 $0x8, s21;
	v49 =	vadd.s32 v3, v34;
	v35 =	vadd.s32 v35, v47;
	s18 =	sadd.s32 $0x80, s18;
	s16 =	sadd.s32 $0x80, s16;
	v47, v50, _ =	vpop (xrf1);
	v25 =	vsel vm0, $0x8000, v25;
	[tilespmem:s20+$0xFFFFFFF0] =	vst v17  }
0x70e: {  	v39 =	vshll.u32 v39, $0x12;
	v40 =	vadd.s32 v10, v40;
	vm1 =	veq.s32 v12, v37;
	v34 =	vld [tilespmem:s22+$0x20];
	p0 =	slt.u32 s21, $0x1B0;
	[tilespmem:s20+$0x20] =	vst v4;
	v4 =	vmovc v18  }
0x70f: {  	v52 =	vshll.u32 v42, $0x12;
	v51 =	vld [tilespmem:s16+$0x20];
	v18 =	vshll.u32 v46, $0x12;
	(xrf1) =	vsort.ascd.msk.u32 $0xffff, v35, v26;
	v26, v42, _ =	vpop (xrf1);
	v35 =	vadd.s32 v2, v20  }
0x710: {  	vm0 =	veq.s32 v22, v30;
	vm2 =	veq.s32 v24, v29;
	v37 =	vld [tilespmem:s22+$0x10];
	v18 =	vadd.s32 v18, v43;
	[tilespmem:s19+$0xFFFFFFE0] =	vst v25  }
0x711: {  	v17 =	vmovc v31;
	v20 =	vadd.s32 v52, v44;
	v44 =	vsel vm2, $0x8000, v24;
	v25 =	vshrl.u32 v45, $0x9;
	v43 =	vld [tilespmem:s16+$0x10];
	[tilespmem:s20+$0xFFFFFFE0] =	vst v9;
	v9 =	vmovc v32  }
0x712: {  	v31 =	vshrl.u32 v26, $0x9;
	v32 =	vshrl.u32 v36, $0x9;
	(xrf1) =	vsort.ascd.msk.u32 $0xffff, v18, v7;
	v7 =	vld [tilespmem:s22+$0xFFFFFFF0];
	v18 =	vsel vm1, $0x8000, v12;
	v12 =	vmovc v25  }
0x713: {  	v24 =	vshll.u32 v38, $0x12;
	v25 =	vshrl.u32 v33, $0x9;
	vm1 =	veq.s32 v14, v41;
	(xrf1) =	vsort.ascd.msk.u32 $0xffff, v20, v6;
	v6 =	vld [tilespmem:s22+$0xFFFFFFE0]  }
0x714: {  	vm2 =	veq.s32 v15, v35;
	v24 =	vadd.s32 v24, v40;
	v20 =	vperm.xlane v31, v1;
	v30 =	vld [tilespmem:s16+$0xFFFFFFD0];
	[tilespmem:s19+$0x0] =	vst v18  }
0x715: {  	v33 =	vsel vm0, $0x8000, v22;
	v38 =	vperm.xlane v25, v1;
	v29 =	vld [tilespmem:s18+$0x30];
	(xrf1) =	vsort.ascd.msk.u32 $0xffff, v24, v10;
	v10 =	vshrl.u32 v47, $0x9  }
0x716: {  	v16 =	vadd.s32 v27, v16;
	v22 =	vsel vm1, $0x8000, v14;
	v24 =	vadd.s32 v39, v49;
	v35 =	vld [tilespmem:s16+$0x30];
	[tilespmem:s20+$0x0] =	vst v23;
	v14 =	vmovc v10  }
0x717: {  	v49 =	vperm.xlane v12, v1;
	v23 =	vshrl.u32 v28, $0x9;
	v10 =	vld [tilespmem:s22+$0x0];
	(xrf1) =	vsort.ascd.msk.u32 $0xffff, v24, v3;
	v3, v18, _ =	vpop (xrf1);
	v41 =	vperm.xlane v14, v1  }
0x718: {  	v15 =	vsel vm2, $0x8000, v15;
	v47 =	vadd.s32 v11, v16;
	v28 =	vld [tilespmem:s18+$0x20];
	v24 =	vshrl.u32 v3, $0x9;
	v11, v36, _ =	vpop (xrf1);
	[tilespmem:s19+$0xFFFFFFC0] =	vst v22  }
0x719: {  	v26 =	vld [tilespmem:s22+$0xFFFFFFD0];
	v22 =	vshrl.u32 v11, $0x9;
	v39 =	vperm.xlane v24, v1;
	(xrf1) =	vsort.ascd.msk.u32 $0xffff, v47, v27;
	v27 =	vperm.xlane v32, v1  }
0x71a: {  	v46 =	vperm.xlane v23, v1;
	v3 =	vmovc v48;
	v40 =	vld [tilespmem:s18+$0x10];
	v16 =	vshll.u32 v29, $0x9;
	v45 =	vperm.xlane v22, v1;
	[tilespmem:s17+$0x10] =	vst v33  }
0x71b: {  	v33 =	vld [tilespmem:s18+$0x0];
	v11 =	vshll.u32 v35, $0x12;
	v29 =	vadd.s32 v2, v39;
	v27 =	vadd.s32 v2, v27;
	[tilespmem:s20+$0xFFFFFFC0] =	vst v5;
	v5 =	vmovc v50  }
0x71c: {  	v35 =	vshll.u32 v30, $0x12;
	v39 =	vadd.s32 v2, v46;
	v47 =	vld [tilespmem:s18+$0xFFFFFFF0];
	v30 =	vadd.s32 v2, v45;
	[tilespmem:s19+$0x30] =	vst v15;
	v15 =	vmovc v31;
	s19 =	smov.u32 s17;
	s17 =	smov.u32 s13  }
0x71d: {  	v43 =	vshll.u32 v43, $0x12;
	vm0 =	veq.s32 v23, v39;
	v45 =	vld [tilespmem:s18+$0xFFFFFFE0];
	v53 =	vshll.u32 v28, $0x9;
	v28, v48, _ =	vpop (xrf1);
	[tilespmem:s20+$0x30] =	vst v8;
	s20 =	smov.u32 s15;
	s15 =	smov.u32 s14  }
0x71e: {  	v39 =	vshll.u32 v51, $0x12;
	vm1 =	veq.s32 v32, v27;
	v8 =	vmovc v42;
	v50 =	vld [tilespmem:s18+$0xFFFFFFD0];
	v52 =	vadd.s32 v34, v53;
	[tilespmem:s20+$0x10] =	vst v13  }
0x71f: {  	v42 =	vsel vm0, $0x8000, v23;
	v23 =	vmovc v21;
	v13 =	vmovc v36;
	v51 =	vld [tilespmem:s18+$0xFFFFFFC0];
	v27 =	vshll.u32 v40, $0x9;
	v46 =	vadd.s32 v39, v52;
	[tilespmem:s19+$0x20] =	vst v44  }
.Ltmp22:
0x720: {  	v52 =	vsel vm1, $0x8000, v32;
	v39 =	vld [tilespmem:s16+$0xFFFFFFC0];
	v40 =	vshll.u32 v33, $0x9;
	v53 =	vadd.s32 v37, v27;
	v36, v31, _ =	vpop (xrf1);
	[tilespmem:s19+$0xFFFFFFD0] =	vst v42;
	(pc) =	sbr.rel @p0 .LBB2_32-.Ltmp22, $4  }
0x721: {  	v42 =	vld [tilespmem:s16+$0xFFFFFFE0];
	v27 =	vshll.u32 v47, $0x9;
	v47 =	vadd.s32 v43, v53;
	(xrf1) =	vsort.ascd.msk.u32 $0xffff, v46, v34;
	v33, v32, _ =	vpop (xrf1);
	v34 =	vadd.s32 v2, v38  }
0x722: {  	v38 =	vshll.u32 v45, $0x9;
	v46 =	vld [tilespmem:s16+$0xFFFFFFF0];
	v43 =	vadd.s32 v7, v27;
	(xrf1) =	vsort.ascd.msk.u32 $0xffff, v47, v37;
	vm0 =	veq.s32 v25, v34  }
0x723: {  	v41 =	vadd.s32 v2, v41;
	v37 =	vshll.u32 v50, $0x9;
	v44 =	vadd.s32 v6, v38;
	v27 =	vld [tilespmem:s22+$0x30];
	v45, v21, _ =	vpop (xrf1);
	[tilespmem:s19+$0xFFFFFFF0] =	vst v52  }
0x724: {  	s13 =	sadd.s32 $0x80, s13;
	s14 =	sadd.s32 $0x80, s14;
	s22 =	sadd.s32 $0x80, s22;
	v34 =	vshll.u32 v51, $0x9;
	v47 =	vadd.s32 v26, v37;
	v38 =	vld [tilespmem:s16+$0x0];
	[tilespmem:s20+$0xFFFFFFD0] =	vst v19;
	v37 =	vadd.s32 v2, v49;
	v19 =	vmovc v48  }
0x725: {  	v60 =	vadd.s32 v3, v34  }
0x726: {  	v61 =	vadd.s32 v35, v47;
	v25 =	vsel vm0, $0x8000, v25;
	[tilespmem:s20+$0x20] =	vst v4;
	v4 =	vshll.u32 v39, $0x12  }
0x727: {  	[tilespmem:s20+$0xFFFFFFF0] =	vst v17;
	v62 =	vadd.s32 v10, v40;
	vm0 =	veq.s32 v12, v37;
	vm1 =	veq.s32 v22, v30  }
0x728: {  	v47 =	vshrl.u32 v45, $0x9;
	v48 =	vshrl.u32 v28, $0x9;
	v51 =	vshrl.u32 v36, $0x9;
	[tilespmem:s19+$0xFFFFFFE0] =	vst v25  }
0x729: {  	v63 =	vshll.u32 v42, $0x12;
	(xrf1) =	vsort.ascd.msk.u32 $0xffff, v61, v26;
	v42 =	vadd.s32 v2, v20;
	v22 =	vsel vm1, $0x8000, v22  }
0x72a: {  	v52 =	vperm.xlane v48, v1;
	v4 =	vadd.s32 v4, v60;
	v56 =	vperm.xlane v47, v1;
	[tilespmem:s20+$0xFFFFFFE0] =	vst v9  }
0x72b: {  	v40 =	vshll.u32 v46, $0x12;
	v9 =	vsel vm0, $0x8000, v12;
	vm0 =	veq.s32 v14, v41;
	[tilespmem:s17+$0x10] =	vst v22  }
0x72c: {  	v46 =	vadd.s32 v63, v44;
	vm1 =	veq.s32 v15, v42;
	[tilespmem:s19+$0x0] =	vst v9;
	v14 =	vsel vm0, $0x8000, v14  }
0x72d: {  	v9 =	vadd.s32 v40, v43;
	vm0 =	veq.s32 v24, v29;
	v15 =	vsel vm1, $0x8000, v15;
	[tilespmem:s19+$0xFFFFFFC0] =	vst v14  }
0x72e: {  	v50, v49, _ =	vpop (xrf1);
	v54 =	vadd.s32 v2, v52;
	(xrf1) =	vsort.ascd.msk.u32 $0xffff, v9, v7;
	v7 =	vperm.xlane v51, v1;
	[tilespmem:s19+$0x30] =	vst v15  }
0x72f: {  	v24 =	vsel vm0, $0x8000, v24;
	v9 =	vshll.u32 v38, $0x12;
	vm0 =	veq.s32 v48, v54;
	[tilespmem:s20+$0xFFFFFFC0] =	vst v5  }
0x730: {  	v5, v53, _ =	vpop (xrf1);
	[tilespmem:s20+$0x30] =	vst v8;
	(xrf1) =	vsort.ascd.msk.u32 $0xffff, v46, v6;
	v8 =	vadd.s32 v9, v62;
	v6 =	vadd.s32 v2, v7  }
0x731: {  	v7 =	vshrl.u32 v33, $0x9;
	(xrf1) =	vsort.ascd.msk.u32 $0xffff, v8, v10;
	vm1 =	veq.s32 v51, v6;
	v6 =	vsel vm0, $0x8000, v48;
	v10, v55, _ =	vpop (xrf1)  }
0x732: {  	v9 =	vperm.xlane v7, v1;
	[tilespmem:s17+$0xFFFFFFD0] =	vst v6;
	v6 =	vsel vm1, $0x8000, v51;
	(xrf1) =	vsort.ascd.msk.u32 $0xffff, v4, v3;
	v4, v57, _ =	vpop (xrf1)  }
0x733: {  	v8 =	vshrl.u32 v50, $0x9;
	[tilespmem:s17+$0xFFFFFFF0] =	vst v6;
	v6 =	vadd.s32 v27, v16;
	v4 =	vshrl.u32 v4, $0x9  }
0x734: {  	[tilespmem:s15+$0x10] =	vst v13;
	v9 =	vadd.s32 v2, v9;
	v6 =	vadd.s32 v11, v6;
	v11 =	vperm.xlane v4, v1  }
0x735: {  	[tilespmem:s20+$0x0] =	vst v23;
	v3 =	vperm.xlane v8, v1;
	vm0 =	veq.s32 v7, v9;
	v9 =	vadd.s32 v2, v56  }
0x736: {  	[tilespmem:s17+$0x20] =	vst v24;
	v7 =	vsel vm0, $0x8000, v7;
	vm0 =	veq.s32 v47, v9;
	v9 =	vadd.s32 v2, v11  }
0x737: {  	v5 =	vshrl.u32 v5, $0x9;
	[tilespmem:s15+$0x20] =	vst v18  }
0x738: {  	[tilespmem:s17+$0xFFFFFFE0] =	vst v7;
	v3 =	vadd.s32 v2, v3;
	v7 =	vperm.xlane v5, v1  }
0x739: {  	[tilespmem:s15+$0xFFFFFFD0] =	vst v19;
	(xrf1) =	vsort.ascd.msk.u32 $0xffff, v6, v27;
	v6 =	vsel vm0, $0x8000, v47;
	vm0 =	veq.s32 v8, v3  }
0x73a: {  	[tilespmem:s15+$0xFFFFFFF0] =	vst v31;
	v3 =	vsel vm0, $0x8000, v8;
	v7 =	vadd.s32 v2, v7;
	vm1 =	veq.s32 v4, v9;
	v8, v9, _ =	vpop (xrf1)  }
0x73b: {  	[tilespmem:s15+$0xFFFFFFE0] =	vst v32;
	vm0 =	veq.s32 v5, v7;
	v7 =	vshrl.u32 v8, $0x9  }
0x73c: {  	[tilespmem:s17+$0x0] =	vst v6;
	v6 =	vshrl.u32 v10, $0x9;
	v8 =	vperm.xlane v7, v1  }
0x73d: {  	[tilespmem:s17+$0xFFFFFFC0] =	vst v3;
	v3 =	vperm.xlane v6, v1  }
0x73e: {  	[tilespmem:s15+$0x0] =	vst v21;
	v5 =	vsel vm0, $0x8000, v5;
	v4 =	vsel vm1, $0x8000, v4;
	v10, v11, _ =	vpop (xrf1)  }
0x73f: {  	v3 =	vadd.s32 v2, v3;
	[tilespmem:s13+$0x10] =	vst v4;
	v4 =	vshrl.u32 v10, $0x9  }
0x740: {  	[tilespmem:s15+$0xFFFFFFC0] =	vst v49;
	vm0 =	veq.s32 v6, v3;
	v10 =	vperm.xlane v4, v1  }
0x741: {  	[tilespmem:s17+$0x30] =	vst v5;
	v6 =	vsel vm0, $0x8000, v6;
	v3 =	vadd.s32 v2, v8;
	v5, v8, _ =	vpop (xrf1)  }
0x742: {  	[tilespmem:s15+$0x30] =	vst v53;
	v10 =	vadd.s32 v2, v10;
	vm0 =	veq.s32 v7, v3;
	v3 =	vshrl.u32 v5, $0x9  }
0x743: {  	[tilespmem:s14+$0x10] =	vst v57;
	vm1 =	veq.s32 v4, v10;
	v10 =	vperm.xlane v3, v1  }
0x744: {  	[tilespmem:s13+$0x20] =	vst v6;
	v4 =	vsel vm1, $0x8000, v4  }
0x745: {  	[tilespmem:s14+$0x20] =	vst v55;
	v5 =	vsel vm0, $0x8000, v7;
	v6, v7, _ =	vpop (xrf1);
	v10 =	vadd.s32 v2, v10  }
0x746: {  	[tilespmem:s13+$0xFFFFFFD0] =	vst v5;
	v5 =	vshrl.u32 v6, $0x9  }
0x747: {  	[tilespmem:s13+$0xFFFFFFF0] =	vst v4;
	v4, v6, _ =	vpop (xrf1);
	v58 =	vperm.xlane v5, v1  }
0x748: {  	[tilespmem:s14+$0xFFFFFFF0] =	vst v11;
	v4 =	vshrl.u32 v4, $0x9;
	vm0 =	veq.s32 v3, v10  }
0x749: {  	[tilespmem:s14+$0xFFFFFFD0] =	vst v9;
	v11 =	vperm.xlane v4, v1;
	v13 =	vadd.s32 v2, v58;
	v3 =	vsel vm0, $0x8000, v3;
	v9, v10, _ =	vpop (xrf1)  }
0x74a: {  	vm0 =	veq.s32 v5, v13;
	[tilespmem:s13+$0xFFFFFFE0] =	vst v3;
	v9 =	vshrl.u32 v9, $0x9  }
0x74b: {  	v11 =	vadd.s32 v2, v11;
	v5 =	vsel vm0, $0x8000, v5;
	[tilespmem:s14+$0xFFFFFFE0] =	vst v8;
	v3 =	vperm.xlane v9, v1  }
0x74c: {  	vm0 =	veq.s32 v4, v11;
	[tilespmem:s13+$0x0] =	vst v5  }
0x74d: {  	v4 =	vsel vm0, $0x8000, v4;
	[tilespmem:s14+$0x0] =	vst v7;
	v3 =	vadd.s32 v2, v3  }
0x74e: {  	[tilespmem:s13+$0xFFFFFFC0] =	vst v4;
	vm0 =	veq.s32 v9, v3  }
0x74f: {  	[tilespmem:s14+$0xFFFFFFC0] =	vst v6;
	v3 =	vsel vm0, $0x8000, v9  }
0x750: {  	[tilespmem:s13+$0x30] =	vst v3  }
0x751: {  	s22 =	simm.s32 $0x0;
	[tilespmem:s14+$0x30] =	vst v10  }
0x752: {  	v3 =	vld [tilespmem:s22+$0xC0E0]  }
0x753: {  	v7 =	vld [tilespmem:s22+$0xA510]  }
0x754: {  	v8 =	vld [tilespmem:s22+$0xA500]  }
0x755: {  	v4 =	vld [tilespmem:s22+$0xA560]  }
0x756: {  	v9 =	vld [tilespmem:s22+$0xC0D0]  }
0x757: {  	v10 =	vld [tilespmem:s22+$0xA550]  }
0x758: {  	v11 =	vld [tilespmem:s22+$0xA520]  }
0x759: {  	v12 =	vld [tilespmem:s22+$0xC080]  }
0x75a: {  	v59 =	vld [tilespmem:s22+$0xC090]  }
0x75b: {  	v61 =	vld [tilespmem:s22+$0xA530]  }
0x75c: {  	v15 =	vld.idx.msk [tilespmem:v8+s8+$0x0], $0xffff  }
0x75d: {  	v60 =	vld.idx.msk [tilespmem:v7+s9+$0x0], $0xffff  }
0x75e: {  	v62 =	vld [tilespmem:s22+$0xC0C0]  }
0x75f: {  	v18 =	vld [tilespmem:s22+$0xA540]  }
0x760: {  	v19 =	vld [tilespmem:s22+$0xC0B0]  }
0x761: {  	v63 =	vld [tilespmem:s22+$0xC0A0];
	vm0 =	vgt.s32 v15, v12  }
0x762: {  	v5 =	vld [tilespmem:s22+$0xA570];
	vm1 =	vgt.s32 v60, v59;
	v12 =	vsel vm0, v15, v12  }
0x763: {  	v6 =	vld [tilespmem:s22+$0xC0F0];
	v13 =	vsel vm1, v60, v59;
	[tilespmem:v8+s8+$0x0] =	vst.idx.msk $0xffff, v12  }
0x764: {  	[tilespmem:v7+s9+$0x0] =	vst.idx.msk $0xffff, v13  }
0x765: {  	v7 =	vld.idx.msk [tilespmem:v11+s8+$0x0], $0xffff  }
0x766: {  	v8 =	vld.idx.msk [tilespmem:v61+s9+$0x0], $0xffff;
	_ =	sdelay $0x3  }
0x767: {  	vm0 =	vgt.s32 v7, v63  }
0x768: {  	v7 =	vsel vm0, v7, v63;
	vm0 =	vgt.s32 v8, v19  }
0x769: {  	[tilespmem:v11+s8+$0x0] =	vst.idx.msk $0xffff, v7;
	v7 =	vsel vm0, v8, v19  }
0x76a: {  	[tilespmem:v61+s9+$0x0] =	vst.idx.msk $0xffff, v7  }
0x76b: {  	v7 =	vld.idx.msk [tilespmem:v18+s8+$0x0], $0xffff  }
0x76c: {  	v8 =	vld.idx.msk [tilespmem:v10+s9+$0x0], $0xffff;
	_ =	sdelay $0x3  }
0x76d: {  	vm0 =	vgt.s32 v7, v62  }
0x76e: {  	v7 =	vsel vm0, v7, v62;
	vm0 =	vgt.s32 v8, v9  }
0x76f: {  	[tilespmem:v18+s8+$0x0] =	vst.idx.msk $0xffff, v7;
	v7 =	vsel vm0, v8, v9  }
0x770: {  	[tilespmem:v10+s9+$0x0] =	vst.idx.msk $0xffff, v7  }
0x771: {  	p0 =	por $0x1, $0x1;
	v8 =	vld.idx.msk [tilespmem:v4+s8+$0x0], $0xffff  }
.Ltmp23:
0x772: {  	v7 =	vld.idx.msk [tilespmem:v5+s9+$0x0], $0xffff;
	(pc) =	sbr.rel @!p0 .LBB2_35-.Ltmp23, $2  }
0x773: {  	_ =	sdelay $0x2  }
0x774: {  	s13 =	simm.s32 $0x200;
	vm0 =	vgt.s32 v8, v3  }
.LBB2_34:
0x775: {  	p0 =	sne.s32 s13, $0x6C00;
	v3 =	vsel vm0, v8, v3;
	vm0 =	vgt.s32 v7, v6;
	s14 =	smov.u32 s13;
	s13 =	sadd.s32 $0x200, s13  }
0x776: {  	[tilespmem:v4+s8+$0x0] =	vst.idx.msk $0xffff, v3;
	v3 =	vsel vm0, v7, v6  }
0x777: {  	s14 =	sshra.s32 s14, $0x2;
	[tilespmem:v5+s9+$0x0] =	vst.idx.msk $0xffff, v3  }
0x778: {  	v3 =	vld [tilespmem:s14+$0xC0E0]  }
0x779: {  	v7 =	vld [tilespmem:s14+$0xA510]  }
0x77a: {  	v8 =	vld [tilespmem:s14+$0xA500]  }
0x77b: {  	v4 =	vld [tilespmem:s14+$0xA560]  }
0x77c: {  	v9 =	vld [tilespmem:s14+$0xC0D0]  }
0x77d: {  	v10 =	vld [tilespmem:s14+$0xA550]  }
0x77e: {  	v11 =	vld [tilespmem:s14+$0xA520]  }
0x77f: {  	v12 =	vld [tilespmem:s14+$0xC080]  }
0x780: {  	v6 =	vld [tilespmem:s14+$0xC090]  }
0x781: {  	v13 =	vld.idx.msk [tilespmem:v7+s9+$0x0], $0xffff  }
0x782: {  	v14 =	vld.idx.msk [tilespmem:v8+s8+$0x0], $0xffff  }
0x783: {  	v15 =	vld [tilespmem:s14+$0xA530]  }
0x784: {  	v16 =	vld [tilespmem:s14+$0xC0C0]  }
0x785: {  	v17 =	vld [tilespmem:s14+$0xA540]  }
0x786: {  	v18 =	vld [tilespmem:s14+$0xC0B0]  }
0x787: {  	vm0 =	vgt.s32 v13, v6;
	v19 =	vld [tilespmem:s14+$0xC0A0]  }
0x788: {  	vm1 =	vgt.s32 v14, v12;
	v13 =	vsel vm0, v13, v6;
	v5 =	vld [tilespmem:s14+$0xA570]  }
0x789: {  	v12 =	vsel vm1, v14, v12;
	v6 =	vld [tilespmem:s14+$0xC0F0]  }
0x78a: {  	[tilespmem:v8+s8+$0x0] =	vst.idx.msk $0xffff, v12  }
0x78b: {  	[tilespmem:v7+s9+$0x0] =	vst.idx.msk $0xffff, v13  }
0x78c: {  	v7 =	vld.idx.msk [tilespmem:v11+s8+$0x0], $0xffff  }
0x78d: {  	v8 =	vld.idx.msk [tilespmem:v15+s9+$0x0], $0xffff;
	_ =	sdelay $0x4  }
0x78e: {  	vm0 =	vgt.s32 v7, v19  }
0x78f: {  	v7 =	vsel vm0, v7, v19;
	vm0 =	vgt.s32 v8, v18  }
0x790: {  	[tilespmem:v11+s8+$0x0] =	vst.idx.msk $0xffff, v7;
	v7 =	vsel vm0, v8, v18  }
0x791: {  	[tilespmem:v15+s9+$0x0] =	vst.idx.msk $0xffff, v7  }
0x792: {  	v7 =	vld.idx.msk [tilespmem:v17+s8+$0x0], $0xffff  }
0x793: {  	v8 =	vld.idx.msk [tilespmem:v10+s9+$0x0], $0xffff;
	_ =	sdelay $0x4  }
0x794: {  	vm0 =	vgt.s32 v7, v16  }
0x795: {  	v7 =	vsel vm0, v7, v16;
	vm0 =	vgt.s32 v8, v9  }
0x796: {  	[tilespmem:v17+s8+$0x0] =	vst.idx.msk $0xffff, v7;
	v7 =	vsel vm0, v8, v9  }
0x797: {  	[tilespmem:v10+s9+$0x0] =	vst.idx.msk $0xffff, v7  }
0x798: {  	v8 =	vld.idx.msk [tilespmem:v4+s8+$0x0], $0xffff  }
0x799: {  	v7 =	vld.idx.msk [tilespmem:v5+s9+$0x0], $0xffff  }
.Ltmp24:
0x79a: {  	(pc) =	sbr.rel @p0 .LBB2_34-.Ltmp24, $2  }
0x79b: {  	_ =	sdelay $0x2  }
0x79c: {  	vm0 =	vgt.s32 v8, v3  }
.LBB2_35:
0x79d: {  	_ =	sdelay $0x2  }
0x79e: {  	v3 =	vsel vm0, v8, v3;
	vm0 =	vgt.s32 v7, v6  }
0x79f: {  	[tilespmem:v4+s8+$0x0] =	vst.idx.msk $0xffff, v3;
	v3 =	vsel vm0, v7, v6  }
0x7a0: {  	[tilespmem:v5+s9+$0x0] =	vst.idx.msk $0xffff, v3  }
0x7a1: {  	_ =	swait.ge [sflag:s7], $0x1B80  }
0x7a2: {  	[sflag:s7] =	ssyncset.done $0x0  }
0x7a3: {  	[sflag:s7] =	ssyncadd.s32 $0xFFFFE480  }
0x7a4: {  	_ =	swait.ge [sflag:s7], $0x1B80  }
0x7a5: {  	[sflag:s7] =	ssyncset.done $0x0  }
0x7a6: {  	[sflag:s7] =	ssyncadd.s32 $0xFFFFE480  }
0x7a7: {  	_ =	swait.ge [sflag:s7], $0x1B80  }
0x7a8: {  	[sflag:s7] =	ssyncset.done $0x0  }
0x7a9: {  	s13 =	simm.s32 $0x40;
	[sflag:s7] =	ssyncadd.s32 $0xFFFFE480  }
0x7aa: {  	v3 =	vld [tilespmem:s13+$0xFFFFFFC0]  }
0x7ab: {  	s14 =	simm.s32 $0x6E40;
	v4 =	vld [tilespmem:s13+$0x20]  }
0x7ac: {  	v5 =	vld [tilespmem:s14+$0x20]  }
0x7ad: {  	v6 =	vld [tilespmem:s13+$0x10]  }
0x7ae: {  	v7 =	vld [tilespmem:s14+$0x10]  }
0x7af: {  	v8 =	vld [tilespmem:s13+$0xFFFFFFF0]  }
0x7b0: {  	v9 =	vld [tilespmem:s13+$0xFFFFFFE0]  }
0x7b1: {  	s15 =	simm.s32 $0x3740;
	v10 =	vld [tilespmem:s14+$0xFFFFFFD0]  }
0x7b2: {  	v12 =	vld [tilespmem:s15+$0x30]  }
0x7b3: {  	v13 =	vld [tilespmem:s14+$0x30]  }
0x7b4: {  	v14 =	vld [tilespmem:s13+$0x0]  }
0x7b5: {  	v15 =	vld [tilespmem:s15+$0x20]  }
0x7b6: {  	v16 =	vld [tilespmem:s13+$0xFFFFFFD0]  }
0x7b7: {  	v17 =	vld [tilespmem:s15+$0x10]  }
0x7b8: {  	v18 =	vld [tilespmem:s15+$0x0]  }
0x7b9: {  	v19 =	vld [tilespmem:s15+$0xFFFFFFF0]  }
0x7ba: {  	v20 =	vld [tilespmem:s15+$0xFFFFFFE0]  }
0x7bb: {  	v21 =	vld [tilespmem:s15+$0xFFFFFFD0]  }
0x7bc: {  	v22 =	vld [tilespmem:s15+$0xFFFFFFC0]  }
0x7bd: {  	v23 =	vld [tilespmem:s14+$0xFFFFFFC0]  }
0x7be: {  	v24 =	vld [tilespmem:s14+$0xFFFFFFE0]  }
0x7bf: {  	v25 =	vld [tilespmem:s14+$0xFFFFFFF0]  }
0x7c0: {  	v26 =	vld [tilespmem:s13+$0x30]  }
0x7c1: {  	s19 =	simm.s32 $0xC0;
	v27 =	vld [tilespmem:s14+$0x0]  }
0x7c2: {  	v11 =	vld [tilespmem:s19+$0xFFFFFFC0]  }
0x7c3: {  	s20 =	simm.s32 $0x6EC0;
	v28 =	vld [tilespmem:s19+$0x20]  }
0x7c4: {  	v29 =	vld [tilespmem:s20+$0x20];
	v15 =	vshll.u32 v15, $0x9  }
0x7c5: {  	v30 =	vld [tilespmem:s19+$0xFFFFFFE0];
	v5 =	vshll.u32 v5, $0x12;
	v17 =	vshll.u32 v17, $0x9;
	v15 =	vadd.s32 v4, v15  }
0x7c6: {  	s22 =	simm.s32 $0x140;
	v31 =	vld [tilespmem:s19+$0x0];
	v7 =	vshll.u32 v7, $0x12;
	v5 =	vadd.s32 v5, v15;
	v15 =	vadd.s32 v6, v17  }
0x7c7: {  	s16 =	simm.s32 $0x6F40;
	v32 =	vld [tilespmem:s22+$0x20];
	v7 =	vadd.s32 v7, v15;
	(xrf1) =	vsort.ascd.msk.u32 $0xffff, v5, v4  }
0x7c8: {  	s18 =	simm.s32 $0x3840;
	v39 =	vld [tilespmem:s16+$0x10];
	(xrf1) =	vsort.ascd.msk.u32 $0xffff, v7, v6  }
0x7c9: {  	v53 =	vld [tilespmem:s18+$0x20];
	v20 =	vshll.u32 v20, $0x9  }
0x7ca: {  	v17 =	vld [tilespmem:s19+$0x10];
	v6 =	vshll.u32 v10, $0x12;
	v10 =	vshll.u32 v18, $0x9;
	v18 =	vshll.u32 v21, $0x9  }
0x7cb: {  	v5 =	vld [tilespmem:s20+$0x10];
	v4 =	vshll.u32 v12, $0x9;
	v12 =	vshll.u32 v19, $0x9;
	v18 =	vadd.s32 v16, v18  }
0x7cc: {  	s21 =	simm.s32 $0x37C0;
	v15 =	vld [tilespmem:s19+$0xFFFFFFF0];
	v12 =	vadd.s32 v8, v12;
	v6 =	vadd.s32 v6, v18;
	v18 =	vshll.u32 v25, $0x12  }
0x7cd: {  	v24 =	vshll.u32 v24, $0x12;
	v20 =	vadd.s32 v9, v20;
	v19 =	vld [tilespmem:s21+$0x30];
	(xrf1) =	vsort.ascd.msk.u32 $0xffff, v6, v16;
	v6 =	vadd.s32 v18, v12  }
0x7ce: {  	v12 =	vld [tilespmem:s21+$0x20];
	v16 =	vadd.s32 v24, v20;
	(xrf1) =	vsort.ascd.msk.u32 $0xffff, v6, v8  }
0x7cf: {  	v22 =	vshll.u32 v22, $0x9;
	(xrf1) =	vsort.ascd.msk.u32 $0xffff, v16, v9;
	v9 =	vld [tilespmem:s21+$0x10]  }
0x7d0: {  	v7 =	vld [tilespmem:s20+$0xFFFFFFD0];
	v4 =	vadd.s32 v26, v4;
	v10 =	vadd.s32 v14, v10;
	v6 =	vshll.u32 v27, $0x12  }
0x7d1: {  	v21 =	vld [tilespmem:s20+$0x30];
	v18 =	vadd.s32 v3, v22;
	v20 =	vshll.u32 v23, $0x12;
	v6 =	vadd.s32 v6, v10  }
0x7d2: {  	v23 =	vld [tilespmem:s20+$0xFFFFFFF0];
	v10 =	vshll.u32 v13, $0x12;
	(xrf1) =	vsort.ascd.msk.u32 $0xffff, v6, v14;
	v6 =	vadd.s32 v20, v18  }
0x7d3: {  	v13 =	vld [tilespmem:s21+$0x0];
	(xrf1) =	vsort.ascd.msk.u32 $0xffff, v6, v3;
	v3 =	vadd.s32 v10, v4;
	v10 =	vshll.u32 v12, $0x9  }
0x7d4: {  	v16 =	vshll.u32 v29, $0x12;
	v18 =	vld [tilespmem:s21+$0xFFFFFFC0];
	v10 =	vadd.s32 v28, v10;
	v9 =	vshll.u32 v9, $0x9  }
0x7d5: {  	v5 =	vshll.u32 v5, $0x12;
	v6 =	vld [tilespmem:s21+$0xFFFFFFF0];
	(xrf1) =	vsort.ascd.msk.u32 $0xffff, v3, v26;
	v10 =	vadd.s32 v16, v10;
	v9 =	vadd.s32 v17, v9;
	v14, v4, _ =	vpop (xrf1)  }
0x7d6: {  	v3 =	vld [tilespmem:s21+$0xFFFFFFE0];
	v5 =	vadd.s32 v5, v9;
	v20, v27, _ =	vpop (xrf1);
	(xrf1) =	vsort.ascd.msk.u32 $0xffff, v10, v28  }
0x7d7: {  	v56 =	vshll.u32 v39, $0x12;
	v57 =	vshll.u32 v53, $0x9;
	v12 =	vld [tilespmem:s21+$0xFFFFFFD0];
	(xrf1) =	vsort.ascd.msk.u32 $0xffff, v5, v17  }
0x7d8: {  	v59 =	vadd.s32 v32, v57;
	v8 =	vld [tilespmem:s19+$0xFFFFFFD0];
	v19 =	vshll.u32 v19, $0x9;
	v22 =	vshrl.u32 v20, $0x9  }
0x7d9: {  	v21 =	vshll.u32 v21, $0x12;
	v16 =	vld [tilespmem:s20+$0xFFFFFFC0];
	v14 =	vshrl.u32 v14, $0x9;
	v10 =	vperm.xlane v22, v1  }
0x7da: {  	v13 =	vshll.u32 v13, $0x9;
	v18 =	vshll.u32 v18, $0x9;
	v28 =	vld [tilespmem:s19+$0x30];
	v9 =	vperm.xlane v14, v1  }
0x7db: {  	v6 =	vshll.u32 v6, $0x9;
	v5 =	vshll.u32 v7, $0x12;
	v7 =	vadd.s32 v2, v10;
	v10 =	vld [tilespmem:s20+$0x0]  }
0x7dc: {  	v12 =	vshll.u32 v12, $0x9;
	v20 =	vld [tilespmem:s20+$0xFFFFFFE0];
	v24 =	vadd.s32 v2, v9;
	v9 =	vshll.u32 v3, $0x9  }
0x7dd: {  	v18 =	vadd.s32 v11, v18;
	v6 =	vadd.s32 v15, v6;
	v12 =	vadd.s32 v8, v12  }
0x7de: {  	v38 =	vld [tilespmem:s22+$0x10];
	v16 =	vshll.u32 v16, $0x12;
	v12 =	vadd.s32 v5, v12;
	v5 =	vshll.u32 v23, $0x12;
	v26, v37, _ =	vpop (xrf1)  }
0x7df: {  	v58 =	vld [tilespmem:s18+$0xFFFFFFD0];
	v13 =	vadd.s32 v31, v13;
	v52 =	vadd.s32 v16, v18;
	v36 =	vadd.s32 v5, v6;
	v25, v17, _ =	vpop (xrf1)  }
0x7e0: {  	v62 =	vld [tilespmem:s16+$0xFFFFFFD0];
	v29 =	vadd.s32 v30, v9;
	vm1 =	veq.s32 v14, v24;
	v34, v9, _ =	vpop (xrf1);
	v10 =	vshll.u32 v10, $0x12  }
0x7e1: {  	v46 =	vld [tilespmem:s18+$0x10];
	(xrf1) =	vsort.ascd.msk.u32 $0xffff, v12, v8;
	v20 =	vshll.u32 v20, $0x12;
	v35, v23, _ =	vpop (xrf1);
	v10 =	vadd.s32 v10, v13;
	v13 =	vadd.s32 v28, v19  }
0x7e2: {  	v55 =	vld [tilespmem:s18+$0xFFFFFFE0];
	vm0 =	veq.s32 v22, v7;
	v42 =	vshrl.u32 v25, $0x9;
	v20 =	vadd.s32 v20, v29;
	v40, v5, _ =	vpop (xrf1);
	(xrf1) =	vsort.ascd.msk.u32 $0xffff, v36, v15  }
0x7e3: {  	v60 =	vld [tilespmem:s18+$0xFFFFFFC0];
	s19 =	simm.s32 $0xA540;
	v41 =	vsel vm1, $0x8000, v14;
	v63 =	vsel vm0, $0x8000, v22;
	v44 =	vperm.xlane v42, v1;
	v24, v8, _ =	vpop (xrf1);
	(xrf1) =	vsort.ascd.msk.u32 $0xffff, v20, v30  }
0x7e4: {  	v6 =	vld [tilespmem:s22+$0xFFFFFFE0];
	[tilespmem:s19+$0x10] =	vst v63;
	v63 =	vshll.u32 v58, $0x9;
	v25 =	vshrl.u32 v34, $0x9;
	(xrf1) =	vsort.ascd.msk.u32 $0xffff, v10, v31;
	v16, v18, _ =	vpop (xrf1)  }
0x7e5: {  	v33 =	vld [tilespmem:s16+$0x20];
	s20 =	simm.s32 $0xC0C0;
	v15 =	vshrl.u32 v24, $0x9;
	v21 =	vadd.s32 v21, v13;
	v24 =	vshrl.u32 v16, $0x9;
	v16, v13, _ =	vpop (xrf1);
	(xrf1) =	vsort.ascd.msk.u32 $0xffff, v52, v11  }
0x7e6: {  	v50 =	vld [tilespmem:s18+$0x0];
	v54 =	vadd.s32 v2, v44;
	[tilespmem:s20+$0x10] =	vst v27;
	v27 =	vshll.u32 v46, $0x9;
	v19 =	vshrl.u32 v26, $0x9  }
0x7e7: {  	v39 =	vld [tilespmem:s16+$0xFFFFFFC0];
	v34 =	vshll.u32 v55, $0x9;
	v12 =	vshrl.u32 v35, $0x9;
	v49 =	vperm.xlane v19, v1;
	(xrf1) =	vsort.ascd.msk.u32 $0xffff, v21, v28  }
0x7e8: {  	v3 =	vld [tilespmem:s22+$0xFFFFFFC0];
	v35 =	vshll.u32 v62, $0x12;
	vm1 =	veq.s32 v42, v54;
	v27 =	vadd.s32 v38, v27  }
0x7e9: {  	v44 =	vadd.s32 v6, v34;
	v34 =	vshll.u32 v60, $0x9;
	v21 =	vld [tilespmem:s18+$0xFFFFFFF0];
	v28 =	vadd.s32 v2, v49  }
0x7ea: {  	v29 =	vld [tilespmem:s18+$0x30];
	v14 =	vshrl.u32 v40, $0x9;
	v48 =	vperm.xlane v12, v1;
	vm0 =	veq.s32 v19, v28  }
0x7eb: {  	v30 =	vld [tilespmem:s16+$0x30];
	v40 =	vshll.u32 v50, $0x9;
	v31 =	vperm.xlane v25, v1;
	v19 =	vsel vm0, $0x8000, v19  }
0x7ec: {  	v7 =	vld [tilespmem:s22+$0xFFFFFFF0];
	v61 =	vsel vm1, $0x8000, v42;
	v27 =	vadd.s32 v56, v27;
	v28 =	vshll.u32 v33, $0x12  }
0x7ed: {  	v26 =	vld [tilespmem:s22+$0xFFFFFFD0];
	v45 =	vperm.xlane v14, v1;
	v20 =	vperm.xlane v15, v1;
	v62 =	vadd.s32 v2, v31  }
0x7ee: {  	[tilespmem:s19+$0x20] =	vst v41;
	v46 =	vld [tilespmem:s16+$0xFFFFFFF0];
	v22 =	vshrl.u32 v16, $0x9;
	v33 =	vadd.s32 v28, v59;
	v21 =	vshll.u32 v21, $0x9  }
0x7ef: {  	v10 =	vld [tilespmem:s22+$0x0];
	v43 =	vperm.xlane v24, v1;
	v47 =	vperm.xlane v22, v1;
	[tilespmem:s19+$0xFFFFFFD0] =	vst v19;
	v28, v19, _ =	vpop (xrf1);
	(xrf1) =	vsort.ascd.msk.u32 $0xffff, v33, v32  }
0x7f0: {  	v42 =	vld [tilespmem:s16+$0xFFFFFFE0];
	v41 =	vadd.s32 v2, v45;
	v11 =	vshll.u32 v30, $0x12;
	v16 =	vshll.u32 v29, $0x9;
	v36, v31, _ =	vpop (xrf1);
	(xrf1) =	vsort.ascd.msk.u32 $0xffff, v27, v38  }
0x7f1: {  	s17 =	simm.s32 $0xA5C0;
	s15 =	simm.s32 $0xC140;
	s13 =	simm.s32 $0xA640;
	[tilespmem:s19+$0xFFFFFFF0] =	vst v61;
	v29 =	vadd.s32 v2, v43;
	vm0 =	veq.s32 v25, v62;
	v30 =	vadd.s32 v2, v47;
	v27 =	vld [tilespmem:s22+$0x30];
	v33, v32, _ =	vpop (xrf1)  }
0x7f2: {  	s14 =	simm.s32 $0xC1C0;
	s21 =	simm.s32 $0x10;
	v47 =	vadd.s32 v26, v63;
	[tilespmem:s20+$0xFFFFFFD0] =	vst v37;
	v37 =	vadd.s32 v2, v48;
	v43 =	vadd.s32 v7, v21;
	v38 =	vld [tilespmem:s16+$0x0];
	s22 =	simm.s32 $0x1C0;
	v45, v21, _ =	vpop (xrf1)  }
.LBB2_36:
0x7f3: {  	v48 =	vld [tilespmem:s22+$0xFFFFFFC0];
	s21 =	sadd.s32 $0x8, s21;
	v49 =	vadd.s32 v3, v34;
	v35 =	vadd.s32 v35, v47;
	s18 =	sadd.s32 $0x80, s18;
	s16 =	sadd.s32 $0x80, s16;
	v47, v50, _ =	vpop (xrf1);
	v25 =	vsel vm0, $0x8000, v25;
	[tilespmem:s20+$0xFFFFFFF0] =	vst v17  }
0x7f4: {  	v39 =	vshll.u32 v39, $0x12;
	v40 =	vadd.s32 v10, v40;
	vm1 =	veq.s32 v12, v37;
	v34 =	vld [tilespmem:s22+$0x20];
	p0 =	slt.u32 s21, $0x1B0;
	[tilespmem:s20+$0x20] =	vst v4;
	v4 =	vmovc v18  }
0x7f5: {  	v52 =	vshll.u32 v42, $0x12;
	v51 =	vld [tilespmem:s16+$0x20];
	v18 =	vshll.u32 v46, $0x12;
	(xrf1) =	vsort.ascd.msk.u32 $0xffff, v35, v26;
	v26, v42, _ =	vpop (xrf1);
	v35 =	vadd.s32 v2, v20  }
0x7f6: {  	vm0 =	veq.s32 v22, v30;
	vm2 =	veq.s32 v24, v29;
	v37 =	vld [tilespmem:s22+$0x10];
	v18 =	vadd.s32 v18, v43;
	[tilespmem:s19+$0xFFFFFFE0] =	vst v25  }
0x7f7: {  	v17 =	vmovc v31;
	v20 =	vadd.s32 v52, v44;
	v44 =	vsel vm2, $0x8000, v24;
	v25 =	vshrl.u32 v45, $0x9;
	v43 =	vld [tilespmem:s16+$0x10];
	[tilespmem:s20+$0xFFFFFFE0] =	vst v9;
	v9 =	vmovc v32  }
0x7f8: {  	v31 =	vshrl.u32 v26, $0x9;
	v32 =	vshrl.u32 v36, $0x9;
	(xrf1) =	vsort.ascd.msk.u32 $0xffff, v18, v7;
	v7 =	vld [tilespmem:s22+$0xFFFFFFF0];
	v18 =	vsel vm1, $0x8000, v12;
	v12 =	vmovc v25  }
0x7f9: {  	v24 =	vshll.u32 v38, $0x12;
	v25 =	vshrl.u32 v33, $0x9;
	vm1 =	veq.s32 v14, v41;
	(xrf1) =	vsort.ascd.msk.u32 $0xffff, v20, v6;
	v6 =	vld [tilespmem:s22+$0xFFFFFFE0]  }
0x7fa: {  	vm2 =	veq.s32 v15, v35;
	v24 =	vadd.s32 v24, v40;
	v20 =	vperm.xlane v31, v1;
	v30 =	vld [tilespmem:s16+$0xFFFFFFD0];
	[tilespmem:s19+$0x0] =	vst v18  }
0x7fb: {  	v33 =	vsel vm0, $0x8000, v22;
	v38 =	vperm.xlane v25, v1;
	v29 =	vld [tilespmem:s18+$0x30];
	(xrf1) =	vsort.ascd.msk.u32 $0xffff, v24, v10;
	v10 =	vshrl.u32 v47, $0x9  }
0x7fc: {  	v16 =	vadd.s32 v27, v16;
	v22 =	vsel vm1, $0x8000, v14;
	v24 =	vadd.s32 v39, v49;
	v35 =	vld [tilespmem:s16+$0x30];
	[tilespmem:s20+$0x0] =	vst v23;
	v14 =	vmovc v10  }
0x7fd: {  	v49 =	vperm.xlane v12, v1;
	v23 =	vshrl.u32 v28, $0x9;
	v10 =	vld [tilespmem:s22+$0x0];
	(xrf1) =	vsort.ascd.msk.u32 $0xffff, v24, v3;
	v3, v18, _ =	vpop (xrf1);
	v41 =	vperm.xlane v14, v1  }
0x7fe: {  	v15 =	vsel vm2, $0x8000, v15;
	v47 =	vadd.s32 v11, v16;
	v28 =	vld [tilespmem:s18+$0x20];
	v24 =	vshrl.u32 v3, $0x9;
	v11, v36, _ =	vpop (xrf1);
	[tilespmem:s19+$0xFFFFFFC0] =	vst v22  }
0x7ff: {  	v26 =	vld [tilespmem:s22+$0xFFFFFFD0];
	v22 =	vshrl.u32 v11, $0x9;
	v39 =	vperm.xlane v24, v1;
	(xrf1) =	vsort.ascd.msk.u32 $0xffff, v47, v27;
	v27 =	vperm.xlane v32, v1  }
0x800: {  	v46 =	vperm.xlane v23, v1;
	v3 =	vmovc v48;
	v40 =	vld [tilespmem:s18+$0x10];
	v16 =	vshll.u32 v29, $0x9;
	v45 =	vperm.xlane v22, v1;
	[tilespmem:s17+$0x10] =	vst v33  }
0x801: {  	v33 =	vld [tilespmem:s18+$0x0];
	v11 =	vshll.u32 v35, $0x12;
	v29 =	vadd.s32 v2, v39;
	v27 =	vadd.s32 v2, v27;
	[tilespmem:s20+$0xFFFFFFC0] =	vst v5;
	v5 =	vmovc v50  }
0x802: {  	v35 =	vshll.u32 v30, $0x12;
	v39 =	vadd.s32 v2, v46;
	v47 =	vld [tilespmem:s18+$0xFFFFFFF0];
	v30 =	vadd.s32 v2, v45;
	[tilespmem:s19+$0x30] =	vst v15;
	v15 =	vmovc v31;
	s19 =	smov.u32 s17;
	s17 =	smov.u32 s13  }
0x803: {  	v43 =	vshll.u32 v43, $0x12;
	vm0 =	veq.s32 v23, v39;
	v45 =	vld [tilespmem:s18+$0xFFFFFFE0];
	v53 =	vshll.u32 v28, $0x9;
	v28, v48, _ =	vpop (xrf1);
	[tilespmem:s20+$0x30] =	vst v8;
	s20 =	smov.u32 s15;
	s15 =	smov.u32 s14  }
0x804: {  	v39 =	vshll.u32 v51, $0x12;
	vm1 =	veq.s32 v32, v27;
	v8 =	vmovc v42;
	v50 =	vld [tilespmem:s18+$0xFFFFFFD0];
	v52 =	vadd.s32 v34, v53;
	[tilespmem:s20+$0x10] =	vst v13  }
0x805: {  	v42 =	vsel vm0, $0x8000, v23;
	v23 =	vmovc v21;
	v13 =	vmovc v36;
	v51 =	vld [tilespmem:s18+$0xFFFFFFC0];
	v27 =	vshll.u32 v40, $0x9;
	v46 =	vadd.s32 v39, v52;
	[tilespmem:s19+$0x20] =	vst v44  }
.Ltmp25:
0x806: {  	v52 =	vsel vm1, $0x8000, v32;
	v39 =	vld [tilespmem:s16+$0xFFFFFFC0];
	v40 =	vshll.u32 v33, $0x9;
	v53 =	vadd.s32 v37, v27;
	v36, v31, _ =	vpop (xrf1);
	[tilespmem:s19+$0xFFFFFFD0] =	vst v42;
	(pc) =	sbr.rel @p0 .LBB2_36-.Ltmp25, $4  }
0x807: {  	v42 =	vld [tilespmem:s16+$0xFFFFFFE0];
	v27 =	vshll.u32 v47, $0x9;
	v47 =	vadd.s32 v43, v53;
	(xrf1) =	vsort.ascd.msk.u32 $0xffff, v46, v34;
	v33, v32, _ =	vpop (xrf1);
	v34 =	vadd.s32 v2, v38  }
0x808: {  	v38 =	vshll.u32 v45, $0x9;
	v46 =	vld [tilespmem:s16+$0xFFFFFFF0];
	v43 =	vadd.s32 v7, v27;
	(xrf1) =	vsort.ascd.msk.u32 $0xffff, v47, v37;
	vm0 =	veq.s32 v25, v34  }
0x809: {  	v41 =	vadd.s32 v2, v41;
	v37 =	vshll.u32 v50, $0x9;
	v44 =	vadd.s32 v6, v38;
	v27 =	vld [tilespmem:s22+$0x30];
	v45, v21, _ =	vpop (xrf1);
	[tilespmem:s19+$0xFFFFFFF0] =	vst v52  }
0x80a: {  	s13 =	sadd.s32 $0x80, s13;
	s14 =	sadd.s32 $0x80, s14;
	s22 =	sadd.s32 $0x80, s22;
	v34 =	vshll.u32 v51, $0x9;
	v47 =	vadd.s32 v26, v37;
	v38 =	vld [tilespmem:s16+$0x0];
	[tilespmem:s20+$0xFFFFFFD0] =	vst v19;
	v37 =	vadd.s32 v2, v49;
	v19 =	vmovc v48  }
0x80b: {  	v60 =	vadd.s32 v3, v34  }
0x80c: {  	v61 =	vadd.s32 v35, v47;
	v25 =	vsel vm0, $0x8000, v25;
	[tilespmem:s20+$0x20] =	vst v4;
	v4 =	vshll.u32 v39, $0x12  }
0x80d: {  	[tilespmem:s20+$0xFFFFFFF0] =	vst v17;
	v62 =	vadd.s32 v10, v40;
	vm0 =	veq.s32 v12, v37;
	vm1 =	veq.s32 v22, v30  }
0x80e: {  	v47 =	vshrl.u32 v45, $0x9;
	v48 =	vshrl.u32 v28, $0x9;
	v51 =	vshrl.u32 v36, $0x9;
	[tilespmem:s19+$0xFFFFFFE0] =	vst v25  }
0x80f: {  	v63 =	vshll.u32 v42, $0x12;
	(xrf1) =	vsort.ascd.msk.u32 $0xffff, v61, v26;
	v42 =	vadd.s32 v2, v20;
	v22 =	vsel vm1, $0x8000, v22  }
0x810: {  	v52 =	vperm.xlane v48, v1;
	v4 =	vadd.s32 v4, v60;
	v56 =	vperm.xlane v47, v1;
	[tilespmem:s20+$0xFFFFFFE0] =	vst v9  }
0x811: {  	v40 =	vshll.u32 v46, $0x12;
	v9 =	vsel vm0, $0x8000, v12;
	vm0 =	veq.s32 v14, v41;
	[tilespmem:s17+$0x10] =	vst v22  }
0x812: {  	v46 =	vadd.s32 v63, v44;
	vm1 =	veq.s32 v15, v42;
	[tilespmem:s19+$0x0] =	vst v9;
	v14 =	vsel vm0, $0x8000, v14  }
0x813: {  	v9 =	vadd.s32 v40, v43;
	vm0 =	veq.s32 v24, v29;
	v15 =	vsel vm1, $0x8000, v15;
	[tilespmem:s19+$0xFFFFFFC0] =	vst v14  }
0x814: {  	v50, v49, _ =	vpop (xrf1);
	v54 =	vadd.s32 v2, v52;
	(xrf1) =	vsort.ascd.msk.u32 $0xffff, v9, v7;
	v7 =	vperm.xlane v51, v1;
	[tilespmem:s19+$0x30] =	vst v15  }
0x815: {  	v24 =	vsel vm0, $0x8000, v24;
	v9 =	vshll.u32 v38, $0x12;
	vm0 =	veq.s32 v48, v54;
	[tilespmem:s20+$0xFFFFFFC0] =	vst v5  }
0x816: {  	v5, v53, _ =	vpop (xrf1);
	[tilespmem:s20+$0x30] =	vst v8;
	(xrf1) =	vsort.ascd.msk.u32 $0xffff, v46, v6;
	v8 =	vadd.s32 v9, v62;
	v6 =	vadd.s32 v2, v7  }
0x817: {  	v7 =	vshrl.u32 v33, $0x9;
	(xrf1) =	vsort.ascd.msk.u32 $0xffff, v8, v10;
	vm1 =	veq.s32 v51, v6;
	v6 =	vsel vm0, $0x8000, v48;
	v10, v55, _ =	vpop (xrf1)  }
0x818: {  	v9 =	vperm.xlane v7, v1;
	[tilespmem:s17+$0xFFFFFFD0] =	vst v6;
	v6 =	vsel vm1, $0x8000, v51;
	(xrf1) =	vsort.ascd.msk.u32 $0xffff, v4, v3;
	v4, v57, _ =	vpop (xrf1)  }
0x819: {  	v8 =	vshrl.u32 v50, $0x9;
	[tilespmem:s17+$0xFFFFFFF0] =	vst v6;
	v6 =	vadd.s32 v27, v16;
	v4 =	vshrl.u32 v4, $0x9  }
0x81a: {  	[tilespmem:s15+$0x10] =	vst v13;
	v9 =	vadd.s32 v2, v9;
	v6 =	vadd.s32 v11, v6;
	v11 =	vperm.xlane v4, v1  }
0x81b: {  	[tilespmem:s20+$0x0] =	vst v23;
	v3 =	vperm.xlane v8, v1;
	vm0 =	veq.s32 v7, v9;
	v9 =	vadd.s32 v2, v56  }
0x81c: {  	[tilespmem:s17+$0x20] =	vst v24;
	v7 =	vsel vm0, $0x8000, v7;
	vm0 =	veq.s32 v47, v9;
	v9 =	vadd.s32 v2, v11  }
0x81d: {  	v5 =	vshrl.u32 v5, $0x9;
	[tilespmem:s15+$0x20] =	vst v18  }
0x81e: {  	[tilespmem:s17+$0xFFFFFFE0] =	vst v7;
	v3 =	vadd.s32 v2, v3;
	v7 =	vperm.xlane v5, v1  }
0x81f: {  	[tilespmem:s15+$0xFFFFFFD0] =	vst v19;
	(xrf1) =	vsort.ascd.msk.u32 $0xffff, v6, v27;
	v6 =	vsel vm0, $0x8000, v47;
	vm0 =	veq.s32 v8, v3  }
0x820: {  	[tilespmem:s15+$0xFFFFFFF0] =	vst v31;
	v3 =	vsel vm0, $0x8000, v8;
	v7 =	vadd.s32 v2, v7;
	vm1 =	veq.s32 v4, v9;
	v8, v9, _ =	vpop (xrf1)  }
0x821: {  	[tilespmem:s15+$0xFFFFFFE0] =	vst v32;
	vm0 =	veq.s32 v5, v7;
	v7 =	vshrl.u32 v8, $0x9  }
0x822: {  	[tilespmem:s17+$0x0] =	vst v6;
	v6 =	vshrl.u32 v10, $0x9;
	v8 =	vperm.xlane v7, v1  }
0x823: {  	[tilespmem:s17+$0xFFFFFFC0] =	vst v3;
	v3 =	vperm.xlane v6, v1  }
0x824: {  	[tilespmem:s15+$0x0] =	vst v21;
	v5 =	vsel vm0, $0x8000, v5;
	v4 =	vsel vm1, $0x8000, v4;
	v10, v11, _ =	vpop (xrf1)  }
0x825: {  	v3 =	vadd.s32 v2, v3;
	[tilespmem:s13+$0x10] =	vst v4;
	v4 =	vshrl.u32 v10, $0x9  }
0x826: {  	[tilespmem:s15+$0xFFFFFFC0] =	vst v49;
	vm0 =	veq.s32 v6, v3;
	v10 =	vperm.xlane v4, v1  }
0x827: {  	[tilespmem:s17+$0x30] =	vst v5;
	v6 =	vsel vm0, $0x8000, v6;
	v3 =	vadd.s32 v2, v8;
	v5, v8, _ =	vpop (xrf1)  }
0x828: {  	[tilespmem:s15+$0x30] =	vst v53;
	v10 =	vadd.s32 v2, v10;
	vm0 =	veq.s32 v7, v3;
	v3 =	vshrl.u32 v5, $0x9  }
0x829: {  	[tilespmem:s14+$0x10] =	vst v57;
	vm1 =	veq.s32 v4, v10;
	v10 =	vperm.xlane v3, v1  }
0x82a: {  	[tilespmem:s13+$0x20] =	vst v6;
	v4 =	vsel vm1, $0x8000, v4  }
0x82b: {  	[tilespmem:s14+$0x20] =	vst v55;
	v5 =	vsel vm0, $0x8000, v7;
	v6, v7, _ =	vpop (xrf1);
	v10 =	vadd.s32 v2, v10  }
0x82c: {  	[tilespmem:s13+$0xFFFFFFD0] =	vst v5;
	v5 =	vshrl.u32 v6, $0x9  }
0x82d: {  	[tilespmem:s13+$0xFFFFFFF0] =	vst v4;
	v4, v6, _ =	vpop (xrf1);
	v58 =	vperm.xlane v5, v1  }
0x82e: {  	[tilespmem:s14+$0xFFFFFFF0] =	vst v11;
	v4 =	vshrl.u32 v4, $0x9;
	vm0 =	veq.s32 v3, v10  }
0x82f: {  	[tilespmem:s14+$0xFFFFFFD0] =	vst v9;
	v11 =	vperm.xlane v4, v1;
	v13 =	vadd.s32 v2, v58;
	v3 =	vsel vm0, $0x8000, v3;
	v9, v10, _ =	vpop (xrf1)  }
0x830: {  	vm0 =	veq.s32 v5, v13;
	[tilespmem:s13+$0xFFFFFFE0] =	vst v3;
	v9 =	vshrl.u32 v9, $0x9  }
0x831: {  	v11 =	vadd.s32 v2, v11;
	v5 =	vsel vm0, $0x8000, v5;
	[tilespmem:s14+$0xFFFFFFE0] =	vst v8;
	v3 =	vperm.xlane v9, v1  }
0x832: {  	vm0 =	veq.s32 v4, v11;
	[tilespmem:s13+$0x0] =	vst v5  }
0x833: {  	v4 =	vsel vm0, $0x8000, v4;
	[tilespmem:s14+$0x0] =	vst v7;
	v3 =	vadd.s32 v2, v3  }
0x834: {  	[tilespmem:s13+$0xFFFFFFC0] =	vst v4;
	vm0 =	veq.s32 v9, v3  }
0x835: {  	[tilespmem:s14+$0xFFFFFFC0] =	vst v6;
	v3 =	vsel vm0, $0x8000, v9  }
0x836: {  	[tilespmem:s13+$0x30] =	vst v3  }
0x837: {  	s22 =	simm.s32 $0x0;
	[tilespmem:s14+$0x30] =	vst v10  }
0x838: {  	v3 =	vld [tilespmem:s22+$0xC0E0]  }
0x839: {  	v7 =	vld [tilespmem:s22+$0xA510]  }
0x83a: {  	v8 =	vld [tilespmem:s22+$0xA500]  }
0x83b: {  	v4 =	vld [tilespmem:s22+$0xA560]  }
0x83c: {  	v9 =	vld [tilespmem:s22+$0xC0D0]  }
0x83d: {  	v10 =	vld [tilespmem:s22+$0xA550]  }
0x83e: {  	v11 =	vld [tilespmem:s22+$0xA520]  }
0x83f: {  	v12 =	vld [tilespmem:s22+$0xC080]  }
0x840: {  	v59 =	vld [tilespmem:s22+$0xC090]  }
0x841: {  	v61 =	vld [tilespmem:s22+$0xA530]  }
0x842: {  	v15 =	vld.idx.msk [tilespmem:v8+s8+$0x0], $0xffff  }
0x843: {  	v60 =	vld.idx.msk [tilespmem:v7+s9+$0x0], $0xffff  }
0x844: {  	v62 =	vld [tilespmem:s22+$0xC0C0]  }
0x845: {  	v18 =	vld [tilespmem:s22+$0xA540]  }
0x846: {  	v19 =	vld [tilespmem:s22+$0xC0B0]  }
0x847: {  	v63 =	vld [tilespmem:s22+$0xC0A0];
	vm0 =	vgt.s32 v15, v12  }
0x848: {  	v5 =	vld [tilespmem:s22+$0xA570];
	vm1 =	vgt.s32 v60, v59;
	v12 =	vsel vm0, v15, v12  }
0x849: {  	v6 =	vld [tilespmem:s22+$0xC0F0];
	v13 =	vsel vm1, v60, v59;
	[tilespmem:v8+s8+$0x0] =	vst.idx.msk $0xffff, v12  }
0x84a: {  	[tilespmem:v7+s9+$0x0] =	vst.idx.msk $0xffff, v13  }
0x84b: {  	v7 =	vld.idx.msk [tilespmem:v11+s8+$0x0], $0xffff  }
0x84c: {  	v8 =	vld.idx.msk [tilespmem:v61+s9+$0x0], $0xffff;
	_ =	sdelay $0x3  }
0x84d: {  	vm0 =	vgt.s32 v7, v63  }
0x84e: {  	v7 =	vsel vm0, v7, v63;
	vm0 =	vgt.s32 v8, v19  }
0x84f: {  	[tilespmem:v11+s8+$0x0] =	vst.idx.msk $0xffff, v7;
	v7 =	vsel vm0, v8, v19  }
0x850: {  	[tilespmem:v61+s9+$0x0] =	vst.idx.msk $0xffff, v7  }
0x851: {  	v7 =	vld.idx.msk [tilespmem:v18+s8+$0x0], $0xffff  }
0x852: {  	v8 =	vld.idx.msk [tilespmem:v10+s9+$0x0], $0xffff;
	_ =	sdelay $0x3  }
0x853: {  	vm0 =	vgt.s32 v7, v62  }
0x854: {  	v7 =	vsel vm0, v7, v62;
	vm0 =	vgt.s32 v8, v9  }
0x855: {  	[tilespmem:v18+s8+$0x0] =	vst.idx.msk $0xffff, v7;
	v7 =	vsel vm0, v8, v9  }
0x856: {  	[tilespmem:v10+s9+$0x0] =	vst.idx.msk $0xffff, v7  }
0x857: {  	p0 =	por $0x1, $0x1;
	v8 =	vld.idx.msk [tilespmem:v4+s8+$0x0], $0xffff  }
.Ltmp26:
0x858: {  	v7 =	vld.idx.msk [tilespmem:v5+s9+$0x0], $0xffff;
	(pc) =	sbr.rel @!p0 .LBB2_39-.Ltmp26, $2  }
0x859: {  	_ =	sdelay $0x2  }
0x85a: {  	s13 =	simm.s32 $0x200;
	vm0 =	vgt.s32 v8, v3  }
.LBB2_38:
0x85b: {  	p0 =	sne.s32 s13, $0x6C00;
	v3 =	vsel vm0, v8, v3;
	vm0 =	vgt.s32 v7, v6;
	s14 =	smov.u32 s13;
	s13 =	sadd.s32 $0x200, s13  }
0x85c: {  	[tilespmem:v4+s8+$0x0] =	vst.idx.msk $0xffff, v3;
	v3 =	vsel vm0, v7, v6  }
0x85d: {  	s14 =	sshra.s32 s14, $0x2;
	[tilespmem:v5+s9+$0x0] =	vst.idx.msk $0xffff, v3  }
0x85e: {  	v3 =	vld [tilespmem:s14+$0xC0E0]  }
0x85f: {  	v7 =	vld [tilespmem:s14+$0xA510]  }
0x860: {  	v8 =	vld [tilespmem:s14+$0xA500]  }
0x861: {  	v4 =	vld [tilespmem:s14+$0xA560]  }
0x862: {  	v9 =	vld [tilespmem:s14+$0xC0D0]  }
0x863: {  	v10 =	vld [tilespmem:s14+$0xA550]  }
0x864: {  	v11 =	vld [tilespmem:s14+$0xA520]  }
0x865: {  	v12 =	vld [tilespmem:s14+$0xC080]  }
0x866: {  	v6 =	vld [tilespmem:s14+$0xC090]  }
0x867: {  	v13 =	vld.idx.msk [tilespmem:v7+s9+$0x0], $0xffff  }
0x868: {  	v14 =	vld.idx.msk [tilespmem:v8+s8+$0x0], $0xffff  }
0x869: {  	v15 =	vld [tilespmem:s14+$0xA530]  }
0x86a: {  	v16 =	vld [tilespmem:s14+$0xC0C0]  }
0x86b: {  	v17 =	vld [tilespmem:s14+$0xA540]  }
0x86c: {  	v18 =	vld [tilespmem:s14+$0xC0B0]  }
0x86d: {  	vm0 =	vgt.s32 v13, v6;
	v19 =	vld [tilespmem:s14+$0xC0A0]  }
0x86e: {  	vm1 =	vgt.s32 v14, v12;
	v13 =	vsel vm0, v13, v6;
	v5 =	vld [tilespmem:s14+$0xA570]  }
0x86f: {  	v12 =	vsel vm1, v14, v12;
	v6 =	vld [tilespmem:s14+$0xC0F0]  }
0x870: {  	[tilespmem:v8+s8+$0x0] =	vst.idx.msk $0xffff, v12  }
0x871: {  	[tilespmem:v7+s9+$0x0] =	vst.idx.msk $0xffff, v13  }
0x872: {  	v7 =	vld.idx.msk [tilespmem:v11+s8+$0x0], $0xffff  }
0x873: {  	v8 =	vld.idx.msk [tilespmem:v15+s9+$0x0], $0xffff;
	_ =	sdelay $0x4  }
0x874: {  	vm0 =	vgt.s32 v7, v19  }
0x875: {  	v7 =	vsel vm0, v7, v19;
	vm0 =	vgt.s32 v8, v18  }
0x876: {  	[tilespmem:v11+s8+$0x0] =	vst.idx.msk $0xffff, v7;
	v7 =	vsel vm0, v8, v18  }
0x877: {  	[tilespmem:v15+s9+$0x0] =	vst.idx.msk $0xffff, v7  }
0x878: {  	v7 =	vld.idx.msk [tilespmem:v17+s8+$0x0], $0xffff  }
0x879: {  	v8 =	vld.idx.msk [tilespmem:v10+s9+$0x0], $0xffff;
	_ =	sdelay $0x4  }
0x87a: {  	vm0 =	vgt.s32 v7, v16  }
0x87b: {  	v7 =	vsel vm0, v7, v16;
	vm0 =	vgt.s32 v8, v9  }
0x87c: {  	[tilespmem:v17+s8+$0x0] =	vst.idx.msk $0xffff, v7;
	v7 =	vsel vm0, v8, v9  }
0x87d: {  	[tilespmem:v10+s9+$0x0] =	vst.idx.msk $0xffff, v7  }
0x87e: {  	v8 =	vld.idx.msk [tilespmem:v4+s8+$0x0], $0xffff  }
0x87f: {  	v7 =	vld.idx.msk [tilespmem:v5+s9+$0x0], $0xffff  }
.Ltmp27:
0x880: {  	(pc) =	sbr.rel @p0 .LBB2_38-.Ltmp27, $2  }
0x881: {  	_ =	sdelay $0x2  }
0x882: {  	vm0 =	vgt.s32 v8, v3  }
.LBB2_39:
0x883: {  	_ =	sdelay $0x2  }
0x884: {  	v3 =	vsel vm0, v8, v3;
	vm15 =	vgt.s32 v7, v6  }
0x885: {  	[tilespmem:v4+s8+$0x0] =	vst.idx.msk $0xffff, v3;
	v3 =	vsel vm15, v7, v6  }
0x886: {  	s13 =	simm.s32 $0x80;
	s14 =	simm.s32 $0x400;
	[tilespmem:v5+s9+$0x0] =	vst.idx.msk $0xffff, v3  }
0x887: {  	[hbm4b:s31+s13] =	stream.strided.scatter [tilespmem:s8], [sflag:$0x3], $0x8000, s14, s13, $0x38;
	[tilespmem:$0x1DD00] =	vst v63  }
0x888: {  	s12 =	sadd.s32 $0x1, s12;
	_ =	swait.ge [sflag:s11], $0x8000  }
0x889: {  	p0 =	sne.s32 s12, s28;
	[sflag:s11] =	ssyncset.done $0x0  }
.Ltmp28:
0x88a: {  	[sflag:s11] =	ssyncadd.s32 $0xFFFF8000;
	(pc) =	sbr.rel @p0 .LBB2_1-.Ltmp28, $4  }
0x88b: {  	[hbm4b:s0+s13] =	stream.strided.scatter [tilespmem:s9], [sflag:$0x3], $0x8000, s14, s13, $0x38;
	[tilespmem:$0x1DD00] =	vst v63  }
0x88c: {  	_ =	swait.ge [sflag:s11], $0x8000  }
0x88d: {  	[sflag:s11] =	ssyncset.done $0x0  }
0x88e: {  	[sflag:s11] =	ssyncadd.s32 $0xFFFF8000  }
0x88f: {  	_ =	sfence.sel $0x180000  }
0x890: {  	[bflag:$0x0] =	sbarrier.arrive $0xFFFF  }
0x891: {  	_ =	strace $0x90000047  }
0x892: {  	s0 =	stileid.u32;
	[bflag:$0x2] =	sbarrier.arrive $0xFFFF  }
0x893: {  	p0 =	sne.s32 s0, $0x0;
	s0 =	rddreg [dreg:$0x4]  }
0x894: {  	s0 =	sadd.s32 @!p0 $0x100000, s0  }
0x895: {  	[sflag:s0] =	ssyncadd.tile.s32 @!p0 $0x1;
	_ =	shalt  }
.Lfunc_end2:
_tile_overlayer_lowered:
.L_overlay_start_2:
0x896: {  	(tag) =	ssettag $0x2  }
0x897: {  	s0 =	rddreg [dreg:$0x0];
	s2 =	stileid.u32  }
0x898: {  	s1 =	rddreg [dreg:$0x1];
	p0 =	sne.s32 s2, $0x0  }
0x899: {  	s3 =	rddreg [dreg:$0x2];
	[bflag:$0x3] =	sbarrier.arrive $0xFFFF;
	s2 =	simm.s32 @!p0 $0x1C03  }
0x89a: {  	[timem:s3], [sflag:s2] =	dma.local @!p0 [hbm:s0], s1  }
0x89b: {  	s0 =	simm.s32 @!p0 $0x3  }
0x89c: {  	_ =	swait.ge @!p0 [sflag:s0], s1  }
0x89d: {  	s1 =	ssub.s32 @!p0 $0x0, s1;
	[sflag:s0] =	ssyncset.done @!p0 $0x0  }
0x89e: {  	[sflag:s0] =	ssyncadd.s32 @!p0 s1  }
0x89f: {  	[bflag:$0x3] =	sbarrier.arrive $0xFFFF  }
0x8a0: {  	_ =	shalt  }

</sc_bundles>
